<compile_context>
chip_gen: v7x
topology: tpu7x:2x2x1
jax: 0.10.2.dev20260603
libtpu: 0.0.44.dev20260713+nightly
codegen_flags: <defaults>
</compile_context>

<pallas_src>
import functools

import jax
import jax.numpy as jnp
from jax import lax
from jax.experimental import pallas as pl
from jax.experimental.pallas import tpu as pltpu
from jax.experimental.pallas import tpu_sc as plsc

D_MODEL = 128
MAX_LEN = 2048
BATCH = 32
N_TABLES = 119
LANES = 16
R = 4
NG = D_MODEL // R
SLOTS = 4
UNROLL = 8

_MESH = plsc.VectorSubcoreMesh(core_axis_name="c", subcore_axis_name="s")


@functools.partial(
    pl.kernel,
    mesh=_MESH,
    out_type=jax.ShapeDtypeStruct((BATCH * D_MODEL, MAX_LEN), jnp.float32),
    scratch_types=(
        [pltpu.VMEM((NG, R), jnp.int32)]
        + [pltpu.VMEM((R, MAX_LEN), jnp.float32)] * (2 * SLOTS)
        + [pltpu.SemaphoreType.DMA] * (3 * SLOTS)
    ),
)
def _pe_add_sc(x_hbm, pe_hbm, rows_hbm, out_hbm, idx_v, *bufs_and_sems):
    xb = bufs_and_sems[0:SLOTS]
    pb = bufs_and_sems[SLOTS:2 * SLOTS]
    semx = bufs_and_sems[2 * SLOTS:3 * SLOTS]
    semp = bufs_and_sems[3 * SLOTS:4 * SLOTS]
    semo = bufs_and_sems[4 * SLOTS:5 * SLOTS]

    c = lax.axis_index("c")
    s = lax.axis_index("s")
    w = s * 2 + c

    pltpu.sync_copy(rows_hbm.at[w], idx_v)
    xrow0 = w * D_MODEL

    def prefetch(g, k):
        pltpu.async_copy(pe_hbm.at[idx_v.at[g]], pb[k], semp[k])
        pltpu.async_copy(x_hbm.at[pl.ds(xrow0 + g * R, R)], xb[k], semx[k])

    def wait_in(k):
        pltpu.make_async_copy(x_hbm.at[pl.ds(0, R)], xb[k], semx[k]).wait()
        pltpu.make_async_copy(pe_hbm.at[pl.ds(0, R)], pb[k], semp[k]).wait()

    def drain_out(k):
        pltpu.make_async_copy(xb[k], out_hbm.at[pl.ds(0, R)], semo[k]).wait()

    def add(k):
        for r in range(R):
            def add_body(i, _, _r=r, _k=k):
                o = i * (LANES * UNROLL)
                for u in range(UNROLL):
                    o2 = o + u * LANES
                    plsc.addupdate(
                        xb[_k].at[_r, pl.ds(o2, LANES)],
                        pb[_k][_r, pl.ds(o2, LANES)],
                    )
                return 0
            lax.fori_loop(0, MAX_LEN // (LANES * UNROLL), add_body, 0)

    def consume(g, k):
        wait_in(k)
        add(k)
        pltpu.async_copy(xb[k], out_hbm.at[pl.ds(xrow0 + g * R, R)], semo[k])

    prefetch(0, 0)
    prefetch(1, 1)
    consume(0, 0)
    prefetch(2, 2)
    consume(1, 1)
    prefetch(3, 3)

    def body(i, _):
        g0 = i * SLOTS + 2
        for j, k in enumerate((2, 3, 0, 1)):
            g = g0 + j
            consume(g, k)
            k2 = (k + 2) % SLOTS
            drain_out(k2)
            prefetch(g + 2, k2)
        return 0

    lax.fori_loop(0, (NG - 4) // SLOTS, body, 0)

    consume(NG - 2, 2)
    drain_out(0)
    consume(NG - 1, 3)
    drain_out(1)
    drain_out(2)
    drain_out(3)


def kernel(x, pe, transition_len):
    tl = transition_len.astype(jnp.int32)
    rows = tl[:, None] * D_MODEL + jnp.arange(D_MODEL, dtype=jnp.int32)
    out = _pe_add_sc(
        x.reshape(BATCH * D_MODEL, MAX_LEN),
        pe.reshape(N_TABLES * D_MODEL, MAX_LEN),
        rows.reshape(BATCH, NG, R),
    )
    return out.reshape(x.shape)

# --- scband reference (transcript-rebuilt; emitter-appended) ---
"""Pipeline reference for scband-layered-positional-encoding-9397388443768 (READ-ONLY COPY).

The authoritative reference and input builder live on the scoring server;
editing this copy changes nothing except your own understanding.
"""

import jax, jax.numpy as jnp
import numpy as np
import math

D_MODEL = 128
MAX_LEN = 2048
BATCH = 32
N_TABLES = 119


def _build_pe(d_model, max_len):
    pe_layer = np.zeros((max_len, d_model), dtype=np.float32)
    position = np.arange(0, max_len, dtype=np.float32)[:, None]
    div_term = np.exp(np.arange(0, d_model, 2, dtype=np.float32) * (-math.log(10000.0) / d_model))
    pe_layer[:, 0::2] = np.sin(position * div_term)
    pe_layer[:, 1::2] = np.cos(position * div_term)
    pe_layer = pe_layer.T  # [d_model, max_len]
    pe = np.zeros((N_TABLES, d_model, max_len), dtype=np.float32)
    half = max_len // 2
    for i in range(N_TABLES):
        pe[i] = pe_layer
        pe[i, i:, half:] = pe_layer[: d_model - i, half:]
    return pe


def setup_inputs(seed: int = 0) -> dict:
    key = jax.random.key(seed)
    k1, k2 = jax.random.split(key)
    x = jax.random.normal(k1, (BATCH, D_MODEL, MAX_LEN), dtype=jnp.float32)
    transition_len = jax.random.randint(k2, (BATCH,), 0, N_TABLES, dtype=jnp.int64 if jax.config.jax_enable_x64 else jnp.int32)
    pe = jnp.asarray(_build_pe(D_MODEL, MAX_LEN))
    return {"x": x, "pe": pe, "transition_len": transition_len}


def reference(x, pe, transition_len):
    # gather full [d_model, max_len] positional-encoding plane per batch element
    pe_sel = jnp.take(pe, transition_len, axis=0)  # [B, d_model, max_len]
    return x + pe_sel

if __name__ == "__main__":
    import jax
    _d = setup_inputs()
    print(jax.jit(kernel)(*tuple(_d.values())))

</pallas_src>

<mosaic_0001>
#map = affine_map<(d0, d1) -> (0, 0)>
#map1 = affine_map<(d0, d1) -> (0, 0, 0)>
module attributes {stable_mosaic.version = 14 : i64} {
  func.func @_pe_add_sc(%arg0: i32, %arg1: i32, %arg2: memref<4096x2048xf32, #tpu.memory_space<hbm>>, %arg3: memref<15232x2048xf32, #tpu.memory_space<hbm>>, %arg4: memref<32x32x4xi32, #tpu.memory_space<hbm>>, %arg5: memref<4096x2048xf32, #tpu.memory_space<hbm>>, %arg6: memref<32x4xi32, #tpu.memory_space<vmem>>, %arg7: memref<4x2048xf32, #tpu.memory_space<vmem>>, %arg8: memref<4x2048xf32, #tpu.memory_space<vmem>>, %arg9: memref<4x2048xf32, #tpu.memory_space<vmem>>, %arg10: memref<4x2048xf32, #tpu.memory_space<vmem>>, %arg11: memref<4x2048xf32, #tpu.memory_space<vmem>>, %arg12: memref<4x2048xf32, #tpu.memory_space<vmem>>, %arg13: memref<4x2048xf32, #tpu.memory_space<vmem>>, %arg14: memref<4x2048xf32, #tpu.memory_space<vmem>>, %arg15: memref<!tpu.dma_semaphore, #tpu.memory_space<semaphore_mem>>, %arg16: memref<!tpu.dma_semaphore, #tpu.memory_space<semaphore_mem>>, %arg17: memref<!tpu.dma_semaphore, #tpu.memory_space<semaphore_mem>>, %arg18: memref<!tpu.dma_semaphore, #tpu.memory_space<semaphore_mem>>, %arg19: memref<!tpu.dma_semaphore, #tpu.memory_space<semaphore_mem>>, %arg20: memref<!tpu.dma_semaphore, #tpu.memory_space<semaphore_mem>>, %arg21: memref<!tpu.dma_semaphore, #tpu.memory_space<semaphore_mem>>, %arg22: memref<!tpu.dma_semaphore, #tpu.memory_space<semaphore_mem>>, %arg23: memref<!tpu.dma_semaphore, #tpu.memory_space<semaphore_mem>>, %arg24: memref<!tpu.dma_semaphore, #tpu.memory_space<semaphore_mem>>, %arg25: memref<!tpu.dma_semaphore, #tpu.memory_space<semaphore_mem>>, %arg26: memref<!tpu.dma_semaphore, #tpu.memory_space<semaphore_mem>>) attributes {dimension_semantics = [#tpu.dimension_semantics<core_parallel>, #tpu.dimension_semantics<subcore_parallel>], iteration_bounds = array<i64: 2, 16>, scalar_prefetch = 0 : i64, scratch_operands = 21 : i64, tpu.core_type = #tpu.core_type<sc_vector_subcore>, window_params = [{transform_indices = #map}, {transform_indices = #map}, {transform_indices = #map1}, {transform_indices = #map}]} {
    %mul3A = arith.constant 2 : i32
    %mul3A_0 = arith.muli %arg1, %mul3A : i32
    %add3A = arith.addi %mul3A_0, %arg0 : i32
    "tpu.region"() ({
      %run_scoped3A = tpu.sem_alloc : memref<!tpu.dma_semaphore, #tpu.memory_space<semaphore_mem>>
      %dma_start3A_267 = arith.constant 0 : i32
      %dma_start3A_268 = arith.constant 0 : i32
      %dma_start3A_269 = tpu.memref_slice %arg4[%add3A, %dma_start3A_267, %dma_start3A_268] : memref<32x32x4xi32, #tpu.memory_space<hbm>> -> memref<1x32x4xi32, #tpu.memory_space<hbm>>
      %dma_start3A_270 = tpu.memref_squeeze %dma_start3A_269 : memref<1x32x4xi32, #tpu.memory_space<hbm>> -> memref<32x4xi32, #tpu.memory_space<hbm>>
      %dma_start3A_271 = arith.constant 0 : i32
      %dma_start3A_272 = arith.constant 0 : i32
      %dma_start3A_273 = tpu.memref_slice %arg4[%add3A, %dma_start3A_271, %dma_start3A_272] : memref<32x32x4xi32, #tpu.memory_space<hbm>> -> memref<1x32x4xi32, #tpu.memory_space<hbm>>
      %dma_start3A_274 = tpu.memref_squeeze %dma_start3A_273 : memref<1x32x4xi32, #tpu.memory_space<hbm>> -> memref<32x4xi32, #tpu.memory_space<hbm>>
      tpu.enqueue_dma source(%dma_start3A_274 : memref<32x4xi32, #tpu.memory_space<hbm>>) target(%arg6 : memref<32x4xi32, #tpu.memory_space<vmem>>) target_semaphore(%run_scoped3A : memref<!tpu.dma_semaphore, #tpu.memory_space<semaphore_mem>>)
      %dma_wait3A_275 = arith.constant 0 : i32
      %dma_wait3A_276 = arith.constant 0 : i32
      %dma_wait3A_277 = tpu.memref_slice %arg4[%add3A, %dma_wait3A_275, %dma_wait3A_276] : memref<32x32x4xi32, #tpu.memory_space<hbm>> -> memref<1x32x4xi32, #tpu.memory_space<hbm>>
      %dma_wait3A_278 = tpu.memref_squeeze %dma_wait3A_277 : memref<1x32x4xi32, #tpu.memory_space<hbm>> -> memref<32x4xi32, #tpu.memory_space<hbm>>
      %dma_wait3A_279 = arith.constant 0 : i32
      %dma_wait3A_280 = arith.constant 0 : i32
      %dma_wait3A_281 = tpu.memref_slice %arg4[%add3A, %dma_wait3A_279, %dma_wait3A_280] : memref<32x32x4xi32, #tpu.memory_space<hbm>> -> memref<1x32x4xi32, #tpu.memory_space<hbm>>
      %dma_wait3A_282 = tpu.memref_squeeze %dma_wait3A_281 : memref<1x32x4xi32, #tpu.memory_space<hbm>> -> memref<32x4xi32, #tpu.memory_space<hbm>>
      tpu.wait_dma2 semaphore(%run_scoped3A : memref<!tpu.dma_semaphore, #tpu.memory_space<semaphore_mem>>) src(%dma_wait3A_282 : memref<32x4xi32, #tpu.memory_space<hbm>>) dst(%arg6 : memref<32x4xi32, #tpu.memory_space<vmem>>)
      tpu.yield
    }) : () -> ()
    %mul3A_1 = arith.constant 128 : i32
    %mul3A_2 = arith.muli %add3A, %mul3A_1 : i32
    %dma_start3A = arith.constant 0 : i32
    %dma_start3A_3 = arith.constant 0 : i32
    %dma_start3A_4 = tpu.memref_slice %arg6[%dma_start3A, %dma_start3A_3] : memref<32x4xi32, #tpu.memory_space<vmem>> -> memref<1x4xi32, #tpu.memory_space<vmem>>
    %dma_start3A_5 = tpu.memref_squeeze %dma_start3A_4 : memref<1x4xi32, #tpu.memory_space<vmem>> -> memref<4xi32, #tpu.memory_space<vmem>>
    %dma_start3A_6 = arith.constant 0 : i32
    %dma_start3A_7 = arith.constant 0 : i32
    %dma_start3A_8 = tpu.memref_slice %arg3[%dma_start3A_6, %dma_start3A_7] : memref<15232x2048xf32, #tpu.memory_space<hbm>> -> memref<15232x2048xf32, #tpu.memory_space<hbm>>
    tpu.enqueue_indirect_dma source(%dma_start3A_8 : memref<15232x2048xf32, #tpu.memory_space<hbm>>) target(%arg11 : memref<4x2048xf32, #tpu.memory_space<vmem>>) offsets(%dma_start3A_5 : memref<4xi32, #tpu.memory_space<vmem>>) semaphore(%arg19 : memref<!tpu.dma_semaphore, #tpu.memory_space<semaphore_mem>>)
    %add3A_9 = arith.constant 0 : i32
    %add3A_10 = arith.addi %mul3A_2, %add3A_9 : i32
    %dma_start3A_11 = arith.constant 0 : i32
    %dma_start3A_12 = tpu.memref_slice %arg2[%add3A_10, %dma_start3A_11] : memref<4096x2048xf32, #tpu.memory_space<hbm>> -> memref<4x2048xf32, #tpu.memory_space<hbm>>
    %dma_start3A_13 = arith.constant 0 : i32
    %dma_start3A_14 = tpu.memref_slice %arg2[%add3A_10, %dma_start3A_13] : memref<4096x2048xf32, #tpu.memory_space<hbm>> -> memref<4x2048xf32, #tpu.memory_space<hbm>>
    tpu.enqueue_dma source(%dma_start3A_14 : memref<4x2048xf32, #tpu.memory_space<hbm>>) target(%arg7 : memref<4x2048xf32, #tpu.memory_space<vmem>>) target_semaphore(%arg15 : memref<!tpu.dma_semaphore, #tpu.memory_space<semaphore_mem>>)
    %dma_start3A_15 = arith.constant 1 : i32
    %dma_start3A_16 = arith.constant 0 : i32
    %dma_start3A_17 = tpu.memref_slice %arg6[%dma_start3A_15, %dma_start3A_16] : memref<32x4xi32, #tpu.memory_space<vmem>> -> memref<1x4xi32, #tpu.memory_space<vmem>>
    %dma_start3A_18 = tpu.memref_squeeze %dma_start3A_17 : memref<1x4xi32, #tpu.memory_space<vmem>> -> memref<4xi32, #tpu.memory_space<vmem>>
    %dma_start3A_19 = arith.constant 0 : i32
    %dma_start3A_20 = arith.constant 0 : i32
    %dma_start3A_21 = tpu.memref_slice %arg3[%dma_start3A_19, %dma_start3A_20] : memref<15232x2048xf32, #tpu.memory_space<hbm>> -> memref<15232x2048xf32, #tpu.memory_space<hbm>>
    tpu.enqueue_indirect_dma source(%dma_start3A_21 : memref<15232x2048xf32, #tpu.memory_space<hbm>>) target(%arg12 : memref<4x2048xf32, #tpu.memory_space<vmem>>) offsets(%dma_start3A_18 : memref<4xi32, #tpu.memory_space<vmem>>) semaphore(%arg20 : memref<!tpu.dma_semaphore, #tpu.memory_space<semaphore_mem>>)
    %add3A_22 = arith.constant 4 : i32
    %add3A_23 = arith.addi %mul3A_2, %add3A_22 : i32
    %dma_start3A_24 = arith.constant 0 : i32
    %dma_start3A_25 = tpu.memref_slice %arg2[%add3A_23, %dma_start3A_24] : memref<4096x2048xf32, #tpu.memory_space<hbm>> -> memref<4x2048xf32, #tpu.memory_space<hbm>>
    %dma_start3A_26 = arith.constant 0 : i32
    %dma_start3A_27 = tpu.memref_slice %arg2[%add3A_23, %dma_start3A_26] : memref<4096x2048xf32, #tpu.memory_space<hbm>> -> memref<4x2048xf32, #tpu.memory_space<hbm>>
    tpu.enqueue_dma source(%dma_start3A_27 : memref<4x2048xf32, #tpu.memory_space<hbm>>) target(%arg8 : memref<4x2048xf32, #tpu.memory_space<vmem>>) target_semaphore(%arg16 : memref<!tpu.dma_semaphore, #tpu.memory_space<semaphore_mem>>)
    %dma_wait3A = arith.constant 0 : i32
    %dma_wait3A_28 = arith.constant 0 : i32
    %dma_wait3A_29 = tpu.memref_slice %arg2[%dma_wait3A, %dma_wait3A_28] : memref<4096x2048xf32, #tpu.memory_space<hbm>> -> memref<4x2048xf32, #tpu.memory_space<hbm>>
    %dma_wait3A_30 = arith.constant 0 : i32
    %dma_wait3A_31 = arith.constant 0 : i32
    %dma_wait3A_32 = tpu.memref_slice %arg2[%dma_wait3A_30, %dma_wait3A_31] : memref<4096x2048xf32, #tpu.memory_space<hbm>> -> memref<4x2048xf32, #tpu.memory_space<hbm>>
    tpu.wait_dma2 semaphore(%arg15 : memref<!tpu.dma_semaphore, #tpu.memory_space<semaphore_mem>>) src(%dma_wait3A_32 : memref<4x2048xf32, #tpu.memory_space<hbm>>) dst(%arg7 : memref<4x2048xf32, #tpu.memory_space<vmem>>)
    %dma_wait3A_33 = arith.constant 0 : i32
    %dma_wait3A_34 = arith.constant 0 : i32
    %dma_wait3A_35 = tpu.memref_slice %arg3[%dma_wait3A_33, %dma_wait3A_34] : memref<15232x2048xf32, #tpu.memory_space<hbm>> -> memref<4x2048xf32, #tpu.memory_space<hbm>>
    %dma_wait3A_36 = arith.constant 0 : i32
    %dma_wait3A_37 = arith.constant 0 : i32
    %dma_wait3A_38 = tpu.memref_slice %arg3[%dma_wait3A_36, %dma_wait3A_37] : memref<15232x2048xf32, #tpu.memory_space<hbm>> -> memref<4x2048xf32, #tpu.memory_space<hbm>>
    tpu.wait_dma2 semaphore(%arg19 : memref<!tpu.dma_semaphore, #tpu.memory_space<semaphore_mem>>) src(%dma_wait3A_38 : memref<4x2048xf32, #tpu.memory_space<hbm>>) dst(%arg11 : memref<4x2048xf32, #tpu.memory_space<vmem>>)
    %scan3A = arith.constant 0 : i32
    %scan3A_39 = arith.constant 0 : i32
    %scan3A_40 = arith.constant 16 : i32
    %scan3A_41 = arith.addi %scan3A_39, %scan3A_40 : i32
    %scan3A_42 = arith.constant 1 : i32
    %scan3A_43 = scf.for %scan3A_267 = %scan3A_39 to %scan3A_41 step %scan3A_42 iter_args(%scan3A_268 = %scan3A) -> (i32)  : i32 {
      %mul3A_269 = arith.constant 128 : i32
      %mul3A_270 = arith.muli %scan3A_267, %mul3A_269 : i32
      %add3A_271 = arith.constant 0 : i32
      %add3A_272 = arith.addi %mul3A_270, %add3A_271 : i32
      %get3A = arith.constant 0 : i32
      %get3A_273 = arith.index_cast %get3A : i32 to index
      %get3A_274 = arith.index_cast %add3A_272 : i32 to index
      %get3A_275 = tpu.vector_load %arg11[%get3A_273, %get3A_274] {strides = array<i32>} : memref<4x2048xf32, #tpu.memory_space<vmem>>, vector<1x16xf32>,
      %get3A_276 = vector.shape_cast %get3A_275 : vector<1x16xf32> to vector<16xf32>
      %swap3A = arith.constant 0 : i32
      %swap3A_277 = arith.index_cast %swap3A : i32 to index
      %swap3A_278 = arith.index_cast %add3A_272 : i32 to index
      %swap3A_279 = tpu.vector_load %arg7[%swap3A_277, %swap3A_278] {strides = array<i32>} : memref<4x2048xf32, #tpu.memory_space<vmem>>, vector<1x16xf32>,
      %swap3A_280 = vector.shape_cast %swap3A_279 : vector<1x16xf32> to vector<16xf32>
      %swap3A_281 = vector.shape_cast %get3A_276 : vector<16xf32> to vector<1x16xf32>
      tpu.vector_store %arg7[%swap3A_277, %swap3A_278], %swap3A_281 {add = true, strides = array<i32>} : memref<4x2048xf32, #tpu.memory_space<vmem>>, vector<1x16xf32>,
      %add3A_282 = arith.constant 16 : i32
      %add3A_283 = arith.addi %mul3A_270, %add3A_282 : i32
      %get3A_284 = arith.constant 0 : i32
      %get3A_285 = arith.index_cast %get3A_284 : i32 to index
      %get3A_286 = arith.index_cast %add3A_283 : i32 to index
      %get3A_287 = tpu.vector_load %arg11[%get3A_285, %get3A_286] {strides = array<i32>} : memref<4x2048xf32, #tpu.memory_space<vmem>>, vector<1x16xf32>,
      %get3A_288 = vector.shape_cast %get3A_287 : vector<1x16xf32> to vector<16xf32>
      %swap3A_289 = arith.constant 0 : i32
      %swap3A_290 = arith.index_cast %swap3A_289 : i32 to index
      %swap3A_291 = arith.index_cast %add3A_283 : i32 to index
      %swap3A_292 = tpu.vector_load %arg7[%swap3A_290, %swap3A_291] {strides = array<i32>} : memref<4x2048xf32, #tpu.memory_space<vmem>>, vector<1x16xf32>,
      %swap3A_293 = vector.shape_cast %swap3A_292 : vector<1x16xf32> to vector<16xf32>
      %swap3A_294 = vector.shape_cast %get3A_288 : vector<16xf32> to vector<1x16xf32>
      tpu.vector_store %arg7[%swap3A_290, %swap3A_291], %swap3A_294 {add = true, strides = array<i32>} : memref<4x2048xf32, #tpu.memory_space<vmem>>, vector<1x16xf32>,
      %add3A_295 = arith.constant 32 : i32
      %add3A_296 = arith.addi %mul3A_270, %add3A_295 : i32
      %get3A_297 = arith.constant 0 : i32
      %get3A_298 = arith.index_cast %get3A_297 : i32 to index
      %get3A_299 = arith.index_cast %add3A_296 : i32 to index
      %get3A_300 = tpu.vector_load %arg11[%get3A_298, %get3A_299] {strides = array<i32>} : memref<4x2048xf32, #tpu.memory_space<vmem>>, vector<1x16xf32>,
      %get3A_301 = vector.shape_cast %get3A_300 : vector<1x16xf32> to vector<16xf32>
      %swap3A_302 = arith.constant 0 : i32
      %swap3A_303 = arith.index_cast %swap3A_302 : i32 to index
      %swap3A_304 = arith.index_cast %add3A_296 : i32 to index
      %swap3A_305 = tpu.vector_load %arg7[%swap3A_303, %swap3A_304] {strides = array<i32>} : memref<4x2048xf32, #tpu.memory_space<vmem>>, vector<1x16xf32>,
      %swap3A_306 = vector.shape_cast %swap3A_305 : vector<1x16xf32> to vector<16xf32>
      %swap3A_307 = vector.shape_cast %get3A_301 : vector<16xf32> to vector<1x16xf32>
      tpu.vector_store %arg7[%swap3A_303, %swap3A_304], %swap3A_307 {add = true, strides = array<i32>} : memref<4x2048xf32, #tpu.memory_space<vmem>>, vector<1x16xf32>,
      %add3A_308 = arith.constant 48 : i32
      %add3A_309 = arith.addi %mul3A_270, %add3A_308 : i32
      %get3A_310 = arith.constant 0 : i32
      %get3A_311 = arith.index_cast %get3A_310 : i32 to index
      %get3A_312 = arith.index_cast %add3A_309 : i32 to index
      %get3A_313 = tpu.vector_load %arg11[%get3A_311, %get3A_312] {strides = array<i32>} : memref<4x2048xf32, #tpu.memory_space<vmem>>, vector<1x16xf32>,
      %get3A_314 = vector.shape_cast %get3A_313 : vector<1x16xf32> to vector<16xf32>
      %swap3A_315 = arith.constant 0 : i32
      %swap3A_316 = arith.index_cast %swap3A_315 : i32 to index
      %swap3A_317 = arith.index_cast %add3A_309 : i32 to index
      %swap3A_318 = tpu.vector_load %arg7[%swap3A_316, %swap3A_317] {strides = array<i32>} : memref<4x2048xf32, #tpu.memory_space<vmem>>, vector<1x16xf32>,
      %swap3A_319 = vector.shape_cast %swap3A_318 : vector<1x16xf32> to vector<16xf32>
      %swap3A_320 = vector.shape_cast %get3A_314 : vector<16xf32> to vector<1x16xf32>
      tpu.vector_store %arg7[%swap3A_316, %swap3A_317], %swap3A_320 {add = true, strides = array<i32>} : memref<4x2048xf32, #tpu.memory_space<vmem>>, vector<1x16xf32>,
      %add3A_321 = arith.constant 64 : i32
      %add3A_322 = arith.addi %mul3A_270, %add3A_321 : i32
      %get3A_323 = arith.constant 0 : i32
      %get3A_324 = arith.index_cast %get3A_323 : i32 to index
      %get3A_325 = arith.index_cast %add3A_322 : i32 to index
      %get3A_326 = tpu.vector_load %arg11[%get3A_324, %get3A_325] {strides = array<i32>} : memref<4x2048xf32, #tpu.memory_space<vmem>>, vector<1x16xf32>,
      %get3A_327 = vector.shape_cast %get3A_326 : vector<1x16xf32> to vector<16xf32>
      %swap3A_328 = arith.constant 0 : i32
      %swap3A_329 = arith.index_cast %swap3A_328 : i32 to index
      %swap3A_330 = arith.index_cast %add3A_322 : i32 to index
      %swap3A_331 = tpu.vector_load %arg7[%swap3A_329, %swap3A_330] {strides = array<i32>} : memref<4x2048xf32, #tpu.memory_space<vmem>>, vector<1x16xf32>,
      %swap3A_332 = vector.shape_cast %swap3A_331 : vector<1x16xf32> to vector<16xf32>
      %swap3A_333 = vector.shape_cast %get3A_327 : vector<16xf32> to vector<1x16xf32>
      tpu.vector_store %arg7[%swap3A_329, %swap3A_330], %swap3A_333 {add = true, strides = array<i32>} : memref<4x2048xf32, #tpu.memory_space<vmem>>, vector<1x16xf32>,
      %add3A_334 = arith.constant 80 : i32
      %add3A_335 = arith.addi %mul3A_270, %add3A_334 : i32
      %get3A_336 = arith.constant 0 : i32
      %get3A_337 = arith.index_cast %get3A_336 : i32 to index
      %get3A_338 = arith.index_cast %add3A_335 : i32 to index
      %get3A_339 = tpu.vector_load %arg11[%get3A_337, %get3A_338] {strides = array<i32>} : memref<4x2048xf32, #tpu.memory_space<vmem>>, vector<1x16xf32>,
      %get3A_340 = vector.shape_cast %get3A_339 : vector<1x16xf32> to vector<16xf32>
      %swap3A_341 = arith.constant 0 : i32
      %swap3A_342 = arith.index_cast %swap3A_341 : i32 to index
      %swap3A_343 = arith.index_cast %add3A_335 : i32 to index
      %swap3A_344 = tpu.vector_load %arg7[%swap3A_342, %swap3A_343] {strides = array<i32>} : memref<4x2048xf32, #tpu.memory_space<vmem>>, vector<1x16xf32>,
      %swap3A_345 = vector.shape_cast %swap3A_344 : vector<1x16xf32> to vector<16xf32>
      %swap3A_346 = vector.shape_cast %get3A_340 : vector<16xf32> to vector<1x16xf32>
      tpu.vector_store %arg7[%swap3A_342, %swap3A_343], %swap3A_346 {add = true, strides = array<i32>} : memref<4x2048xf32, #tpu.memory_space<vmem>>, vector<1x16xf32>,
      %add3A_347 = arith.constant 96 : i32
      %add3A_348 = arith.addi %mul3A_270, %add3A_347 : i32
      %get3A_349 = arith.constant 0 : i32
      %get3A_350 = arith.index_cast %get3A_349 : i32 to index
      %get3A_351 = arith.index_cast %add3A_348 : i32 to index
      %get3A_352 = tpu.vector_load %arg11[%get3A_350, %get3A_351] {strides = array<i32>} : memref<4x2048xf32, #tpu.memory_space<vmem>>, vector<1x16xf32>,
      %get3A_353 = vector.shape_cast %get3A_352 : vector<1x16xf32> to vector<16xf32>
      %swap3A_354 = arith.constant 0 : i32
      %swap3A_355 = arith.index_cast %swap3A_354 : i32 to index
      %swap3A_356 = arith.index_cast %add3A_348 : i32 to index
      %swap3A_357 = tpu.vector_load %arg7[%swap3A_355, %swap3A_356] {strides = array<i32>} : memref<4x2048xf32, #tpu.memory_space<vmem>>, vector<1x16xf32>,
      %swap3A_358 = vector.shape_cast %swap3A_357 : vector<1x16xf32> to vector<16xf32>
      %swap3A_359 = vector.shape_cast %get3A_353 : vector<16xf32> to vector<1x16xf32>
      tpu.vector_store %arg7[%swap3A_355, %swap3A_356], %swap3A_359 {add = true, strides = array<i32>} : memref<4x2048xf32, #tpu.memory_space<vmem>>, vector<1x16xf32>,
      %add3A_360 = arith.constant 112 : i32
      %add3A_361 = arith.addi %mul3A_270, %add3A_360 : i32
      %get3A_362 = arith.constant 0 : i32
      %get3A_363 = arith.index_cast %get3A_362 : i32 to index
      %get3A_364 = arith.index_cast %add3A_361 : i32 to index
      %get3A_365 = tpu.vector_load %arg11[%get3A_363, %get3A_364] {strides = array<i32>} : memref<4x2048xf32, #tpu.memory_space<vmem>>, vector<1x16xf32>,
      %get3A_366 = vector.shape_cast %get3A_365 : vector<1x16xf32> to vector<16xf32>
      %swap3A_367 = arith.constant 0 : i32
      %swap3A_368 = arith.index_cast %swap3A_367 : i32 to index
      %swap3A_369 = arith.index_cast %add3A_361 : i32 to index
      %swap3A_370 = tpu.vector_load %arg7[%swap3A_368, %swap3A_369] {strides = array<i32>} : memref<4x2048xf32, #tpu.memory_space<vmem>>, vector<1x16xf32>,
      %swap3A_371 = vector.shape_cast %swap3A_370 : vector<1x16xf32> to vector<16xf32>
      %swap3A_372 = vector.shape_cast %get3A_366 : vector<16xf32> to vector<1x16xf32>
      tpu.vector_store %arg7[%swap3A_368, %swap3A_369], %swap3A_372 {add = true, strides = array<i32>} : memref<4x2048xf32, #tpu.memory_space<vmem>>, vector<1x16xf32>,
      %scan3A_373 = arith.constant 0 : i32
      scf.yield %scan3A_373 : i32
    }
    %scan3A_44 = arith.constant 16 : i32
    %scan3A_45 = arith.constant 0 : i32
    %scan3A_46 = arith.constant 0 : i32
    %scan3A_47 = arith.constant 16 : i32
    %scan3A_48 = arith.addi %scan3A_46, %scan3A_47 : i32
    %scan3A_49 = arith.constant 1 : i32
    %scan3A_50 = scf.for %scan3A_267 = %scan3A_46 to %scan3A_48 step %scan3A_49 iter_args(%scan3A_268 = %scan3A_45) -> (i32)  : i32 {
      %mul3A_269 = arith.constant 128 : i32
      %mul3A_270 = arith.muli %scan3A_267, %mul3A_269 : i32
      %add3A_271 = arith.constant 0 : i32
      %add3A_272 = arith.addi %mul3A_270, %add3A_271 : i32
      %get3A = arith.constant 1 : i32
      %get3A_273 = arith.index_cast %get3A : i32 to index
      %get3A_274 = arith.index_cast %add3A_272 : i32 to index
      %get3A_275 = tpu.vector_load %arg11[%get3A_273, %get3A_274] {strides = array<i32>} : memref<4x2048xf32, #tpu.memory_space<vmem>>, vector<1x16xf32>,
      %get3A_276 = vector.shape_cast %get3A_275 : vector<1x16xf32> to vector<16xf32>
      %swap3A = arith.constant 1 : i32
      %swap3A_277 = arith.index_cast %swap3A : i32 to index
      %swap3A_278 = arith.index_cast %add3A_272 : i32 to index
      %swap3A_279 = tpu.vector_load %arg7[%swap3A_277, %swap3A_278] {strides = array<i32>} : memref<4x2048xf32, #tpu.memory_space<vmem>>, vector<1x16xf32>,
      %swap3A_280 = vector.shape_cast %swap3A_279 : vector<1x16xf32> to vector<16xf32>
      %swap3A_281 = vector.shape_cast %get3A_276 : vector<16xf32> to vector<1x16xf32>
      tpu.vector_store %arg7[%swap3A_277, %swap3A_278], %swap3A_281 {add = true, strides = array<i32>} : memref<4x2048xf32, #tpu.memory_space<vmem>>, vector<1x16xf32>,
      %add3A_282 = arith.constant 16 : i32
      %add3A_283 = arith.addi %mul3A_270, %add3A_282 : i32
      %get3A_284 = arith.constant 1 : i32
      %get3A_285 = arith.index_cast %get3A_284 : i32 to index
      %get3A_286 = arith.index_cast %add3A_283 : i32 to index
      %get3A_287 = tpu.vector_load %arg11[%get3A_285, %get3A_286] {strides = array<i32>} : memref<4x2048xf32, #tpu.memory_space<vmem>>, vector<1x16xf32>,
      %get3A_288 = vector.shape_cast %get3A_287 : vector<1x16xf32> to vector<16xf32>
      %swap3A_289 = arith.constant 1 : i32
      %swap3A_290 = arith.index_cast %swap3A_289 : i32 to index
      %swap3A_291 = arith.index_cast %add3A_283 : i32 to index
      %swap3A_292 = tpu.vector_load %arg7[%swap3A_290, %swap3A_291] {strides = array<i32>} : memref<4x2048xf32, #tpu.memory_space<vmem>>, vector<1x16xf32>,
      %swap3A_293 = vector.shape_cast %swap3A_292 : vector<1x16xf32> to vector<16xf32>
      %swap3A_294 = vector.shape_cast %get3A_288 : vector<16xf32> to vector<1x16xf32>
      tpu.vector_store %arg7[%swap3A_290, %swap3A_291], %swap3A_294 {add = true, strides = array<i32>} : memref<4x2048xf32, #tpu.memory_space<vmem>>, vector<1x16xf32>,
      %add3A_295 = arith.constant 32 : i32
      %add3A_296 = arith.addi %mul3A_270, %add3A_295 : i32
      %get3A_297 = arith.constant 1 : i32
      %get3A_298 = arith.index_cast %get3A_297 : i32 to index
      %get3A_299 = arith.index_cast %add3A_296 : i32 to index
      %get3A_300 = tpu.vector_load %arg11[%get3A_298, %get3A_299] {strides = array<i32>} : memref<4x2048xf32, #tpu.memory_space<vmem>>, vector<1x16xf32>,
      %get3A_301 = vector.shape_cast %get3A_300 : vector<1x16xf32> to vector<16xf32>
      %swap3A_302 = arith.constant 1 : i32
      %swap3A_303 = arith.index_cast %swap3A_302 : i32 to index
      %swap3A_304 = arith.index_cast %add3A_296 : i32 to index
      %swap3A_305 = tpu.vector_load %arg7[%swap3A_303, %swap3A_304] {strides = array<i32>} : memref<4x2048xf32, #tpu.memory_space<vmem>>, vector<1x16xf32>,
      %swap3A_306 = vector.shape_cast %swap3A_305 : vector<1x16xf32> to vector<16xf32>
      %swap3A_307 = vector.shape_cast %get3A_301 : vector<16xf32> to vector<1x16xf32>
      tpu.vector_store %arg7[%swap3A_303, %swap3A_304], %swap3A_307 {add = true, strides = array<i32>} : memref<4x2048xf32, #tpu.memory_space<vmem>>, vector<1x16xf32>,
      %add3A_308 = arith.constant 48 : i32
      %add3A_309 = arith.addi %mul3A_270, %add3A_308 : i32
      %get3A_310 = arith.constant 1 : i32
      %get3A_311 = arith.index_cast %get3A_310 : i32 to index
      %get3A_312 = arith.index_cast %add3A_309 : i32 to index
      %get3A_313 = tpu.vector_load %arg11[%get3A_311, %get3A_312] {strides = array<i32>} : memref<4x2048xf32, #tpu.memory_space<vmem>>, vector<1x16xf32>,
      %get3A_314 = vector.shape_cast %get3A_313 : vector<1x16xf32> to vector<16xf32>
      %swap3A_315 = arith.constant 1 : i32
      %swap3A_316 = arith.index_cast %swap3A_315 : i32 to index
      %swap3A_317 = arith.index_cast %add3A_309 : i32 to index
      %swap3A_318 = tpu.vector_load %arg7[%swap3A_316, %swap3A_317] {strides = array<i32>} : memref<4x2048xf32, #tpu.memory_space<vmem>>, vector<1x16xf32>,
      %swap3A_319 = vector.shape_cast %swap3A_318 : vector<1x16xf32> to vector<16xf32>
      %swap3A_320 = vector.shape_cast %get3A_314 : vector<16xf32> to vector<1x16xf32>
      tpu.vector_store %arg7[%swap3A_316, %swap3A_317], %swap3A_320 {add = true, strides = array<i32>} : memref<4x2048xf32, #tpu.memory_space<vmem>>, vector<1x16xf32>,
      %add3A_321 = arith.constant 64 : i32
      %add3A_322 = arith.addi %mul3A_270, %add3A_321 : i32
      %get3A_323 = arith.constant 1 : i32
      %get3A_324 = arith.index_cast %get3A_323 : i32 to index
      %get3A_325 = arith.index_cast %add3A_322 : i32 to index
      %get3A_326 = tpu.vector_load %arg11[%get3A_324, %get3A_325] {strides = array<i32>} : memref<4x2048xf32, #tpu.memory_space<vmem>>, vector<1x16xf32>,
      %get3A_327 = vector.shape_cast %get3A_326 : vector<1x16xf32> to vector<16xf32>
      %swap3A_328 = arith.constant 1 : i32
      %swap3A_329 = arith.index_cast %swap3A_328 : i32 to index
      %swap3A_330 = arith.index_cast %add3A_322 : i32 to index
      %swap3A_331 = tpu.vector_load %arg7[%swap3A_329, %swap3A_330] {strides = array<i32>} : memref<4x2048xf32, #tpu.memory_space<vmem>>, vector<1x16xf32>,
      %swap3A_332 = vector.shape_cast %swap3A_331 : vector<1x16xf32> to vector<16xf32>
      %swap3A_333 = vector.shape_cast %get3A_327 : vector<16xf32> to vector<1x16xf32>
      tpu.vector_store %arg7[%swap3A_329, %swap3A_330], %swap3A_333 {add = true, strides = array<i32>} : memref<4x2048xf32, #tpu.memory_space<vmem>>, vector<1x16xf32>,
      %add3A_334 = arith.constant 80 : i32
      %add3A_335 = arith.addi %mul3A_270, %add3A_334 : i32
      %get3A_336 = arith.constant 1 : i32
      %get3A_337 = arith.index_cast %get3A_336 : i32 to index
      %get3A_338 = arith.index_cast %add3A_335 : i32 to index
      %get3A_339 = tpu.vector_load %arg11[%get3A_337, %get3A_338] {strides = array<i32>} : memref<4x2048xf32, #tpu.memory_space<vmem>>, vector<1x16xf32>,
      %get3A_340 = vector.shape_cast %get3A_339 : vector<1x16xf32> to vector<16xf32>
      %swap3A_341 = arith.constant 1 : i32
      %swap3A_342 = arith.index_cast %swap3A_341 : i32 to index
      %swap3A_343 = arith.index_cast %add3A_335 : i32 to index
      %swap3A_344 = tpu.vector_load %arg7[%swap3A_342, %swap3A_343] {strides = array<i32>} : memref<4x2048xf32, #tpu.memory_space<vmem>>, vector<1x16xf32>,
      %swap3A_345 = vector.shape_cast %swap3A_344 : vector<1x16xf32> to vector<16xf32>
      %swap3A_346 = vector.shape_cast %get3A_340 : vector<16xf32> to vector<1x16xf32>
      tpu.vector_store %arg7[%swap3A_342, %swap3A_343], %swap3A_346 {add = true, strides = array<i32>} : memref<4x2048xf32, #tpu.memory_space<vmem>>, vector<1x16xf32>,
      %add3A_347 = arith.constant 96 : i32
      %add3A_348 = arith.addi %mul3A_270, %add3A_347 : i32
      %get3A_349 = arith.constant 1 : i32
      %get3A_350 = arith.index_cast %get3A_349 : i32 to index
      %get3A_351 = arith.index_cast %add3A_348 : i32 to index
      %get3A_352 = tpu.vector_load %arg11[%get3A_350, %get3A_351] {strides = array<i32>} : memref<4x2048xf32, #tpu.memory_space<vmem>>, vector<1x16xf32>,
      %get3A_353 = vector.shape_cast %get3A_352 : vector<1x16xf32> to vector<16xf32>
      %swap3A_354 = arith.constant 1 : i32
      %swap3A_355 = arith.index_cast %swap3A_354 : i32 to index
      %swap3A_356 = arith.index_cast %add3A_348 : i32 to index
      %swap3A_357 = tpu.vector_load %arg7[%swap3A_355, %swap3A_356] {strides = array<i32>} : memref<4x2048xf32, #tpu.memory_space<vmem>>, vector<1x16xf32>,
      %swap3A_358 = vector.shape_cast %swap3A_357 : vector<1x16xf32> to vector<16xf32>
      %swap3A_359 = vector.shape_cast %get3A_353 : vector<16xf32> to vector<1x16xf32>
      tpu.vector_store %arg7[%swap3A_355, %swap3A_356], %swap3A_359 {add = true, strides = array<i32>} : memref<4x2048xf32, #tpu.memory_space<vmem>>, vector<1x16xf32>,
      %add3A_360 = arith.constant 112 : i32
      %add3A_361 = arith.addi %mul3A_270, %add3A_360 : i32
      %get3A_362 = arith.constant 1 : i32
      %get3A_363 = arith.index_cast %get3A_362 : i32 to index
      %get3A_364 = arith.index_cast %add3A_361 : i32 to index
      %get3A_365 = tpu.vector_load %arg11[%get3A_363, %get3A_364] {strides = array<i32>} : memref<4x2048xf32, #tpu.memory_space<vmem>>, vector<1x16xf32>,
      %get3A_366 = vector.shape_cast %get3A_365 : vector<1x16xf32> to vector<16xf32>
      %swap3A_367 = arith.constant 1 : i32
      %swap3A_368 = arith.index_cast %swap3A_367 : i32 to index
      %swap3A_369 = arith.index_cast %add3A_361 : i32 to index
      %swap3A_370 = tpu.vector_load %arg7[%swap3A_368, %swap3A_369] {strides = array<i32>} : memref<4x2048xf32, #tpu.memory_space<vmem>>, vector<1x16xf32>,
      %swap3A_371 = vector.shape_cast %swap3A_370 : vector<1x16xf32> to vector<16xf32>
      %swap3A_372 = vector.shape_cast %get3A_366 : vector<16xf32> to vector<1x16xf32>
      tpu.vector_store %arg7[%swap3A_368, %swap3A_369], %swap3A_372 {add = true, strides = array<i32>} : memref<4x2048xf32, #tpu.memory_space<vmem>>, vector<1x16xf32>,
      %scan3A_373 = arith.constant 0 : i32
      scf.yield %scan3A_373 : i32
    }
    %scan3A_51 = arith.constant 16 : i32
    %scan3A_52 = arith.constant 0 : i32
    %scan3A_53 = arith.constant 0 : i32
    %scan3A_54 = arith.constant 16 : i32
    %scan3A_55 = arith.addi %scan3A_53, %scan3A_54 : i32
    %scan3A_56 = arith.constant 1 : i32
    %scan3A_57 = scf.for %scan3A_267 = %scan3A_53 to %scan3A_55 step %scan3A_56 iter_args(%scan3A_268 = %scan3A_52) -> (i32)  : i32 {
      %mul3A_269 = arith.constant 128 : i32
      %mul3A_270 = arith.muli %scan3A_267, %mul3A_269 : i32
      %add3A_271 = arith.constant 0 : i32
      %add3A_272 = arith.addi %mul3A_270, %add3A_271 : i32
      %get3A = arith.constant 2 : i32
      %get3A_273 = arith.index_cast %get3A : i32 to index
      %get3A_274 = arith.index_cast %add3A_272 : i32 to index
      %get3A_275 = tpu.vector_load %arg11[%get3A_273, %get3A_274] {strides = array<i32>} : memref<4x2048xf32, #tpu.memory_space<vmem>>, vector<1x16xf32>,
      %get3A_276 = vector.shape_cast %get3A_275 : vector<1x16xf32> to vector<16xf32>
      %swap3A = arith.constant 2 : i32
      %swap3A_277 = arith.index_cast %swap3A : i32 to index
      %swap3A_278 = arith.index_cast %add3A_272 : i32 to index
      %swap3A_279 = tpu.vector_load %arg7[%swap3A_277, %swap3A_278] {strides = array<i32>} : memref<4x2048xf32, #tpu.memory_space<vmem>>, vector<1x16xf32>,
      %swap3A_280 = vector.shape_cast %swap3A_279 : vector<1x16xf32> to vector<16xf32>
      %swap3A_281 = vector.shape_cast %get3A_276 : vector<16xf32> to vector<1x16xf32>
      tpu.vector_store %arg7[%swap3A_277, %swap3A_278], %swap3A_281 {add = true, strides = array<i32>} : memref<4x2048xf32, #tpu.memory_space<vmem>>, vector<1x16xf32>,
      %add3A_282 = arith.constant 16 : i32
      %add3A_283 = arith.addi %mul3A_270, %add3A_282 : i32
      %get3A_284 = arith.constant 2 : i32
      %get3A_285 = arith.index_cast %get3A_284 : i32 to index
      %get3A_286 = arith.index_cast %add3A_283 : i32 to index
      %get3A_287 = tpu.vector_load %arg11[%get3A_285, %get3A_286] {strides = array<i32>} : memref<4x2048xf32, #tpu.memory_space<vmem>>, vector<1x16xf32>,
      %get3A_288 = vector.shape_cast %get3A_287 : vector<1x16xf32> to vector<16xf32>
      %swap3A_289 = arith.constant 2 : i32
      %swap3A_290 = arith.index_cast %swap3A_289 : i32 to index
      %swap3A_291 = arith.index_cast %add3A_283 : i32 to index
      %swap3A_292 = tpu.vector_load %arg7[%swap3A_290, %swap3A_291] {strides = array<i32>} : memref<4x2048xf32, #tpu.memory_space<vmem>>, vector<1x16xf32>,
      %swap3A_293 = vector.shape_cast %swap3A_292 : vector<1x16xf32> to vector<16xf32>
      %swap3A_294 = vector.shape_cast %get3A_288 : vector<16xf32> to vector<1x16xf32>
      tpu.vector_store %arg7[%swap3A_290, %swap3A_291], %swap3A_294 {add = true, strides = array<i32>} : memref<4x2048xf32, #tpu.memory_space<vmem>>, vector<1x16xf32>,
      %add3A_295 = arith.constant 32 : i32
      %add3A_296 = arith.addi %mul3A_270, %add3A_295 : i32
      %get3A_297 = arith.constant 2 : i32
      %get3A_298 = arith.index_cast %get3A_297 : i32 to index
      %get3A_299 = arith.index_cast %add3A_296 : i32 to index
      %get3A_300 = tpu.vector_load %arg11[%get3A_298, %get3A_299] {strides = array<i32>} : memref<4x2048xf32, #tpu.memory_space<vmem>>, vector<1x16xf32>,
      %get3A_301 = vector.shape_cast %get3A_300 : vector<1x16xf32> to vector<16xf32>
      %swap3A_302 = arith.constant 2 : i32
      %swap3A_303 = arith.index_cast %swap3A_302 : i32 to index
      %swap3A_304 = arith.index_cast %add3A_296 : i32 to index
      %swap3A_305 = tpu.vector_load %arg7[%swap3A_303, %swap3A_304] {strides = array<i32>} : memref<4x2048xf32, #tpu.memory_space<vmem>>, vector<1x16xf32>,
      %swap3A_306 = vector.shape_cast %swap3A_305 : vector<1x16xf32> to vector<16xf32>
      %swap3A_307 = vector.shape_cast %get3A_301 : vector<16xf32> to vector<1x16xf32>
      tpu.vector_store %arg7[%swap3A_303, %swap3A_304], %swap3A_307 {add = true, strides = array<i32>} : memref<4x2048xf32, #tpu.memory_space<vmem>>, vector<1x16xf32>,
      %add3A_308 = arith.constant 48 : i32
      %add3A_309 = arith.addi %mul3A_270, %add3A_308 : i32
      %get3A_310 = arith.constant 2 : i32
      %get3A_311 = arith.index_cast %get3A_310 : i32 to index
      %get3A_312 = arith.index_cast %add3A_309 : i32 to index
      %get3A_313 = tpu.vector_load %arg11[%get3A_311, %get3A_312] {strides = array<i32>} : memref<4x2048xf32, #tpu.memory_space<vmem>>, vector<1x16xf32>,
      %get3A_314 = vector.shape_cast %get3A_313 : vector<1x16xf32> to vector<16xf32>
      %swap3A_315 = arith.constant 2 : i32
      %swap3A_316 = arith.index_cast %swap3A_315 : i32 to index
      %swap3A_317 = arith.index_cast %add3A_309 : i32 to index
      %swap3A_318 = tpu.vector_load %arg7[%swap3A_316, %swap3A_317] {strides = array<i32>} : memref<4x2048xf32, #tpu.memory_space<vmem>>, vector<1x16xf32>,
      %swap3A_319 = vector.shape_cast %swap3A_318 : vector<1x16xf32> to vector<16xf32>
      %swap3A_320 = vector.shape_cast %get3A_314 : vector<16xf32> to vector<1x16xf32>
      tpu.vector_store %arg7[%swap3A_316, %swap3A_317], %swap3A_320 {add = true, strides = array<i32>} : memref<4x2048xf32, #tpu.memory_space<vmem>>, vector<1x16xf32>,
      %add3A_321 = arith.constant 64 : i32
      %add3A_322 = arith.addi %mul3A_270, %add3A_321 : i32
      %get3A_323 = arith.constant 2 : i32
      %get3A_324 = arith.index_cast %get3A_323 : i32 to index
      %get3A_325 = arith.index_cast %add3A_322 : i32 to index
      %get3A_326 = tpu.vector_load %arg11[%get3A_324, %get3A_325] {strides = array<i32>} : memref<4x2048xf32, #tpu.memory_space<vmem>>, vector<1x16xf32>,
      %get3A_327 = vector.shape_cast %get3A_326 : vector<1x16xf32> to vector<16xf32>
      %swap3A_328 = arith.constant 2 : i32
      %swap3A_329 = arith.index_cast %swap3A_328 : i32 to index
      %swap3A_330 = arith.index_cast %add3A_322 : i32 to index
      %swap3A_331 = tpu.vector_load %arg7[%swap3A_329, %swap3A_330] {strides = array<i32>} : memref<4x2048xf32, #tpu.memory_space<vmem>>, vector<1x16xf32>,
      %swap3A_332 = vector.shape_cast %swap3A_331 : vector<1x16xf32> to vector<16xf32>
      %swap3A_333 = vector.shape_cast %get3A_327 : vector<16xf32> to vector<1x16xf32>
      tpu.vector_store %arg7[%swap3A_329, %swap3A_330], %swap3A_333 {add = true, strides = array<i32>} : memref<4x2048xf32, #tpu.memory_space<vmem>>, vector<1x16xf32>,
      %add3A_334 = arith.constant 80 : i32
      %add3A_335 = arith.addi %mul3A_270, %add3A_334 : i32
      %get3A_336 = arith.constant 2 : i32
      %get3A_337 = arith.index_cast %get3A_336 : i32 to index
      %get3A_338 = arith.index_cast %add3A_335 : i32 to index
      %get3A_339 = tpu.vector_load %arg11[%get3A_337, %get3A_338] {strides = array<i32>} : memref<4x2048xf32, #tpu.memory_space<vmem>>, vector<1x16xf32>,
      %get3A_340 = vector.shape_cast %get3A_339 : vector<1x16xf32> to vector<16xf32>
      %swap3A_341 = arith.constant 2 : i32
      %swap3A_342 = arith.index_cast %swap3A_341 : i32 to index
      %swap3A_343 = arith.index_cast %add3A_335 : i32 to index
      %swap3A_344 = tpu.vector_load %arg7[%swap3A_342, %swap3A_343] {strides = array<i32>} : memref<4x2048xf32, #tpu.memory_space<vmem>>, vector<1x16xf32>,
      %swap3A_345 = vector.shape_cast %swap3A_344 : vector<1x16xf32> to vector<16xf32>
      %swap3A_346 = vector.shape_cast %get3A_340 : vector<16xf32> to vector<1x16xf32>
      tpu.vector_store %arg7[%swap3A_342, %swap3A_343], %swap3A_346 {add = true, strides = array<i32>} : memref<4x2048xf32, #tpu.memory_space<vmem>>, vector<1x16xf32>,
      %add3A_347 = arith.constant 96 : i32
      %add3A_348 = arith.addi %mul3A_270, %add3A_347 : i32
      %get3A_349 = arith.constant 2 : i32
      %get3A_350 = arith.index_cast %get3A_349 : i32 to index
      %get3A_351 = arith.index_cast %add3A_348 : i32 to index
      %get3A_352 = tpu.vector_load %arg11[%get3A_350, %get3A_351] {strides = array<i32>} : memref<4x2048xf32, #tpu.memory_space<vmem>>, vector<1x16xf32>,
      %get3A_353 = vector.shape_cast %get3A_352 : vector<1x16xf32> to vector<16xf32>
      %swap3A_354 = arith.constant 2 : i32
      %swap3A_355 = arith.index_cast %swap3A_354 : i32 to index
      %swap3A_356 = arith.index_cast %add3A_348 : i32 to index
      %swap3A_357 = tpu.vector_load %arg7[%swap3A_355, %swap3A_356] {strides = array<i32>} : memref<4x2048xf32, #tpu.memory_space<vmem>>, vector<1x16xf32>,
      %swap3A_358 = vector.shape_cast %swap3A_357 : vector<1x16xf32> to vector<16xf32>
      %swap3A_359 = vector.shape_cast %get3A_353 : vector<16xf32> to vector<1x16xf32>
      tpu.vector_store %arg7[%swap3A_355, %swap3A_356], %swap3A_359 {add = true, strides = array<i32>} : memref<4x2048xf32, #tpu.memory_space<vmem>>, vector<1x16xf32>,
      %add3A_360 = arith.constant 112 : i32
      %add3A_361 = arith.addi %mul3A_270, %add3A_360 : i32
      %get3A_362 = arith.constant 2 : i32
      %get3A_363 = arith.index_cast %get3A_362 : i32 to index
      %get3A_364 = arith.index_cast %add3A_361 : i32 to index
      %get3A_365 = tpu.vector_load %arg11[%get3A_363, %get3A_364] {strides = array<i32>} : memref<4x2048xf32, #tpu.memory_space<vmem>>, vector<1x16xf32>,
      %get3A_366 = vector.shape_cast %get3A_365 : vector<1x16xf32> to vector<16xf32>
      %swap3A_367 = arith.constant 2 : i32
      %swap3A_368 = arith.index_cast %swap3A_367 : i32 to index
      %swap3A_369 = arith.index_cast %add3A_361 : i32 to index
      %swap3A_370 = tpu.vector_load %arg7[%swap3A_368, %swap3A_369] {strides = array<i32>} : memref<4x2048xf32, #tpu.memory_space<vmem>>, vector<1x16xf32>,
      %swap3A_371 = vector.shape_cast %swap3A_370 : vector<1x16xf32> to vector<16xf32>
      %swap3A_372 = vector.shape_cast %get3A_366 : vector<16xf32> to vector<1x16xf32>
      tpu.vector_store %arg7[%swap3A_368, %swap3A_369], %swap3A_372 {add = true, strides = array<i32>} : memref<4x2048xf32, #tpu.memory_space<vmem>>, vector<1x16xf32>,
      %scan3A_373 = arith.constant 0 : i32
      scf.yield %scan3A_373 : i32
    }
    %scan3A_58 = arith.constant 16 : i32
    %scan3A_59 = arith.constant 0 : i32
    %scan3A_60 = arith.constant 0 : i32
    %scan3A_61 = arith.constant 16 : i32
    %scan3A_62 = arith.addi %scan3A_60, %scan3A_61 : i32
    %scan3A_63 = arith.constant 1 : i32
    %scan3A_64 = scf.for %scan3A_267 = %scan3A_60 to %scan3A_62 step %scan3A_63 iter_args(%scan3A_268 = %scan3A_59) -> (i32)  : i32 {
      %mul3A_269 = arith.constant 128 : i32
      %mul3A_270 = arith.muli %scan3A_267, %mul3A_269 : i32
      %add3A_271 = arith.constant 0 : i32
      %add3A_272 = arith.addi %mul3A_270, %add3A_271 : i32
      %get3A = arith.constant 3 : i32
      %get3A_273 = arith.index_cast %get3A : i32 to index
      %get3A_274 = arith.index_cast %add3A_272 : i32 to index
      %get3A_275 = tpu.vector_load %arg11[%get3A_273, %get3A_274] {strides = array<i32>} : memref<4x2048xf32, #tpu.memory_space<vmem>>, vector<1x16xf32>,
      %get3A_276 = vector.shape_cast %get3A_275 : vector<1x16xf32> to vector<16xf32>
      %swap3A = arith.constant 3 : i32
      %swap3A_277 = arith.index_cast %swap3A : i32 to index
      %swap3A_278 = arith.index_cast %add3A_272 : i32 to index
      %swap3A_279 = tpu.vector_load %arg7[%swap3A_277, %swap3A_278] {strides = array<i32>} : memref<4x2048xf32, #tpu.memory_space<vmem>>, vector<1x16xf32>,
      %swap3A_280 = vector.shape_cast %swap3A_279 : vector<1x16xf32> to vector<16xf32>
      %swap3A_281 = vector.shape_cast %get3A_276 : vector<16xf32> to vector<1x16xf32>
      tpu.vector_store %arg7[%swap3A_277, %swap3A_278], %swap3A_281 {add = true, strides = array<i32>} : memref<4x2048xf32, #tpu.memory_space<vmem>>, vector<1x16xf32>,
      %add3A_282 = arith.constant 16 : i32
      %add3A_283 = arith.addi %mul3A_270, %add3A_282 : i32
      %get3A_284 = arith.constant 3 : i32
      %get3A_285 = arith.index_cast %get3A_284 : i32 to index
      %get3A_286 = arith.index_cast %add3A_283 : i32 to index
      %get3A_287 = tpu.vector_load %arg11[%get3A_285, %get3A_286] {strides = array<i32>} : memref<4x2048xf32, #tpu.memory_space<vmem>>, vector<1x16xf32>,
      %get3A_288 = vector.shape_cast %get3A_287 : vector<1x16xf32> to vector<16xf32>
      %swap3A_289 = arith.constant 3 : i32
      %swap3A_290 = arith.index_cast %swap3A_289 : i32 to index
      %swap3A_291 = arith.index_cast %add3A_283 : i32 to index
      %swap3A_292 = tpu.vector_load %arg7[%swap3A_290, %swap3A_291] {strides = array<i32>} : memref<4x2048xf32, #tpu.memory_space<vmem>>, vector<1x16xf32>,
      %swap3A_293 = vector.shape_cast %swap3A_292 : vector<1x16xf32> to vector<16xf32>
      %swap3A_294 = vector.shape_cast %get3A_288 : vector<16xf32> to vector<1x16xf32>
      tpu.vector_store %arg7[%swap3A_290, %swap3A_291], %swap3A_294 {add = true, strides = array<i32>} : memref<4x2048xf32, #tpu.memory_space<vmem>>, vector<1x16xf32>,
      %add3A_295 = arith.constant 32 : i32
      %add3A_296 = arith.addi %mul3A_270, %add3A_295 : i32
      %get3A_297 = arith.constant 3 : i32
      %get3A_298 = arith.index_cast %get3A_297 : i32 to index
      %get3A_299 = arith.index_cast %add3A_296 : i32 to index
      %get3A_300 = tpu.vector_load %arg11[%get3A_298, %get3A_299] {strides = array<i32>} : memref<4x2048xf32, #tpu.memory_space<vmem>>, vector<1x16xf32>,
      %get3A_301 = vector.shape_cast %get3A_300 : vector<1x16xf32> to vector<16xf32>
      %swap3A_302 = arith.constant 3 : i32
      %swap3A_303 = arith.index_cast %swap3A_302 : i32 to index
      %swap3A_304 = arith.index_cast %add3A_296 : i32 to index
      %swap3A_305 = tpu.vector_load %arg7[%swap3A_303, %swap3A_304] {strides = array<i32>} : memref<4x2048xf32, #tpu.memory_space<vmem>>, vector<1x16xf32>,
      %swap3A_306 = vector.shape_cast %swap3A_305 : vector<1x16xf32> to vector<16xf32>
      %swap3A_307 = vector.shape_cast %get3A_301 : vector<16xf32> to vector<1x16xf32>
      tpu.vector_store %arg7[%swap3A_303, %swap3A_304], %swap3A_307 {add = true, strides = array<i32>} : memref<4x2048xf32, #tpu.memory_space<vmem>>, vector<1x16xf32>,
      %add3A_308 = arith.constant 48 : i32
      %add3A_309 = arith.addi %mul3A_270, %add3A_308 : i32
      %get3A_310 = arith.constant 3 : i32
      %get3A_311 = arith.index_cast %get3A_310 : i32 to index
      %get3A_312 = arith.index_cast %add3A_309 : i32 to index
      %get3A_313 = tpu.vector_load %arg11[%get3A_311, %get3A_312] {strides = array<i32>} : memref<4x2048xf32, #tpu.memory_space<vmem>>, vector<1x16xf32>,
      %get3A_314 = vector.shape_cast %get3A_313 : vector<1x16xf32> to vector<16xf32>
      %swap3A_315 = arith.constant 3 : i32
      %swap3A_316 = arith.index_cast %swap3A_315 : i32 to index
      %swap3A_317 = arith.index_cast %add3A_309 : i32 to index
      %swap3A_318 = tpu.vector_load %arg7[%swap3A_316, %swap3A_317] {strides = array<i32>} : memref<4x2048xf32, #tpu.memory_space<vmem>>, vector<1x16xf32>,
      %swap3A_319 = vector.shape_cast %swap3A_318 : vector<1x16xf32> to vector<16xf32>
      %swap3A_320 = vector.shape_cast %get3A_314 : vector<16xf32> to vector<1x16xf32>
      tpu.vector_store %arg7[%swap3A_316, %swap3A_317], %swap3A_320 {add = true, strides = array<i32>} : memref<4x2048xf32, #tpu.memory_space<vmem>>, vector<1x16xf32>,
      %add3A_321 = arith.constant 64 : i32
      %add3A_322 = arith.addi %mul3A_270, %add3A_321 : i32
      %get3A_323 = arith.constant 3 : i32
      %get3A_324 = arith.index_cast %get3A_323 : i32 to index
      %get3A_325 = arith.index_cast %add3A_322 : i32 to index
      %get3A_326 = tpu.vector_load %arg11[%get3A_324, %get3A_325] {strides = array<i32>} : memref<4x2048xf32, #tpu.memory_space<vmem>>, vector<1x16xf32>,
      %get3A_327 = vector.shape_cast %get3A_326 : vector<1x16xf32> to vector<16xf32>
      %swap3A_328 = arith.constant 3 : i32
      %swap3A_329 = arith.index_cast %swap3A_328 : i32 to index
      %swap3A_330 = arith.index_cast %add3A_322 : i32 to index
      %swap3A_331 = tpu.vector_load %arg7[%swap3A_329, %swap3A_330] {strides = array<i32>} : memref<4x2048xf32, #tpu.memory_space<vmem>>, vector<1x16xf32>,
      %swap3A_332 = vector.shape_cast %swap3A_331 : vector<1x16xf32> to vector<16xf32>
      %swap3A_333 = vector.shape_cast %get3A_327 : vector<16xf32> to vector<1x16xf32>
      tpu.vector_store %arg7[%swap3A_329, %swap3A_330], %swap3A_333 {add = true, strides = array<i32>} : memref<4x2048xf32, #tpu.memory_space<vmem>>, vector<1x16xf32>,
      %add3A_334 = arith.constant 80 : i32
      %add3A_335 = arith.addi %mul3A_270, %add3A_334 : i32
      %get3A_336 = arith.constant 3 : i32
      %get3A_337 = arith.index_cast %get3A_336 : i32 to index
      %get3A_338 = arith.index_cast %add3A_335 : i32 to index
      %get3A_339 = tpu.vector_load %arg11[%get3A_337, %get3A_338] {strides = array<i32>} : memref<4x2048xf32, #tpu.memory_space<vmem>>, vector<1x16xf32>,
      %get3A_340 = vector.shape_cast %get3A_339 : vector<1x16xf32> to vector<16xf32>
      %swap3A_341 = arith.constant 3 : i32
      %swap3A_342 = arith.index_cast %swap3A_341 : i32 to index
      %swap3A_343 = arith.index_cast %add3A_335 : i32 to index
      %swap3A_344 = tpu.vector_load %arg7[%swap3A_342, %swap3A_343] {strides = array<i32>} : memref<4x2048xf32, #tpu.memory_space<vmem>>, vector<1x16xf32>,
      %swap3A_345 = vector.shape_cast %swap3A_344 : vector<1x16xf32> to vector<16xf32>
      %swap3A_346 = vector.shape_cast %get3A_340 : vector<16xf32> to vector<1x16xf32>
      tpu.vector_store %arg7[%swap3A_342, %swap3A_343], %swap3A_346 {add = true, strides = array<i32>} : memref<4x2048xf32, #tpu.memory_space<vmem>>, vector<1x16xf32>,
      %add3A_347 = arith.constant 96 : i32
      %add3A_348 = arith.addi %mul3A_270, %add3A_347 : i32
      %get3A_349 = arith.constant 3 : i32
      %get3A_350 = arith.index_cast %get3A_349 : i32 to index
      %get3A_351 = arith.index_cast %add3A_348 : i32 to index
      %get3A_352 = tpu.vector_load %arg11[%get3A_350, %get3A_351] {strides = array<i32>} : memref<4x2048xf32, #tpu.memory_space<vmem>>, vector<1x16xf32>,
      %get3A_353 = vector.shape_cast %get3A_352 : vector<1x16xf32> to vector<16xf32>
      %swap3A_354 = arith.constant 3 : i32
      %swap3A_355 = arith.index_cast %swap3A_354 : i32 to index
      %swap3A_356 = arith.index_cast %add3A_348 : i32 to index
      %swap3A_357 = tpu.vector_load %arg7[%swap3A_355, %swap3A_356] {strides = array<i32>} : memref<4x2048xf32, #tpu.memory_space<vmem>>, vector<1x16xf32>,
      %swap3A_358 = vector.shape_cast %swap3A_357 : vector<1x16xf32> to vector<16xf32>
      %swap3A_359 = vector.shape_cast %get3A_353 : vector<16xf32> to vector<1x16xf32>
      tpu.vector_store %arg7[%swap3A_355, %swap3A_356], %swap3A_359 {add = true, strides = array<i32>} : memref<4x2048xf32, #tpu.memory_space<vmem>>, vector<1x16xf32>,
      %add3A_360 = arith.constant 112 : i32
      %add3A_361 = arith.addi %mul3A_270, %add3A_360 : i32
      %get3A_362 = arith.constant 3 : i32
      %get3A_363 = arith.index_cast %get3A_362 : i32 to index
      %get3A_364 = arith.index_cast %add3A_361 : i32 to index
      %get3A_365 = tpu.vector_load %arg11[%get3A_363, %get3A_364] {strides = array<i32>} : memref<4x2048xf32, #tpu.memory_space<vmem>>, vector<1x16xf32>,
      %get3A_366 = vector.shape_cast %get3A_365 : vector<1x16xf32> to vector<16xf32>
      %swap3A_367 = arith.constant 3 : i32
      %swap3A_368 = arith.index_cast %swap3A_367 : i32 to index
      %swap3A_369 = arith.index_cast %add3A_361 : i32 to index
      %swap3A_370 = tpu.vector_load %arg7[%swap3A_368, %swap3A_369] {strides = array<i32>} : memref<4x2048xf32, #tpu.memory_space<vmem>>, vector<1x16xf32>,
      %swap3A_371 = vector.shape_cast %swap3A_370 : vector<1x16xf32> to vector<16xf32>
      %swap3A_372 = vector.shape_cast %get3A_366 : vector<16xf32> to vector<1x16xf32>
      tpu.vector_store %arg7[%swap3A_368, %swap3A_369], %swap3A_372 {add = true, strides = array<i32>} : memref<4x2048xf32, #tpu.memory_space<vmem>>, vector<1x16xf32>,
      %scan3A_373 = arith.constant 0 : i32
      scf.yield %scan3A_373 : i32
    }
    %scan3A_65 = arith.constant 16 : i32
    %add3A_66 = arith.constant 0 : i32
    %add3A_67 = arith.addi %mul3A_2, %add3A_66 : i32
    %dma_start3A_68 = arith.constant 0 : i32
    %dma_start3A_69 = tpu.memref_slice %arg5[%add3A_67, %dma_start3A_68] : memref<4096x2048xf32, #tpu.memory_space<hbm>> -> memref<4x2048xf32, #tpu.memory_space<hbm>>
    %dma_start3A_70 = arith.constant 0 : i32
    %dma_start3A_71 = tpu.memref_slice %arg5[%add3A_67, %dma_start3A_70] : memref<4096x2048xf32, #tpu.memory_space<hbm>> -> memref<4x2048xf32, #tpu.memory_space<hbm>>
    tpu.enqueue_dma source(%arg7 : memref<4x2048xf32, #tpu.memory_space<vmem>>) target(%dma_start3A_71 : memref<4x2048xf32, #tpu.memory_space<hbm>>) target_semaphore(%arg23 : memref<!tpu.dma_semaphore, #tpu.memory_space<semaphore_mem>>)
    %dma_start3A_72 = arith.constant 2 : i32
    %dma_start3A_73 = arith.constant 0 : i32
    %dma_start3A_74 = tpu.memref_slice %arg6[%dma_start3A_72, %dma_start3A_73] : memref<32x4xi32, #tpu.memory_space<vmem>> -> memref<1x4xi32, #tpu.memory_space<vmem>>
    %dma_start3A_75 = tpu.memref_squeeze %dma_start3A_74 : memref<1x4xi32, #tpu.memory_space<vmem>> -> memref<4xi32, #tpu.memory_space<vmem>>
    %dma_start3A_76 = arith.constant 0 : i32
    %dma_start3A_77 = arith.constant 0 : i32
    %dma_start3A_78 = tpu.memref_slice %arg3[%dma_start3A_76, %dma_start3A_77] : memref<15232x2048xf32, #tpu.memory_space<hbm>> -> memref<15232x2048xf32, #tpu.memory_space<hbm>>
    tpu.enqueue_indirect_dma source(%dma_start3A_78 : memref<15232x2048xf32, #tpu.memory_space<hbm>>) target(%arg13 : memref<4x2048xf32, #tpu.memory_space<vmem>>) offsets(%dma_start3A_75 : memref<4xi32, #tpu.memory_space<vmem>>) semaphore(%arg21 : memref<!tpu.dma_semaphore, #tpu.memory_space<semaphore_mem>>)
    %add3A_79 = arith.constant 8 : i32
    %add3A_80 = arith.addi %mul3A_2, %add3A_79 : i32
    %dma_start3A_81 = arith.constant 0 : i32
    %dma_start3A_82 = tpu.memref_slice %arg2[%add3A_80, %dma_start3A_81] : memref<4096x2048xf32, #tpu.memory_space<hbm>> -> memref<4x2048xf32, #tpu.memory_space<hbm>>
    %dma_start3A_83 = arith.constant 0 : i32
    %dma_start3A_84 = tpu.memref_slice %arg2[%add3A_80, %dma_start3A_83] : memref<4096x2048xf32, #tpu.memory_space<hbm>> -> memref<4x2048xf32, #tpu.memory_space<hbm>>
    tpu.enqueue_dma source(%dma_start3A_84 : memref<4x2048xf32, #tpu.memory_space<hbm>>) target(%arg9 : memref<4x2048xf32, #tpu.memory_space<vmem>>) target_semaphore(%arg17 : memref<!tpu.dma_semaphore, #tpu.memory_space<semaphore_mem>>)
    %dma_wait3A_85 = arith.constant 0 : i32
    %dma_wait3A_86 = arith.constant 0 : i32
    %dma_wait3A_87 = tpu.memref_slice %arg2[%dma_wait3A_85, %dma_wait3A_86] : memref<4096x2048xf32, #tpu.memory_space<hbm>> -> memref<4x2048xf32, #tpu.memory_space<hbm>>
    %dma_wait3A_88 = arith.constant 0 : i32
    %dma_wait3A_89 = arith.constant 0 : i32
    %dma_wait3A_90 = tpu.memref_slice %arg2[%dma_wait3A_88, %dma_wait3A_89] : memref<4096x2048xf32, #tpu.memory_space<hbm>> -> memref<4x2048xf32, #tpu.memory_space<hbm>>
    tpu.wait_dma2 semaphore(%arg16 : memref<!tpu.dma_semaphore, #tpu.memory_space<semaphore_mem>>) src(%dma_wait3A_90 : memref<4x2048xf32, #tpu.memory_space<hbm>>) dst(%arg8 : memref<4x2048xf32, #tpu.memory_space<vmem>>)
    %dma_wait3A_91 = arith.constant 0 : i32
    %dma_wait3A_92 = arith.constant 0 : i32
    %dma_wait3A_93 = tpu.memref_slice %arg3[%dma_wait3A_91, %dma_wait3A_92] : memref<15232x2048xf32, #tpu.memory_space<hbm>> -> memref<4x2048xf32, #tpu.memory_space<hbm>>
    %dma_wait3A_94 = arith.constant 0 : i32
    %dma_wait3A_95 = arith.constant 0 : i32
    %dma_wait3A_96 = tpu.memref_slice %arg3[%dma_wait3A_94, %dma_wait3A_95] : memref<15232x2048xf32, #tpu.memory_space<hbm>> -> memref<4x2048xf32, #tpu.memory_space<hbm>>
    tpu.wait_dma2 semaphore(%arg20 : memref<!tpu.dma_semaphore, #tpu.memory_space<semaphore_mem>>) src(%dma_wait3A_96 : memref<4x2048xf32, #tpu.memory_space<hbm>>) dst(%arg12 : memref<4x2048xf32, #tpu.memory_space<vmem>>)
    %scan3A_97 = arith.constant 0 : i32
    %scan3A_98 = arith.constant 0 : i32
    %scan3A_99 = arith.constant 16 : i32
    %scan3A_100 = arith.addi %scan3A_98, %scan3A_99 : i32
    %scan3A_101 = arith.constant 1 : i32
    %scan3A_102 = scf.for %scan3A_267 = %scan3A_98 to %scan3A_100 step %scan3A_101 iter_args(%scan3A_268 = %scan3A_97) -> (i32)  : i32 {
      %mul3A_269 = arith.constant 128 : i32
      %mul3A_270 = arith.muli %scan3A_267, %mul3A_269 : i32
      %add3A_271 = arith.constant 0 : i32
      %add3A_272 = arith.addi %mul3A_270, %add3A_271 : i32
      %get3A = arith.constant 0 : i32
      %get3A_273 = arith.index_cast %get3A : i32 to index
      %get3A_274 = arith.index_cast %add3A_272 : i32 to index
      %get3A_275 = tpu.vector_load %arg12[%get3A_273, %get3A_274] {strides = array<i32>} : memref<4x2048xf32, #tpu.memory_space<vmem>>, vector<1x16xf32>,
      %get3A_276 = vector.shape_cast %get3A_275 : vector<1x16xf32> to vector<16xf32>
      %swap3A = arith.constant 0 : i32
      %swap3A_277 = arith.index_cast %swap3A : i32 to index
      %swap3A_278 = arith.index_cast %add3A_272 : i32 to index
      %swap3A_279 = tpu.vector_load %arg8[%swap3A_277, %swap3A_278] {strides = array<i32>} : memref<4x2048xf32, #tpu.memory_space<vmem>>, vector<1x16xf32>,
      %swap3A_280 = vector.shape_cast %swap3A_279 : vector<1x16xf32> to vector<16xf32>
      %swap3A_281 = vector.shape_cast %get3A_276 : vector<16xf32> to vector<1x16xf32>
      tpu.vector_store %arg8[%swap3A_277, %swap3A_278], %swap3A_281 {add = true, strides = array<i32>} : memref<4x2048xf32, #tpu.memory_space<vmem>>, vector<1x16xf32>,
      %add3A_282 = arith.constant 16 : i32
      %add3A_283 = arith.addi %mul3A_270, %add3A_282 : i32
      %get3A_284 = arith.constant 0 : i32
      %get3A_285 = arith.index_cast %get3A_284 : i32 to index
      %get3A_286 = arith.index_cast %add3A_283 : i32 to index
      %get3A_287 = tpu.vector_load %arg12[%get3A_285, %get3A_286] {strides = array<i32>} : memref<4x2048xf32, #tpu.memory_space<vmem>>, vector<1x16xf32>,
      %get3A_288 = vector.shape_cast %get3A_287 : vector<1x16xf32> to vector<16xf32>
      %swap3A_289 = arith.constant 0 : i32
      %swap3A_290 = arith.index_cast %swap3A_289 : i32 to index
      %swap3A_291 = arith.index_cast %add3A_283 : i32 to index
      %swap3A_292 = tpu.vector_load %arg8[%swap3A_290, %swap3A_291] {strides = array<i32>} : memref<4x2048xf32, #tpu.memory_space<vmem>>, vector<1x16xf32>,
      %swap3A_293 = vector.shape_cast %swap3A_292 : vector<1x16xf32> to vector<16xf32>
      %swap3A_294 = vector.shape_cast %get3A_288 : vector<16xf32> to vector<1x16xf32>
      tpu.vector_store %arg8[%swap3A_290, %swap3A_291], %swap3A_294 {add = true, strides = array<i32>} : memref<4x2048xf32, #tpu.memory_space<vmem>>, vector<1x16xf32>,
      %add3A_295 = arith.constant 32 : i32
      %add3A_296 = arith.addi %mul3A_270, %add3A_295 : i32
      %get3A_297 = arith.constant 0 : i32
      %get3A_298 = arith.index_cast %get3A_297 : i32 to index
      %get3A_299 = arith.index_cast %add3A_296 : i32 to index
      %get3A_300 = tpu.vector_load %arg12[%get3A_298, %get3A_299] {strides = array<i32>} : memref<4x2048xf32, #tpu.memory_space<vmem>>, vector<1x16xf32>,
      %get3A_301 = vector.shape_cast %get3A_300 : vector<1x16xf32> to vector<16xf32>
      %swap3A_302 = arith.constant 0 : i32
      %swap3A_303 = arith.index_cast %swap3A_302 : i32 to index
      %swap3A_304 = arith.index_cast %add3A_296 : i32 to index
      %swap3A_305 = tpu.vector_load %arg8[%swap3A_303, %swap3A_304] {strides = array<i32>} : memref<4x2048xf32, #tpu.memory_space<vmem>>, vector<1x16xf32>,
      %swap3A_306 = vector.shape_cast %swap3A_305 : vector<1x16xf32> to vector<16xf32>
      %swap3A_307 = vector.shape_cast %get3A_301 : vector<16xf32> to vector<1x16xf32>
      tpu.vector_store %arg8[%swap3A_303, %swap3A_304], %swap3A_307 {add = true, strides = array<i32>} : memref<4x2048xf32, #tpu.memory_space<vmem>>, vector<1x16xf32>,
      %add3A_308 = arith.constant 48 : i32
      %add3A_309 = arith.addi %mul3A_270, %add3A_308 : i32
      %get3A_310 = arith.constant 0 : i32
      %get3A_311 = arith.index_cast %get3A_310 : i32 to index
      %get3A_312 = arith.index_cast %add3A_309 : i32 to index
      %get3A_313 = tpu.vector_load %arg12[%get3A_311, %get3A_312] {strides = array<i32>} : memref<4x2048xf32, #tpu.memory_space<vmem>>, vector<1x16xf32>,
      %get3A_314 = vector.shape_cast %get3A_313 : vector<1x16xf32> to vector<16xf32>
      %swap3A_315 = arith.constant 0 : i32
      %swap3A_316 = arith.index_cast %swap3A_315 : i32 to index
      %swap3A_317 = arith.index_cast %add3A_309 : i32 to index
      %swap3A_318 = tpu.vector_load %arg8[%swap3A_316, %swap3A_317] {strides = array<i32>} : memref<4x2048xf32, #tpu.memory_space<vmem>>, vector<1x16xf32>,
      %swap3A_319 = vector.shape_cast %swap3A_318 : vector<1x16xf32> to vector<16xf32>
      %swap3A_320 = vector.shape_cast %get3A_314 : vector<16xf32> to vector<1x16xf32>
      tpu.vector_store %arg8[%swap3A_316, %swap3A_317], %swap3A_320 {add = true, strides = array<i32>} : memref<4x2048xf32, #tpu.memory_space<vmem>>, vector<1x16xf32>,
      %add3A_321 = arith.constant 64 : i32
      %add3A_322 = arith.addi %mul3A_270, %add3A_321 : i32
      %get3A_323 = arith.constant 0 : i32
      %get3A_324 = arith.index_cast %get3A_323 : i32 to index
      %get3A_325 = arith.index_cast %add3A_322 : i32 to index
      %get3A_326 = tpu.vector_load %arg12[%get3A_324, %get3A_325] {strides = array<i32>} : memref<4x2048xf32, #tpu.memory_space<vmem>>, vector<1x16xf32>,
      %get3A_327 = vector.shape_cast %get3A_326 : vector<1x16xf32> to vector<16xf32>
      %swap3A_328 = arith.constant 0 : i32
      %swap3A_329 = arith.index_cast %swap3A_328 : i32 to index
      %swap3A_330 = arith.index_cast %add3A_322 : i32 to index
      %swap3A_331 = tpu.vector_load %arg8[%swap3A_329, %swap3A_330] {strides = array<i32>} : memref<4x2048xf32, #tpu.memory_space<vmem>>, vector<1x16xf32>,
      %swap3A_332 = vector.shape_cast %swap3A_331 : vector<1x16xf32> to vector<16xf32>
      %swap3A_333 = vector.shape_cast %get3A_327 : vector<16xf32> to vector<1x16xf32>
      tpu.vector_store %arg8[%swap3A_329, %swap3A_330], %swap3A_333 {add = true, strides = array<i32>} : memref<4x2048xf32, #tpu.memory_space<vmem>>, vector<1x16xf32>,
      %add3A_334 = arith.constant 80 : i32
      %add3A_335 = arith.addi %mul3A_270, %add3A_334 : i32
      %get3A_336 = arith.constant 0 : i32
      %get3A_337 = arith.index_cast %get3A_336 : i32 to index
      %get3A_338 = arith.index_cast %add3A_335 : i32 to index
      %get3A_339 = tpu.vector_load %arg12[%get3A_337, %get3A_338] {strides = array<i32>} : memref<4x2048xf32, #tpu.memory_space<vmem>>, vector<1x16xf32>,
      %get3A_340 = vector.shape_cast %get3A_339 : vector<1x16xf32> to vector<16xf32>
      %swap3A_341 = arith.constant 0 : i32
      %swap3A_342 = arith.index_cast %swap3A_341 : i32 to index
      %swap3A_343 = arith.index_cast %add3A_335 : i32 to index
      %swap3A_344 = tpu.vector_load %arg8[%swap3A_342, %swap3A_343] {strides = array<i32>} : memref<4x2048xf32, #tpu.memory_space<vmem>>, vector<1x16xf32>,
      %swap3A_345 = vector.shape_cast %swap3A_344 : vector<1x16xf32> to vector<16xf32>
      %swap3A_346 = vector.shape_cast %get3A_340 : vector<16xf32> to vector<1x16xf32>
      tpu.vector_store %arg8[%swap3A_342, %swap3A_343], %swap3A_346 {add = true, strides = array<i32>} : memref<4x2048xf32, #tpu.memory_space<vmem>>, vector<1x16xf32>,
      %add3A_347 = arith.constant 96 : i32
      %add3A_348 = arith.addi %mul3A_270, %add3A_347 : i32
      %get3A_349 = arith.constant 0 : i32
      %get3A_350 = arith.index_cast %get3A_349 : i32 to index
      %get3A_351 = arith.index_cast %add3A_348 : i32 to index
      %get3A_352 = tpu.vector_load %arg12[%get3A_350, %get3A_351] {strides = array<i32>} : memref<4x2048xf32, #tpu.memory_space<vmem>>, vector<1x16xf32>,
      %get3A_353 = vector.shape_cast %get3A_352 : vector<1x16xf32> to vector<16xf32>
      %swap3A_354 = arith.constant 0 : i32
      %swap3A_355 = arith.index_cast %swap3A_354 : i32 to index
      %swap3A_356 = arith.index_cast %add3A_348 : i32 to index
      %swap3A_357 = tpu.vector_load %arg8[%swap3A_355, %swap3A_356] {strides = array<i32>} : memref<4x2048xf32, #tpu.memory_space<vmem>>, vector<1x16xf32>,
      %swap3A_358 = vector.shape_cast %swap3A_357 : vector<1x16xf32> to vector<16xf32>
      %swap3A_359 = vector.shape_cast %get3A_353 : vector<16xf32> to vector<1x16xf32>
      tpu.vector_store %arg8[%swap3A_355, %swap3A_356], %swap3A_359 {add = true, strides = array<i32>} : memref<4x2048xf32, #tpu.memory_space<vmem>>, vector<1x16xf32>,
      %add3A_360 = arith.constant 112 : i32
      %add3A_361 = arith.addi %mul3A_270, %add3A_360 : i32
      %get3A_362 = arith.constant 0 : i32
      %get3A_363 = arith.index_cast %get3A_362 : i32 to index
      %get3A_364 = arith.index_cast %add3A_361 : i32 to index
      %get3A_365 = tpu.vector_load %arg12[%get3A_363, %get3A_364] {strides = array<i32>} : memref<4x2048xf32, #tpu.memory_space<vmem>>, vector<1x16xf32>,
      %get3A_366 = vector.shape_cast %get3A_365 : vector<1x16xf32> to vector<16xf32>
      %swap3A_367 = arith.constant 0 : i32
      %swap3A_368 = arith.index_cast %swap3A_367 : i32 to index
      %swap3A_369 = arith.index_cast %add3A_361 : i32 to index
      %swap3A_370 = tpu.vector_load %arg8[%swap3A_368, %swap3A_369] {strides = array<i32>} : memref<4x2048xf32, #tpu.memory_space<vmem>>, vector<1x16xf32>,
      %swap3A_371 = vector.shape_cast %swap3A_370 : vector<1x16xf32> to vector<16xf32>
      %swap3A_372 = vector.shape_cast %get3A_366 : vector<16xf32> to vector<1x16xf32>
      tpu.vector_store %arg8[%swap3A_368, %swap3A_369], %swap3A_372 {add = true, strides = array<i32>} : memref<4x2048xf32, #tpu.memory_space<vmem>>, vector<1x16xf32>,
      %scan3A_373 = arith.constant 0 : i32
      scf.yield %scan3A_373 : i32
    }
    %scan3A_103 = arith.constant 16 : i32
    %scan3A_104 = arith.constant 0 : i32
    %scan3A_105 = arith.constant 0 : i32
    %scan3A_106 = arith.constant 16 : i32
    %scan3A_107 = arith.addi %scan3A_105, %scan3A_106 : i32
    %scan3A_108 = arith.constant 1 : i32
    %scan3A_109 = scf.for %scan3A_267 = %scan3A_105 to %scan3A_107 step %scan3A_108 iter_args(%scan3A_268 = %scan3A_104) -> (i32)  : i32 {
      %mul3A_269 = arith.constant 128 : i32
      %mul3A_270 = arith.muli %scan3A_267, %mul3A_269 : i32
      %add3A_271 = arith.constant 0 : i32
      %add3A_272 = arith.addi %mul3A_270, %add3A_271 : i32
      %get3A = arith.constant 1 : i32
      %get3A_273 = arith.index_cast %get3A : i32 to index
      %get3A_274 = arith.index_cast %add3A_272 : i32 to index
      %get3A_275 = tpu.vector_load %arg12[%get3A_273, %get3A_274] {strides = array<i32>} : memref<4x2048xf32, #tpu.memory_space<vmem>>, vector<1x16xf32>,
      %get3A_276 = vector.shape_cast %get3A_275 : vector<1x16xf32> to vector<16xf32>
      %swap3A = arith.constant 1 : i32
      %swap3A_277 = arith.index_cast %swap3A : i32 to index
      %swap3A_278 = arith.index_cast %add3A_272 : i32 to index
      %swap3A_279 = tpu.vector_load %arg8[%swap3A_277, %swap3A_278] {strides = array<i32>} : memref<4x2048xf32, #tpu.memory_space<vmem>>, vector<1x16xf32>,
      %swap3A_280 = vector.shape_cast %swap3A_279 : vector<1x16xf32> to vector<16xf32>
      %swap3A_281 = vector.shape_cast %get3A_276 : vector<16xf32> to vector<1x16xf32>
      tpu.vector_store %arg8[%swap3A_277, %swap3A_278], %swap3A_281 {add = true, strides = array<i32>} : memref<4x2048xf32, #tpu.memory_space<vmem>>, vector<1x16xf32>,
      %add3A_282 = arith.constant 16 : i32
      %add3A_283 = arith.addi %mul3A_270, %add3A_282 : i32
      %get3A_284 = arith.constant 1 : i32
      %get3A_285 = arith.index_cast %get3A_284 : i32 to index
      %get3A_286 = arith.index_cast %add3A_283 : i32 to index
      %get3A_287 = tpu.vector_load %arg12[%get3A_285, %get3A_286] {strides = array<i32>} : memref<4x2048xf32, #tpu.memory_space<vmem>>, vector<1x16xf32>,
      %get3A_288 = vector.shape_cast %get3A_287 : vector<1x16xf32> to vector<16xf32>
      %swap3A_289 = arith.constant 1 : i32
      %swap3A_290 = arith.index_cast %swap3A_289 : i32 to index
      %swap3A_291 = arith.index_cast %add3A_283 : i32 to index
      %swap3A_292 = tpu.vector_load %arg8[%swap3A_290, %swap3A_291] {strides = array<i32>} : memref<4x2048xf32, #tpu.memory_space<vmem>>, vector<1x16xf32>,
      %swap3A_293 = vector.shape_cast %swap3A_292 : vector<1x16xf32> to vector<16xf32>
      %swap3A_294 = vector.shape_cast %get3A_288 : vector<16xf32> to vector<1x16xf32>
      tpu.vector_store %arg8[%swap3A_290, %swap3A_291], %swap3A_294 {add = true, strides = array<i32>} : memref<4x2048xf32, #tpu.memory_space<vmem>>, vector<1x16xf32>,
      %add3A_295 = arith.constant 32 : i32
      %add3A_296 = arith.addi %mul3A_270, %add3A_295 : i32
      %get3A_297 = arith.constant 1 : i32
      %get3A_298 = arith.index_cast %get3A_297 : i32 to index
      %get3A_299 = arith.index_cast %add3A_296 : i32 to index
      %get3A_300 = tpu.vector_load %arg12[%get3A_298, %get3A_299] {strides = array<i32>} : memref<4x2048xf32, #tpu.memory_space<vmem>>, vector<1x16xf32>,
      %get3A_301 = vector.shape_cast %get3A_300 : vector<1x16xf32> to vector<16xf32>
      %swap3A_302 = arith.constant 1 : i32
      %swap3A_303 = arith.index_cast %swap3A_302 : i32 to index
      %swap3A_304 = arith.index_cast %add3A_296 : i32 to index
      %swap3A_305 = tpu.vector_load %arg8[%swap3A_303, %swap3A_304] {strides = array<i32>} : memref<4x2048xf32, #tpu.memory_space<vmem>>, vector<1x16xf32>,
      %swap3A_306 = vector.shape_cast %swap3A_305 : vector<1x16xf32> to vector<16xf32>
      %swap3A_307 = vector.shape_cast %get3A_301 : vector<16xf32> to vector<1x16xf32>
      tpu.vector_store %arg8[%swap3A_303, %swap3A_304], %swap3A_307 {add = true, strides = array<i32>} : memref<4x2048xf32, #tpu.memory_space<vmem>>, vector<1x16xf32>,
      %add3A_308 = arith.constant 48 : i32
      %add3A_309 = arith.addi %mul3A_270, %add3A_308 : i32
      %get3A_310 = arith.constant 1 : i32
      %get3A_311 = arith.index_cast %get3A_310 : i32 to index
      %get3A_312 = arith.index_cast %add3A_309 : i32 to index
      %get3A_313 = tpu.vector_load %arg12[%get3A_311, %get3A_312] {strides = array<i32>} : memref<4x2048xf32, #tpu.memory_space<vmem>>, vector<1x16xf32>,
      %get3A_314 = vector.shape_cast %get3A_313 : vector<1x16xf32> to vector<16xf32>
      %swap3A_315 = arith.constant 1 : i32
      %swap3A_316 = arith.index_cast %swap3A_315 : i32 to index
      %swap3A_317 = arith.index_cast %add3A_309 : i32 to index
      %swap3A_318 = tpu.vector_load %arg8[%swap3A_316, %swap3A_317] {strides = array<i32>} : memref<4x2048xf32, #tpu.memory_space<vmem>>, vector<1x16xf32>,
      %swap3A_319 = vector.shape_cast %swap3A_318 : vector<1x16xf32> to vector<16xf32>
      %swap3A_320 = vector.shape_cast %get3A_314 : vector<16xf32> to vector<1x16xf32>
      tpu.vector_store %arg8[%swap3A_316, %swap3A_317], %swap3A_320 {add = true, strides = array<i32>} : memref<4x2048xf32, #tpu.memory_space<vmem>>, vector<1x16xf32>,
      %add3A_321 = arith.constant 64 : i32
      %add3A_322 = arith.addi %mul3A_270, %add3A_321 : i32
      %get3A_323 = arith.constant 1 : i32
      %get3A_324 = arith.index_cast %get3A_323 : i32 to index
      %get3A_325 = arith.index_cast %add3A_322 : i32 to index
      %get3A_326 = tpu.vector_load %arg12[%get3A_324, %get3A_325] {strides = array<i32>} : memref<4x2048xf32, #tpu.memory_space<vmem>>, vector<1x16xf32>,
      %get3A_327 = vector.shape_cast %get3A_326 : vector<1x16xf32> to vector<16xf32>
      %swap3A_328 = arith.constant 1 : i32
      %swap3A_329 = arith.index_cast %swap3A_328 : i32 to index
      %swap3A_330 = arith.index_cast %add3A_322 : i32 to index
      %swap3A_331 = tpu.vector_load %arg8[%swap3A_329, %swap3A_330] {strides = array<i32>} : memref<4x2048xf32, #tpu.memory_space<vmem>>, vector<1x16xf32>,
      %swap3A_332 = vector.shape_cast %swap3A_331 : vector<1x16xf32> to vector<16xf32>
      %swap3A_333 = vector.shape_cast %get3A_327 : vector<16xf32> to vector<1x16xf32>
      tpu.vector_store %arg8[%swap3A_329, %swap3A_330], %swap3A_333 {add = true, strides = array<i32>} : memref<4x2048xf32, #tpu.memory_space<vmem>>, vector<1x16xf32>,
      %add3A_334 = arith.constant 80 : i32
      %add3A_335 = arith.addi %mul3A_270, %add3A_334 : i32
      %get3A_336 = arith.constant 1 : i32
      %get3A_337 = arith.index_cast %get3A_336 : i32 to index
      %get3A_338 = arith.index_cast %add3A_335 : i32 to index
      %get3A_339 = tpu.vector_load %arg12[%get3A_337, %get3A_338] {strides = array<i32>} : memref<4x2048xf32, #tpu.memory_space<vmem>>, vector<1x16xf32>,
      %get3A_340 = vector.shape_cast %get3A_339 : vector<1x16xf32> to vector<16xf32>
      %swap3A_341 = arith.constant 1 : i32
      %swap3A_342 = arith.index_cast %swap3A_341 : i32 to index
      %swap3A_343 = arith.index_cast %add3A_335 : i32 to index
      %swap3A_344 = tpu.vector_load %arg8[%swap3A_342, %swap3A_343] {strides = array<i32>} : memref<4x2048xf32, #tpu.memory_space<vmem>>, vector<1x16xf32>,
      %swap3A_345 = vector.shape_cast %swap3A_344 : vector<1x16xf32> to vector<16xf32>
      %swap3A_346 = vector.shape_cast %get3A_340 : vector<16xf32> to vector<1x16xf32>
      tpu.vector_store %arg8[%swap3A_342, %swap3A_343], %swap3A_346 {add = true, strides = array<i32>} : memref<4x2048xf32, #tpu.memory_space<vmem>>, vector<1x16xf32>,
      %add3A_347 = arith.constant 96 : i32
      %add3A_348 = arith.addi %mul3A_270, %add3A_347 : i32
      %get3A_349 = arith.constant 1 : i32
      %get3A_350 = arith.index_cast %get3A_349 : i32 to index
      %get3A_351 = arith.index_cast %add3A_348 : i32 to index
      %get3A_352 = tpu.vector_load %arg12[%get3A_350, %get3A_351] {strides = array<i32>} : memref<4x2048xf32, #tpu.memory_space<vmem>>, vector<1x16xf32>,
      %get3A_353 = vector.shape_cast %get3A_352 : vector<1x16xf32> to vector<16xf32>
      %swap3A_354 = arith.constant 1 : i32
      %swap3A_355 = arith.index_cast %swap3A_354 : i32 to index
      %swap3A_356 = arith.index_cast %add3A_348 : i32 to index
      %swap3A_357 = tpu.vector_load %arg8[%swap3A_355, %swap3A_356] {strides = array<i32>} : memref<4x2048xf32, #tpu.memory_space<vmem>>, vector<1x16xf32>,
      %swap3A_358 = vector.shape_cast %swap3A_357 : vector<1x16xf32> to vector<16xf32>
      %swap3A_359 = vector.shape_cast %get3A_353 : vector<16xf32> to vector<1x16xf32>
      tpu.vector_store %arg8[%swap3A_355, %swap3A_356], %swap3A_359 {add = true, strides = array<i32>} : memref<4x2048xf32, #tpu.memory_space<vmem>>, vector<1x16xf32>,
      %add3A_360 = arith.constant 112 : i32
      %add3A_361 = arith.addi %mul3A_270, %add3A_360 : i32
      %get3A_362 = arith.constant 1 : i32
      %get3A_363 = arith.index_cast %get3A_362 : i32 to index
      %get3A_364 = arith.index_cast %add3A_361 : i32 to index
      %get3A_365 = tpu.vector_load %arg12[%get3A_363, %get3A_364] {strides = array<i32>} : memref<4x2048xf32, #tpu.memory_space<vmem>>, vector<1x16xf32>,
      %get3A_366 = vector.shape_cast %get3A_365 : vector<1x16xf32> to vector<16xf32>
      %swap3A_367 = arith.constant 1 : i32
      %swap3A_368 = arith.index_cast %swap3A_367 : i32 to index
      %swap3A_369 = arith.index_cast %add3A_361 : i32 to index
      %swap3A_370 = tpu.vector_load %arg8[%swap3A_368, %swap3A_369] {strides = array<i32>} : memref<4x2048xf32, #tpu.memory_space<vmem>>, vector<1x16xf32>,
      %swap3A_371 = vector.shape_cast %swap3A_370 : vector<1x16xf32> to vector<16xf32>
      %swap3A_372 = vector.shape_cast %get3A_366 : vector<16xf32> to vector<1x16xf32>
      tpu.vector_store %arg8[%swap3A_368, %swap3A_369], %swap3A_372 {add = true, strides = array<i32>} : memref<4x2048xf32, #tpu.memory_space<vmem>>, vector<1x16xf32>,
      %scan3A_373 = arith.constant 0 : i32
      scf.yield %scan3A_373 : i32
    }
    %scan3A_110 = arith.constant 16 : i32
    %scan3A_111 = arith.constant 0 : i32
    %scan3A_112 = arith.constant 0 : i32
    %scan3A_113 = arith.constant 16 : i32
    %scan3A_114 = arith.addi %scan3A_112, %scan3A_113 : i32
    %scan3A_115 = arith.constant 1 : i32
    %scan3A_116 = scf.for %scan3A_267 = %scan3A_112 to %scan3A_114 step %scan3A_115 iter_args(%scan3A_268 = %scan3A_111) -> (i32)  : i32 {
      %mul3A_269 = arith.constant 128 : i32
      %mul3A_270 = arith.muli %scan3A_267, %mul3A_269 : i32
      %add3A_271 = arith.constant 0 : i32
      %add3A_272 = arith.addi %mul3A_270, %add3A_271 : i32
      %get3A = arith.constant 2 : i32
      %get3A_273 = arith.index_cast %get3A : i32 to index
      %get3A_274 = arith.index_cast %add3A_272 : i32 to index
      %get3A_275 = tpu.vector_load %arg12[%get3A_273, %get3A_274] {strides = array<i32>} : memref<4x2048xf32, #tpu.memory_space<vmem>>, vector<1x16xf32>,
      %get3A_276 = vector.shape_cast %get3A_275 : vector<1x16xf32> to vector<16xf32>
      %swap3A = arith.constant 2 : i32
      %swap3A_277 = arith.index_cast %swap3A : i32 to index
      %swap3A_278 = arith.index_cast %add3A_272 : i32 to index
      %swap3A_279 = tpu.vector_load %arg8[%swap3A_277, %swap3A_278] {strides = array<i32>} : memref<4x2048xf32, #tpu.memory_space<vmem>>, vector<1x16xf32>,
      %swap3A_280 = vector.shape_cast %swap3A_279 : vector<1x16xf32> to vector<16xf32>
      %swap3A_281 = vector.shape_cast %get3A_276 : vector<16xf32> to vector<1x16xf32>
      tpu.vector_store %arg8[%swap3A_277, %swap3A_278], %swap3A_281 {add = true, strides = array<i32>} : memref<4x2048xf32, #tpu.memory_space<vmem>>, vector<1x16xf32>,
      %add3A_282 = arith.constant 16 : i32
      %add3A_283 = arith.addi %mul3A_270, %add3A_282 : i32
      %get3A_284 = arith.constant 2 : i32
      %get3A_285 = arith.index_cast %get3A_284 : i32 to index
      %get3A_286 = arith.index_cast %add3A_283 : i32 to index
      %get3A_287 = tpu.vector_load %arg12[%get3A_285, %get3A_286] {strides = array<i32>} : memref<4x2048xf32, #tpu.memory_space<vmem>>, vector<1x16xf32>,
      %get3A_288 = vector.shape_cast %get3A_287 : vector<1x16xf32> to vector<16xf32>
      %swap3A_289 = arith.constant 2 : i32
      %swap3A_290 = arith.index_cast %swap3A_289 : i32 to index
      %swap3A_291 = arith.index_cast %add3A_283 : i32 to index
      %swap3A_292 = tpu.vector_load %arg8[%swap3A_290, %swap3A_291] {strides = array<i32>} : memref<4x2048xf32, #tpu.memory_space<vmem>>, vector<1x16xf32>,
      %swap3A_293 = vector.shape_cast %swap3A_292 : vector<1x16xf32> to vector<16xf32>
      %swap3A_294 = vector.shape_cast %get3A_288 : vector<16xf32> to vector<1x16xf32>
      tpu.vector_store %arg8[%swap3A_290, %swap3A_291], %swap3A_294 {add = true, strides = array<i32>} : memref<4x2048xf32, #tpu.memory_space<vmem>>, vector<1x16xf32>,
      %add3A_295 = arith.constant 32 : i32
      %add3A_296 = arith.addi %mul3A_270, %add3A_295 : i32
      %get3A_297 = arith.constant 2 : i32
      %get3A_298 = arith.index_cast %get3A_297 : i32 to index
      %get3A_299 = arith.index_cast %add3A_296 : i32 to index
      %get3A_300 = tpu.vector_load %arg12[%get3A_298, %get3A_299] {strides = array<i32>} : memref<4x2048xf32, #tpu.memory_space<vmem>>, vector<1x16xf32>,
      %get3A_301 = vector.shape_cast %get3A_300 : vector<1x16xf32> to vector<16xf32>
      %swap3A_302 = arith.constant 2 : i32
      %swap3A_303 = arith.index_cast %swap3A_302 : i32 to index
      %swap3A_304 = arith.index_cast %add3A_296 : i32 to index
      %swap3A_305 = tpu.vector_load %arg8[%swap3A_303, %swap3A_304] {strides = array<i32>} : memref<4x2048xf32, #tpu.memory_space<vmem>>, vector<1x16xf32>,
      %swap3A_306 = vector.shape_cast %swap3A_305 : vector<1x16xf32> to vector<16xf32>
      %swap3A_307 = vector.shape_cast %get3A_301 : vector<16xf32> to vector<1x16xf32>
      tpu.vector_store %arg8[%swap3A_303, %swap3A_304], %swap3A_307 {add = true, strides = array<i32>} : memref<4x2048xf32, #tpu.memory_space<vmem>>, vector<1x16xf32>,
      %add3A_308 = arith.constant 48 : i32
      %add3A_309 = arith.addi %mul3A_270, %add3A_308 : i32
      %get3A_310 = arith.constant 2 : i32
      %get3A_311 = arith.index_cast %get3A_310 : i32 to index
      %get3A_312 = arith.index_cast %add3A_309 : i32 to index
      %get3A_313 = tpu.vector_load %arg12[%get3A_311, %get3A_312] {strides = array<i32>} : memref<4x2048xf32, #tpu.memory_space<vmem>>, vector<1x16xf32>,
      %get3A_314 = vector.shape_cast %get3A_313 : vector<1x16xf32> to vector<16xf32>
      %swap3A_315 = arith.constant 2 : i32
      %swap3A_316 = arith.index_cast %swap3A_315 : i32 to index
      %swap3A_317 = arith.index_cast %add3A_309 : i32 to index
      %swap3A_318 = tpu.vector_load %arg8[%swap3A_316, %swap3A_317] {strides = array<i32>} : memref<4x2048xf32, #tpu.memory_space<vmem>>, vector<1x16xf32>,
      %swap3A_319 = vector.shape_cast %swap3A_318 : vector<1x16xf32> to vector<16xf32>
      %swap3A_320 = vector.shape_cast %get3A_314 : vector<16xf32> to vector<1x16xf32>
      tpu.vector_store %arg8[%swap3A_316, %swap3A_317], %swap3A_320 {add = true, strides = array<i32>} : memref<4x2048xf32, #tpu.memory_space<vmem>>, vector<1x16xf32>,
      %add3A_321 = arith.constant 64 : i32
      %add3A_322 = arith.addi %mul3A_270, %add3A_321 : i32
      %get3A_323 = arith.constant 2 : i32
      %get3A_324 = arith.index_cast %get3A_323 : i32 to index
      %get3A_325 = arith.index_cast %add3A_322 : i32 to index
      %get3A_326 = tpu.vector_load %arg12[%get3A_324, %get3A_325] {strides = array<i32>} : memref<4x2048xf32, #tpu.memory_space<vmem>>, vector<1x16xf32>,
      %get3A_327 = vector.shape_cast %get3A_326 : vector<1x16xf32> to vector<16xf32>
      %swap3A_328 = arith.constant 2 : i32
      %swap3A_329 = arith.index_cast %swap3A_328 : i32 to index
      %swap3A_330 = arith.index_cast %add3A_322 : i32 to index
      %swap3A_331 = tpu.vector_load %arg8[%swap3A_329, %swap3A_330] {strides = array<i32>} : memref<4x2048xf32, #tpu.memory_space<vmem>>, vector<1x16xf32>,
      %swap3A_332 = vector.shape_cast %swap3A_331 : vector<1x16xf32> to vector<16xf32>
      %swap3A_333 = vector.shape_cast %get3A_327 : vector<16xf32> to vector<1x16xf32>
      tpu.vector_store %arg8[%swap3A_329, %swap3A_330], %swap3A_333 {add = true, strides = array<i32>} : memref<4x2048xf32, #tpu.memory_space<vmem>>, vector<1x16xf32>,
      %add3A_334 = arith.constant 80 : i32
      %add3A_335 = arith.addi %mul3A_270, %add3A_334 : i32
      %get3A_336 = arith.constant 2 : i32
      %get3A_337 = arith.index_cast %get3A_336 : i32 to index
      %get3A_338 = arith.index_cast %add3A_335 : i32 to index
      %get3A_339 = tpu.vector_load %arg12[%get3A_337, %get3A_338] {strides = array<i32>} : memref<4x2048xf32, #tpu.memory_space<vmem>>, vector<1x16xf32>,
      %get3A_340 = vector.shape_cast %get3A_339 : vector<1x16xf32> to vector<16xf32>
      %swap3A_341 = arith.constant 2 : i32
      %swap3A_342 = arith.index_cast %swap3A_341 : i32 to index
      %swap3A_343 = arith.index_cast %add3A_335 : i32 to index
      %swap3A_344 = tpu.vector_load %arg8[%swap3A_342, %swap3A_343] {strides = array<i32>} : memref<4x2048xf32, #tpu.memory_space<vmem>>, vector<1x16xf32>,
      %swap3A_345 = vector.shape_cast %swap3A_344 : vector<1x16xf32> to vector<16xf32>
      %swap3A_346 = vector.shape_cast %get3A_340 : vector<16xf32> to vector<1x16xf32>
      tpu.vector_store %arg8[%swap3A_342, %swap3A_343], %swap3A_346 {add = true, strides = array<i32>} : memref<4x2048xf32, #tpu.memory_space<vmem>>, vector<1x16xf32>,
      %add3A_347 = arith.constant 96 : i32
      %add3A_348 = arith.addi %mul3A_270, %add3A_347 : i32
      %get3A_349 = arith.constant 2 : i32
      %get3A_350 = arith.index_cast %get3A_349 : i32 to index
      %get3A_351 = arith.index_cast %add3A_348 : i32 to index
      %get3A_352 = tpu.vector_load %arg12[%get3A_350, %get3A_351] {strides = array<i32>} : memref<4x2048xf32, #tpu.memory_space<vmem>>, vector<1x16xf32>,
      %get3A_353 = vector.shape_cast %get3A_352 : vector<1x16xf32> to vector<16xf32>
      %swap3A_354 = arith.constant 2 : i32
      %swap3A_355 = arith.index_cast %swap3A_354 : i32 to index
      %swap3A_356 = arith.index_cast %add3A_348 : i32 to index
      %swap3A_357 = tpu.vector_load %arg8[%swap3A_355, %swap3A_356] {strides = array<i32>} : memref<4x2048xf32, #tpu.memory_space<vmem>>, vector<1x16xf32>,
      %swap3A_358 = vector.shape_cast %swap3A_357 : vector<1x16xf32> to vector<16xf32>
      %swap3A_359 = vector.shape_cast %get3A_353 : vector<16xf32> to vector<1x16xf32>
      tpu.vector_store %arg8[%swap3A_355, %swap3A_356], %swap3A_359 {add = true, strides = array<i32>} : memref<4x2048xf32, #tpu.memory_space<vmem>>, vector<1x16xf32>,
      %add3A_360 = arith.constant 112 : i32
      %add3A_361 = arith.addi %mul3A_270, %add3A_360 : i32
      %get3A_362 = arith.constant 2 : i32
      %get3A_363 = arith.index_cast %get3A_362 : i32 to index
      %get3A_364 = arith.index_cast %add3A_361 : i32 to index
      %get3A_365 = tpu.vector_load %arg12[%get3A_363, %get3A_364] {strides = array<i32>} : memref<4x2048xf32, #tpu.memory_space<vmem>>, vector<1x16xf32>,
      %get3A_366 = vector.shape_cast %get3A_365 : vector<1x16xf32> to vector<16xf32>
      %swap3A_367 = arith.constant 2 : i32
      %swap3A_368 = arith.index_cast %swap3A_367 : i32 to index
      %swap3A_369 = arith.index_cast %add3A_361 : i32 to index
      %swap3A_370 = tpu.vector_load %arg8[%swap3A_368, %swap3A_369] {strides = array<i32>} : memref<4x2048xf32, #tpu.memory_space<vmem>>, vector<1x16xf32>,
      %swap3A_371 = vector.shape_cast %swap3A_370 : vector<1x16xf32> to vector<16xf32>
      %swap3A_372 = vector.shape_cast %get3A_366 : vector<16xf32> to vector<1x16xf32>
      tpu.vector_store %arg8[%swap3A_368, %swap3A_369], %swap3A_372 {add = true, strides = array<i32>} : memref<4x2048xf32, #tpu.memory_space<vmem>>, vector<1x16xf32>,
      %scan3A_373 = arith.constant 0 : i32
      scf.yield %scan3A_373 : i32
    }
    %scan3A_117 = arith.constant 16 : i32
    %scan3A_118 = arith.constant 0 : i32
    %scan3A_119 = arith.constant 0 : i32
    %scan3A_120 = arith.constant 16 : i32
    %scan3A_121 = arith.addi %scan3A_119, %scan3A_120 : i32
    %scan3A_122 = arith.constant 1 : i32
    %scan3A_123 = scf.for %scan3A_267 = %scan3A_119 to %scan3A_121 step %scan3A_122 iter_args(%scan3A_268 = %scan3A_118) -> (i32)  : i32 {
      %mul3A_269 = arith.constant 128 : i32
      %mul3A_270 = arith.muli %scan3A_267, %mul3A_269 : i32
      %add3A_271 = arith.constant 0 : i32
      %add3A_272 = arith.addi %mul3A_270, %add3A_271 : i32
      %get3A = arith.constant 3 : i32
      %get3A_273 = arith.index_cast %get3A : i32 to index
      %get3A_274 = arith.index_cast %add3A_272 : i32 to index
      %get3A_275 = tpu.vector_load %arg12[%get3A_273, %get3A_274] {strides = array<i32>} : memref<4x2048xf32, #tpu.memory_space<vmem>>, vector<1x16xf32>,
      %get3A_276 = vector.shape_cast %get3A_275 : vector<1x16xf32> to vector<16xf32>
      %swap3A = arith.constant 3 : i32
      %swap3A_277 = arith.index_cast %swap3A : i32 to index
      %swap3A_278 = arith.index_cast %add3A_272 : i32 to index
      %swap3A_279 = tpu.vector_load %arg8[%swap3A_277, %swap3A_278] {strides = array<i32>} : memref<4x2048xf32, #tpu.memory_space<vmem>>, vector<1x16xf32>,
      %swap3A_280 = vector.shape_cast %swap3A_279 : vector<1x16xf32> to vector<16xf32>
      %swap3A_281 = vector.shape_cast %get3A_276 : vector<16xf32> to vector<1x16xf32>
      tpu.vector_store %arg8[%swap3A_277, %swap3A_278], %swap3A_281 {add = true, strides = array<i32>} : memref<4x2048xf32, #tpu.memory_space<vmem>>, vector<1x16xf32>,
      %add3A_282 = arith.constant 16 : i32
      %add3A_283 = arith.addi %mul3A_270, %add3A_282 : i32
      %get3A_284 = arith.constant 3 : i32
      %get3A_285 = arith.index_cast %get3A_284 : i32 to index
      %get3A_286 = arith.index_cast %add3A_283 : i32 to index
      %get3A_287 = tpu.vector_load %arg12[%get3A_285, %get3A_286] {strides = array<i32>} : memref<4x2048xf32, #tpu.memory_space<vmem>>, vector<1x16xf32>,
      %get3A_288 = vector.shape_cast %get3A_287 : vector<1x16xf32> to vector<16xf32>
      %swap3A_289 = arith.constant 3 : i32
      %swap3A_290 = arith.index_cast %swap3A_289 : i32 to index
      %swap3A_291 = arith.index_cast %add3A_283 : i32 to index
      %swap3A_292 = tpu.vector_load %arg8[%swap3A_290, %swap3A_291] {strides = array<i32>} : memref<4x2048xf32, #tpu.memory_space<vmem>>, vector<1x16xf32>,
      %swap3A_293 = vector.shape_cast %swap3A_292 : vector<1x16xf32> to vector<16xf32>
      %swap3A_294 = vector.shape_cast %get3A_288 : vector<16xf32> to vector<1x16xf32>
      tpu.vector_store %arg8[%swap3A_290, %swap3A_291], %swap3A_294 {add = true, strides = array<i32>} : memref<4x2048xf32, #tpu.memory_space<vmem>>, vector<1x16xf32>,
      %add3A_295 = arith.constant 32 : i32
      %add3A_296 = arith.addi %mul3A_270, %add3A_295 : i32
      %get3A_297 = arith.constant 3 : i32
      %get3A_298 = arith.index_cast %get3A_297 : i32 to index
      %get3A_299 = arith.index_cast %add3A_296 : i32 to index
      %get3A_300 = tpu.vector_load %arg12[%get3A_298, %get3A_299] {strides = array<i32>} : memref<4x2048xf32, #tpu.memory_space<vmem>>, vector<1x16xf32>,
      %get3A_301 = vector.shape_cast %get3A_300 : vector<1x16xf32> to vector<16xf32>
      %swap3A_302 = arith.constant 3 : i32
      %swap3A_303 = arith.index_cast %swap3A_302 : i32 to index
      %swap3A_304 = arith.index_cast %add3A_296 : i32 to index
      %swap3A_305 = tpu.vector_load %arg8[%swap3A_303, %swap3A_304] {strides = array<i32>} : memref<4x2048xf32, #tpu.memory_space<vmem>>, vector<1x16xf32>,
      %swap3A_306 = vector.shape_cast %swap3A_305 : vector<1x16xf32> to vector<16xf32>
      %swap3A_307 = vector.shape_cast %get3A_301 : vector<16xf32> to vector<1x16xf32>
      tpu.vector_store %arg8[%swap3A_303, %swap3A_304], %swap3A_307 {add = true, strides = array<i32>} : memref<4x2048xf32, #tpu.memory_space<vmem>>, vector<1x16xf32>,
      %add3A_308 = arith.constant 48 : i32
      %add3A_309 = arith.addi %mul3A_270, %add3A_308 : i32
      %get3A_310 = arith.constant 3 : i32
      %get3A_311 = arith.index_cast %get3A_310 : i32 to index
      %get3A_312 = arith.index_cast %add3A_309 : i32 to index
      %get3A_313 = tpu.vector_load %arg12[%get3A_311, %get3A_312] {strides = array<i32>} : memref<4x2048xf32, #tpu.memory_space<vmem>>, vector<1x16xf32>,
      %get3A_314 = vector.shape_cast %get3A_313 : vector<1x16xf32> to vector<16xf32>
      %swap3A_315 = arith.constant 3 : i32
      %swap3A_316 = arith.index_cast %swap3A_315 : i32 to index
      %swap3A_317 = arith.index_cast %add3A_309 : i32 to index
      %swap3A_318 = tpu.vector_load %arg8[%swap3A_316, %swap3A_317] {strides = array<i32>} : memref<4x2048xf32, #tpu.memory_space<vmem>>, vector<1x16xf32>,
      %swap3A_319 = vector.shape_cast %swap3A_318 : vector<1x16xf32> to vector<16xf32>
      %swap3A_320 = vector.shape_cast %get3A_314 : vector<16xf32> to vector<1x16xf32>
      tpu.vector_store %arg8[%swap3A_316, %swap3A_317], %swap3A_320 {add = true, strides = array<i32>} : memref<4x2048xf32, #tpu.memory_space<vmem>>, vector<1x16xf32>,
      %add3A_321 = arith.constant 64 : i32
      %add3A_322 = arith.addi %mul3A_270, %add3A_321 : i32
      %get3A_323 = arith.constant 3 : i32
      %get3A_324 = arith.index_cast %get3A_323 : i32 to index
      %get3A_325 = arith.index_cast %add3A_322 : i32 to index
      %get3A_326 = tpu.vector_load %arg12[%get3A_324, %get3A_325] {strides = array<i32>} : memref<4x2048xf32, #tpu.memory_space<vmem>>, vector<1x16xf32>,
      %get3A_327 = vector.shape_cast %get3A_326 : vector<1x16xf32> to vector<16xf32>
      %swap3A_328 = arith.constant 3 : i32
      %swap3A_329 = arith.index_cast %swap3A_328 : i32 to index
      %swap3A_330 = arith.index_cast %add3A_322 : i32 to index
      %swap3A_331 = tpu.vector_load %arg8[%swap3A_329, %swap3A_330] {strides = array<i32>} : memref<4x2048xf32, #tpu.memory_space<vmem>>, vector<1x16xf32>,
      %swap3A_332 = vector.shape_cast %swap3A_331 : vector<1x16xf32> to vector<16xf32>
      %swap3A_333 = vector.shape_cast %get3A_327 : vector<16xf32> to vector<1x16xf32>
      tpu.vector_store %arg8[%swap3A_329, %swap3A_330], %swap3A_333 {add = true, strides = array<i32>} : memref<4x2048xf32, #tpu.memory_space<vmem>>, vector<1x16xf32>,
      %add3A_334 = arith.constant 80 : i32
      %add3A_335 = arith.addi %mul3A_270, %add3A_334 : i32
      %get3A_336 = arith.constant 3 : i32
      %get3A_337 = arith.index_cast %get3A_336 : i32 to index
      %get3A_338 = arith.index_cast %add3A_335 : i32 to index
      %get3A_339 = tpu.vector_load %arg12[%get3A_337, %get3A_338] {strides = array<i32>} : memref<4x2048xf32, #tpu.memory_space<vmem>>, vector<1x16xf32>,
      %get3A_340 = vector.shape_cast %get3A_339 : vector<1x16xf32> to vector<16xf32>
      %swap3A_341 = arith.constant 3 : i32
      %swap3A_342 = arith.index_cast %swap3A_341 : i32 to index
      %swap3A_343 = arith.index_cast %add3A_335 : i32 to index
      %swap3A_344 = tpu.vector_load %arg8[%swap3A_342, %swap3A_343] {strides = array<i32>} : memref<4x2048xf32, #tpu.memory_space<vmem>>, vector<1x16xf32>,
      %swap3A_345 = vector.shape_cast %swap3A_344 : vector<1x16xf32> to vector<16xf32>
      %swap3A_346 = vector.shape_cast %get3A_340 : vector<16xf32> to vector<1x16xf32>
      tpu.vector_store %arg8[%swap3A_342, %swap3A_343], %swap3A_346 {add = true, strides = array<i32>} : memref<4x2048xf32, #tpu.memory_space<vmem>>, vector<1x16xf32>,
      %add3A_347 = arith.constant 96 : i32
      %add3A_348 = arith.addi %mul3A_270, %add3A_347 : i32
      %get3A_349 = arith.constant 3 : i32
      %get3A_350 = arith.index_cast %get3A_349 : i32 to index
      %get3A_351 = arith.index_cast %add3A_348 : i32 to index
      %get3A_352 = tpu.vector_load %arg12[%get3A_350, %get3A_351] {strides = array<i32>} : memref<4x2048xf32, #tpu.memory_space<vmem>>, vector<1x16xf32>,
      %get3A_353 = vector.shape_cast %get3A_352 : vector<1x16xf32> to vector<16xf32>
      %swap3A_354 = arith.constant 3 : i32
      %swap3A_355 = arith.index_cast %swap3A_354 : i32 to index
      %swap3A_356 = arith.index_cast %add3A_348 : i32 to index
      %swap3A_357 = tpu.vector_load %arg8[%swap3A_355, %swap3A_356] {strides = array<i32>} : memref<4x2048xf32, #tpu.memory_space<vmem>>, vector<1x16xf32>,
      %swap3A_358 = vector.shape_cast %swap3A_357 : vector<1x16xf32> to vector<16xf32>
      %swap3A_359 = vector.shape_cast %get3A_353 : vector<16xf32> to vector<1x16xf32>
      tpu.vector_store %arg8[%swap3A_355, %swap3A_356], %swap3A_359 {add = true, strides = array<i32>} : memref<4x2048xf32, #tpu.memory_space<vmem>>, vector<1x16xf32>,
      %add3A_360 = arith.constant 112 : i32
      %add3A_361 = arith.addi %mul3A_270, %add3A_360 : i32
      %get3A_362 = arith.constant 3 : i32
      %get3A_363 = arith.index_cast %get3A_362 : i32 to index
      %get3A_364 = arith.index_cast %add3A_361 : i32 to index
      %get3A_365 = tpu.vector_load %arg12[%get3A_363, %get3A_364] {strides = array<i32>} : memref<4x2048xf32, #tpu.memory_space<vmem>>, vector<1x16xf32>,
      %get3A_366 = vector.shape_cast %get3A_365 : vector<1x16xf32> to vector<16xf32>
      %swap3A_367 = arith.constant 3 : i32
      %swap3A_368 = arith.index_cast %swap3A_367 : i32 to index
      %swap3A_369 = arith.index_cast %add3A_361 : i32 to index
      %swap3A_370 = tpu.vector_load %arg8[%swap3A_368, %swap3A_369] {strides = array<i32>} : memref<4x2048xf32, #tpu.memory_space<vmem>>, vector<1x16xf32>,
      %swap3A_371 = vector.shape_cast %swap3A_370 : vector<1x16xf32> to vector<16xf32>
      %swap3A_372 = vector.shape_cast %get3A_366 : vector<16xf32> to vector<1x16xf32>
      tpu.vector_store %arg8[%swap3A_368, %swap3A_369], %swap3A_372 {add = true, strides = array<i32>} : memref<4x2048xf32, #tpu.memory_space<vmem>>, vector<1x16xf32>,
      %scan3A_373 = arith.constant 0 : i32
      scf.yield %scan3A_373 : i32
    }
    %scan3A_124 = arith.constant 16 : i32
    %add3A_125 = arith.constant 4 : i32
    %add3A_126 = arith.addi %mul3A_2, %add3A_125 : i32
    %dma_start3A_127 = arith.constant 0 : i32
    %dma_start3A_128 = tpu.memref_slice %arg5[%add3A_126, %dma_start3A_127] : memref<4096x2048xf32, #tpu.memory_space<hbm>> -> memref<4x2048xf32, #tpu.memory_space<hbm>>
    %dma_start3A_129 = arith.constant 0 : i32
    %dma_start3A_130 = tpu.memref_slice %arg5[%add3A_126, %dma_start3A_129] : memref<4096x2048xf32, #tpu.memory_space<hbm>> -> memref<4x2048xf32, #tpu.memory_space<hbm>>
    tpu.enqueue_dma source(%arg8 : memref<4x2048xf32, #tpu.memory_space<vmem>>) target(%dma_start3A_130 : memref<4x2048xf32, #tpu.memory_space<hbm>>) target_semaphore(%arg24 : memref<!tpu.dma_semaphore, #tpu.memory_space<semaphore_mem>>)
    %dma_start3A_131 = arith.constant 3 : i32
    %dma_start3A_132 = arith.constant 0 : i32
    %dma_start3A_133 = tpu.memref_slice %arg6[%dma_start3A_131, %dma_start3A_132] : memref<32x4xi32, #tpu.memory_space<vmem>> -> memref<1x4xi32, #tpu.memory_space<vmem>>
    %dma_start3A_134 = tpu.memref_squeeze %dma_start3A_133 : memref<1x4xi32, #tpu.memory_space<vmem>> -> memref<4xi32, #tpu.memory_space<vmem>>
    %dma_start3A_135 = arith.constant 0 : i32
    %dma_start3A_136 = arith.constant 0 : i32
    %dma_start3A_137 = tpu.memref_slice %arg3[%dma_start3A_135, %dma_start3A_136] : memref<15232x2048xf32, #tpu.memory_space<hbm>> -> memref<15232x2048xf32, #tpu.memory_space<hbm>>
    tpu.enqueue_indirect_dma source(%dma_start3A_137 : memref<15232x2048xf32, #tpu.memory_space<hbm>>) target(%arg14 : memref<4x2048xf32, #tpu.memory_space<vmem>>) offsets(%dma_start3A_134 : memref<4xi32, #tpu.memory_space<vmem>>) semaphore(%arg22 : memref<!tpu.dma_semaphore, #tpu.memory_space<semaphore_mem>>)
    %add3A_138 = arith.constant 12 : i32
    %add3A_139 = arith.addi %mul3A_2, %add3A_138 : i32
    %dma_start3A_140 = arith.constant 0 : i32
    %dma_start3A_141 = tpu.memref_slice %arg2[%add3A_139, %dma_start3A_140] : memref<4096x2048xf32, #tpu.memory_space<hbm>> -> memref<4x2048xf32, #tpu.memory_space<hbm>>
    %dma_start3A_142 = arith.constant 0 : i32
    %dma_start3A_143 = tpu.memref_slice %arg2[%add3A_139, %dma_start3A_142] : memref<4096x2048xf32, #tpu.memory_space<hbm>> -> memref<4x2048xf32, #tpu.memory_space<hbm>>
    tpu.enqueue_dma source(%dma_start3A_143 : memref<4x2048xf32, #tpu.memory_space<hbm>>) target(%arg10 : memref<4x2048xf32, #tpu.memory_space<vmem>>) target_semaphore(%arg18 : memref<!tpu.dma_semaphore, #tpu.memory_space<semaphore_mem>>)
    %scan3A_144 = arith.constant 0 : i32
    %scan3A_145 = arith.constant 0 : i32
    %scan3A_146 = arith.constant 7 : i32
    %scan3A_147 = arith.addi %scan3A_145, %scan3A_146 : i32
    %scan3A_148 = arith.constant 1 : i32
    %scan3A_149 = scf.for %scan3A_267 = %scan3A_145 to %scan3A_147 step %scan3A_148 iter_args(%scan3A_268 = %scan3A_144) -> (i32)  : i32 {
      %mul3A_269 = arith.constant 4 : i32
      %mul3A_270 = arith.muli %scan3A_267, %mul3A_269 : i32
      %add3A_271 = arith.constant 2 : i32
      %add3A_272 = arith.addi %mul3A_270, %add3A_271 : i32
      %add3A_273 = arith.constant 0 : i32
      %add3A_274 = arith.addi %add3A_272, %add3A_273 : i32
      %dma_wait3A_275 = arith.constant 0 : i32
      %dma_wait3A_276 = arith.constant 0 : i32
      %dma_wait3A_277 = tpu.memref_slice %arg2[%dma_wait3A_275, %dma_wait3A_276] : memref<4096x2048xf32, #tpu.memory_space<hbm>> -> memref<4x2048xf32, #tpu.memory_space<hbm>>
      %dma_wait3A_278 = arith.constant 0 : i32
      %dma_wait3A_279 = arith.constant 0 : i32
      %dma_wait3A_280 = tpu.memref_slice %arg2[%dma_wait3A_278, %dma_wait3A_279] : memref<4096x2048xf32, #tpu.memory_space<hbm>> -> memref<4x2048xf32, #tpu.memory_space<hbm>>
      tpu.wait_dma2 semaphore(%arg17 : memref<!tpu.dma_semaphore, #tpu.memory_space<semaphore_mem>>) src(%dma_wait3A_280 : memref<4x2048xf32, #tpu.memory_space<hbm>>) dst(%arg9 : memref<4x2048xf32, #tpu.memory_space<vmem>>)
      %dma_wait3A_281 = arith.constant 0 : i32
      %dma_wait3A_282 = arith.constant 0 : i32
      %dma_wait3A_283 = tpu.memref_slice %arg3[%dma_wait3A_281, %dma_wait3A_282] : memref<15232x2048xf32, #tpu.memory_space<hbm>> -> memref<4x2048xf32, #tpu.memory_space<hbm>>
      %dma_wait3A_284 = arith.constant 0 : i32
      %dma_wait3A_285 = arith.constant 0 : i32
      %dma_wait3A_286 = tpu.memref_slice %arg3[%dma_wait3A_284, %dma_wait3A_285] : memref<15232x2048xf32, #tpu.memory_space<hbm>> -> memref<4x2048xf32, #tpu.memory_space<hbm>>
      tpu.wait_dma2 semaphore(%arg21 : memref<!tpu.dma_semaphore, #tpu.memory_space<semaphore_mem>>) src(%dma_wait3A_286 : memref<4x2048xf32, #tpu.memory_space<hbm>>) dst(%arg13 : memref<4x2048xf32, #tpu.memory_space<vmem>>)
      %scan3A_287 = arith.constant 0 : i32
      %scan3A_288 = arith.constant 0 : i32
      %scan3A_289 = arith.constant 16 : i32
      %scan3A_290 = arith.addi %scan3A_288, %scan3A_289 : i32
      %scan3A_291 = arith.constant 1 : i32
      %scan3A_292 = scf.for %scan3A_554 = %scan3A_288 to %scan3A_290 step %scan3A_291 iter_args(%scan3A_555 = %scan3A_287) -> (i32)  : i32 {
        %mul3A_556 = arith.constant 128 : i32
        %mul3A_557 = arith.muli %scan3A_554, %mul3A_556 : i32
        %add3A_558 = arith.constant 0 : i32
        %add3A_559 = arith.addi %mul3A_557, %add3A_558 : i32
        %get3A = arith.constant 0 : i32
        %get3A_560 = arith.index_cast %get3A : i32 to index
        %get3A_561 = arith.index_cast %add3A_559 : i32 to index
        %get3A_562 = tpu.vector_load %arg13[%get3A_560, %get3A_561] {strides = array<i32>} : memref<4x2048xf32, #tpu.memory_space<vmem>>, vector<1x16xf32>,
        %get3A_563 = vector.shape_cast %get3A_562 : vector<1x16xf32> to vector<16xf32>
        %swap3A = arith.constant 0 : i32
        %swap3A_564 = arith.index_cast %swap3A : i32 to index
        %swap3A_565 = arith.index_cast %add3A_559 : i32 to index
        %swap3A_566 = tpu.vector_load %arg9[%swap3A_564, %swap3A_565] {strides = array<i32>} : memref<4x2048xf32, #tpu.memory_space<vmem>>, vector<1x16xf32>,
        %swap3A_567 = vector.shape_cast %swap3A_566 : vector<1x16xf32> to vector<16xf32>
        %swap3A_568 = vector.shape_cast %get3A_563 : vector<16xf32> to vector<1x16xf32>
        tpu.vector_store %arg9[%swap3A_564, %swap3A_565], %swap3A_568 {add = true, strides = array<i32>} : memref<4x2048xf32, #tpu.memory_space<vmem>>, vector<1x16xf32>,
        %add3A_569 = arith.constant 16 : i32
        %add3A_570 = arith.addi %mul3A_557, %add3A_569 : i32
        %get3A_571 = arith.constant 0 : i32
        %get3A_572 = arith.index_cast %get3A_571 : i32 to index
        %get3A_573 = arith.index_cast %add3A_570 : i32 to index
        %get3A_574 = tpu.vector_load %arg13[%get3A_572, %get3A_573] {strides = array<i32>} : memref<4x2048xf32, #tpu.memory_space<vmem>>, vector<1x16xf32>,
        %get3A_575 = vector.shape_cast %get3A_574 : vector<1x16xf32> to vector<16xf32>
        %swap3A_576 = arith.constant 0 : i32
        %swap3A_577 = arith.index_cast %swap3A_576 : i32 to index
        %swap3A_578 = arith.index_cast %add3A_570 : i32 to index
        %swap3A_579 = tpu.vector_load %arg9[%swap3A_577, %swap3A_578] {strides = array<i32>} : memref<4x2048xf32, #tpu.memory_space<vmem>>, vector<1x16xf32>,
        %swap3A_580 = vector.shape_cast %swap3A_579 : vector<1x16xf32> to vector<16xf32>
        %swap3A_581 = vector.shape_cast %get3A_575 : vector<16xf32> to vector<1x16xf32>
        tpu.vector_store %arg9[%swap3A_577, %swap3A_578], %swap3A_581 {add = true, strides = array<i32>} : memref<4x2048xf32, #tpu.memory_space<vmem>>, vector<1x16xf32>,
        %add3A_582 = arith.constant 32 : i32
        %add3A_583 = arith.addi %mul3A_557, %add3A_582 : i32
        %get3A_584 = arith.constant 0 : i32
        %get3A_585 = arith.index_cast %get3A_584 : i32 to index
        %get3A_586 = arith.index_cast %add3A_583 : i32 to index
        %get3A_587 = tpu.vector_load %arg13[%get3A_585, %get3A_586] {strides = array<i32>} : memref<4x2048xf32, #tpu.memory_space<vmem>>, vector<1x16xf32>,
        %get3A_588 = vector.shape_cast %get3A_587 : vector<1x16xf32> to vector<16xf32>
        %swap3A_589 = arith.constant 0 : i32
        %swap3A_590 = arith.index_cast %swap3A_589 : i32 to index
        %swap3A_591 = arith.index_cast %add3A_583 : i32 to index
        %swap3A_592 = tpu.vector_load %arg9[%swap3A_590, %swap3A_591] {strides = array<i32>} : memref<4x2048xf32, #tpu.memory_space<vmem>>, vector<1x16xf32>,
        %swap3A_593 = vector.shape_cast %swap3A_592 : vector<1x16xf32> to vector<16xf32>
        %swap3A_594 = vector.shape_cast %get3A_588 : vector<16xf32> to vector<1x16xf32>
        tpu.vector_store %arg9[%swap3A_590, %swap3A_591], %swap3A_594 {add = true, strides = array<i32>} : memref<4x2048xf32, #tpu.memory_space<vmem>>, vector<1x16xf32>,
        %add3A_595 = arith.constant 48 : i32
        %add3A_596 = arith.addi %mul3A_557, %add3A_595 : i32
        %get3A_597 = arith.constant 0 : i32
        %get3A_598 = arith.index_cast %get3A_597 : i32 to index
        %get3A_599 = arith.index_cast %add3A_596 : i32 to index
        %get3A_600 = tpu.vector_load %arg13[%get3A_598, %get3A_599] {strides = array<i32>} : memref<4x2048xf32, #tpu.memory_space<vmem>>, vector<1x16xf32>,
        %get3A_601 = vector.shape_cast %get3A_600 : vector<1x16xf32> to vector<16xf32>
        %swap3A_602 = arith.constant 0 : i32
        %swap3A_603 = arith.index_cast %swap3A_602 : i32 to index
        %swap3A_604 = arith.index_cast %add3A_596 : i32 to index
        %swap3A_605 = tpu.vector_load %arg9[%swap3A_603, %swap3A_604] {strides = array<i32>} : memref<4x2048xf32, #tpu.memory_space<vmem>>, vector<1x16xf32>,
        %swap3A_606 = vector.shape_cast %swap3A_605 : vector<1x16xf32> to vector<16xf32>
        %swap3A_607 = vector.shape_cast %get3A_601 : vector<16xf32> to vector<1x16xf32>
        tpu.vector_store %arg9[%swap3A_603, %swap3A_604], %swap3A_607 {add = true, strides = array<i32>} : memref<4x2048xf32, #tpu.memory_space<vmem>>, vector<1x16xf32>,
        %add3A_608 = arith.constant 64 : i32
        %add3A_609 = arith.addi %mul3A_557, %add3A_608 : i32
        %get3A_610 = arith.constant 0 : i32
        %get3A_611 = arith.index_cast %get3A_610 : i32 to index
        %get3A_612 = arith.index_cast %add3A_609 : i32 to index
        %get3A_613 = tpu.vector_load %arg13[%get3A_611, %get3A_612] {strides = array<i32>} : memref<4x2048xf32, #tpu.memory_space<vmem>>, vector<1x16xf32>,
        %get3A_614 = vector.shape_cast %get3A_613 : vector<1x16xf32> to vector<16xf32>
        %swap3A_615 = arith.constant 0 : i32
        %swap3A_616 = arith.index_cast %swap3A_615 : i32 to index
        %swap3A_617 = arith.index_cast %add3A_609 : i32 to index
        %swap3A_618 = tpu.vector_load %arg9[%swap3A_616, %swap3A_617] {strides = array<i32>} : memref<4x2048xf32, #tpu.memory_space<vmem>>, vector<1x16xf32>,
        %swap3A_619 = vector.shape_cast %swap3A_618 : vector<1x16xf32> to vector<16xf32>
        %swap3A_620 = vector.shape_cast %get3A_614 : vector<16xf32> to vector<1x16xf32>
        tpu.vector_store %arg9[%swap3A_616, %swap3A_617], %swap3A_620 {add = true, strides = array<i32>} : memref<4x2048xf32, #tpu.memory_space<vmem>>, vector<1x16xf32>,
        %add3A_621 = arith.constant 80 : i32
        %add3A_622 = arith.addi %mul3A_557, %add3A_621 : i32
        %get3A_623 = arith.constant 0 : i32
        %get3A_624 = arith.index_cast %get3A_623 : i32 to index
        %get3A_625 = arith.index_cast %add3A_622 : i32 to index
        %get3A_626 = tpu.vector_load %arg13[%get3A_624, %get3A_625] {strides = array<i32>} : memref<4x2048xf32, #tpu.memory_space<vmem>>, vector<1x16xf32>,
        %get3A_627 = vector.shape_cast %get3A_626 : vector<1x16xf32> to vector<16xf32>
        %swap3A_628 = arith.constant 0 : i32
        %swap3A_629 = arith.index_cast %swap3A_628 : i32 to index
        %swap3A_630 = arith.index_cast %add3A_622 : i32 to index
        %swap3A_631 = tpu.vector_load %arg9[%swap3A_629, %swap3A_630] {strides = array<i32>} : memref<4x2048xf32, #tpu.memory_space<vmem>>, vector<1x16xf32>,
        %swap3A_632 = vector.shape_cast %swap3A_631 : vector<1x16xf32> to vector<16xf32>
        %swap3A_633 = vector.shape_cast %get3A_627 : vector<16xf32> to vector<1x16xf32>
        tpu.vector_store %arg9[%swap3A_629, %swap3A_630], %swap3A_633 {add = true, strides = array<i32>} : memref<4x2048xf32, #tpu.memory_space<vmem>>, vector<1x16xf32>,
        %add3A_634 = arith.constant 96 : i32
        %add3A_635 = arith.addi %mul3A_557, %add3A_634 : i32
        %get3A_636 = arith.constant 0 : i32
        %get3A_637 = arith.index_cast %get3A_636 : i32 to index
        %get3A_638 = arith.index_cast %add3A_635 : i32 to index
        %get3A_639 = tpu.vector_load %arg13[%get3A_637, %get3A_638] {strides = array<i32>} : memref<4x2048xf32, #tpu.memory_space<vmem>>, vector<1x16xf32>,
        %get3A_640 = vector.shape_cast %get3A_639 : vector<1x16xf32> to vector<16xf32>
        %swap3A_641 = arith.constant 0 : i32
        %swap3A_642 = arith.index_cast %swap3A_641 : i32 to index
        %swap3A_643 = arith.index_cast %add3A_635 : i32 to index
        %swap3A_644 = tpu.vector_load %arg9[%swap3A_642, %swap3A_643] {strides = array<i32>} : memref<4x2048xf32, #tpu.memory_space<vmem>>, vector<1x16xf32>,
        %swap3A_645 = vector.shape_cast %swap3A_644 : vector<1x16xf32> to vector<16xf32>
        %swap3A_646 = vector.shape_cast %get3A_640 : vector<16xf32> to vector<1x16xf32>
        tpu.vector_store %arg9[%swap3A_642, %swap3A_643], %swap3A_646 {add = true, strides = array<i32>} : memref<4x2048xf32, #tpu.memory_space<vmem>>, vector<1x16xf32>,
        %add3A_647 = arith.constant 112 : i32
        %add3A_648 = arith.addi %mul3A_557, %add3A_647 : i32
        %get3A_649 = arith.constant 0 : i32
        %get3A_650 = arith.index_cast %get3A_649 : i32 to index
        %get3A_651 = arith.index_cast %add3A_648 : i32 to index
        %get3A_652 = tpu.vector_load %arg13[%get3A_650, %get3A_651] {strides = array<i32>} : memref<4x2048xf32, #tpu.memory_space<vmem>>, vector<1x16xf32>,
        %get3A_653 = vector.shape_cast %get3A_652 : vector<1x16xf32> to vector<16xf32>
        %swap3A_654 = arith.constant 0 : i32
        %swap3A_655 = arith.index_cast %swap3A_654 : i32 to index
        %swap3A_656 = arith.index_cast %add3A_648 : i32 to index
        %swap3A_657 = tpu.vector_load %arg9[%swap3A_655, %swap3A_656] {strides = array<i32>} : memref<4x2048xf32, #tpu.memory_space<vmem>>, vector<1x16xf32>,
        %swap3A_658 = vector.shape_cast %swap3A_657 : vector<1x16xf32> to vector<16xf32>
        %swap3A_659 = vector.shape_cast %get3A_653 : vector<16xf32> to vector<1x16xf32>
        tpu.vector_store %arg9[%swap3A_655, %swap3A_656], %swap3A_659 {add = true, strides = array<i32>} : memref<4x2048xf32, #tpu.memory_space<vmem>>, vector<1x16xf32>,
        %scan3A_660 = arith.constant 0 : i32
        scf.yield %scan3A_660 : i32
      }
      %scan3A_293 = arith.constant 16 : i32
      %scan3A_294 = arith.constant 0 : i32
      %scan3A_295 = arith.constant 0 : i32
      %scan3A_296 = arith.constant 16 : i32
      %scan3A_297 = arith.addi %scan3A_295, %scan3A_296 : i32
      %scan3A_298 = arith.constant 1 : i32
      %scan3A_299 = scf.for %scan3A_554 = %scan3A_295 to %scan3A_297 step %scan3A_298 iter_args(%scan3A_555 = %scan3A_294) -> (i32)  : i32 {
        %mul3A_556 = arith.constant 128 : i32
        %mul3A_557 = arith.muli %scan3A_554, %mul3A_556 : i32
        %add3A_558 = arith.constant 0 : i32
        %add3A_559 = arith.addi %mul3A_557, %add3A_558 : i32
        %get3A = arith.constant 1 : i32
        %get3A_560 = arith.index_cast %get3A : i32 to index
        %get3A_561 = arith.index_cast %add3A_559 : i32 to index
        %get3A_562 = tpu.vector_load %arg13[%get3A_560, %get3A_561] {strides = array<i32>} : memref<4x2048xf32, #tpu.memory_space<vmem>>, vector<1x16xf32>,
        %get3A_563 = vector.shape_cast %get3A_562 : vector<1x16xf32> to vector<16xf32>
        %swap3A = arith.constant 1 : i32
        %swap3A_564 = arith.index_cast %swap3A : i32 to index
        %swap3A_565 = arith.index_cast %add3A_559 : i32 to index
        %swap3A_566 = tpu.vector_load %arg9[%swap3A_564, %swap3A_565] {strides = array<i32>} : memref<4x2048xf32, #tpu.memory_space<vmem>>, vector<1x16xf32>,
        %swap3A_567 = vector.shape_cast %swap3A_566 : vector<1x16xf32> to vector<16xf32>
        %swap3A_568 = vector.shape_cast %get3A_563 : vector<16xf32> to vector<1x16xf32>
        tpu.vector_store %arg9[%swap3A_564, %swap3A_565], %swap3A_568 {add = true, strides = array<i32>} : memref<4x2048xf32, #tpu.memory_space<vmem>>, vector<1x16xf32>,
        %add3A_569 = arith.constant 16 : i32
        %add3A_570 = arith.addi %mul3A_557, %add3A_569 : i32
        %get3A_571 = arith.constant 1 : i32
        %get3A_572 = arith.index_cast %get3A_571 : i32 to index
        %get3A_573 = arith.index_cast %add3A_570 : i32 to index
        %get3A_574 = tpu.vector_load %arg13[%get3A_572, %get3A_573] {strides = array<i32>} : memref<4x2048xf32, #tpu.memory_space<vmem>>, vector<1x16xf32>,
        %get3A_575 = vector.shape_cast %get3A_574 : vector<1x16xf32> to vector<16xf32>
        %swap3A_576 = arith.constant 1 : i32
        %swap3A_577 = arith.index_cast %swap3A_576 : i32 to index
        %swap3A_578 = arith.index_cast %add3A_570 : i32 to index
        %swap3A_579 = tpu.vector_load %arg9[%swap3A_577, %swap3A_578] {strides = array<i32>} : memref<4x2048xf32, #tpu.memory_space<vmem>>, vector<1x16xf32>,
        %swap3A_580 = vector.shape_cast %swap3A_579 : vector<1x16xf32> to vector<16xf32>
        %swap3A_581 = vector.shape_cast %get3A_575 : vector<16xf32> to vector<1x16xf32>
        tpu.vector_store %arg9[%swap3A_577, %swap3A_578], %swap3A_581 {add = true, strides = array<i32>} : memref<4x2048xf32, #tpu.memory_space<vmem>>, vector<1x16xf32>,
        %add3A_582 = arith.constant 32 : i32
        %add3A_583 = arith.addi %mul3A_557, %add3A_582 : i32
        %get3A_584 = arith.constant 1 : i32
        %get3A_585 = arith.index_cast %get3A_584 : i32 to index
        %get3A_586 = arith.index_cast %add3A_583 : i32 to index
        %get3A_587 = tpu.vector_load %arg13[%get3A_585, %get3A_586] {strides = array<i32>} : memref<4x2048xf32, #tpu.memory_space<vmem>>, vector<1x16xf32>,
        %get3A_588 = vector.shape_cast %get3A_587 : vector<1x16xf32> to vector<16xf32>
        %swap3A_589 = arith.constant 1 : i32
        %swap3A_590 = arith.index_cast %swap3A_589 : i32 to index
        %swap3A_591 = arith.index_cast %add3A_583 : i32 to index
        %swap3A_592 = tpu.vector_load %arg9[%swap3A_590, %swap3A_591] {strides = array<i32>} : memref<4x2048xf32, #tpu.memory_space<vmem>>, vector<1x16xf32>,
        %swap3A_593 = vector.shape_cast %swap3A_592 : vector<1x16xf32> to vector<16xf32>
        %swap3A_594 = vector.shape_cast %get3A_588 : vector<16xf32> to vector<1x16xf32>
        tpu.vector_store %arg9[%swap3A_590, %swap3A_591], %swap3A_594 {add = true, strides = array<i32>} : memref<4x2048xf32, #tpu.memory_space<vmem>>, vector<1x16xf32>,
        %add3A_595 = arith.constant 48 : i32
        %add3A_596 = arith.addi %mul3A_557, %add3A_595 : i32
        %get3A_597 = arith.constant 1 : i32
        %get3A_598 = arith.index_cast %get3A_597 : i32 to index
        %get3A_599 = arith.index_cast %add3A_596 : i32 to index
        %get3A_600 = tpu.vector_load %arg13[%get3A_598, %get3A_599] {strides = array<i32>} : memref<4x2048xf32, #tpu.memory_space<vmem>>, vector<1x16xf32>,
        %get3A_601 = vector.shape_cast %get3A_600 : vector<1x16xf32> to vector<16xf32>
        %swap3A_602 = arith.constant 1 : i32
        %swap3A_603 = arith.index_cast %swap3A_602 : i32 to index
        %swap3A_604 = arith.index_cast %add3A_596 : i32 to index
        %swap3A_605 = tpu.vector_load %arg9[%swap3A_603, %swap3A_604] {strides = array<i32>} : memref<4x2048xf32, #tpu.memory_space<vmem>>, vector<1x16xf32>,
        %swap3A_606 = vector.shape_cast %swap3A_605 : vector<1x16xf32> to vector<16xf32>
        %swap3A_607 = vector.shape_cast %get3A_601 : vector<16xf32> to vector<1x16xf32>
        tpu.vector_store %arg9[%swap3A_603, %swap3A_604], %swap3A_607 {add = true, strides = array<i32>} : memref<4x2048xf32, #tpu.memory_space<vmem>>, vector<1x16xf32>,
        %add3A_608 = arith.constant 64 : i32
        %add3A_609 = arith.addi %mul3A_557, %add3A_608 : i32
        %get3A_610 = arith.constant 1 : i32
        %get3A_611 = arith.index_cast %get3A_610 : i32 to index
        %get3A_612 = arith.index_cast %add3A_609 : i32 to index
        %get3A_613 = tpu.vector_load %arg13[%get3A_611, %get3A_612] {strides = array<i32>} : memref<4x2048xf32, #tpu.memory_space<vmem>>, vector<1x16xf32>,
        %get3A_614 = vector.shape_cast %get3A_613 : vector<1x16xf32> to vector<16xf32>
        %swap3A_615 = arith.constant 1 : i32
        %swap3A_616 = arith.index_cast %swap3A_615 : i32 to index
        %swap3A_617 = arith.index_cast %add3A_609 : i32 to index
        %swap3A_618 = tpu.vector_load %arg9[%swap3A_616, %swap3A_617] {strides = array<i32>} : memref<4x2048xf32, #tpu.memory_space<vmem>>, vector<1x16xf32>,
        %swap3A_619 = vector.shape_cast %swap3A_618 : vector<1x16xf32> to vector<16xf32>
        %swap3A_620 = vector.shape_cast %get3A_614 : vector<16xf32> to vector<1x16xf32>
        tpu.vector_store %arg9[%swap3A_616, %swap3A_617], %swap3A_620 {add = true, strides = array<i32>} : memref<4x2048xf32, #tpu.memory_space<vmem>>, vector<1x16xf32>,
        %add3A_621 = arith.constant 80 : i32
        %add3A_622 = arith.addi %mul3A_557, %add3A_621 : i32
        %get3A_623 = arith.constant 1 : i32
        %get3A_624 = arith.index_cast %get3A_623 : i32 to index
        %get3A_625 = arith.index_cast %add3A_622 : i32 to index
        %get3A_626 = tpu.vector_load %arg13[%get3A_624, %get3A_625] {strides = array<i32>} : memref<4x2048xf32, #tpu.memory_space<vmem>>, vector<1x16xf32>,
        %get3A_627 = vector.shape_cast %get3A_626 : vector<1x16xf32> to vector<16xf32>
        %swap3A_628 = arith.constant 1 : i32
        %swap3A_629 = arith.index_cast %swap3A_628 : i32 to index
        %swap3A_630 = arith.index_cast %add3A_622 : i32 to index
        %swap3A_631 = tpu.vector_load %arg9[%swap3A_629, %swap3A_630] {strides = array<i32>} : memref<4x2048xf32, #tpu.memory_space<vmem>>, vector<1x16xf32>,
        %swap3A_632 = vector.shape_cast %swap3A_631 : vector<1x16xf32> to vector<16xf32>
        %swap3A_633 = vector.shape_cast %get3A_627 : vector<16xf32> to vector<1x16xf32>
        tpu.vector_store %arg9[%swap3A_629, %swap3A_630], %swap3A_633 {add = true, strides = array<i32>} : memref<4x2048xf32, #tpu.memory_space<vmem>>, vector<1x16xf32>,
        %add3A_634 = arith.constant 96 : i32
        %add3A_635 = arith.addi %mul3A_557, %add3A_634 : i32
        %get3A_636 = arith.constant 1 : i32
        %get3A_637 = arith.index_cast %get3A_636 : i32 to index
        %get3A_638 = arith.index_cast %add3A_635 : i32 to index
        %get3A_639 = tpu.vector_load %arg13[%get3A_637, %get3A_638] {strides = array<i32>} : memref<4x2048xf32, #tpu.memory_space<vmem>>, vector<1x16xf32>,
        %get3A_640 = vector.shape_cast %get3A_639 : vector<1x16xf32> to vector<16xf32>
        %swap3A_641 = arith.constant 1 : i32
        %swap3A_642 = arith.index_cast %swap3A_641 : i32 to index
        %swap3A_643 = arith.index_cast %add3A_635 : i32 to index
        %swap3A_644 = tpu.vector_load %arg9[%swap3A_642, %swap3A_643] {strides = array<i32>} : memref<4x2048xf32, #tpu.memory_space<vmem>>, vector<1x16xf32>,
        %swap3A_645 = vector.shape_cast %swap3A_644 : vector<1x16xf32> to vector<16xf32>
        %swap3A_646 = vector.shape_cast %get3A_640 : vector<16xf32> to vector<1x16xf32>
        tpu.vector_store %arg9[%swap3A_642, %swap3A_643], %swap3A_646 {add = true, strides = array<i32>} : memref<4x2048xf32, #tpu.memory_space<vmem>>, vector<1x16xf32>,
        %add3A_647 = arith.constant 112 : i32
        %add3A_648 = arith.addi %mul3A_557, %add3A_647 : i32
        %get3A_649 = arith.constant 1 : i32
        %get3A_650 = arith.index_cast %get3A_649 : i32 to index
        %get3A_651 = arith.index_cast %add3A_648 : i32 to index
        %get3A_652 = tpu.vector_load %arg13[%get3A_650, %get3A_651] {strides = array<i32>} : memref<4x2048xf32, #tpu.memory_space<vmem>>, vector<1x16xf32>,
        %get3A_653 = vector.shape_cast %get3A_652 : vector<1x16xf32> to vector<16xf32>
        %swap3A_654 = arith.constant 1 : i32
        %swap3A_655 = arith.index_cast %swap3A_654 : i32 to index
        %swap3A_656 = arith.index_cast %add3A_648 : i32 to index
        %swap3A_657 = tpu.vector_load %arg9[%swap3A_655, %swap3A_656] {strides = array<i32>} : memref<4x2048xf32, #tpu.memory_space<vmem>>, vector<1x16xf32>,
        %swap3A_658 = vector.shape_cast %swap3A_657 : vector<1x16xf32> to vector<16xf32>
        %swap3A_659 = vector.shape_cast %get3A_653 : vector<16xf32> to vector<1x16xf32>
        tpu.vector_store %arg9[%swap3A_655, %swap3A_656], %swap3A_659 {add = true, strides = array<i32>} : memref<4x2048xf32, #tpu.memory_space<vmem>>, vector<1x16xf32>,
        %scan3A_660 = arith.constant 0 : i32
        scf.yield %scan3A_660 : i32
      }
      %scan3A_300 = arith.constant 16 : i32
      %scan3A_301 = arith.constant 0 : i32
      %scan3A_302 = arith.constant 0 : i32
      %scan3A_303 = arith.constant 16 : i32
      %scan3A_304 = arith.addi %scan3A_302, %scan3A_303 : i32
      %scan3A_305 = arith.constant 1 : i32
      %scan3A_306 = scf.for %scan3A_554 = %scan3A_302 to %scan3A_304 step %scan3A_305 iter_args(%scan3A_555 = %scan3A_301) -> (i32)  : i32 {
        %mul3A_556 = arith.constant 128 : i32
        %mul3A_557 = arith.muli %scan3A_554, %mul3A_556 : i32
        %add3A_558 = arith.constant 0 : i32
        %add3A_559 = arith.addi %mul3A_557, %add3A_558 : i32
        %get3A = arith.constant 2 : i32
        %get3A_560 = arith.index_cast %get3A : i32 to index
        %get3A_561 = arith.index_cast %add3A_559 : i32 to index
        %get3A_562 = tpu.vector_load %arg13[%get3A_560, %get3A_561] {strides = array<i32>} : memref<4x2048xf32, #tpu.memory_space<vmem>>, vector<1x16xf32>,
        %get3A_563 = vector.shape_cast %get3A_562 : vector<1x16xf32> to vector<16xf32>
        %swap3A = arith.constant 2 : i32
        %swap3A_564 = arith.index_cast %swap3A : i32 to index
        %swap3A_565 = arith.index_cast %add3A_559 : i32 to index
        %swap3A_566 = tpu.vector_load %arg9[%swap3A_564, %swap3A_565] {strides = array<i32>} : memref<4x2048xf32, #tpu.memory_space<vmem>>, vector<1x16xf32>,
        %swap3A_567 = vector.shape_cast %swap3A_566 : vector<1x16xf32> to vector<16xf32>
        %swap3A_568 = vector.shape_cast %get3A_563 : vector<16xf32> to vector<1x16xf32>
        tpu.vector_store %arg9[%swap3A_564, %swap3A_565], %swap3A_568 {add = true, strides = array<i32>} : memref<4x2048xf32, #tpu.memory_space<vmem>>, vector<1x16xf32>,
        %add3A_569 = arith.constant 16 : i32
        %add3A_570 = arith.addi %mul3A_557, %add3A_569 : i32
        %get3A_571 = arith.constant 2 : i32
        %get3A_572 = arith.index_cast %get3A_571 : i32 to index
        %get3A_573 = arith.index_cast %add3A_570 : i32 to index
        %get3A_574 = tpu.vector_load %arg13[%get3A_572, %get3A_573] {strides = array<i32>} : memref<4x2048xf32, #tpu.memory_space<vmem>>, vector<1x16xf32>,
        %get3A_575 = vector.shape_cast %get3A_574 : vector<1x16xf32> to vector<16xf32>
        %swap3A_576 = arith.constant 2 : i32
        %swap3A_577 = arith.index_cast %swap3A_576 : i32 to index
        %swap3A_578 = arith.index_cast %add3A_570 : i32 to index
        %swap3A_579 = tpu.vector_load %arg9[%swap3A_577, %swap3A_578] {strides = array<i32>} : memref<4x2048xf32, #tpu.memory_space<vmem>>, vector<1x16xf32>,
        %swap3A_580 = vector.shape_cast %swap3A_579 : vector<1x16xf32> to vector<16xf32>
        %swap3A_581 = vector.shape_cast %get3A_575 : vector<16xf32> to vector<1x16xf32>
        tpu.vector_store %arg9[%swap3A_577, %swap3A_578], %swap3A_581 {add = true, strides = array<i32>} : memref<4x2048xf32, #tpu.memory_space<vmem>>, vector<1x16xf32>,
        %add3A_582 = arith.constant 32 : i32
        %add3A_583 = arith.addi %mul3A_557, %add3A_582 : i32
        %get3A_584 = arith.constant 2 : i32
        %get3A_585 = arith.index_cast %get3A_584 : i32 to index
        %get3A_586 = arith.index_cast %add3A_583 : i32 to index
        %get3A_587 = tpu.vector_load %arg13[%get3A_585, %get3A_586] {strides = array<i32>} : memref<4x2048xf32, #tpu.memory_space<vmem>>, vector<1x16xf32>,
        %get3A_588 = vector.shape_cast %get3A_587 : vector<1x16xf32> to vector<16xf32>
        %swap3A_589 = arith.constant 2 : i32
        %swap3A_590 = arith.index_cast %swap3A_589 : i32 to index
        %swap3A_591 = arith.index_cast %add3A_583 : i32 to index
        %swap3A_592 = tpu.vector_load %arg9[%swap3A_590, %swap3A_591] {strides = array<i32>} : memref<4x2048xf32, #tpu.memory_space<vmem>>, vector<1x16xf32>,
        %swap3A_593 = vector.shape_cast %swap3A_592 : vector<1x16xf32> to vector<16xf32>
        %swap3A_594 = vector.shape_cast %get3A_588 : vector<16xf32> to vector<1x16xf32>
        tpu.vector_store %arg9[%swap3A_590, %swap3A_591], %swap3A_594 {add = true, strides = array<i32>} : memref<4x2048xf32, #tpu.memory_space<vmem>>, vector<1x16xf32>,
        %add3A_595 = arith.constant 48 : i32
        %add3A_596 = arith.addi %mul3A_557, %add3A_595 : i32
        %get3A_597 = arith.constant 2 : i32
        %get3A_598 = arith.index_cast %get3A_597 : i32 to index
        %get3A_599 = arith.index_cast %add3A_596 : i32 to index
        %get3A_600 = tpu.vector_load %arg13[%get3A_598, %get3A_599] {strides = array<i32>} : memref<4x2048xf32, #tpu.memory_space<vmem>>, vector<1x16xf32>,
        %get3A_601 = vector.shape_cast %get3A_600 : vector<1x16xf32> to vector<16xf32>
        %swap3A_602 = arith.constant 2 : i32
        %swap3A_603 = arith.index_cast %swap3A_602 : i32 to index
        %swap3A_604 = arith.index_cast %add3A_596 : i32 to index
        %swap3A_605 = tpu.vector_load %arg9[%swap3A_603, %swap3A_604] {strides = array<i32>} : memref<4x2048xf32, #tpu.memory_space<vmem>>, vector<1x16xf32>,
        %swap3A_606 = vector.shape_cast %swap3A_605 : vector<1x16xf32> to vector<16xf32>
        %swap3A_607 = vector.shape_cast %get3A_601 : vector<16xf32> to vector<1x16xf32>
        tpu.vector_store %arg9[%swap3A_603, %swap3A_604], %swap3A_607 {add = true, strides = array<i32>} : memref<4x2048xf32, #tpu.memory_space<vmem>>, vector<1x16xf32>,
        %add3A_608 = arith.constant 64 : i32
        %add3A_609 = arith.addi %mul3A_557, %add3A_608 : i32
        %get3A_610 = arith.constant 2 : i32
        %get3A_611 = arith.index_cast %get3A_610 : i32 to index
        %get3A_612 = arith.index_cast %add3A_609 : i32 to index
        %get3A_613 = tpu.vector_load %arg13[%get3A_611, %get3A_612] {strides = array<i32>} : memref<4x2048xf32, #tpu.memory_space<vmem>>, vector<1x16xf32>,
        %get3A_614 = vector.shape_cast %get3A_613 : vector<1x16xf32> to vector<16xf32>
        %swap3A_615 = arith.constant 2 : i32
        %swap3A_616 = arith.index_cast %swap3A_615 : i32 to index
        %swap3A_617 = arith.index_cast %add3A_609 : i32 to index
        %swap3A_618 = tpu.vector_load %arg9[%swap3A_616, %swap3A_617] {strides = array<i32>} : memref<4x2048xf32, #tpu.memory_space<vmem>>, vector<1x16xf32>,
        %swap3A_619 = vector.shape_cast %swap3A_618 : vector<1x16xf32> to vector<16xf32>
        %swap3A_620 = vector.shape_cast %get3A_614 : vector<16xf32> to vector<1x16xf32>
        tpu.vector_store %arg9[%swap3A_616, %swap3A_617], %swap3A_620 {add = true, strides = array<i32>} : memref<4x2048xf32, #tpu.memory_space<vmem>>, vector<1x16xf32>,
        %add3A_621 = arith.constant 80 : i32
        %add3A_622 = arith.addi %mul3A_557, %add3A_621 : i32
        %get3A_623 = arith.constant 2 : i32
        %get3A_624 = arith.index_cast %get3A_623 : i32 to index
        %get3A_625 = arith.index_cast %add3A_622 : i32 to index
        %get3A_626 = tpu.vector_load %arg13[%get3A_624, %get3A_625] {strides = array<i32>} : memref<4x2048xf32, #tpu.memory_space<vmem>>, vector<1x16xf32>,
        %get3A_627 = vector.shape_cast %get3A_626 : vector<1x16xf32> to vector<16xf32>
        %swap3A_628 = arith.constant 2 : i32
        %swap3A_629 = arith.index_cast %swap3A_628 : i32 to index
        %swap3A_630 = arith.index_cast %add3A_622 : i32 to index
        %swap3A_631 = tpu.vector_load %arg9[%swap3A_629, %swap3A_630] {strides = array<i32>} : memref<4x2048xf32, #tpu.memory_space<vmem>>, vector<1x16xf32>,
        %swap3A_632 = vector.shape_cast %swap3A_631 : vector<1x16xf32> to vector<16xf32>
        %swap3A_633 = vector.shape_cast %get3A_627 : vector<16xf32> to vector<1x16xf32>
        tpu.vector_store %arg9[%swap3A_629, %swap3A_630], %swap3A_633 {add = true, strides = array<i32>} : memref<4x2048xf32, #tpu.memory_space<vmem>>, vector<1x16xf32>,
        %add3A_634 = arith.constant 96 : i32
        %add3A_635 = arith.addi %mul3A_557, %add3A_634 : i32
        %get3A_636 = arith.constant 2 : i32
        %get3A_637 = arith.index_cast %get3A_636 : i32 to index
        %get3A_638 = arith.index_cast %add3A_635 : i32 to index
        %get3A_639 = tpu.vector_load %arg13[%get3A_637, %get3A_638] {strides = array<i32>} : memref<4x2048xf32, #tpu.memory_space<vmem>>, vector<1x16xf32>,
        %get3A_640 = vector.shape_cast %get3A_639 : vector<1x16xf32> to vector<16xf32>
        %swap3A_641 = arith.constant 2 : i32
        %swap3A_642 = arith.index_cast %swap3A_641 : i32 to index
        %swap3A_643 = arith.index_cast %add3A_635 : i32 to index
        %swap3A_644 = tpu.vector_load %arg9[%swap3A_642, %swap3A_643] {strides = array<i32>} : memref<4x2048xf32, #tpu.memory_space<vmem>>, vector<1x16xf32>,
        %swap3A_645 = vector.shape_cast %swap3A_644 : vector<1x16xf32> to vector<16xf32>
        %swap3A_646 = vector.shape_cast %get3A_640 : vector<16xf32> to vector<1x16xf32>
        tpu.vector_store %arg9[%swap3A_642, %swap3A_643], %swap3A_646 {add = true, strides = array<i32>} : memref<4x2048xf32, #tpu.memory_space<vmem>>, vector<1x16xf32>,
        %add3A_647 = arith.constant 112 : i32
        %add3A_648 = arith.addi %mul3A_557, %add3A_647 : i32
        %get3A_649 = arith.constant 2 : i32
        %get3A_650 = arith.index_cast %get3A_649 : i32 to index
        %get3A_651 = arith.index_cast %add3A_648 : i32 to index
        %get3A_652 = tpu.vector_load %arg13[%get3A_650, %get3A_651] {strides = array<i32>} : memref<4x2048xf32, #tpu.memory_space<vmem>>, vector<1x16xf32>,
        %get3A_653 = vector.shape_cast %get3A_652 : vector<1x16xf32> to vector<16xf32>
        %swap3A_654 = arith.constant 2 : i32
        %swap3A_655 = arith.index_cast %swap3A_654 : i32 to index
        %swap3A_656 = arith.index_cast %add3A_648 : i32 to index
        %swap3A_657 = tpu.vector_load %arg9[%swap3A_655, %swap3A_656] {strides = array<i32>} : memref<4x2048xf32, #tpu.memory_space<vmem>>, vector<1x16xf32>,
        %swap3A_658 = vector.shape_cast %swap3A_657 : vector<1x16xf32> to vector<16xf32>
        %swap3A_659 = vector.shape_cast %get3A_653 : vector<16xf32> to vector<1x16xf32>
        tpu.vector_store %arg9[%swap3A_655, %swap3A_656], %swap3A_659 {add = true, strides = array<i32>} : memref<4x2048xf32, #tpu.memory_space<vmem>>, vector<1x16xf32>,
        %scan3A_660 = arith.constant 0 : i32
        scf.yield %scan3A_660 : i32
      }
      %scan3A_307 = arith.constant 16 : i32
      %scan3A_308 = arith.constant 0 : i32
      %scan3A_309 = arith.constant 0 : i32
      %scan3A_310 = arith.constant 16 : i32
      %scan3A_311 = arith.addi %scan3A_309, %scan3A_310 : i32
      %scan3A_312 = arith.constant 1 : i32
      %scan3A_313 = scf.for %scan3A_554 = %scan3A_309 to %scan3A_311 step %scan3A_312 iter_args(%scan3A_555 = %scan3A_308) -> (i32)  : i32 {
        %mul3A_556 = arith.constant 128 : i32
        %mul3A_557 = arith.muli %scan3A_554, %mul3A_556 : i32
        %add3A_558 = arith.constant 0 : i32
        %add3A_559 = arith.addi %mul3A_557, %add3A_558 : i32
        %get3A = arith.constant 3 : i32
        %get3A_560 = arith.index_cast %get3A : i32 to index
        %get3A_561 = arith.index_cast %add3A_559 : i32 to index
        %get3A_562 = tpu.vector_load %arg13[%get3A_560, %get3A_561] {strides = array<i32>} : memref<4x2048xf32, #tpu.memory_space<vmem>>, vector<1x16xf32>,
        %get3A_563 = vector.shape_cast %get3A_562 : vector<1x16xf32> to vector<16xf32>
        %swap3A = arith.constant 3 : i32
        %swap3A_564 = arith.index_cast %swap3A : i32 to index
        %swap3A_565 = arith.index_cast %add3A_559 : i32 to index
        %swap3A_566 = tpu.vector_load %arg9[%swap3A_564, %swap3A_565] {strides = array<i32>} : memref<4x2048xf32, #tpu.memory_space<vmem>>, vector<1x16xf32>,
        %swap3A_567 = vector.shape_cast %swap3A_566 : vector<1x16xf32> to vector<16xf32>
        %swap3A_568 = vector.shape_cast %get3A_563 : vector<16xf32> to vector<1x16xf32>
        tpu.vector_store %arg9[%swap3A_564, %swap3A_565], %swap3A_568 {add = true, strides = array<i32>} : memref<4x2048xf32, #tpu.memory_space<vmem>>, vector<1x16xf32>,
        %add3A_569 = arith.constant 16 : i32
        %add3A_570 = arith.addi %mul3A_557, %add3A_569 : i32
        %get3A_571 = arith.constant 3 : i32
        %get3A_572 = arith.index_cast %get3A_571 : i32 to index
        %get3A_573 = arith.index_cast %add3A_570 : i32 to index
        %get3A_574 = tpu.vector_load %arg13[%get3A_572, %get3A_573] {strides = array<i32>} : memref<4x2048xf32, #tpu.memory_space<vmem>>, vector<1x16xf32>,
        %get3A_575 = vector.shape_cast %get3A_574 : vector<1x16xf32> to vector<16xf32>
        %swap3A_576 = arith.constant 3 : i32
        %swap3A_577 = arith.index_cast %swap3A_576 : i32 to index
        %swap3A_578 = arith.index_cast %add3A_570 : i32 to index
        %swap3A_579 = tpu.vector_load %arg9[%swap3A_577, %swap3A_578] {strides = array<i32>} : memref<4x2048xf32, #tpu.memory_space<vmem>>, vector<1x16xf32>,
        %swap3A_580 = vector.shape_cast %swap3A_579 : vector<1x16xf32> to vector<16xf32>
        %swap3A_581 = vector.shape_cast %get3A_575 : vector<16xf32> to vector<1x16xf32>
        tpu.vector_store %arg9[%swap3A_577, %swap3A_578], %swap3A_581 {add = true, strides = array<i32>} : memref<4x2048xf32, #tpu.memory_space<vmem>>, vector<1x16xf32>,
        %add3A_582 = arith.constant 32 : i32
        %add3A_583 = arith.addi %mul3A_557, %add3A_582 : i32
        %get3A_584 = arith.constant 3 : i32
        %get3A_585 = arith.index_cast %get3A_584 : i32 to index
        %get3A_586 = arith.index_cast %add3A_583 : i32 to index
        %get3A_587 = tpu.vector_load %arg13[%get3A_585, %get3A_586] {strides = array<i32>} : memref<4x2048xf32, #tpu.memory_space<vmem>>, vector<1x16xf32>,
        %get3A_588 = vector.shape_cast %get3A_587 : vector<1x16xf32> to vector<16xf32>
        %swap3A_589 = arith.constant 3 : i32
        %swap3A_590 = arith.index_cast %swap3A_589 : i32 to index
        %swap3A_591 = arith.index_cast %add3A_583 : i32 to index
        %swap3A_592 = tpu.vector_load %arg9[%swap3A_590, %swap3A_591] {strides = array<i32>} : memref<4x2048xf32, #tpu.memory_space<vmem>>, vector<1x16xf32>,
        %swap3A_593 = vector.shape_cast %swap3A_592 : vector<1x16xf32> to vector<16xf32>
        %swap3A_594 = vector.shape_cast %get3A_588 : vector<16xf32> to vector<1x16xf32>
        tpu.vector_store %arg9[%swap3A_590, %swap3A_591], %swap3A_594 {add = true, strides = array<i32>} : memref<4x2048xf32, #tpu.memory_space<vmem>>, vector<1x16xf32>,
        %add3A_595 = arith.constant 48 : i32
        %add3A_596 = arith.addi %mul3A_557, %add3A_595 : i32
        %get3A_597 = arith.constant 3 : i32
        %get3A_598 = arith.index_cast %get3A_597 : i32 to index
        %get3A_599 = arith.index_cast %add3A_596 : i32 to index
        %get3A_600 = tpu.vector_load %arg13[%get3A_598, %get3A_599] {strides = array<i32>} : memref<4x2048xf32, #tpu.memory_space<vmem>>, vector<1x16xf32>,
        %get3A_601 = vector.shape_cast %get3A_600 : vector<1x16xf32> to vector<16xf32>
        %swap3A_602 = arith.constant 3 : i32
        %swap3A_603 = arith.index_cast %swap3A_602 : i32 to index
        %swap3A_604 = arith.index_cast %add3A_596 : i32 to index
        %swap3A_605 = tpu.vector_load %arg9[%swap3A_603, %swap3A_604] {strides = array<i32>} : memref<4x2048xf32, #tpu.memory_space<vmem>>, vector<1x16xf32>,
        %swap3A_606 = vector.shape_cast %swap3A_605 : vector<1x16xf32> to vector<16xf32>
        %swap3A_607 = vector.shape_cast %get3A_601 : vector<16xf32> to vector<1x16xf32>
        tpu.vector_store %arg9[%swap3A_603, %swap3A_604], %swap3A_607 {add = true, strides = array<i32>} : memref<4x2048xf32, #tpu.memory_space<vmem>>, vector<1x16xf32>,
        %add3A_608 = arith.constant 64 : i32
        %add3A_609 = arith.addi %mul3A_557, %add3A_608 : i32
        %get3A_610 = arith.constant 3 : i32
        %get3A_611 = arith.index_cast %get3A_610 : i32 to index
        %get3A_612 = arith.index_cast %add3A_609 : i32 to index
        %get3A_613 = tpu.vector_load %arg13[%get3A_611, %get3A_612] {strides = array<i32>} : memref<4x2048xf32, #tpu.memory_space<vmem>>, vector<1x16xf32>,
        %get3A_614 = vector.shape_cast %get3A_613 : vector<1x16xf32> to vector<16xf32>
        %swap3A_615 = arith.constant 3 : i32
        %swap3A_616 = arith.index_cast %swap3A_615 : i32 to index
        %swap3A_617 = arith.index_cast %add3A_609 : i32 to index
        %swap3A_618 = tpu.vector_load %arg9[%swap3A_616, %swap3A_617] {strides = array<i32>} : memref<4x2048xf32, #tpu.memory_space<vmem>>, vector<1x16xf32>,
        %swap3A_619 = vector.shape_cast %swap3A_618 : vector<1x16xf32> to vector<16xf32>
        %swap3A_620 = vector.shape_cast %get3A_614 : vector<16xf32> to vector<1x16xf32>
        tpu.vector_store %arg9[%swap3A_616, %swap3A_617], %swap3A_620 {add = true, strides = array<i32>} : memref<4x2048xf32, #tpu.memory_space<vmem>>, vector<1x16xf32>,
        %add3A_621 = arith.constant 80 : i32
        %add3A_622 = arith.addi %mul3A_557, %add3A_621 : i32
        %get3A_623 = arith.constant 3 : i32
        %get3A_624 = arith.index_cast %get3A_623 : i32 to index
        %get3A_625 = arith.index_cast %add3A_622 : i32 to index
        %get3A_626 = tpu.vector_load %arg13[%get3A_624, %get3A_625] {strides = array<i32>} : memref<4x2048xf32, #tpu.memory_space<vmem>>, vector<1x16xf32>,
        %get3A_627 = vector.shape_cast %get3A_626 : vector<1x16xf32> to vector<16xf32>
        %swap3A_628 = arith.constant 3 : i32
        %swap3A_629 = arith.index_cast %swap3A_628 : i32 to index
        %swap3A_630 = arith.index_cast %add3A_622 : i32 to index
        %swap3A_631 = tpu.vector_load %arg9[%swap3A_629, %swap3A_630] {strides = array<i32>} : memref<4x2048xf32, #tpu.memory_space<vmem>>, vector<1x16xf32>,
        %swap3A_632 = vector.shape_cast %swap3A_631 : vector<1x16xf32> to vector<16xf32>
        %swap3A_633 = vector.shape_cast %get3A_627 : vector<16xf32> to vector<1x16xf32>
        tpu.vector_store %arg9[%swap3A_629, %swap3A_630], %swap3A_633 {add = true, strides = array<i32>} : memref<4x2048xf32, #tpu.memory_space<vmem>>, vector<1x16xf32>,
        %add3A_634 = arith.constant 96 : i32
        %add3A_635 = arith.addi %mul3A_557, %add3A_634 : i32
        %get3A_636 = arith.constant 3 : i32
        %get3A_637 = arith.index_cast %get3A_636 : i32 to index
        %get3A_638 = arith.index_cast %add3A_635 : i32 to index
        %get3A_639 = tpu.vector_load %arg13[%get3A_637, %get3A_638] {strides = array<i32>} : memref<4x2048xf32, #tpu.memory_space<vmem>>, vector<1x16xf32>,
        %get3A_640 = vector.shape_cast %get3A_639 : vector<1x16xf32> to vector<16xf32>
        %swap3A_641 = arith.constant 3 : i32
        %swap3A_642 = arith.index_cast %swap3A_641 : i32 to index
        %swap3A_643 = arith.index_cast %add3A_635 : i32 to index
        %swap3A_644 = tpu.vector_load %arg9[%swap3A_642, %swap3A_643] {strides = array<i32>} : memref<4x2048xf32, #tpu.memory_space<vmem>>, vector<1x16xf32>,
        %swap3A_645 = vector.shape_cast %swap3A_644 : vector<1x16xf32> to vector<16xf32>
        %swap3A_646 = vector.shape_cast %get3A_640 : vector<16xf32> to vector<1x16xf32>
        tpu.vector_store %arg9[%swap3A_642, %swap3A_643], %swap3A_646 {add = true, strides = array<i32>} : memref<4x2048xf32, #tpu.memory_space<vmem>>, vector<1x16xf32>,
        %add3A_647 = arith.constant 112 : i32
        %add3A_648 = arith.addi %mul3A_557, %add3A_647 : i32
        %get3A_649 = arith.constant 3 : i32
        %get3A_650 = arith.index_cast %get3A_649 : i32 to index
        %get3A_651 = arith.index_cast %add3A_648 : i32 to index
        %get3A_652 = tpu.vector_load %arg13[%get3A_650, %get3A_651] {strides = array<i32>} : memref<4x2048xf32, #tpu.memory_space<vmem>>, vector<1x16xf32>,
        %get3A_653 = vector.shape_cast %get3A_652 : vector<1x16xf32> to vector<16xf32>
        %swap3A_654 = arith.constant 3 : i32
        %swap3A_655 = arith.index_cast %swap3A_654 : i32 to index
        %swap3A_656 = arith.index_cast %add3A_648 : i32 to index
        %swap3A_657 = tpu.vector_load %arg9[%swap3A_655, %swap3A_656] {strides = array<i32>} : memref<4x2048xf32, #tpu.memory_space<vmem>>, vector<1x16xf32>,
        %swap3A_658 = vector.shape_cast %swap3A_657 : vector<1x16xf32> to vector<16xf32>
        %swap3A_659 = vector.shape_cast %get3A_653 : vector<16xf32> to vector<1x16xf32>
        tpu.vector_store %arg9[%swap3A_655, %swap3A_656], %swap3A_659 {add = true, strides = array<i32>} : memref<4x2048xf32, #tpu.memory_space<vmem>>, vector<1x16xf32>,
        %scan3A_660 = arith.constant 0 : i32
        scf.yield %scan3A_660 : i32
      }
      %scan3A_314 = arith.constant 16 : i32
      %mul3A_315 = arith.constant 4 : i32
      %mul3A_316 = arith.muli %add3A_274, %mul3A_315 : i32
      %add3A_317 = arith.addi %mul3A_2, %mul3A_316 : i32
      %dma_start3A_318 = arith.constant 0 : i32
      %dma_start3A_319 = tpu.memref_slice %arg5[%add3A_317, %dma_start3A_318] : memref<4096x2048xf32, #tpu.memory_space<hbm>> -> memref<4x2048xf32, #tpu.memory_space<hbm>>
      %dma_start3A_320 = arith.constant 0 : i32
      %dma_start3A_321 = tpu.memref_slice %arg5[%add3A_317, %dma_start3A_320] : memref<4096x2048xf32, #tpu.memory_space<hbm>> -> memref<4x2048xf32, #tpu.memory_space<hbm>>
      tpu.enqueue_dma source(%arg9 : memref<4x2048xf32, #tpu.memory_space<vmem>>) target(%dma_start3A_321 : memref<4x2048xf32, #tpu.memory_space<hbm>>) target_semaphore(%arg25 : memref<!tpu.dma_semaphore, #tpu.memory_space<semaphore_mem>>)
      %dma_wait3A_322 = arith.constant 0 : i32
      %dma_wait3A_323 = arith.constant 0 : i32
      %dma_wait3A_324 = tpu.memref_slice %arg5[%dma_wait3A_322, %dma_wait3A_323] : memref<4096x2048xf32, #tpu.memory_space<hbm>> -> memref<4x2048xf32, #tpu.memory_space<hbm>>
      %dma_wait3A_325 = arith.constant 0 : i32
      %dma_wait3A_326 = arith.constant 0 : i32
      %dma_wait3A_327 = tpu.memref_slice %arg5[%dma_wait3A_325, %dma_wait3A_326] : memref<4096x2048xf32, #tpu.memory_space<hbm>> -> memref<4x2048xf32, #tpu.memory_space<hbm>>
      tpu.wait_dma2 semaphore(%arg23 : memref<!tpu.dma_semaphore, #tpu.memory_space<semaphore_mem>>) src(%arg7 : memref<4x2048xf32, #tpu.memory_space<vmem>>) dst(%dma_wait3A_327 : memref<4x2048xf32, #tpu.memory_space<hbm>>)
      %add3A_328 = arith.constant 2 : i32
      %add3A_329 = arith.addi %add3A_274, %add3A_328 : i32
      %dma_start3A_330 = arith.constant 0 : i32
      %dma_start3A_331 = tpu.memref_slice %arg6[%add3A_329, %dma_start3A_330] : memref<32x4xi32, #tpu.memory_space<vmem>> -> memref<1x4xi32, #tpu.memory_space<vmem>>
      %dma_start3A_332 = tpu.memref_squeeze %dma_start3A_331 : memref<1x4xi32, #tpu.memory_space<vmem>> -> memref<4xi32, #tpu.memory_space<vmem>>
      %dma_start3A_333 = arith.constant 0 : i32
      %dma_start3A_334 = arith.constant 0 : i32
      %dma_start3A_335 = tpu.memref_slice %arg3[%dma_start3A_333, %dma_start3A_334] : memref<15232x2048xf32, #tpu.memory_space<hbm>> -> memref<15232x2048xf32, #tpu.memory_space<hbm>>
      tpu.enqueue_indirect_dma source(%dma_start3A_335 : memref<15232x2048xf32, #tpu.memory_space<hbm>>) target(%arg11 : memref<4x2048xf32, #tpu.memory_space<vmem>>) offsets(%dma_start3A_332 : memref<4xi32, #tpu.memory_space<vmem>>) semaphore(%arg19 : memref<!tpu.dma_semaphore, #tpu.memory_space<semaphore_mem>>)
      %mul3A_336 = arith.constant 4 : i32
      %mul3A_337 = arith.muli %add3A_329, %mul3A_336 : i32
      %add3A_338 = arith.addi %mul3A_2, %mul3A_337 : i32
      %dma_start3A_339 = arith.constant 0 : i32
      %dma_start3A_340 = tpu.memref_slice %arg2[%add3A_338, %dma_start3A_339] : memref<4096x2048xf32, #tpu.memory_space<hbm>> -> memref<4x2048xf32, #tpu.memory_space<hbm>>
      %dma_start3A_341 = arith.constant 0 : i32
      %dma_start3A_342 = tpu.memref_slice %arg2[%add3A_338, %dma_start3A_341] : memref<4096x2048xf32, #tpu.memory_space<hbm>> -> memref<4x2048xf32, #tpu.memory_space<hbm>>
      tpu.enqueue_dma source(%dma_start3A_342 : memref<4x2048xf32, #tpu.memory_space<hbm>>) target(%arg7 : memref<4x2048xf32, #tpu.memory_space<vmem>>) target_semaphore(%arg15 : memref<!tpu.dma_semaphore, #tpu.memory_space<semaphore_mem>>)
      %add3A_343 = arith.constant 1 : i32
      %add3A_344 = arith.addi %add3A_272, %add3A_343 : i32
      %dma_wait3A_345 = arith.constant 0 : i32
      %dma_wait3A_346 = arith.constant 0 : i32
      %dma_wait3A_347 = tpu.memref_slice %arg2[%dma_wait3A_345, %dma_wait3A_346] : memref<4096x2048xf32, #tpu.memory_space<hbm>> -> memref<4x2048xf32, #tpu.memory_space<hbm>>
      %dma_wait3A_348 = arith.constant 0 : i32
      %dma_wait3A_349 = arith.constant 0 : i32
      %dma_wait3A_350 = tpu.memref_slice %arg2[%dma_wait3A_348, %dma_wait3A_349] : memref<4096x2048xf32, #tpu.memory_space<hbm>> -> memref<4x2048xf32, #tpu.memory_space<hbm>>
      tpu.wait_dma2 semaphore(%arg18 : memref<!tpu.dma_semaphore, #tpu.memory_space<semaphore_mem>>) src(%dma_wait3A_350 : memref<4x2048xf32, #tpu.memory_space<hbm>>) dst(%arg10 : memref<4x2048xf32, #tpu.memory_space<vmem>>)
      %dma_wait3A_351 = arith.constant 0 : i32
      %dma_wait3A_352 = arith.constant 0 : i32
      %dma_wait3A_353 = tpu.memref_slice %arg3[%dma_wait3A_351, %dma_wait3A_352] : memref<15232x2048xf32, #tpu.memory_space<hbm>> -> memref<4x2048xf32, #tpu.memory_space<hbm>>
      %dma_wait3A_354 = arith.constant 0 : i32
      %dma_wait3A_355 = arith.constant 0 : i32
      %dma_wait3A_356 = tpu.memref_slice %arg3[%dma_wait3A_354, %dma_wait3A_355] : memref<15232x2048xf32, #tpu.memory_space<hbm>> -> memref<4x2048xf32, #tpu.memory_space<hbm>>
      tpu.wait_dma2 semaphore(%arg22 : memref<!tpu.dma_semaphore, #tpu.memory_space<semaphore_mem>>) src(%dma_wait3A_356 : memref<4x2048xf32, #tpu.memory_space<hbm>>) dst(%arg14 : memref<4x2048xf32, #tpu.memory_space<vmem>>)
      %scan3A_357 = arith.constant 0 : i32
      %scan3A_358 = arith.constant 0 : i32
      %scan3A_359 = arith.constant 16 : i32
      %scan3A_360 = arith.addi %scan3A_358, %scan3A_359 : i32
      %scan3A_361 = arith.constant 1 : i32
      %scan3A_362 = scf.for %scan3A_554 = %scan3A_358 to %scan3A_360 step %scan3A_361 iter_args(%scan3A_555 = %scan3A_357) -> (i32)  : i32 {
        %mul3A_556 = arith.constant 128 : i32
        %mul3A_557 = arith.muli %scan3A_554, %mul3A_556 : i32
        %add3A_558 = arith.constant 0 : i32
        %add3A_559 = arith.addi %mul3A_557, %add3A_558 : i32
        %get3A = arith.constant 0 : i32
        %get3A_560 = arith.index_cast %get3A : i32 to index
        %get3A_561 = arith.index_cast %add3A_559 : i32 to index
        %get3A_562 = tpu.vector_load %arg14[%get3A_560, %get3A_561] {strides = array<i32>} : memref<4x2048xf32, #tpu.memory_space<vmem>>, vector<1x16xf32>,
        %get3A_563 = vector.shape_cast %get3A_562 : vector<1x16xf32> to vector<16xf32>
        %swap3A = arith.constant 0 : i32
        %swap3A_564 = arith.index_cast %swap3A : i32 to index
        %swap3A_565 = arith.index_cast %add3A_559 : i32 to index
        %swap3A_566 = tpu.vector_load %arg10[%swap3A_564, %swap3A_565] {strides = array<i32>} : memref<4x2048xf32, #tpu.memory_space<vmem>>, vector<1x16xf32>,
        %swap3A_567 = vector.shape_cast %swap3A_566 : vector<1x16xf32> to vector<16xf32>
        %swap3A_568 = vector.shape_cast %get3A_563 : vector<16xf32> to vector<1x16xf32>
        tpu.vector_store %arg10[%swap3A_564, %swap3A_565], %swap3A_568 {add = true, strides = array<i32>} : memref<4x2048xf32, #tpu.memory_space<vmem>>, vector<1x16xf32>,
        %add3A_569 = arith.constant 16 : i32
        %add3A_570 = arith.addi %mul3A_557, %add3A_569 : i32
        %get3A_571 = arith.constant 0 : i32
        %get3A_572 = arith.index_cast %get3A_571 : i32 to index
        %get3A_573 = arith.index_cast %add3A_570 : i32 to index
        %get3A_574 = tpu.vector_load %arg14[%get3A_572, %get3A_573] {strides = array<i32>} : memref<4x2048xf32, #tpu.memory_space<vmem>>, vector<1x16xf32>,
        %get3A_575 = vector.shape_cast %get3A_574 : vector<1x16xf32> to vector<16xf32>
        %swap3A_576 = arith.constant 0 : i32
        %swap3A_577 = arith.index_cast %swap3A_576 : i32 to index
        %swap3A_578 = arith.index_cast %add3A_570 : i32 to index
        %swap3A_579 = tpu.vector_load %arg10[%swap3A_577, %swap3A_578] {strides = array<i32>} : memref<4x2048xf32, #tpu.memory_space<vmem>>, vector<1x16xf32>,
        %swap3A_580 = vector.shape_cast %swap3A_579 : vector<1x16xf32> to vector<16xf32>
        %swap3A_581 = vector.shape_cast %get3A_575 : vector<16xf32> to vector<1x16xf32>
        tpu.vector_store %arg10[%swap3A_577, %swap3A_578], %swap3A_581 {add = true, strides = array<i32>} : memref<4x2048xf32, #tpu.memory_space<vmem>>, vector<1x16xf32>,
        %add3A_582 = arith.constant 32 : i32
        %add3A_583 = arith.addi %mul3A_557, %add3A_582 : i32
        %get3A_584 = arith.constant 0 : i32
        %get3A_585 = arith.index_cast %get3A_584 : i32 to index
        %get3A_586 = arith.index_cast %add3A_583 : i32 to index
        %get3A_587 = tpu.vector_load %arg14[%get3A_585, %get3A_586] {strides = array<i32>} : memref<4x2048xf32, #tpu.memory_space<vmem>>, vector<1x16xf32>,
        %get3A_588 = vector.shape_cast %get3A_587 : vector<1x16xf32> to vector<16xf32>
        %swap3A_589 = arith.constant 0 : i32
        %swap3A_590 = arith.index_cast %swap3A_589 : i32 to index
        %swap3A_591 = arith.index_cast %add3A_583 : i32 to index
        %swap3A_592 = tpu.vector_load %arg10[%swap3A_590, %swap3A_591] {strides = array<i32>} : memref<4x2048xf32, #tpu.memory_space<vmem>>, vector<1x16xf32>,
        %swap3A_593 = vector.shape_cast %swap3A_592 : vector<1x16xf32> to vector<16xf32>
        %swap3A_594 = vector.shape_cast %get3A_588 : vector<16xf32> to vector<1x16xf32>
        tpu.vector_store %arg10[%swap3A_590, %swap3A_591], %swap3A_594 {add = true, strides = array<i32>} : memref<4x2048xf32, #tpu.memory_space<vmem>>, vector<1x16xf32>,
        %add3A_595 = arith.constant 48 : i32
        %add3A_596 = arith.addi %mul3A_557, %add3A_595 : i32
        %get3A_597 = arith.constant 0 : i32
        %get3A_598 = arith.index_cast %get3A_597 : i32 to index
        %get3A_599 = arith.index_cast %add3A_596 : i32 to index
        %get3A_600 = tpu.vector_load %arg14[%get3A_598, %get3A_599] {strides = array<i32>} : memref<4x2048xf32, #tpu.memory_space<vmem>>, vector<1x16xf32>,
        %get3A_601 = vector.shape_cast %get3A_600 : vector<1x16xf32> to vector<16xf32>
        %swap3A_602 = arith.constant 0 : i32
        %swap3A_603 = arith.index_cast %swap3A_602 : i32 to index
        %swap3A_604 = arith.index_cast %add3A_596 : i32 to index
        %swap3A_605 = tpu.vector_load %arg10[%swap3A_603, %swap3A_604] {strides = array<i32>} : memref<4x2048xf32, #tpu.memory_space<vmem>>, vector<1x16xf32>,
        %swap3A_606 = vector.shape_cast %swap3A_605 : vector<1x16xf32> to vector<16xf32>
        %swap3A_607 = vector.shape_cast %get3A_601 : vector<16xf32> to vector<1x16xf32>
        tpu.vector_store %arg10[%swap3A_603, %swap3A_604], %swap3A_607 {add = true, strides = array<i32>} : memref<4x2048xf32, #tpu.memory_space<vmem>>, vector<1x16xf32>,
        %add3A_608 = arith.constant 64 : i32
        %add3A_609 = arith.addi %mul3A_557, %add3A_608 : i32
        %get3A_610 = arith.constant 0 : i32
        %get3A_611 = arith.index_cast %get3A_610 : i32 to index
        %get3A_612 = arith.index_cast %add3A_609 : i32 to index
        %get3A_613 = tpu.vector_load %arg14[%get3A_611, %get3A_612] {strides = array<i32>} : memref<4x2048xf32, #tpu.memory_space<vmem>>, vector<1x16xf32>,
        %get3A_614 = vector.shape_cast %get3A_613 : vector<1x16xf32> to vector<16xf32>
        %swap3A_615 = arith.constant 0 : i32
        %swap3A_616 = arith.index_cast %swap3A_615 : i32 to index
        %swap3A_617 = arith.index_cast %add3A_609 : i32 to index
        %swap3A_618 = tpu.vector_load %arg10[%swap3A_616, %swap3A_617] {strides = array<i32>} : memref<4x2048xf32, #tpu.memory_space<vmem>>, vector<1x16xf32>,
        %swap3A_619 = vector.shape_cast %swap3A_618 : vector<1x16xf32> to vector<16xf32>
        %swap3A_620 = vector.shape_cast %get3A_614 : vector<16xf32> to vector<1x16xf32>
        tpu.vector_store %arg10[%swap3A_616, %swap3A_617], %swap3A_620 {add = true, strides = array<i32>} : memref<4x2048xf32, #tpu.memory_space<vmem>>, vector<1x16xf32>,
        %add3A_621 = arith.constant 80 : i32
        %add3A_622 = arith.addi %mul3A_557, %add3A_621 : i32
        %get3A_623 = arith.constant 0 : i32
        %get3A_624 = arith.index_cast %get3A_623 : i32 to index
        %get3A_625 = arith.index_cast %add3A_622 : i32 to index
        %get3A_626 = tpu.vector_load %arg14[%get3A_624, %get3A_625] {strides = array<i32>} : memref<4x2048xf32, #tpu.memory_space<vmem>>, vector<1x16xf32>,
        %get3A_627 = vector.shape_cast %get3A_626 : vector<1x16xf32> to vector<16xf32>
        %swap3A_628 = arith.constant 0 : i32
        %swap3A_629 = arith.index_cast %swap3A_628 : i32 to index
        %swap3A_630 = arith.index_cast %add3A_622 : i32 to index
        %swap3A_631 = tpu.vector_load %arg10[%swap3A_629, %swap3A_630] {strides = array<i32>} : memref<4x2048xf32, #tpu.memory_space<vmem>>, vector<1x16xf32>,
        %swap3A_632 = vector.shape_cast %swap3A_631 : vector<1x16xf32> to vector<16xf32>
        %swap3A_633 = vector.shape_cast %get3A_627 : vector<16xf32> to vector<1x16xf32>
        tpu.vector_store %arg10[%swap3A_629, %swap3A_630], %swap3A_633 {add = true, strides = array<i32>} : memref<4x2048xf32, #tpu.memory_space<vmem>>, vector<1x16xf32>,
        %add3A_634 = arith.constant 96 : i32
        %add3A_635 = arith.addi %mul3A_557, %add3A_634 : i32
        %get3A_636 = arith.constant 0 : i32
        %get3A_637 = arith.index_cast %get3A_636 : i32 to index
        %get3A_638 = arith.index_cast %add3A_635 : i32 to index
        %get3A_639 = tpu.vector_load %arg14[%get3A_637, %get3A_638] {strides = array<i32>} : memref<4x2048xf32, #tpu.memory_space<vmem>>, vector<1x16xf32>,
        %get3A_640 = vector.shape_cast %get3A_639 : vector<1x16xf32> to vector<16xf32>
        %swap3A_641 = arith.constant 0 : i32
        %swap3A_642 = arith.index_cast %swap3A_641 : i32 to index
        %swap3A_643 = arith.index_cast %add3A_635 : i32 to index
        %swap3A_644 = tpu.vector_load %arg10[%swap3A_642, %swap3A_643] {strides = array<i32>} : memref<4x2048xf32, #tpu.memory_space<vmem>>, vector<1x16xf32>,
        %swap3A_645 = vector.shape_cast %swap3A_644 : vector<1x16xf32> to vector<16xf32>
        %swap3A_646 = vector.shape_cast %get3A_640 : vector<16xf32> to vector<1x16xf32>
        tpu.vector_store %arg10[%swap3A_642, %swap3A_643], %swap3A_646 {add = true, strides = array<i32>} : memref<4x2048xf32, #tpu.memory_space<vmem>>, vector<1x16xf32>,
        %add3A_647 = arith.constant 112 : i32
        %add3A_648 = arith.addi %mul3A_557, %add3A_647 : i32
        %get3A_649 = arith.constant 0 : i32
        %get3A_650 = arith.index_cast %get3A_649 : i32 to index
        %get3A_651 = arith.index_cast %add3A_648 : i32 to index
        %get3A_652 = tpu.vector_load %arg14[%get3A_650, %get3A_651] {strides = array<i32>} : memref<4x2048xf32, #tpu.memory_space<vmem>>, vector<1x16xf32>,
        %get3A_653 = vector.shape_cast %get3A_652 : vector<1x16xf32> to vector<16xf32>
        %swap3A_654 = arith.constant 0 : i32
        %swap3A_655 = arith.index_cast %swap3A_654 : i32 to index
        %swap3A_656 = arith.index_cast %add3A_648 : i32 to index
        %swap3A_657 = tpu.vector_load %arg10[%swap3A_655, %swap3A_656] {strides = array<i32>} : memref<4x2048xf32, #tpu.memory_space<vmem>>, vector<1x16xf32>,
        %swap3A_658 = vector.shape_cast %swap3A_657 : vector<1x16xf32> to vector<16xf32>
        %swap3A_659 = vector.shape_cast %get3A_653 : vector<16xf32> to vector<1x16xf32>
        tpu.vector_store %arg10[%swap3A_655, %swap3A_656], %swap3A_659 {add = true, strides = array<i32>} : memref<4x2048xf32, #tpu.memory_space<vmem>>, vector<1x16xf32>,
        %scan3A_660 = arith.constant 0 : i32
        scf.yield %scan3A_660 : i32
      }
      %scan3A_363 = arith.constant 16 : i32
      %scan3A_364 = arith.constant 0 : i32
      %scan3A_365 = arith.constant 0 : i32
      %scan3A_366 = arith.constant 16 : i32
      %scan3A_367 = arith.addi %scan3A_365, %scan3A_366 : i32
      %scan3A_368 = arith.constant 1 : i32
      %scan3A_369 = scf.for %scan3A_554 = %scan3A_365 to %scan3A_367 step %scan3A_368 iter_args(%scan3A_555 = %scan3A_364) -> (i32)  : i32 {
        %mul3A_556 = arith.constant 128 : i32
        %mul3A_557 = arith.muli %scan3A_554, %mul3A_556 : i32
        %add3A_558 = arith.constant 0 : i32
        %add3A_559 = arith.addi %mul3A_557, %add3A_558 : i32
        %get3A = arith.constant 1 : i32
        %get3A_560 = arith.index_cast %get3A : i32 to index
        %get3A_561 = arith.index_cast %add3A_559 : i32 to index
        %get3A_562 = tpu.vector_load %arg14[%get3A_560, %get3A_561] {strides = array<i32>} : memref<4x2048xf32, #tpu.memory_space<vmem>>, vector<1x16xf32>,
        %get3A_563 = vector.shape_cast %get3A_562 : vector<1x16xf32> to vector<16xf32>
        %swap3A = arith.constant 1 : i32
        %swap3A_564 = arith.index_cast %swap3A : i32 to index
        %swap3A_565 = arith.index_cast %add3A_559 : i32 to index
        %swap3A_566 = tpu.vector_load %arg10[%swap3A_564, %swap3A_565] {strides = array<i32>} : memref<4x2048xf32, #tpu.memory_space<vmem>>, vector<1x16xf32>,
        %swap3A_567 = vector.shape_cast %swap3A_566 : vector<1x16xf32> to vector<16xf32>
        %swap3A_568 = vector.shape_cast %get3A_563 : vector<16xf32> to vector<1x16xf32>
        tpu.vector_store %arg10[%swap3A_564, %swap3A_565], %swap3A_568 {add = true, strides = array<i32>} : memref<4x2048xf32, #tpu.memory_space<vmem>>, vector<1x16xf32>,
        %add3A_569 = arith.constant 16 : i32
        %add3A_570 = arith.addi %mul3A_557, %add3A_569 : i32
        %get3A_571 = arith.constant 1 : i32
        %get3A_572 = arith.index_cast %get3A_571 : i32 to index
        %get3A_573 = arith.index_cast %add3A_570 : i32 to index
        %get3A_574 = tpu.vector_load %arg14[%get3A_572, %get3A_573] {strides = array<i32>} : memref<4x2048xf32, #tpu.memory_space<vmem>>, vector<1x16xf32>,
        %get3A_575 = vector.shape_cast %get3A_574 : vector<1x16xf32> to vector<16xf32>
        %swap3A_576 = arith.constant 1 : i32
        %swap3A_577 = arith.index_cast %swap3A_576 : i32 to index
        %swap3A_578 = arith.index_cast %add3A_570 : i32 to index
        %swap3A_579 = tpu.vector_load %arg10[%swap3A_577, %swap3A_578] {strides = array<i32>} : memref<4x2048xf32, #tpu.memory_space<vmem>>, vector<1x16xf32>,
        %swap3A_580 = vector.shape_cast %swap3A_579 : vector<1x16xf32> to vector<16xf32>
        %swap3A_581 = vector.shape_cast %get3A_575 : vector<16xf32> to vector<1x16xf32>
        tpu.vector_store %arg10[%swap3A_577, %swap3A_578], %swap3A_581 {add = true, strides = array<i32>} : memref<4x2048xf32, #tpu.memory_space<vmem>>, vector<1x16xf32>,
        %add3A_582 = arith.constant 32 : i32
        %add3A_583 = arith.addi %mul3A_557, %add3A_582 : i32
        %get3A_584 = arith.constant 1 : i32
        %get3A_585 = arith.index_cast %get3A_584 : i32 to index
        %get3A_586 = arith.index_cast %add3A_583 : i32 to index
        %get3A_587 = tpu.vector_load %arg14[%get3A_585, %get3A_586] {strides = array<i32>} : memref<4x2048xf32, #tpu.memory_space<vmem>>, vector<1x16xf32>,
        %get3A_588 = vector.shape_cast %get3A_587 : vector<1x16xf32> to vector<16xf32>
        %swap3A_589 = arith.constant 1 : i32
        %swap3A_590 = arith.index_cast %swap3A_589 : i32 to index
        %swap3A_591 = arith.index_cast %add3A_583 : i32 to index
        %swap3A_592 = tpu.vector_load %arg10[%swap3A_590, %swap3A_591] {strides = array<i32>} : memref<4x2048xf32, #tpu.memory_space<vmem>>, vector<1x16xf32>,
        %swap3A_593 = vector.shape_cast %swap3A_592 : vector<1x16xf32> to vector<16xf32>
        %swap3A_594 = vector.shape_cast %get3A_588 : vector<16xf32> to vector<1x16xf32>
        tpu.vector_store %arg10[%swap3A_590, %swap3A_591], %swap3A_594 {add = true, strides = array<i32>} : memref<4x2048xf32, #tpu.memory_space<vmem>>, vector<1x16xf32>,
        %add3A_595 = arith.constant 48 : i32
        %add3A_596 = arith.addi %mul3A_557, %add3A_595 : i32
        %get3A_597 = arith.constant 1 : i32
        %get3A_598 = arith.index_cast %get3A_597 : i32 to index
        %get3A_599 = arith.index_cast %add3A_596 : i32 to index
        %get3A_600 = tpu.vector_load %arg14[%get3A_598, %get3A_599] {strides = array<i32>} : memref<4x2048xf32, #tpu.memory_space<vmem>>, vector<1x16xf32>,
        %get3A_601 = vector.shape_cast %get3A_600 : vector<1x16xf32> to vector<16xf32>
        %swap3A_602 = arith.constant 1 : i32
        %swap3A_603 = arith.index_cast %swap3A_602 : i32 to index
        %swap3A_604 = arith.index_cast %add3A_596 : i32 to index
        %swap3A_605 = tpu.vector_load %arg10[%swap3A_603, %swap3A_604] {strides = array<i32>} : memref<4x2048xf32, #tpu.memory_space<vmem>>, vector<1x16xf32>,
        %swap3A_606 = vector.shape_cast %swap3A_605 : vector<1x16xf32> to vector<16xf32>
        %swap3A_607 = vector.shape_cast %get3A_601 : vector<16xf32> to vector<1x16xf32>
        tpu.vector_store %arg10[%swap3A_603, %swap3A_604], %swap3A_607 {add = true, strides = array<i32>} : memref<4x2048xf32, #tpu.memory_space<vmem>>, vector<1x16xf32>,
        %add3A_608 = arith.constant 64 : i32
        %add3A_609 = arith.addi %mul3A_557, %add3A_608 : i32
        %get3A_610 = arith.constant 1 : i32
        %get3A_611 = arith.index_cast %get3A_610 : i32 to index
        %get3A_612 = arith.index_cast %add3A_609 : i32 to index
        %get3A_613 = tpu.vector_load %arg14[%get3A_611, %get3A_612] {strides = array<i32>} : memref<4x2048xf32, #tpu.memory_space<vmem>>, vector<1x16xf32>,
        %get3A_614 = vector.shape_cast %get3A_613 : vector<1x16xf32> to vector<16xf32>
        %swap3A_615 = arith.constant 1 : i32
        %swap3A_616 = arith.index_cast %swap3A_615 : i32 to index
        %swap3A_617 = arith.index_cast %add3A_609 : i32 to index
        %swap3A_618 = tpu.vector_load %arg10[%swap3A_616, %swap3A_617] {strides = array<i32>} : memref<4x2048xf32, #tpu.memory_space<vmem>>, vector<1x16xf32>,
        %swap3A_619 = vector.shape_cast %swap3A_618 : vector<1x16xf32> to vector<16xf32>
        %swap3A_620 = vector.shape_cast %get3A_614 : vector<16xf32> to vector<1x16xf32>
        tpu.vector_store %arg10[%swap3A_616, %swap3A_617], %swap3A_620 {add = true, strides = array<i32>} : memref<4x2048xf32, #tpu.memory_space<vmem>>, vector<1x16xf32>,
        %add3A_621 = arith.constant 80 : i32
        %add3A_622 = arith.addi %mul3A_557, %add3A_621 : i32
        %get3A_623 = arith.constant 1 : i32
        %get3A_624 = arith.index_cast %get3A_623 : i32 to index
        %get3A_625 = arith.index_cast %add3A_622 : i32 to index
        %get3A_626 = tpu.vector_load %arg14[%get3A_624, %get3A_625] {strides = array<i32>} : memref<4x2048xf32, #tpu.memory_space<vmem>>, vector<1x16xf32>,
        %get3A_627 = vector.shape_cast %get3A_626 : vector<1x16xf32> to vector<16xf32>
        %swap3A_628 = arith.constant 1 : i32
        %swap3A_629 = arith.index_cast %swap3A_628 : i32 to index
        %swap3A_630 = arith.index_cast %add3A_622 : i32 to index
        %swap3A_631 = tpu.vector_load %arg10[%swap3A_629, %swap3A_630] {strides = array<i32>} : memref<4x2048xf32, #tpu.memory_space<vmem>>, vector<1x16xf32>,
        %swap3A_632 = vector.shape_cast %swap3A_631 : vector<1x16xf32> to vector<16xf32>
        %swap3A_633 = vector.shape_cast %get3A_627 : vector<16xf32> to vector<1x16xf32>
        tpu.vector_store %arg10[%swap3A_629, %swap3A_630], %swap3A_633 {add = true, strides = array<i32>} : memref<4x2048xf32, #tpu.memory_space<vmem>>, vector<1x16xf32>,
        %add3A_634 = arith.constant 96 : i32
        %add3A_635 = arith.addi %mul3A_557, %add3A_634 : i32
        %get3A_636 = arith.constant 1 : i32
        %get3A_637 = arith.index_cast %get3A_636 : i32 to index
        %get3A_638 = arith.index_cast %add3A_635 : i32 to index
        %get3A_639 = tpu.vector_load %arg14[%get3A_637, %get3A_638] {strides = array<i32>} : memref<4x2048xf32, #tpu.memory_space<vmem>>, vector<1x16xf32>,
        %get3A_640 = vector.shape_cast %get3A_639 : vector<1x16xf32> to vector<16xf32>
        %swap3A_641 = arith.constant 1 : i32
        %swap3A_642 = arith.index_cast %swap3A_641 : i32 to index
        %swap3A_643 = arith.index_cast %add3A_635 : i32 to index
        %swap3A_644 = tpu.vector_load %arg10[%swap3A_642, %swap3A_643] {strides = array<i32>} : memref<4x2048xf32, #tpu.memory_space<vmem>>, vector<1x16xf32>,
        %swap3A_645 = vector.shape_cast %swap3A_644 : vector<1x16xf32> to vector<16xf32>
        %swap3A_646 = vector.shape_cast %get3A_640 : vector<16xf32> to vector<1x16xf32>
        tpu.vector_store %arg10[%swap3A_642, %swap3A_643], %swap3A_646 {add = true, strides = array<i32>} : memref<4x2048xf32, #tpu.memory_space<vmem>>, vector<1x16xf32>,
        %add3A_647 = arith.constant 112 : i32
        %add3A_648 = arith.addi %mul3A_557, %add3A_647 : i32
        %get3A_649 = arith.constant 1 : i32
        %get3A_650 = arith.index_cast %get3A_649 : i32 to index
        %get3A_651 = arith.index_cast %add3A_648 : i32 to index
        %get3A_652 = tpu.vector_load %arg14[%get3A_650, %get3A_651] {strides = array<i32>} : memref<4x2048xf32, #tpu.memory_space<vmem>>, vector<1x16xf32>,
        %get3A_653 = vector.shape_cast %get3A_652 : vector<1x16xf32> to vector<16xf32>
        %swap3A_654 = arith.constant 1 : i32
        %swap3A_655 = arith.index_cast %swap3A_654 : i32 to index
        %swap3A_656 = arith.index_cast %add3A_648 : i32 to index
        %swap3A_657 = tpu.vector_load %arg10[%swap3A_655, %swap3A_656] {strides = array<i32>} : memref<4x2048xf32, #tpu.memory_space<vmem>>, vector<1x16xf32>,
        %swap3A_658 = vector.shape_cast %swap3A_657 : vector<1x16xf32> to vector<16xf32>
        %swap3A_659 = vector.shape_cast %get3A_653 : vector<16xf32> to vector<1x16xf32>
        tpu.vector_store %arg10[%swap3A_655, %swap3A_656], %swap3A_659 {add = true, strides = array<i32>} : memref<4x2048xf32, #tpu.memory_space<vmem>>, vector<1x16xf32>,
        %scan3A_660 = arith.constant 0 : i32
        scf.yield %scan3A_660 : i32
      }
      %scan3A_370 = arith.constant 16 : i32
      %scan3A_371 = arith.constant 0 : i32
      %scan3A_372 = arith.constant 0 : i32
      %scan3A_373 = arith.constant 16 : i32
      %scan3A_374 = arith.addi %scan3A_372, %scan3A_373 : i32
      %scan3A_375 = arith.constant 1 : i32
      %scan3A_376 = scf.for %scan3A_554 = %scan3A_372 to %scan3A_374 step %scan3A_375 iter_args(%scan3A_555 = %scan3A_371) -> (i32)  : i32 {
        %mul3A_556 = arith.constant 128 : i32
        %mul3A_557 = arith.muli %scan3A_554, %mul3A_556 : i32
        %add3A_558 = arith.constant 0 : i32
        %add3A_559 = arith.addi %mul3A_557, %add3A_558 : i32
        %get3A = arith.constant 2 : i32
        %get3A_560 = arith.index_cast %get3A : i32 to index
        %get3A_561 = arith.index_cast %add3A_559 : i32 to index
        %get3A_562 = tpu.vector_load %arg14[%get3A_560, %get3A_561] {strides = array<i32>} : memref<4x2048xf32, #tpu.memory_space<vmem>>, vector<1x16xf32>,
        %get3A_563 = vector.shape_cast %get3A_562 : vector<1x16xf32> to vector<16xf32>
        %swap3A = arith.constant 2 : i32
        %swap3A_564 = arith.index_cast %swap3A : i32 to index
        %swap3A_565 = arith.index_cast %add3A_559 : i32 to index
        %swap3A_566 = tpu.vector_load %arg10[%swap3A_564, %swap3A_565] {strides = array<i32>} : memref<4x2048xf32, #tpu.memory_space<vmem>>, vector<1x16xf32>,
        %swap3A_567 = vector.shape_cast %swap3A_566 : vector<1x16xf32> to vector<16xf32>
        %swap3A_568 = vector.shape_cast %get3A_563 : vector<16xf32> to vector<1x16xf32>
        tpu.vector_store %arg10[%swap3A_564, %swap3A_565], %swap3A_568 {add = true, strides = array<i32>} : memref<4x2048xf32, #tpu.memory_space<vmem>>, vector<1x16xf32>,
        %add3A_569 = arith.constant 16 : i32
        %add3A_570 = arith.addi %mul3A_557, %add3A_569 : i32
        %get3A_571 = arith.constant 2 : i32
        %get3A_572 = arith.index_cast %get3A_571 : i32 to index
        %get3A_573 = arith.index_cast %add3A_570 : i32 to index
        %get3A_574 = tpu.vector_load %arg14[%get3A_572, %get3A_573] {strides = array<i32>} : memref<4x2048xf32, #tpu.memory_space<vmem>>, vector<1x16xf32>,
        %get3A_575 = vector.shape_cast %get3A_574 : vector<1x16xf32> to vector<16xf32>
        %swap3A_576 = arith.constant 2 : i32
        %swap3A_577 = arith.index_cast %swap3A_576 : i32 to index
        %swap3A_578 = arith.index_cast %add3A_570 : i32 to index
        %swap3A_579 = tpu.vector_load %arg10[%swap3A_577, %swap3A_578] {strides = array<i32>} : memref<4x2048xf32, #tpu.memory_space<vmem>>, vector<1x16xf32>,
        %swap3A_580 = vector.shape_cast %swap3A_579 : vector<1x16xf32> to vector<16xf32>
        %swap3A_581 = vector.shape_cast %get3A_575 : vector<16xf32> to vector<1x16xf32>
        tpu.vector_store %arg10[%swap3A_577, %swap3A_578], %swap3A_581 {add = true, strides = array<i32>} : memref<4x2048xf32, #tpu.memory_space<vmem>>, vector<1x16xf32>,
        %add3A_582 = arith.constant 32 : i32
        %add3A_583 = arith.addi %mul3A_557, %add3A_582 : i32
        %get3A_584 = arith.constant 2 : i32
        %get3A_585 = arith.index_cast %get3A_584 : i32 to index
        %get3A_586 = arith.index_cast %add3A_583 : i32 to index
        %get3A_587 = tpu.vector_load %arg14[%get3A_585, %get3A_586] {strides = array<i32>} : memref<4x2048xf32, #tpu.memory_space<vmem>>, vector<1x16xf32>,
        %get3A_588 = vector.shape_cast %get3A_587 : vector<1x16xf32> to vector<16xf32>
        %swap3A_589 = arith.constant 2 : i32
        %swap3A_590 = arith.index_cast %swap3A_589 : i32 to index
        %swap3A_591 = arith.index_cast %add3A_583 : i32 to index
        %swap3A_592 = tpu.vector_load %arg10[%swap3A_590, %swap3A_591] {strides = array<i32>} : memref<4x2048xf32, #tpu.memory_space<vmem>>, vector<1x16xf32>,
        %swap3A_593 = vector.shape_cast %swap3A_592 : vector<1x16xf32> to vector<16xf32>
        %swap3A_594 = vector.shape_cast %get3A_588 : vector<16xf32> to vector<1x16xf32>
        tpu.vector_store %arg10[%swap3A_590, %swap3A_591], %swap3A_594 {add = true, strides = array<i32>} : memref<4x2048xf32, #tpu.memory_space<vmem>>, vector<1x16xf32>,
        %add3A_595 = arith.constant 48 : i32
        %add3A_596 = arith.addi %mul3A_557, %add3A_595 : i32
        %get3A_597 = arith.constant 2 : i32
        %get3A_598 = arith.index_cast %get3A_597 : i32 to index
        %get3A_599 = arith.index_cast %add3A_596 : i32 to index
        %get3A_600 = tpu.vector_load %arg14[%get3A_598, %get3A_599] {strides = array<i32>} : memref<4x2048xf32, #tpu.memory_space<vmem>>, vector<1x16xf32>,
        %get3A_601 = vector.shape_cast %get3A_600 : vector<1x16xf32> to vector<16xf32>
        %swap3A_602 = arith.constant 2 : i32
        %swap3A_603 = arith.index_cast %swap3A_602 : i32 to index
        %swap3A_604 = arith.index_cast %add3A_596 : i32 to index
        %swap3A_605 = tpu.vector_load %arg10[%swap3A_603, %swap3A_604] {strides = array<i32>} : memref<4x2048xf32, #tpu.memory_space<vmem>>, vector<1x16xf32>,
        %swap3A_606 = vector.shape_cast %swap3A_605 : vector<1x16xf32> to vector<16xf32>
        %swap3A_607 = vector.shape_cast %get3A_601 : vector<16xf32> to vector<1x16xf32>
        tpu.vector_store %arg10[%swap3A_603, %swap3A_604], %swap3A_607 {add = true, strides = array<i32>} : memref<4x2048xf32, #tpu.memory_space<vmem>>, vector<1x16xf32>,
        %add3A_608 = arith.constant 64 : i32
        %add3A_609 = arith.addi %mul3A_557, %add3A_608 : i32
        %get3A_610 = arith.constant 2 : i32
        %get3A_611 = arith.index_cast %get3A_610 : i32 to index
        %get3A_612 = arith.index_cast %add3A_609 : i32 to index
        %get3A_613 = tpu.vector_load %arg14[%get3A_611, %get3A_612] {strides = array<i32>} : memref<4x2048xf32, #tpu.memory_space<vmem>>, vector<1x16xf32>,
        %get3A_614 = vector.shape_cast %get3A_613 : vector<1x16xf32> to vector<16xf32>
        %swap3A_615 = arith.constant 2 : i32
        %swap3A_616 = arith.index_cast %swap3A_615 : i32 to index
        %swap3A_617 = arith.index_cast %add3A_609 : i32 to index
        %swap3A_618 = tpu.vector_load %arg10[%swap3A_616, %swap3A_617] {strides = array<i32>} : memref<4x2048xf32, #tpu.memory_space<vmem>>, vector<1x16xf32>,
        %swap3A_619 = vector.shape_cast %swap3A_618 : vector<1x16xf32> to vector<16xf32>
        %swap3A_620 = vector.shape_cast %get3A_614 : vector<16xf32> to vector<1x16xf32>
        tpu.vector_store %arg10[%swap3A_616, %swap3A_617], %swap3A_620 {add = true, strides = array<i32>} : memref<4x2048xf32, #tpu.memory_space<vmem>>, vector<1x16xf32>,
        %add3A_621 = arith.constant 80 : i32
        %add3A_622 = arith.addi %mul3A_557, %add3A_621 : i32
        %get3A_623 = arith.constant 2 : i32
        %get3A_624 = arith.index_cast %get3A_623 : i32 to index
        %get3A_625 = arith.index_cast %add3A_622 : i32 to index
        %get3A_626 = tpu.vector_load %arg14[%get3A_624, %get3A_625] {strides = array<i32>} : memref<4x2048xf32, #tpu.memory_space<vmem>>, vector<1x16xf32>,
        %get3A_627 = vector.shape_cast %get3A_626 : vector<1x16xf32> to vector<16xf32>
        %swap3A_628 = arith.constant 2 : i32
        %swap3A_629 = arith.index_cast %swap3A_628 : i32 to index
        %swap3A_630 = arith.index_cast %add3A_622 : i32 to index
        %swap3A_631 = tpu.vector_load %arg10[%swap3A_629, %swap3A_630] {strides = array<i32>} : memref<4x2048xf32, #tpu.memory_space<vmem>>, vector<1x16xf32>,
        %swap3A_632 = vector.shape_cast %swap3A_631 : vector<1x16xf32> to vector<16xf32>
        %swap3A_633 = vector.shape_cast %get3A_627 : vector<16xf32> to vector<1x16xf32>
        tpu.vector_store %arg10[%swap3A_629, %swap3A_630], %swap3A_633 {add = true, strides = array<i32>} : memref<4x2048xf32, #tpu.memory_space<vmem>>, vector<1x16xf32>,
        %add3A_634 = arith.constant 96 : i32
        %add3A_635 = arith.addi %mul3A_557, %add3A_634 : i32
        %get3A_636 = arith.constant 2 : i32
        %get3A_637 = arith.index_cast %get3A_636 : i32 to index
        %get3A_638 = arith.index_cast %add3A_635 : i32 to index
        %get3A_639 = tpu.vector_load %arg14[%get3A_637, %get3A_638] {strides = array<i32>} : memref<4x2048xf32, #tpu.memory_space<vmem>>, vector<1x16xf32>,
        %get3A_640 = vector.shape_cast %get3A_639 : vector<1x16xf32> to vector<16xf32>
        %swap3A_641 = arith.constant 2 : i32
        %swap3A_642 = arith.index_cast %swap3A_641 : i32 to index
        %swap3A_643 = arith.index_cast %add3A_635 : i32 to index
        %swap3A_644 = tpu.vector_load %arg10[%swap3A_642, %swap3A_643] {strides = array<i32>} : memref<4x2048xf32, #tpu.memory_space<vmem>>, vector<1x16xf32>,
        %swap3A_645 = vector.shape_cast %swap3A_644 : vector<1x16xf32> to vector<16xf32>
        %swap3A_646 = vector.shape_cast %get3A_640 : vector<16xf32> to vector<1x16xf32>
        tpu.vector_store %arg10[%swap3A_642, %swap3A_643], %swap3A_646 {add = true, strides = array<i32>} : memref<4x2048xf32, #tpu.memory_space<vmem>>, vector<1x16xf32>,
        %add3A_647 = arith.constant 112 : i32
        %add3A_648 = arith.addi %mul3A_557, %add3A_647 : i32
        %get3A_649 = arith.constant 2 : i32
        %get3A_650 = arith.index_cast %get3A_649 : i32 to index
        %get3A_651 = arith.index_cast %add3A_648 : i32 to index
        %get3A_652 = tpu.vector_load %arg14[%get3A_650, %get3A_651] {strides = array<i32>} : memref<4x2048xf32, #tpu.memory_space<vmem>>, vector<1x16xf32>,
        %get3A_653 = vector.shape_cast %get3A_652 : vector<1x16xf32> to vector<16xf32>
        %swap3A_654 = arith.constant 2 : i32
        %swap3A_655 = arith.index_cast %swap3A_654 : i32 to index
        %swap3A_656 = arith.index_cast %add3A_648 : i32 to index
        %swap3A_657 = tpu.vector_load %arg10[%swap3A_655, %swap3A_656] {strides = array<i32>} : memref<4x2048xf32, #tpu.memory_space<vmem>>, vector<1x16xf32>,
        %swap3A_658 = vector.shape_cast %swap3A_657 : vector<1x16xf32> to vector<16xf32>
        %swap3A_659 = vector.shape_cast %get3A_653 : vector<16xf32> to vector<1x16xf32>
        tpu.vector_store %arg10[%swap3A_655, %swap3A_656], %swap3A_659 {add = true, strides = array<i32>} : memref<4x2048xf32, #tpu.memory_space<vmem>>, vector<1x16xf32>,
        %scan3A_660 = arith.constant 0 : i32
        scf.yield %scan3A_660 : i32
      }
      %scan3A_377 = arith.constant 16 : i32
      %scan3A_378 = arith.constant 0 : i32
      %scan3A_379 = arith.constant 0 : i32
      %scan3A_380 = arith.constant 16 : i32
      %scan3A_381 = arith.addi %scan3A_379, %scan3A_380 : i32
      %scan3A_382 = arith.constant 1 : i32
      %scan3A_383 = scf.for %scan3A_554 = %scan3A_379 to %scan3A_381 step %scan3A_382 iter_args(%scan3A_555 = %scan3A_378) -> (i32)  : i32 {
        %mul3A_556 = arith.constant 128 : i32
        %mul3A_557 = arith.muli %scan3A_554, %mul3A_556 : i32
        %add3A_558 = arith.constant 0 : i32
        %add3A_559 = arith.addi %mul3A_557, %add3A_558 : i32
        %get3A = arith.constant 3 : i32
        %get3A_560 = arith.index_cast %get3A : i32 to index
        %get3A_561 = arith.index_cast %add3A_559 : i32 to index
        %get3A_562 = tpu.vector_load %arg14[%get3A_560, %get3A_561] {strides = array<i32>} : memref<4x2048xf32, #tpu.memory_space<vmem>>, vector<1x16xf32>,
        %get3A_563 = vector.shape_cast %get3A_562 : vector<1x16xf32> to vector<16xf32>
        %swap3A = arith.constant 3 : i32
        %swap3A_564 = arith.index_cast %swap3A : i32 to index
        %swap3A_565 = arith.index_cast %add3A_559 : i32 to index
        %swap3A_566 = tpu.vector_load %arg10[%swap3A_564, %swap3A_565] {strides = array<i32>} : memref<4x2048xf32, #tpu.memory_space<vmem>>, vector<1x16xf32>,
        %swap3A_567 = vector.shape_cast %swap3A_566 : vector<1x16xf32> to vector<16xf32>
        %swap3A_568 = vector.shape_cast %get3A_563 : vector<16xf32> to vector<1x16xf32>
        tpu.vector_store %arg10[%swap3A_564, %swap3A_565], %swap3A_568 {add = true, strides = array<i32>} : memref<4x2048xf32, #tpu.memory_space<vmem>>, vector<1x16xf32>,
        %add3A_569 = arith.constant 16 : i32
        %add3A_570 = arith.addi %mul3A_557, %add3A_569 : i32
        %get3A_571 = arith.constant 3 : i32
        %get3A_572 = arith.index_cast %get3A_571 : i32 to index
        %get3A_573 = arith.index_cast %add3A_570 : i32 to index
        %get3A_574 = tpu.vector_load %arg14[%get3A_572, %get3A_573] {strides = array<i32>} : memref<4x2048xf32, #tpu.memory_space<vmem>>, vector<1x16xf32>,
        %get3A_575 = vector.shape_cast %get3A_574 : vector<1x16xf32> to vector<16xf32>
        %swap3A_576 = arith.constant 3 : i32
        %swap3A_577 = arith.index_cast %swap3A_576 : i32 to index
        %swap3A_578 = arith.index_cast %add3A_570 : i32 to index
        %swap3A_579 = tpu.vector_load %arg10[%swap3A_577, %swap3A_578] {strides = array<i32>} : memref<4x2048xf32, #tpu.memory_space<vmem>>, vector<1x16xf32>,
        %swap3A_580 = vector.shape_cast %swap3A_579 : vector<1x16xf32> to vector<16xf32>
        %swap3A_581 = vector.shape_cast %get3A_575 : vector<16xf32> to vector<1x16xf32>
        tpu.vector_store %arg10[%swap3A_577, %swap3A_578], %swap3A_581 {add = true, strides = array<i32>} : memref<4x2048xf32, #tpu.memory_space<vmem>>, vector<1x16xf32>,
        %add3A_582 = arith.constant 32 : i32
        %add3A_583 = arith.addi %mul3A_557, %add3A_582 : i32
        %get3A_584 = arith.constant 3 : i32
        %get3A_585 = arith.index_cast %get3A_584 : i32 to index
        %get3A_586 = arith.index_cast %add3A_583 : i32 to index
        %get3A_587 = tpu.vector_load %arg14[%get3A_585, %get3A_586] {strides = array<i32>} : memref<4x2048xf32, #tpu.memory_space<vmem>>, vector<1x16xf32>,
        %get3A_588 = vector.shape_cast %get3A_587 : vector<1x16xf32> to vector<16xf32>
        %swap3A_589 = arith.constant 3 : i32
        %swap3A_590 = arith.index_cast %swap3A_589 : i32 to index
        %swap3A_591 = arith.index_cast %add3A_583 : i32 to index
        %swap3A_592 = tpu.vector_load %arg10[%swap3A_590, %swap3A_591] {strides = array<i32>} : memref<4x2048xf32, #tpu.memory_space<vmem>>, vector<1x16xf32>,
        %swap3A_593 = vector.shape_cast %swap3A_592 : vector<1x16xf32> to vector<16xf32>
        %swap3A_594 = vector.shape_cast %get3A_588 : vector<16xf32> to vector<1x16xf32>
        tpu.vector_store %arg10[%swap3A_590, %swap3A_591], %swap3A_594 {add = true, strides = array<i32>} : memref<4x2048xf32, #tpu.memory_space<vmem>>, vector<1x16xf32>,
        %add3A_595 = arith.constant 48 : i32
        %add3A_596 = arith.addi %mul3A_557, %add3A_595 : i32
        %get3A_597 = arith.constant 3 : i32
        %get3A_598 = arith.index_cast %get3A_597 : i32 to index
        %get3A_599 = arith.index_cast %add3A_596 : i32 to index
        %get3A_600 = tpu.vector_load %arg14[%get3A_598, %get3A_599] {strides = array<i32>} : memref<4x2048xf32, #tpu.memory_space<vmem>>, vector<1x16xf32>,
        %get3A_601 = vector.shape_cast %get3A_600 : vector<1x16xf32> to vector<16xf32>
        %swap3A_602 = arith.constant 3 : i32
        %swap3A_603 = arith.index_cast %swap3A_602 : i32 to index
        %swap3A_604 = arith.index_cast %add3A_596 : i32 to index
        %swap3A_605 = tpu.vector_load %arg10[%swap3A_603, %swap3A_604] {strides = array<i32>} : memref<4x2048xf32, #tpu.memory_space<vmem>>, vector<1x16xf32>,
        %swap3A_606 = vector.shape_cast %swap3A_605 : vector<1x16xf32> to vector<16xf32>
        %swap3A_607 = vector.shape_cast %get3A_601 : vector<16xf32> to vector<1x16xf32>
        tpu.vector_store %arg10[%swap3A_603, %swap3A_604], %swap3A_607 {add = true, strides = array<i32>} : memref<4x2048xf32, #tpu.memory_space<vmem>>, vector<1x16xf32>,
        %add3A_608 = arith.constant 64 : i32
        %add3A_609 = arith.addi %mul3A_557, %add3A_608 : i32
        %get3A_610 = arith.constant 3 : i32
        %get3A_611 = arith.index_cast %get3A_610 : i32 to index
        %get3A_612 = arith.index_cast %add3A_609 : i32 to index
        %get3A_613 = tpu.vector_load %arg14[%get3A_611, %get3A_612] {strides = array<i32>} : memref<4x2048xf32, #tpu.memory_space<vmem>>, vector<1x16xf32>,
        %get3A_614 = vector.shape_cast %get3A_613 : vector<1x16xf32> to vector<16xf32>
        %swap3A_615 = arith.constant 3 : i32
        %swap3A_616 = arith.index_cast %swap3A_615 : i32 to index
        %swap3A_617 = arith.index_cast %add3A_609 : i32 to index
        %swap3A_618 = tpu.vector_load %arg10[%swap3A_616, %swap3A_617] {strides = array<i32>} : memref<4x2048xf32, #tpu.memory_space<vmem>>, vector<1x16xf32>,
        %swap3A_619 = vector.shape_cast %swap3A_618 : vector<1x16xf32> to vector<16xf32>
        %swap3A_620 = vector.shape_cast %get3A_614 : vector<16xf32> to vector<1x16xf32>
        tpu.vector_store %arg10[%swap3A_616, %swap3A_617], %swap3A_620 {add = true, strides = array<i32>} : memref<4x2048xf32, #tpu.memory_space<vmem>>, vector<1x16xf32>,
        %add3A_621 = arith.constant 80 : i32
        %add3A_622 = arith.addi %mul3A_557, %add3A_621 : i32
        %get3A_623 = arith.constant 3 : i32
        %get3A_624 = arith.index_cast %get3A_623 : i32 to index
        %get3A_625 = arith.index_cast %add3A_622 : i32 to index
        %get3A_626 = tpu.vector_load %arg14[%get3A_624, %get3A_625] {strides = array<i32>} : memref<4x2048xf32, #tpu.memory_space<vmem>>, vector<1x16xf32>,
        %get3A_627 = vector.shape_cast %get3A_626 : vector<1x16xf32> to vector<16xf32>
        %swap3A_628 = arith.constant 3 : i32
        %swap3A_629 = arith.index_cast %swap3A_628 : i32 to index
        %swap3A_630 = arith.index_cast %add3A_622 : i32 to index
        %swap3A_631 = tpu.vector_load %arg10[%swap3A_629, %swap3A_630] {strides = array<i32>} : memref<4x2048xf32, #tpu.memory_space<vmem>>, vector<1x16xf32>,
        %swap3A_632 = vector.shape_cast %swap3A_631 : vector<1x16xf32> to vector<16xf32>
        %swap3A_633 = vector.shape_cast %get3A_627 : vector<16xf32> to vector<1x16xf32>
        tpu.vector_store %arg10[%swap3A_629, %swap3A_630], %swap3A_633 {add = true, strides = array<i32>} : memref<4x2048xf32, #tpu.memory_space<vmem>>, vector<1x16xf32>,
        %add3A_634 = arith.constant 96 : i32
        %add3A_635 = arith.addi %mul3A_557, %add3A_634 : i32
        %get3A_636 = arith.constant 3 : i32
        %get3A_637 = arith.index_cast %get3A_636 : i32 to index
        %get3A_638 = arith.index_cast %add3A_635 : i32 to index
        %get3A_639 = tpu.vector_load %arg14[%get3A_637, %get3A_638] {strides = array<i32>} : memref<4x2048xf32, #tpu.memory_space<vmem>>, vector<1x16xf32>,
        %get3A_640 = vector.shape_cast %get3A_639 : vector<1x16xf32> to vector<16xf32>
        %swap3A_641 = arith.constant 3 : i32
        %swap3A_642 = arith.index_cast %swap3A_641 : i32 to index
        %swap3A_643 = arith.index_cast %add3A_635 : i32 to index
        %swap3A_644 = tpu.vector_load %arg10[%swap3A_642, %swap3A_643] {strides = array<i32>} : memref<4x2048xf32, #tpu.memory_space<vmem>>, vector<1x16xf32>,
        %swap3A_645 = vector.shape_cast %swap3A_644 : vector<1x16xf32> to vector<16xf32>
        %swap3A_646 = vector.shape_cast %get3A_640 : vector<16xf32> to vector<1x16xf32>
        tpu.vector_store %arg10[%swap3A_642, %swap3A_643], %swap3A_646 {add = true, strides = array<i32>} : memref<4x2048xf32, #tpu.memory_space<vmem>>, vector<1x16xf32>,
        %add3A_647 = arith.constant 112 : i32
        %add3A_648 = arith.addi %mul3A_557, %add3A_647 : i32
        %get3A_649 = arith.constant 3 : i32
        %get3A_650 = arith.index_cast %get3A_649 : i32 to index
        %get3A_651 = arith.index_cast %add3A_648 : i32 to index
        %get3A_652 = tpu.vector_load %arg14[%get3A_650, %get3A_651] {strides = array<i32>} : memref<4x2048xf32, #tpu.memory_space<vmem>>, vector<1x16xf32>,
        %get3A_653 = vector.shape_cast %get3A_652 : vector<1x16xf32> to vector<16xf32>
        %swap3A_654 = arith.constant 3 : i32
        %swap3A_655 = arith.index_cast %swap3A_654 : i32 to index
        %swap3A_656 = arith.index_cast %add3A_648 : i32 to index
        %swap3A_657 = tpu.vector_load %arg10[%swap3A_655, %swap3A_656] {strides = array<i32>} : memref<4x2048xf32, #tpu.memory_space<vmem>>, vector<1x16xf32>,
        %swap3A_658 = vector.shape_cast %swap3A_657 : vector<1x16xf32> to vector<16xf32>
        %swap3A_659 = vector.shape_cast %get3A_653 : vector<16xf32> to vector<1x16xf32>
        tpu.vector_store %arg10[%swap3A_655, %swap3A_656], %swap3A_659 {add = true, strides = array<i32>} : memref<4x2048xf32, #tpu.memory_space<vmem>>, vector<1x16xf32>,
        %scan3A_660 = arith.constant 0 : i32
        scf.yield %scan3A_660 : i32
      }
      %scan3A_384 = arith.constant 16 : i32
      %mul3A_385 = arith.constant 4 : i32
      %mul3A_386 = arith.muli %add3A_344, %mul3A_385 : i32
      %add3A_387 = arith.addi %mul3A_2, %mul3A_386 : i32
      %dma_start3A_388 = arith.constant 0 : i32
      %dma_start3A_389 = tpu.memref_slice %arg5[%add3A_387, %dma_start3A_388] : memref<4096x2048xf32, #tpu.memory_space<hbm>> -> memref<4x2048xf32, #tpu.memory_space<hbm>>
      %dma_start3A_390 = arith.constant 0 : i32
      %dma_start3A_391 = tpu.memref_slice %arg5[%add3A_387, %dma_start3A_390] : memref<4096x2048xf32, #tpu.memory_space<hbm>> -> memref<4x2048xf32, #tpu.memory_space<hbm>>
      tpu.enqueue_dma source(%arg10 : memref<4x2048xf32, #tpu.memory_space<vmem>>) target(%dma_start3A_391 : memref<4x2048xf32, #tpu.memory_space<hbm>>) target_semaphore(%arg26 : memref<!tpu.dma_semaphore, #tpu.memory_space<semaphore_mem>>)
      %dma_wait3A_392 = arith.constant 0 : i32
      %dma_wait3A_393 = arith.constant 0 : i32
      %dma_wait3A_394 = tpu.memref_slice %arg5[%dma_wait3A_392, %dma_wait3A_393] : memref<4096x2048xf32, #tpu.memory_space<hbm>> -> memref<4x2048xf32, #tpu.memory_space<hbm>>
      %dma_wait3A_395 = arith.constant 0 : i32
      %dma_wait3A_396 = arith.constant 0 : i32
      %dma_wait3A_397 = tpu.memref_slice %arg5[%dma_wait3A_395, %dma_wait3A_396] : memref<4096x2048xf32, #tpu.memory_space<hbm>> -> memref<4x2048xf32, #tpu.memory_space<hbm>>
      tpu.wait_dma2 semaphore(%arg24 : memref<!tpu.dma_semaphore, #tpu.memory_space<semaphore_mem>>) src(%arg8 : memref<4x2048xf32, #tpu.memory_space<vmem>>) dst(%dma_wait3A_397 : memref<4x2048xf32, #tpu.memory_space<hbm>>)
      %add3A_398 = arith.constant 2 : i32
      %add3A_399 = arith.addi %add3A_344, %add3A_398 : i32
      %dma_start3A_400 = arith.constant 0 : i32
      %dma_start3A_401 = tpu.memref_slice %arg6[%add3A_399, %dma_start3A_400] : memref<32x4xi32, #tpu.memory_space<vmem>> -> memref<1x4xi32, #tpu.memory_space<vmem>>
      %dma_start3A_402 = tpu.memref_squeeze %dma_start3A_401 : memref<1x4xi32, #tpu.memory_space<vmem>> -> memref<4xi32, #tpu.memory_space<vmem>>
      %dma_start3A_403 = arith.constant 0 : i32
      %dma_start3A_404 = arith.constant 0 : i32
      %dma_start3A_405 = tpu.memref_slice %arg3[%dma_start3A_403, %dma_start3A_404] : memref<15232x2048xf32, #tpu.memory_space<hbm>> -> memref<15232x2048xf32, #tpu.memory_space<hbm>>
      tpu.enqueue_indirect_dma source(%dma_start3A_405 : memref<15232x2048xf32, #tpu.memory_space<hbm>>) target(%arg12 : memref<4x2048xf32, #tpu.memory_space<vmem>>) offsets(%dma_start3A_402 : memref<4xi32, #tpu.memory_space<vmem>>) semaphore(%arg20 : memref<!tpu.dma_semaphore, #tpu.memory_space<semaphore_mem>>)
      %mul3A_406 = arith.constant 4 : i32
      %mul3A_407 = arith.muli %add3A_399, %mul3A_406 : i32
      %add3A_408 = arith.addi %mul3A_2, %mul3A_407 : i32
      %dma_start3A_409 = arith.constant 0 : i32
      %dma_start3A_410 = tpu.memref_slice %arg2[%add3A_408, %dma_start3A_409] : memref<4096x2048xf32, #tpu.memory_space<hbm>> -> memref<4x2048xf32, #tpu.memory_space<hbm>>
      %dma_start3A_411 = arith.constant 0 : i32
      %dma_start3A_412 = tpu.memref_slice %arg2[%add3A_408, %dma_start3A_411] : memref<4096x2048xf32, #tpu.memory_space<hbm>> -> memref<4x2048xf32, #tpu.memory_space<hbm>>
      tpu.enqueue_dma source(%dma_start3A_412 : memref<4x2048xf32, #tpu.memory_space<hbm>>) target(%arg8 : memref<4x2048xf32, #tpu.memory_space<vmem>>) target_semaphore(%arg16 : memref<!tpu.dma_semaphore, #tpu.memory_space<semaphore_mem>>)
      %add3A_413 = arith.constant 2 : i32
      %add3A_414 = arith.addi %add3A_272, %add3A_413 : i32
      %dma_wait3A_415 = arith.constant 0 : i32
      %dma_wait3A_416 = arith.constant 0 : i32
      %dma_wait3A_417 = tpu.memref_slice %arg2[%dma_wait3A_415, %dma_wait3A_416] : memref<4096x2048xf32, #tpu.memory_space<hbm>> -> memref<4x2048xf32, #tpu.memory_space<hbm>>
      %dma_wait3A_418 = arith.constant 0 : i32
      %dma_wait3A_419 = arith.constant 0 : i32
      %dma_wait3A_420 = tpu.memref_slice %arg2[%dma_wait3A_418, %dma_wait3A_419] : memref<4096x2048xf32, #tpu.memory_space<hbm>> -> memref<4x2048xf32, #tpu.memory_space<hbm>>
      tpu.wait_dma2 semaphore(%arg15 : memref<!tpu.dma_semaphore, #tpu.memory_space<semaphore_mem>>) src(%dma_wait3A_420 : memref<4x2048xf32, #tpu.memory_space<hbm>>) dst(%arg7 : memref<4x2048xf32, #tpu.memory_space<vmem>>)
      %dma_wait3A_421 = arith.constant 0 : i32
      %dma_wait3A_422 = arith.constant 0 : i32
      %dma_wait3A_423 = tpu.memref_slice %arg3[%dma_wait3A_421, %dma_wait3A_422] : memref<15232x2048xf32, #tpu.memory_space<hbm>> -> memref<4x2048xf32, #tpu.memory_space<hbm>>
      %dma_wait3A_424 = arith.constant 0 : i32
      %dma_wait3A_425 = arith.constant 0 : i32
      %dma_wait3A_426 = tpu.memref_slice %arg3[%dma_wait3A_424, %dma_wait3A_425] : memref<15232x2048xf32, #tpu.memory_space<hbm>> -> memref<4x2048xf32, #tpu.memory_space<hbm>>
      tpu.wait_dma2 semaphore(%arg19 : memref<!tpu.dma_semaphore, #tpu.memory_space<semaphore_mem>>) src(%dma_wait3A_426 : memref<4x2048xf32, #tpu.memory_space<hbm>>) dst(%arg11 : memref<4x2048xf32, #tpu.memory_space<vmem>>)
      %scan3A_427 = arith.constant 0 : i32
      %scan3A_428 = arith.constant 0 : i32
      %scan3A_429 = arith.constant 16 : i32
      %scan3A_430 = arith.addi %scan3A_428, %scan3A_429 : i32
      %scan3A_431 = arith.constant 1 : i32
      %scan3A_432 = scf.for %scan3A_554 = %scan3A_428 to %scan3A_430 step %scan3A_431 iter_args(%scan3A_555 = %scan3A_427) -> (i32)  : i32 {
        %mul3A_556 = arith.constant 128 : i32
        %mul3A_557 = arith.muli %scan3A_554, %mul3A_556 : i32
        %add3A_558 = arith.constant 0 : i32
        %add3A_559 = arith.addi %mul3A_557, %add3A_558 : i32
        %get3A = arith.constant 0 : i32
        %get3A_560 = arith.index_cast %get3A : i32 to index
        %get3A_561 = arith.index_cast %add3A_559 : i32 to index
        %get3A_562 = tpu.vector_load %arg11[%get3A_560, %get3A_561] {strides = array<i32>} : memref<4x2048xf32, #tpu.memory_space<vmem>>, vector<1x16xf32>,
        %get3A_563 = vector.shape_cast %get3A_562 : vector<1x16xf32> to vector<16xf32>
        %swap3A = arith.constant 0 : i32
        %swap3A_564 = arith.index_cast %swap3A : i32 to index
        %swap3A_565 = arith.index_cast %add3A_559 : i32 to index
        %swap3A_566 = tpu.vector_load %arg7[%swap3A_564, %swap3A_565] {strides = array<i32>} : memref<4x2048xf32, #tpu.memory_space<vmem>>, vector<1x16xf32>,
        %swap3A_567 = vector.shape_cast %swap3A_566 : vector<1x16xf32> to vector<16xf32>
        %swap3A_568 = vector.shape_cast %get3A_563 : vector<16xf32> to vector<1x16xf32>
        tpu.vector_store %arg7[%swap3A_564, %swap3A_565], %swap3A_568 {add = true, strides = array<i32>} : memref<4x2048xf32, #tpu.memory_space<vmem>>, vector<1x16xf32>,
        %add3A_569 = arith.constant 16 : i32
        %add3A_570 = arith.addi %mul3A_557, %add3A_569 : i32
        %get3A_571 = arith.constant 0 : i32
        %get3A_572 = arith.index_cast %get3A_571 : i32 to index
        %get3A_573 = arith.index_cast %add3A_570 : i32 to index
        %get3A_574 = tpu.vector_load %arg11[%get3A_572, %get3A_573] {strides = array<i32>} : memref<4x2048xf32, #tpu.memory_space<vmem>>, vector<1x16xf32>,
        %get3A_575 = vector.shape_cast %get3A_574 : vector<1x16xf32> to vector<16xf32>
        %swap3A_576 = arith.constant 0 : i32
        %swap3A_577 = arith.index_cast %swap3A_576 : i32 to index
        %swap3A_578 = arith.index_cast %add3A_570 : i32 to index
        %swap3A_579 = tpu.vector_load %arg7[%swap3A_577, %swap3A_578] {strides = array<i32>} : memref<4x2048xf32, #tpu.memory_space<vmem>>, vector<1x16xf32>,
        %swap3A_580 = vector.shape_cast %swap3A_579 : vector<1x16xf32> to vector<16xf32>
        %swap3A_581 = vector.shape_cast %get3A_575 : vector<16xf32> to vector<1x16xf32>
        tpu.vector_store %arg7[%swap3A_577, %swap3A_578], %swap3A_581 {add = true, strides = array<i32>} : memref<4x2048xf32, #tpu.memory_space<vmem>>, vector<1x16xf32>,
        %add3A_582 = arith.constant 32 : i32
        %add3A_583 = arith.addi %mul3A_557, %add3A_582 : i32
        %get3A_584 = arith.constant 0 : i32
        %get3A_585 = arith.index_cast %get3A_584 : i32 to index
        %get3A_586 = arith.index_cast %add3A_583 : i32 to index
        %get3A_587 = tpu.vector_load %arg11[%get3A_585, %get3A_586] {strides = array<i32>} : memref<4x2048xf32, #tpu.memory_space<vmem>>, vector<1x16xf32>,
        %get3A_588 = vector.shape_cast %get3A_587 : vector<1x16xf32> to vector<16xf32>
        %swap3A_589 = arith.constant 0 : i32
        %swap3A_590 = arith.index_cast %swap3A_589 : i32 to index
        %swap3A_591 = arith.index_cast %add3A_583 : i32 to index
        %swap3A_592 = tpu.vector_load %arg7[%swap3A_590, %swap3A_591] {strides = array<i32>} : memref<4x2048xf32, #tpu.memory_space<vmem>>, vector<1x16xf32>,
        %swap3A_593 = vector.shape_cast %swap3A_592 : vector<1x16xf32> to vector<16xf32>
        %swap3A_594 = vector.shape_cast %get3A_588 : vector<16xf32> to vector<1x16xf32>
        tpu.vector_store %arg7[%swap3A_590, %swap3A_591], %swap3A_594 {add = true, strides = array<i32>} : memref<4x2048xf32, #tpu.memory_space<vmem>>, vector<1x16xf32>,
        %add3A_595 = arith.constant 48 : i32
        %add3A_596 = arith.addi %mul3A_557, %add3A_595 : i32
        %get3A_597 = arith.constant 0 : i32
        %get3A_598 = arith.index_cast %get3A_597 : i32 to index
        %get3A_599 = arith.index_cast %add3A_596 : i32 to index
        %get3A_600 = tpu.vector_load %arg11[%get3A_598, %get3A_599] {strides = array<i32>} : memref<4x2048xf32, #tpu.memory_space<vmem>>, vector<1x16xf32>,
        %get3A_601 = vector.shape_cast %get3A_600 : vector<1x16xf32> to vector<16xf32>
        %swap3A_602 = arith.constant 0 : i32
        %swap3A_603 = arith.index_cast %swap3A_602 : i32 to index
        %swap3A_604 = arith.index_cast %add3A_596 : i32 to index
        %swap3A_605 = tpu.vector_load %arg7[%swap3A_603, %swap3A_604] {strides = array<i32>} : memref<4x2048xf32, #tpu.memory_space<vmem>>, vector<1x16xf32>,
        %swap3A_606 = vector.shape_cast %swap3A_605 : vector<1x16xf32> to vector<16xf32>
        %swap3A_607 = vector.shape_cast %get3A_601 : vector<16xf32> to vector<1x16xf32>
        tpu.vector_store %arg7[%swap3A_603, %swap3A_604], %swap3A_607 {add = true, strides = array<i32>} : memref<4x2048xf32, #tpu.memory_space<vmem>>, vector<1x16xf32>,
        %add3A_608 = arith.constant 64 : i32
        %add3A_609 = arith.addi %mul3A_557, %add3A_608 : i32
        %get3A_610 = arith.constant 0 : i32
        %get3A_611 = arith.index_cast %get3A_610 : i32 to index
        %get3A_612 = arith.index_cast %add3A_609 : i32 to index
        %get3A_613 = tpu.vector_load %arg11[%get3A_611, %get3A_612] {strides = array<i32>} : memref<4x2048xf32, #tpu.memory_space<vmem>>, vector<1x16xf32>,
        %get3A_614 = vector.shape_cast %get3A_613 : vector<1x16xf32> to vector<16xf32>
        %swap3A_615 = arith.constant 0 : i32
        %swap3A_616 = arith.index_cast %swap3A_615 : i32 to index
        %swap3A_617 = arith.index_cast %add3A_609 : i32 to index
        %swap3A_618 = tpu.vector_load %arg7[%swap3A_616, %swap3A_617] {strides = array<i32>} : memref<4x2048xf32, #tpu.memory_space<vmem>>, vector<1x16xf32>,
        %swap3A_619 = vector.shape_cast %swap3A_618 : vector<1x16xf32> to vector<16xf32>
        %swap3A_620 = vector.shape_cast %get3A_614 : vector<16xf32> to vector<1x16xf32>
        tpu.vector_store %arg7[%swap3A_616, %swap3A_617], %swap3A_620 {add = true, strides = array<i32>} : memref<4x2048xf32, #tpu.memory_space<vmem>>, vector<1x16xf32>,
        %add3A_621 = arith.constant 80 : i32
        %add3A_622 = arith.addi %mul3A_557, %add3A_621 : i32
        %get3A_623 = arith.constant 0 : i32
        %get3A_624 = arith.index_cast %get3A_623 : i32 to index
        %get3A_625 = arith.index_cast %add3A_622 : i32 to index
        %get3A_626 = tpu.vector_load %arg11[%get3A_624, %get3A_625] {strides = array<i32>} : memref<4x2048xf32, #tpu.memory_space<vmem>>, vector<1x16xf32>,
        %get3A_627 = vector.shape_cast %get3A_626 : vector<1x16xf32> to vector<16xf32>
        %swap3A_628 = arith.constant 0 : i32
        %swap3A_629 = arith.index_cast %swap3A_628 : i32 to index
        %swap3A_630 = arith.index_cast %add3A_622 : i32 to index
        %swap3A_631 = tpu.vector_load %arg7[%swap3A_629, %swap3A_630] {strides = array<i32>} : memref<4x2048xf32, #tpu.memory_space<vmem>>, vector<1x16xf32>,
        %swap3A_632 = vector.shape_cast %swap3A_631 : vector<1x16xf32> to vector<16xf32>
        %swap3A_633 = vector.shape_cast %get3A_627 : vector<16xf32> to vector<1x16xf32>
        tpu.vector_store %arg7[%swap3A_629, %swap3A_630], %swap3A_633 {add = true, strides = array<i32>} : memref<4x2048xf32, #tpu.memory_space<vmem>>, vector<1x16xf32>,
        %add3A_634 = arith.constant 96 : i32
        %add3A_635 = arith.addi %mul3A_557, %add3A_634 : i32
        %get3A_636 = arith.constant 0 : i32
        %get3A_637 = arith.index_cast %get3A_636 : i32 to index
        %get3A_638 = arith.index_cast %add3A_635 : i32 to index
        %get3A_639 = tpu.vector_load %arg11[%get3A_637, %get3A_638] {strides = array<i32>} : memref<4x2048xf32, #tpu.memory_space<vmem>>, vector<1x16xf32>,
        %get3A_640 = vector.shape_cast %get3A_639 : vector<1x16xf32> to vector<16xf32>
        %swap3A_641 = arith.constant 0 : i32
        %swap3A_642 = arith.index_cast %swap3A_641 : i32 to index
        %swap3A_643 = arith.index_cast %add3A_635 : i32 to index
        %swap3A_644 = tpu.vector_load %arg7[%swap3A_642, %swap3A_643] {strides = array<i32>} : memref<4x2048xf32, #tpu.memory_space<vmem>>, vector<1x16xf32>,
        %swap3A_645 = vector.shape_cast %swap3A_644 : vector<1x16xf32> to vector<16xf32>
        %swap3A_646 = vector.shape_cast %get3A_640 : vector<16xf32> to vector<1x16xf32>
        tpu.vector_store %arg7[%swap3A_642, %swap3A_643], %swap3A_646 {add = true, strides = array<i32>} : memref<4x2048xf32, #tpu.memory_space<vmem>>, vector<1x16xf32>,
        %add3A_647 = arith.constant 112 : i32
        %add3A_648 = arith.addi %mul3A_557, %add3A_647 : i32
        %get3A_649 = arith.constant 0 : i32
        %get3A_650 = arith.index_cast %get3A_649 : i32 to index
        %get3A_651 = arith.index_cast %add3A_648 : i32 to index
        %get3A_652 = tpu.vector_load %arg11[%get3A_650, %get3A_651] {strides = array<i32>} : memref<4x2048xf32, #tpu.memory_space<vmem>>, vector<1x16xf32>,
        %get3A_653 = vector.shape_cast %get3A_652 : vector<1x16xf32> to vector<16xf32>
        %swap3A_654 = arith.constant 0 : i32
        %swap3A_655 = arith.index_cast %swap3A_654 : i32 to index
        %swap3A_656 = arith.index_cast %add3A_648 : i32 to index
        %swap3A_657 = tpu.vector_load %arg7[%swap3A_655, %swap3A_656] {strides = array<i32>} : memref<4x2048xf32, #tpu.memory_space<vmem>>, vector<1x16xf32>,
        %swap3A_658 = vector.shape_cast %swap3A_657 : vector<1x16xf32> to vector<16xf32>
        %swap3A_659 = vector.shape_cast %get3A_653 : vector<16xf32> to vector<1x16xf32>
        tpu.vector_store %arg7[%swap3A_655, %swap3A_656], %swap3A_659 {add = true, strides = array<i32>} : memref<4x2048xf32, #tpu.memory_space<vmem>>, vector<1x16xf32>,
        %scan3A_660 = arith.constant 0 : i32
        scf.yield %scan3A_660 : i32
      }
      %scan3A_433 = arith.constant 16 : i32
      %scan3A_434 = arith.constant 0 : i32
      %scan3A_435 = arith.constant 0 : i32
      %scan3A_436 = arith.constant 16 : i32
      %scan3A_437 = arith.addi %scan3A_435, %scan3A_436 : i32
      %scan3A_438 = arith.constant 1 : i32
      %scan3A_439 = scf.for %scan3A_554 = %scan3A_435 to %scan3A_437 step %scan3A_438 iter_args(%scan3A_555 = %scan3A_434) -> (i32)  : i32 {
        %mul3A_556 = arith.constant 128 : i32
        %mul3A_557 = arith.muli %scan3A_554, %mul3A_556 : i32
        %add3A_558 = arith.constant 0 : i32
        %add3A_559 = arith.addi %mul3A_557, %add3A_558 : i32
        %get3A = arith.constant 1 : i32
        %get3A_560 = arith.index_cast %get3A : i32 to index
        %get3A_561 = arith.index_cast %add3A_559 : i32 to index
        %get3A_562 = tpu.vector_load %arg11[%get3A_560, %get3A_561] {strides = array<i32>} : memref<4x2048xf32, #tpu.memory_space<vmem>>, vector<1x16xf32>,
        %get3A_563 = vector.shape_cast %get3A_562 : vector<1x16xf32> to vector<16xf32>
        %swap3A = arith.constant 1 : i32
        %swap3A_564 = arith.index_cast %swap3A : i32 to index
        %swap3A_565 = arith.index_cast %add3A_559 : i32 to index
        %swap3A_566 = tpu.vector_load %arg7[%swap3A_564, %swap3A_565] {strides = array<i32>} : memref<4x2048xf32, #tpu.memory_space<vmem>>, vector<1x16xf32>,
        %swap3A_567 = vector.shape_cast %swap3A_566 : vector<1x16xf32> to vector<16xf32>
        %swap3A_568 = vector.shape_cast %get3A_563 : vector<16xf32> to vector<1x16xf32>
        tpu.vector_store %arg7[%swap3A_564, %swap3A_565], %swap3A_568 {add = true, strides = array<i32>} : memref<4x2048xf32, #tpu.memory_space<vmem>>, vector<1x16xf32>,
        %add3A_569 = arith.constant 16 : i32
        %add3A_570 = arith.addi %mul3A_557, %add3A_569 : i32
        %get3A_571 = arith.constant 1 : i32
        %get3A_572 = arith.index_cast %get3A_571 : i32 to index
        %get3A_573 = arith.index_cast %add3A_570 : i32 to index
        %get3A_574 = tpu.vector_load %arg11[%get3A_572, %get3A_573] {strides = array<i32>} : memref<4x2048xf32, #tpu.memory_space<vmem>>, vector<1x16xf32>,
        %get3A_575 = vector.shape_cast %get3A_574 : vector<1x16xf32> to vector<16xf32>
        %swap3A_576 = arith.constant 1 : i32
        %swap3A_577 = arith.index_cast %swap3A_576 : i32 to index
        %swap3A_578 = arith.index_cast %add3A_570 : i32 to index
        %swap3A_579 = tpu.vector_load %arg7[%swap3A_577, %swap3A_578] {strides = array<i32>} : memref<4x2048xf32, #tpu.memory_space<vmem>>, vector<1x16xf32>,
        %swap3A_580 = vector.shape_cast %swap3A_579 : vector<1x16xf32> to vector<16xf32>
        %swap3A_581 = vector.shape_cast %get3A_575 : vector<16xf32> to vector<1x16xf32>
        tpu.vector_store %arg7[%swap3A_577, %swap3A_578], %swap3A_581 {add = true, strides = array<i32>} : memref<4x2048xf32, #tpu.memory_space<vmem>>, vector<1x16xf32>,
        %add3A_582 = arith.constant 32 : i32
        %add3A_583 = arith.addi %mul3A_557, %add3A_582 : i32
        %get3A_584 = arith.constant 1 : i32
        %get3A_585 = arith.index_cast %get3A_584 : i32 to index
        %get3A_586 = arith.index_cast %add3A_583 : i32 to index
        %get3A_587 = tpu.vector_load %arg11[%get3A_585, %get3A_586] {strides = array<i32>} : memref<4x2048xf32, #tpu.memory_space<vmem>>, vector<1x16xf32>,
        %get3A_588 = vector.shape_cast %get3A_587 : vector<1x16xf32> to vector<16xf32>
        %swap3A_589 = arith.constant 1 : i32
        %swap3A_590 = arith.index_cast %swap3A_589 : i32 to index
        %swap3A_591 = arith.index_cast %add3A_583 : i32 to index
        %swap3A_592 = tpu.vector_load %arg7[%swap3A_590, %swap3A_591] {strides = array<i32>} : memref<4x2048xf32, #tpu.memory_space<vmem>>, vector<1x16xf32>,
        %swap3A_593 = vector.shape_cast %swap3A_592 : vector<1x16xf32> to vector<16xf32>
        %swap3A_594 = vector.shape_cast %get3A_588 : vector<16xf32> to vector<1x16xf32>
        tpu.vector_store %arg7[%swap3A_590, %swap3A_591], %swap3A_594 {add = true, strides = array<i32>} : memref<4x2048xf32, #tpu.memory_space<vmem>>, vector<1x16xf32>,
        %add3A_595 = arith.constant 48 : i32
        %add3A_596 = arith.addi %mul3A_557, %add3A_595 : i32
        %get3A_597 = arith.constant 1 : i32
        %get3A_598 = arith.index_cast %get3A_597 : i32 to index
        %get3A_599 = arith.index_cast %add3A_596 : i32 to index
        %get3A_600 = tpu.vector_load %arg11[%get3A_598, %get3A_599] {strides = array<i32>} : memref<4x2048xf32, #tpu.memory_space<vmem>>, vector<1x16xf32>,
        %get3A_601 = vector.shape_cast %get3A_600 : vector<1x16xf32> to vector<16xf32>
        %swap3A_602 = arith.constant 1 : i32
        %swap3A_603 = arith.index_cast %swap3A_602 : i32 to index
        %swap3A_604 = arith.index_cast %add3A_596 : i32 to index
        %swap3A_605 = tpu.vector_load %arg7[%swap3A_603, %swap3A_604] {strides = array<i32>} : memref<4x2048xf32, #tpu.memory_space<vmem>>, vector<1x16xf32>,
        %swap3A_606 = vector.shape_cast %swap3A_605 : vector<1x16xf32> to vector<16xf32>
        %swap3A_607 = vector.shape_cast %get3A_601 : vector<16xf32> to vector<1x16xf32>
        tpu.vector_store %arg7[%swap3A_603, %swap3A_604], %swap3A_607 {add = true, strides = array<i32>} : memref<4x2048xf32, #tpu.memory_space<vmem>>, vector<1x16xf32>,
        %add3A_608 = arith.constant 64 : i32
        %add3A_609 = arith.addi %mul3A_557, %add3A_608 : i32
        %get3A_610 = arith.constant 1 : i32
        %get3A_611 = arith.index_cast %get3A_610 : i32 to index
        %get3A_612 = arith.index_cast %add3A_609 : i32 to index
        %get3A_613 = tpu.vector_load %arg11[%get3A_611, %get3A_612] {strides = array<i32>} : memref<4x2048xf32, #tpu.memory_space<vmem>>, vector<1x16xf32>,
        %get3A_614 = vector.shape_cast %get3A_613 : vector<1x16xf32> to vector<16xf32>
        %swap3A_615 = arith.constant 1 : i32
        %swap3A_616 = arith.index_cast %swap3A_615 : i32 to index
        %swap3A_617 = arith.index_cast %add3A_609 : i32 to index
        %swap3A_618 = tpu.vector_load %arg7[%swap3A_616, %swap3A_617] {strides = array<i32>} : memref<4x2048xf32, #tpu.memory_space<vmem>>, vector<1x16xf32>,
        %swap3A_619 = vector.shape_cast %swap3A_618 : vector<1x16xf32> to vector<16xf32>
        %swap3A_620 = vector.shape_cast %get3A_614 : vector<16xf32> to vector<1x16xf32>
        tpu.vector_store %arg7[%swap3A_616, %swap3A_617], %swap3A_620 {add = true, strides = array<i32>} : memref<4x2048xf32, #tpu.memory_space<vmem>>, vector<1x16xf32>,
        %add3A_621 = arith.constant 80 : i32
        %add3A_622 = arith.addi %mul3A_557, %add3A_621 : i32
        %get3A_623 = arith.constant 1 : i32
        %get3A_624 = arith.index_cast %get3A_623 : i32 to index
        %get3A_625 = arith.index_cast %add3A_622 : i32 to index
        %get3A_626 = tpu.vector_load %arg11[%get3A_624, %get3A_625] {strides = array<i32>} : memref<4x2048xf32, #tpu.memory_space<vmem>>, vector<1x16xf32>,
        %get3A_627 = vector.shape_cast %get3A_626 : vector<1x16xf32> to vector<16xf32>
        %swap3A_628 = arith.constant 1 : i32
        %swap3A_629 = arith.index_cast %swap3A_628 : i32 to index
        %swap3A_630 = arith.index_cast %add3A_622 : i32 to index
        %swap3A_631 = tpu.vector_load %arg7[%swap3A_629, %swap3A_630] {strides = array<i32>} : memref<4x2048xf32, #tpu.memory_space<vmem>>, vector<1x16xf32>,
        %swap3A_632 = vector.shape_cast %swap3A_631 : vector<1x16xf32> to vector<16xf32>
        %swap3A_633 = vector.shape_cast %get3A_627 : vector<16xf32> to vector<1x16xf32>
        tpu.vector_store %arg7[%swap3A_629, %swap3A_630], %swap3A_633 {add = true, strides = array<i32>} : memref<4x2048xf32, #tpu.memory_space<vmem>>, vector<1x16xf32>,
        %add3A_634 = arith.constant 96 : i32
        %add3A_635 = arith.addi %mul3A_557, %add3A_634 : i32
        %get3A_636 = arith.constant 1 : i32
        %get3A_637 = arith.index_cast %get3A_636 : i32 to index
        %get3A_638 = arith.index_cast %add3A_635 : i32 to index
        %get3A_639 = tpu.vector_load %arg11[%get3A_637, %get3A_638] {strides = array<i32>} : memref<4x2048xf32, #tpu.memory_space<vmem>>, vector<1x16xf32>,
        %get3A_640 = vector.shape_cast %get3A_639 : vector<1x16xf32> to vector<16xf32>
        %swap3A_641 = arith.constant 1 : i32
        %swap3A_642 = arith.index_cast %swap3A_641 : i32 to index
        %swap3A_643 = arith.index_cast %add3A_635 : i32 to index
        %swap3A_644 = tpu.vector_load %arg7[%swap3A_642, %swap3A_643] {strides = array<i32>} : memref<4x2048xf32, #tpu.memory_space<vmem>>, vector<1x16xf32>,
        %swap3A_645 = vector.shape_cast %swap3A_644 : vector<1x16xf32> to vector<16xf32>
        %swap3A_646 = vector.shape_cast %get3A_640 : vector<16xf32> to vector<1x16xf32>
        tpu.vector_store %arg7[%swap3A_642, %swap3A_643], %swap3A_646 {add = true, strides = array<i32>} : memref<4x2048xf32, #tpu.memory_space<vmem>>, vector<1x16xf32>,
        %add3A_647 = arith.constant 112 : i32
        %add3A_648 = arith.addi %mul3A_557, %add3A_647 : i32
        %get3A_649 = arith.constant 1 : i32
        %get3A_650 = arith.index_cast %get3A_649 : i32 to index
        %get3A_651 = arith.index_cast %add3A_648 : i32 to index
        %get3A_652 = tpu.vector_load %arg11[%get3A_650, %get3A_651] {strides = array<i32>} : memref<4x2048xf32, #tpu.memory_space<vmem>>, vector<1x16xf32>,
        %get3A_653 = vector.shape_cast %get3A_652 : vector<1x16xf32> to vector<16xf32>
        %swap3A_654 = arith.constant 1 : i32
        %swap3A_655 = arith.index_cast %swap3A_654 : i32 to index
        %swap3A_656 = arith.index_cast %add3A_648 : i32 to index
        %swap3A_657 = tpu.vector_load %arg7[%swap3A_655, %swap3A_656] {strides = array<i32>} : memref<4x2048xf32, #tpu.memory_space<vmem>>, vector<1x16xf32>,
        %swap3A_658 = vector.shape_cast %swap3A_657 : vector<1x16xf32> to vector<16xf32>
        %swap3A_659 = vector.shape_cast %get3A_653 : vector<16xf32> to vector<1x16xf32>
        tpu.vector_store %arg7[%swap3A_655, %swap3A_656], %swap3A_659 {add = true, strides = array<i32>} : memref<4x2048xf32, #tpu.memory_space<vmem>>, vector<1x16xf32>,
        %scan3A_660 = arith.constant 0 : i32
        scf.yield %scan3A_660 : i32
      }
      %scan3A_440 = arith.constant 16 : i32
      %scan3A_441 = arith.constant 0 : i32
      %scan3A_442 = arith.constant 0 : i32
      %scan3A_443 = arith.constant 16 : i32
      %scan3A_444 = arith.addi %scan3A_442, %scan3A_443 : i32
      %scan3A_445 = arith.constant 1 : i32
      %scan3A_446 = scf.for %scan3A_554 = %scan3A_442 to %scan3A_444 step %scan3A_445 iter_args(%scan3A_555 = %scan3A_441) -> (i32)  : i32 {
        %mul3A_556 = arith.constant 128 : i32
        %mul3A_557 = arith.muli %scan3A_554, %mul3A_556 : i32
        %add3A_558 = arith.constant 0 : i32
        %add3A_559 = arith.addi %mul3A_557, %add3A_558 : i32
        %get3A = arith.constant 2 : i32
        %get3A_560 = arith.index_cast %get3A : i32 to index
        %get3A_561 = arith.index_cast %add3A_559 : i32 to index
        %get3A_562 = tpu.vector_load %arg11[%get3A_560, %get3A_561] {strides = array<i32>} : memref<4x2048xf32, #tpu.memory_space<vmem>>, vector<1x16xf32>,
        %get3A_563 = vector.shape_cast %get3A_562 : vector<1x16xf32> to vector<16xf32>
        %swap3A = arith.constant 2 : i32
        %swap3A_564 = arith.index_cast %swap3A : i32 to index
        %swap3A_565 = arith.index_cast %add3A_559 : i32 to index
        %swap3A_566 = tpu.vector_load %arg7[%swap3A_564, %swap3A_565] {strides = array<i32>} : memref<4x2048xf32, #tpu.memory_space<vmem>>, vector<1x16xf32>,
        %swap3A_567 = vector.shape_cast %swap3A_566 : vector<1x16xf32> to vector<16xf32>
        %swap3A_568 = vector.shape_cast %get3A_563 : vector<16xf32> to vector<1x16xf32>
        tpu.vector_store %arg7[%swap3A_564, %swap3A_565], %swap3A_568 {add = true, strides = array<i32>} : memref<4x2048xf32, #tpu.memory_space<vmem>>, vector<1x16xf32>,
        %add3A_569 = arith.constant 16 : i32
        %add3A_570 = arith.addi %mul3A_557, %add3A_569 : i32
        %get3A_571 = arith.constant 2 : i32
        %get3A_572 = arith.index_cast %get3A_571 : i32 to index
        %get3A_573 = arith.index_cast %add3A_570 : i32 to index
        %get3A_574 = tpu.vector_load %arg11[%get3A_572, %get3A_573] {strides = array<i32>} : memref<4x2048xf32, #tpu.memory_space<vmem>>, vector<1x16xf32>,
        %get3A_575 = vector.shape_cast %get3A_574 : vector<1x16xf32> to vector<16xf32>
        %swap3A_576 = arith.constant 2 : i32
        %swap3A_577 = arith.index_cast %swap3A_576 : i32 to index
        %swap3A_578 = arith.index_cast %add3A_570 : i32 to index
        %swap3A_579 = tpu.vector_load %arg7[%swap3A_577, %swap3A_578] {strides = array<i32>} : memref<4x2048xf32, #tpu.memory_space<vmem>>, vector<1x16xf32>,
        %swap3A_580 = vector.shape_cast %swap3A_579 : vector<1x16xf32> to vector<16xf32>
        %swap3A_581 = vector.shape_cast %get3A_575 : vector<16xf32> to vector<1x16xf32>
        tpu.vector_store %arg7[%swap3A_577, %swap3A_578], %swap3A_581 {add = true, strides = array<i32>} : memref<4x2048xf32, #tpu.memory_space<vmem>>, vector<1x16xf32>,
        %add3A_582 = arith.constant 32 : i32
        %add3A_583 = arith.addi %mul3A_557, %add3A_582 : i32
        %get3A_584 = arith.constant 2 : i32
        %get3A_585 = arith.index_cast %get3A_584 : i32 to index
        %get3A_586 = arith.index_cast %add3A_583 : i32 to index
        %get3A_587 = tpu.vector_load %arg11[%get3A_585, %get3A_586] {strides = array<i32>} : memref<4x2048xf32, #tpu.memory_space<vmem>>, vector<1x16xf32>,
        %get3A_588 = vector.shape_cast %get3A_587 : vector<1x16xf32> to vector<16xf32>
        %swap3A_589 = arith.constant 2 : i32
        %swap3A_590 = arith.index_cast %swap3A_589 : i32 to index
        %swap3A_591 = arith.index_cast %add3A_583 : i32 to index
        %swap3A_592 = tpu.vector_load %arg7[%swap3A_590, %swap3A_591] {strides = array<i32>} : memref<4x2048xf32, #tpu.memory_space<vmem>>, vector<1x16xf32>,
        %swap3A_593 = vector.shape_cast %swap3A_592 : vector<1x16xf32> to vector<16xf32>
        %swap3A_594 = vector.shape_cast %get3A_588 : vector<16xf32> to vector<1x16xf32>
        tpu.vector_store %arg7[%swap3A_590, %swap3A_591], %swap3A_594 {add = true, strides = array<i32>} : memref<4x2048xf32, #tpu.memory_space<vmem>>, vector<1x16xf32>,
        %add3A_595 = arith.constant 48 : i32
        %add3A_596 = arith.addi %mul3A_557, %add3A_595 : i32
        %get3A_597 = arith.constant 2 : i32
        %get3A_598 = arith.index_cast %get3A_597 : i32 to index
        %get3A_599 = arith.index_cast %add3A_596 : i32 to index
        %get3A_600 = tpu.vector_load %arg11[%get3A_598, %get3A_599] {strides = array<i32>} : memref<4x2048xf32, #tpu.memory_space<vmem>>, vector<1x16xf32>,
        %get3A_601 = vector.shape_cast %get3A_600 : vector<1x16xf32> to vector<16xf32>
        %swap3A_602 = arith.constant 2 : i32
        %swap3A_603 = arith.index_cast %swap3A_602 : i32 to index
        %swap3A_604 = arith.index_cast %add3A_596 : i32 to index
        %swap3A_605 = tpu.vector_load %arg7[%swap3A_603, %swap3A_604] {strides = array<i32>} : memref<4x2048xf32, #tpu.memory_space<vmem>>, vector<1x16xf32>,
        %swap3A_606 = vector.shape_cast %swap3A_605 : vector<1x16xf32> to vector<16xf32>
        %swap3A_607 = vector.shape_cast %get3A_601 : vector<16xf32> to vector<1x16xf32>
        tpu.vector_store %arg7[%swap3A_603, %swap3A_604], %swap3A_607 {add = true, strides = array<i32>} : memref<4x2048xf32, #tpu.memory_space<vmem>>, vector<1x16xf32>,
        %add3A_608 = arith.constant 64 : i32
        %add3A_609 = arith.addi %mul3A_557, %add3A_608 : i32
        %get3A_610 = arith.constant 2 : i32
        %get3A_611 = arith.index_cast %get3A_610 : i32 to index
        %get3A_612 = arith.index_cast %add3A_609 : i32 to index
        %get3A_613 = tpu.vector_load %arg11[%get3A_611, %get3A_612] {strides = array<i32>} : memref<4x2048xf32, #tpu.memory_space<vmem>>, vector<1x16xf32>,
        %get3A_614 = vector.shape_cast %get3A_613 : vector<1x16xf32> to vector<16xf32>
        %swap3A_615 = arith.constant 2 : i32
        %swap3A_616 = arith.index_cast %swap3A_615 : i32 to index
        %swap3A_617 = arith.index_cast %add3A_609 : i32 to index
        %swap3A_618 = tpu.vector_load %arg7[%swap3A_616, %swap3A_617] {strides = array<i32>} : memref<4x2048xf32, #tpu.memory_space<vmem>>, vector<1x16xf32>,
        %swap3A_619 = vector.shape_cast %swap3A_618 : vector<1x16xf32> to vector<16xf32>
        %swap3A_620 = vector.shape_cast %get3A_614 : vector<16xf32> to vector<1x16xf32>
        tpu.vector_store %arg7[%swap3A_616, %swap3A_617], %swap3A_620 {add = true, strides = array<i32>} : memref<4x2048xf32, #tpu.memory_space<vmem>>, vector<1x16xf32>,
        %add3A_621 = arith.constant 80 : i32
        %add3A_622 = arith.addi %mul3A_557, %add3A_621 : i32
        %get3A_623 = arith.constant 2 : i32
        %get3A_624 = arith.index_cast %get3A_623 : i32 to index
        %get3A_625 = arith.index_cast %add3A_622 : i32 to index
        %get3A_626 = tpu.vector_load %arg11[%get3A_624, %get3A_625] {strides = array<i32>} : memref<4x2048xf32, #tpu.memory_space<vmem>>, vector<1x16xf32>,
        %get3A_627 = vector.shape_cast %get3A_626 : vector<1x16xf32> to vector<16xf32>
        %swap3A_628 = arith.constant 2 : i32
        %swap3A_629 = arith.index_cast %swap3A_628 : i32 to index
        %swap3A_630 = arith.index_cast %add3A_622 : i32 to index
        %swap3A_631 = tpu.vector_load %arg7[%swap3A_629, %swap3A_630] {strides = array<i32>} : memref<4x2048xf32, #tpu.memory_space<vmem>>, vector<1x16xf32>,
        %swap3A_632 = vector.shape_cast %swap3A_631 : vector<1x16xf32> to vector<16xf32>
        %swap3A_633 = vector.shape_cast %get3A_627 : vector<16xf32> to vector<1x16xf32>
        tpu.vector_store %arg7[%swap3A_629, %swap3A_630], %swap3A_633 {add = true, strides = array<i32>} : memref<4x2048xf32, #tpu.memory_space<vmem>>, vector<1x16xf32>,
        %add3A_634 = arith.constant 96 : i32
        %add3A_635 = arith.addi %mul3A_557, %add3A_634 : i32
        %get3A_636 = arith.constant 2 : i32
        %get3A_637 = arith.index_cast %get3A_636 : i32 to index
        %get3A_638 = arith.index_cast %add3A_635 : i32 to index
        %get3A_639 = tpu.vector_load %arg11[%get3A_637, %get3A_638] {strides = array<i32>} : memref<4x2048xf32, #tpu.memory_space<vmem>>, vector<1x16xf32>,
        %get3A_640 = vector.shape_cast %get3A_639 : vector<1x16xf32> to vector<16xf32>
        %swap3A_641 = arith.constant 2 : i32
        %swap3A_642 = arith.index_cast %swap3A_641 : i32 to index
        %swap3A_643 = arith.index_cast %add3A_635 : i32 to index
        %swap3A_644 = tpu.vector_load %arg7[%swap3A_642, %swap3A_643] {strides = array<i32>} : memref<4x2048xf32, #tpu.memory_space<vmem>>, vector<1x16xf32>,
        %swap3A_645 = vector.shape_cast %swap3A_644 : vector<1x16xf32> to vector<16xf32>
        %swap3A_646 = vector.shape_cast %get3A_640 : vector<16xf32> to vector<1x16xf32>
        tpu.vector_store %arg7[%swap3A_642, %swap3A_643], %swap3A_646 {add = true, strides = array<i32>} : memref<4x2048xf32, #tpu.memory_space<vmem>>, vector<1x16xf32>,
        %add3A_647 = arith.constant 112 : i32
        %add3A_648 = arith.addi %mul3A_557, %add3A_647 : i32
        %get3A_649 = arith.constant 2 : i32
        %get3A_650 = arith.index_cast %get3A_649 : i32 to index
        %get3A_651 = arith.index_cast %add3A_648 : i32 to index
        %get3A_652 = tpu.vector_load %arg11[%get3A_650, %get3A_651] {strides = array<i32>} : memref<4x2048xf32, #tpu.memory_space<vmem>>, vector<1x16xf32>,
        %get3A_653 = vector.shape_cast %get3A_652 : vector<1x16xf32> to vector<16xf32>
        %swap3A_654 = arith.constant 2 : i32
        %swap3A_655 = arith.index_cast %swap3A_654 : i32 to index
        %swap3A_656 = arith.index_cast %add3A_648 : i32 to index
        %swap3A_657 = tpu.vector_load %arg7[%swap3A_655, %swap3A_656] {strides = array<i32>} : memref<4x2048xf32, #tpu.memory_space<vmem>>, vector<1x16xf32>,
        %swap3A_658 = vector.shape_cast %swap3A_657 : vector<1x16xf32> to vector<16xf32>
        %swap3A_659 = vector.shape_cast %get3A_653 : vector<16xf32> to vector<1x16xf32>
        tpu.vector_store %arg7[%swap3A_655, %swap3A_656], %swap3A_659 {add = true, strides = array<i32>} : memref<4x2048xf32, #tpu.memory_space<vmem>>, vector<1x16xf32>,
        %scan3A_660 = arith.constant 0 : i32
        scf.yield %scan3A_660 : i32
      }
      %scan3A_447 = arith.constant 16 : i32
      %scan3A_448 = arith.constant 0 : i32
      %scan3A_449 = arith.constant 0 : i32
      %scan3A_450 = arith.constant 16 : i32
      %scan3A_451 = arith.addi %scan3A_449, %scan3A_450 : i32
      %scan3A_452 = arith.constant 1 : i32
      %scan3A_453 = scf.for %scan3A_554 = %scan3A_449 to %scan3A_451 step %scan3A_452 iter_args(%scan3A_555 = %scan3A_448) -> (i32)  : i32 {
        %mul3A_556 = arith.constant 128 : i32
        %mul3A_557 = arith.muli %scan3A_554, %mul3A_556 : i32
        %add3A_558 = arith.constant 0 : i32
        %add3A_559 = arith.addi %mul3A_557, %add3A_558 : i32
        %get3A = arith.constant 3 : i32
        %get3A_560 = arith.index_cast %get3A : i32 to index
        %get3A_561 = arith.index_cast %add3A_559 : i32 to index
        %get3A_562 = tpu.vector_load %arg11[%get3A_560, %get3A_561] {strides = array<i32>} : memref<4x2048xf32, #tpu.memory_space<vmem>>, vector<1x16xf32>,
        %get3A_563 = vector.shape_cast %get3A_562 : vector<1x16xf32> to vector<16xf32>
        %swap3A = arith.constant 3 : i32
        %swap3A_564 = arith.index_cast %swap3A : i32 to index
        %swap3A_565 = arith.index_cast %add3A_559 : i32 to index
        %swap3A_566 = tpu.vector_load %arg7[%swap3A_564, %swap3A_565] {strides = array<i32>} : memref<4x2048xf32, #tpu.memory_space<vmem>>, vector<1x16xf32>,
        %swap3A_567 = vector.shape_cast %swap3A_566 : vector<1x16xf32> to vector<16xf32>
        %swap3A_568 = vector.shape_cast %get3A_563 : vector<16xf32> to vector<1x16xf32>
        tpu.vector_store %arg7[%swap3A_564, %swap3A_565], %swap3A_568 {add = true, strides = array<i32>} : memref<4x2048xf32, #tpu.memory_space<vmem>>, vector<1x16xf32>,
        %add3A_569 = arith.constant 16 : i32
        %add3A_570 = arith.addi %mul3A_557, %add3A_569 : i32
        %get3A_571 = arith.constant 3 : i32
        %get3A_572 = arith.index_cast %get3A_571 : i32 to index
        %get3A_573 = arith.index_cast %add3A_570 : i32 to index
        %get3A_574 = tpu.vector_load %arg11[%get3A_572, %get3A_573] {strides = array<i32>} : memref<4x2048xf32, #tpu.memory_space<vmem>>, vector<1x16xf32>,
        %get3A_575 = vector.shape_cast %get3A_574 : vector<1x16xf32> to vector<16xf32>
        %swap3A_576 = arith.constant 3 : i32
        %swap3A_577 = arith.index_cast %swap3A_576 : i32 to index
        %swap3A_578 = arith.index_cast %add3A_570 : i32 to index
        %swap3A_579 = tpu.vector_load %arg7[%swap3A_577, %swap3A_578] {strides = array<i32>} : memref<4x2048xf32, #tpu.memory_space<vmem>>, vector<1x16xf32>,
        %swap3A_580 = vector.shape_cast %swap3A_579 : vector<1x16xf32> to vector<16xf32>
        %swap3A_581 = vector.shape_cast %get3A_575 : vector<16xf32> to vector<1x16xf32>
        tpu.vector_store %arg7[%swap3A_577, %swap3A_578], %swap3A_581 {add = true, strides = array<i32>} : memref<4x2048xf32, #tpu.memory_space<vmem>>, vector<1x16xf32>,
        %add3A_582 = arith.constant 32 : i32
        %add3A_583 = arith.addi %mul3A_557, %add3A_582 : i32
        %get3A_584 = arith.constant 3 : i32
        %get3A_585 = arith.index_cast %get3A_584 : i32 to index
        %get3A_586 = arith.index_cast %add3A_583 : i32 to index
        %get3A_587 = tpu.vector_load %arg11[%get3A_585, %get3A_586] {strides = array<i32>} : memref<4x2048xf32, #tpu.memory_space<vmem>>, vector<1x16xf32>,
        %get3A_588 = vector.shape_cast %get3A_587 : vector<1x16xf32> to vector<16xf32>
        %swap3A_589 = arith.constant 3 : i32
        %swap3A_590 = arith.index_cast %swap3A_589 : i32 to index
        %swap3A_591 = arith.index_cast %add3A_583 : i32 to index
        %swap3A_592 = tpu.vector_load %arg7[%swap3A_590, %swap3A_591] {strides = array<i32>} : memref<4x2048xf32, #tpu.memory_space<vmem>>, vector<1x16xf32>,
        %swap3A_593 = vector.shape_cast %swap3A_592 : vector<1x16xf32> to vector<16xf32>
        %swap3A_594 = vector.shape_cast %get3A_588 : vector<16xf32> to vector<1x16xf32>
        tpu.vector_store %arg7[%swap3A_590, %swap3A_591], %swap3A_594 {add = true, strides = array<i32>} : memref<4x2048xf32, #tpu.memory_space<vmem>>, vector<1x16xf32>,
        %add3A_595 = arith.constant 48 : i32
        %add3A_596 = arith.addi %mul3A_557, %add3A_595 : i32
        %get3A_597 = arith.constant 3 : i32
        %get3A_598 = arith.index_cast %get3A_597 : i32 to index
        %get3A_599 = arith.index_cast %add3A_596 : i32 to index
        %get3A_600 = tpu.vector_load %arg11[%get3A_598, %get3A_599] {strides = array<i32>} : memref<4x2048xf32, #tpu.memory_space<vmem>>, vector<1x16xf32>,
        %get3A_601 = vector.shape_cast %get3A_600 : vector<1x16xf32> to vector<16xf32>
        %swap3A_602 = arith.constant 3 : i32
        %swap3A_603 = arith.index_cast %swap3A_602 : i32 to index
        %swap3A_604 = arith.index_cast %add3A_596 : i32 to index
        %swap3A_605 = tpu.vector_load %arg7[%swap3A_603, %swap3A_604] {strides = array<i32>} : memref<4x2048xf32, #tpu.memory_space<vmem>>, vector<1x16xf32>,
        %swap3A_606 = vector.shape_cast %swap3A_605 : vector<1x16xf32> to vector<16xf32>
        %swap3A_607 = vector.shape_cast %get3A_601 : vector<16xf32> to vector<1x16xf32>
        tpu.vector_store %arg7[%swap3A_603, %swap3A_604], %swap3A_607 {add = true, strides = array<i32>} : memref<4x2048xf32, #tpu.memory_space<vmem>>, vector<1x16xf32>,
        %add3A_608 = arith.constant 64 : i32
        %add3A_609 = arith.addi %mul3A_557, %add3A_608 : i32
        %get3A_610 = arith.constant 3 : i32
        %get3A_611 = arith.index_cast %get3A_610 : i32 to index
        %get3A_612 = arith.index_cast %add3A_609 : i32 to index
        %get3A_613 = tpu.vector_load %arg11[%get3A_611, %get3A_612] {strides = array<i32>} : memref<4x2048xf32, #tpu.memory_space<vmem>>, vector<1x16xf32>,
        %get3A_614 = vector.shape_cast %get3A_613 : vector<1x16xf32> to vector<16xf32>
        %swap3A_615 = arith.constant 3 : i32
        %swap3A_616 = arith.index_cast %swap3A_615 : i32 to index
        %swap3A_617 = arith.index_cast %add3A_609 : i32 to index
        %swap3A_618 = tpu.vector_load %arg7[%swap3A_616, %swap3A_617] {strides = array<i32>} : memref<4x2048xf32, #tpu.memory_space<vmem>>, vector<1x16xf32>,
        %swap3A_619 = vector.shape_cast %swap3A_618 : vector<1x16xf32> to vector<16xf32>
        %swap3A_620 = vector.shape_cast %get3A_614 : vector<16xf32> to vector<1x16xf32>
        tpu.vector_store %arg7[%swap3A_616, %swap3A_617], %swap3A_620 {add = true, strides = array<i32>} : memref<4x2048xf32, #tpu.memory_space<vmem>>, vector<1x16xf32>,
        %add3A_621 = arith.constant 80 : i32
        %add3A_622 = arith.addi %mul3A_557, %add3A_621 : i32
        %get3A_623 = arith.constant 3 : i32
        %get3A_624 = arith.index_cast %get3A_623 : i32 to index
        %get3A_625 = arith.index_cast %add3A_622 : i32 to index
        %get3A_626 = tpu.vector_load %arg11[%get3A_624, %get3A_625] {strides = array<i32>} : memref<4x2048xf32, #tpu.memory_space<vmem>>, vector<1x16xf32>,
        %get3A_627 = vector.shape_cast %get3A_626 : vector<1x16xf32> to vector<16xf32>
        %swap3A_628 = arith.constant 3 : i32
        %swap3A_629 = arith.index_cast %swap3A_628 : i32 to index
        %swap3A_630 = arith.index_cast %add3A_622 : i32 to index
        %swap3A_631 = tpu.vector_load %arg7[%swap3A_629, %swap3A_630] {strides = array<i32>} : memref<4x2048xf32, #tpu.memory_space<vmem>>, vector<1x16xf32>,
        %swap3A_632 = vector.shape_cast %swap3A_631 : vector<1x16xf32> to vector<16xf32>
        %swap3A_633 = vector.shape_cast %get3A_627 : vector<16xf32> to vector<1x16xf32>
        tpu.vector_store %arg7[%swap3A_629, %swap3A_630], %swap3A_633 {add = true, strides = array<i32>} : memref<4x2048xf32, #tpu.memory_space<vmem>>, vector<1x16xf32>,
        %add3A_634 = arith.constant 96 : i32
        %add3A_635 = arith.addi %mul3A_557, %add3A_634 : i32
        %get3A_636 = arith.constant 3 : i32
        %get3A_637 = arith.index_cast %get3A_636 : i32 to index
        %get3A_638 = arith.index_cast %add3A_635 : i32 to index
        %get3A_639 = tpu.vector_load %arg11[%get3A_637, %get3A_638] {strides = array<i32>} : memref<4x2048xf32, #tpu.memory_space<vmem>>, vector<1x16xf32>,
        %get3A_640 = vector.shape_cast %get3A_639 : vector<1x16xf32> to vector<16xf32>
        %swap3A_641 = arith.constant 3 : i32
        %swap3A_642 = arith.index_cast %swap3A_641 : i32 to index
        %swap3A_643 = arith.index_cast %add3A_635 : i32 to index
        %swap3A_644 = tpu.vector_load %arg7[%swap3A_642, %swap3A_643] {strides = array<i32>} : memref<4x2048xf32, #tpu.memory_space<vmem>>, vector<1x16xf32>,
        %swap3A_645 = vector.shape_cast %swap3A_644 : vector<1x16xf32> to vector<16xf32>
        %swap3A_646 = vector.shape_cast %get3A_640 : vector<16xf32> to vector<1x16xf32>
        tpu.vector_store %arg7[%swap3A_642, %swap3A_643], %swap3A_646 {add = true, strides = array<i32>} : memref<4x2048xf32, #tpu.memory_space<vmem>>, vector<1x16xf32>,
        %add3A_647 = arith.constant 112 : i32
        %add3A_648 = arith.addi %mul3A_557, %add3A_647 : i32
        %get3A_649 = arith.constant 3 : i32
        %get3A_650 = arith.index_cast %get3A_649 : i32 to index
        %get3A_651 = arith.index_cast %add3A_648 : i32 to index
        %get3A_652 = tpu.vector_load %arg11[%get3A_650, %get3A_651] {strides = array<i32>} : memref<4x2048xf32, #tpu.memory_space<vmem>>, vector<1x16xf32>,
        %get3A_653 = vector.shape_cast %get3A_652 : vector<1x16xf32> to vector<16xf32>
        %swap3A_654 = arith.constant 3 : i32
        %swap3A_655 = arith.index_cast %swap3A_654 : i32 to index
        %swap3A_656 = arith.index_cast %add3A_648 : i32 to index
        %swap3A_657 = tpu.vector_load %arg7[%swap3A_655, %swap3A_656] {strides = array<i32>} : memref<4x2048xf32, #tpu.memory_space<vmem>>, vector<1x16xf32>,
        %swap3A_658 = vector.shape_cast %swap3A_657 : vector<1x16xf32> to vector<16xf32>
        %swap3A_659 = vector.shape_cast %get3A_653 : vector<16xf32> to vector<1x16xf32>
        tpu.vector_store %arg7[%swap3A_655, %swap3A_656], %swap3A_659 {add = true, strides = array<i32>} : memref<4x2048xf32, #tpu.memory_space<vmem>>, vector<1x16xf32>,
        %scan3A_660 = arith.constant 0 : i32
        scf.yield %scan3A_660 : i32
      }
      %scan3A_454 = arith.constant 16 : i32
      %mul3A_455 = arith.constant 4 : i32
      %mul3A_456 = arith.muli %add3A_414, %mul3A_455 : i32
      %add3A_457 = arith.addi %mul3A_2, %mul3A_456 : i32
      %dma_start3A_458 = arith.constant 0 : i32
      %dma_start3A_459 = tpu.memref_slice %arg5[%add3A_457, %dma_start3A_458] : memref<4096x2048xf32, #tpu.memory_space<hbm>> -> memref<4x2048xf32, #tpu.memory_space<hbm>>
      %dma_start3A_460 = arith.constant 0 : i32
      %dma_start3A_461 = tpu.memref_slice %arg5[%add3A_457, %dma_start3A_460] : memref<4096x2048xf32, #tpu.memory_space<hbm>> -> memref<4x2048xf32, #tpu.memory_space<hbm>>
      tpu.enqueue_dma source(%arg7 : memref<4x2048xf32, #tpu.memory_space<vmem>>) target(%dma_start3A_461 : memref<4x2048xf32, #tpu.memory_space<hbm>>) target_semaphore(%arg23 : memref<!tpu.dma_semaphore, #tpu.memory_space<semaphore_mem>>)
      %dma_wait3A_462 = arith.constant 0 : i32
      %dma_wait3A_463 = arith.constant 0 : i32
      %dma_wait3A_464 = tpu.memref_slice %arg5[%dma_wait3A_462, %dma_wait3A_463] : memref<4096x2048xf32, #tpu.memory_space<hbm>> -> memref<4x2048xf32, #tpu.memory_space<hbm>>
      %dma_wait3A_465 = arith.constant 0 : i32
      %dma_wait3A_466 = arith.constant 0 : i32
      %dma_wait3A_467 = tpu.memref_slice %arg5[%dma_wait3A_465, %dma_wait3A_466] : memref<4096x2048xf32, #tpu.memory_space<hbm>> -> memref<4x2048xf32, #tpu.memory_space<hbm>>
      tpu.wait_dma2 semaphore(%arg25 : memref<!tpu.dma_semaphore, #tpu.memory_space<semaphore_mem>>) src(%arg9 : memref<4x2048xf32, #tpu.memory_space<vmem>>) dst(%dma_wait3A_467 : memref<4x2048xf32, #tpu.memory_space<hbm>>)
      %add3A_468 = arith.constant 2 : i32
      %add3A_469 = arith.addi %add3A_414, %add3A_468 : i32
      %dma_start3A_470 = arith.constant 0 : i32
      %dma_start3A_471 = tpu.memref_slice %arg6[%add3A_469, %dma_start3A_470] : memref<32x4xi32, #tpu.memory_space<vmem>> -> memref<1x4xi32, #tpu.memory_space<vmem>>
      %dma_start3A_472 = tpu.memref_squeeze %dma_start3A_471 : memref<1x4xi32, #tpu.memory_space<vmem>> -> memref<4xi32, #tpu.memory_space<vmem>>
      %dma_start3A_473 = arith.constant 0 : i32
      %dma_start3A_474 = arith.constant 0 : i32
      %dma_start3A_475 = tpu.memref_slice %arg3[%dma_start3A_473, %dma_start3A_474] : memref<15232x2048xf32, #tpu.memory_space<hbm>> -> memref<15232x2048xf32, #tpu.memory_space<hbm>>
      tpu.enqueue_indirect_dma source(%dma_start3A_475 : memref<15232x2048xf32, #tpu.memory_space<hbm>>) target(%arg13 : memref<4x2048xf32, #tpu.memory_space<vmem>>) offsets(%dma_start3A_472 : memref<4xi32, #tpu.memory_space<vmem>>) semaphore(%arg21 : memref<!tpu.dma_semaphore, #tpu.memory_space<semaphore_mem>>)
      %mul3A_476 = arith.constant 4 : i32
      %mul3A_477 = arith.muli %add3A_469, %mul3A_476 : i32
      %add3A_478 = arith.addi %mul3A_2, %mul3A_477 : i32
      %dma_start3A_479 = arith.constant 0 : i32
      %dma_start3A_480 = tpu.memref_slice %arg2[%add3A_478, %dma_start3A_479] : memref<4096x2048xf32, #tpu.memory_space<hbm>> -> memref<4x2048xf32, #tpu.memory_space<hbm>>
      %dma_start3A_481 = arith.constant 0 : i32
      %dma_start3A_482 = tpu.memref_slice %arg2[%add3A_478, %dma_start3A_481] : memref<4096x2048xf32, #tpu.memory_space<hbm>> -> memref<4x2048xf32, #tpu.memory_space<hbm>>
      tpu.enqueue_dma source(%dma_start3A_482 : memref<4x2048xf32, #tpu.memory_space<hbm>>) target(%arg9 : memref<4x2048xf32, #tpu.memory_space<vmem>>) target_semaphore(%arg17 : memref<!tpu.dma_semaphore, #tpu.memory_space<semaphore_mem>>)
      %add3A_483 = arith.constant 3 : i32
      %add3A_484 = arith.addi %add3A_272, %add3A_483 : i32
      %dma_wait3A_485 = arith.constant 0 : i32
      %dma_wait3A_486 = arith.constant 0 : i32
      %dma_wait3A_487 = tpu.memref_slice %arg2[%dma_wait3A_485, %dma_wait3A_486] : memref<4096x2048xf32, #tpu.memory_space<hbm>> -> memref<4x2048xf32, #tpu.memory_space<hbm>>
      %dma_wait3A_488 = arith.constant 0 : i32
      %dma_wait3A_489 = arith.constant 0 : i32
      %dma_wait3A_490 = tpu.memref_slice %arg2[%dma_wait3A_488, %dma_wait3A_489] : memref<4096x2048xf32, #tpu.memory_space<hbm>> -> memref<4x2048xf32, #tpu.memory_space<hbm>>
      tpu.wait_dma2 semaphore(%arg16 : memref<!tpu.dma_semaphore, #tpu.memory_space<semaphore_mem>>) src(%dma_wait3A_490 : memref<4x2048xf32, #tpu.memory_space<hbm>>) dst(%arg8 : memref<4x2048xf32, #tpu.memory_space<vmem>>)
      %dma_wait3A_491 = arith.constant 0 : i32
      %dma_wait3A_492 = arith.constant 0 : i32
      %dma_wait3A_493 = tpu.memref_slice %arg3[%dma_wait3A_491, %dma_wait3A_492] : memref<15232x2048xf32, #tpu.memory_space<hbm>> -> memref<4x2048xf32, #tpu.memory_space<hbm>>
      %dma_wait3A_494 = arith.constant 0 : i32
      %dma_wait3A_495 = arith.constant 0 : i32
      %dma_wait3A_496 = tpu.memref_slice %arg3[%dma_wait3A_494, %dma_wait3A_495] : memref<15232x2048xf32, #tpu.memory_space<hbm>> -> memref<4x2048xf32, #tpu.memory_space<hbm>>
      tpu.wait_dma2 semaphore(%arg20 : memref<!tpu.dma_semaphore, #tpu.memory_space<semaphore_mem>>) src(%dma_wait3A_496 : memref<4x2048xf32, #tpu.memory_space<hbm>>) dst(%arg12 : memref<4x2048xf32, #tpu.memory_space<vmem>>)
      %scan3A_497 = arith.constant 0 : i32
      %scan3A_498 = arith.constant 0 : i32
      %scan3A_499 = arith.constant 16 : i32
      %scan3A_500 = arith.addi %scan3A_498, %scan3A_499 : i32
      %scan3A_501 = arith.constant 1 : i32
      %scan3A_502 = scf.for %scan3A_554 = %scan3A_498 to %scan3A_500 step %scan3A_501 iter_args(%scan3A_555 = %scan3A_497) -> (i32)  : i32 {
        %mul3A_556 = arith.constant 128 : i32
        %mul3A_557 = arith.muli %scan3A_554, %mul3A_556 : i32
        %add3A_558 = arith.constant 0 : i32
        %add3A_559 = arith.addi %mul3A_557, %add3A_558 : i32
        %get3A = arith.constant 0 : i32
        %get3A_560 = arith.index_cast %get3A : i32 to index
        %get3A_561 = arith.index_cast %add3A_559 : i32 to index
        %get3A_562 = tpu.vector_load %arg12[%get3A_560, %get3A_561] {strides = array<i32>} : memref<4x2048xf32, #tpu.memory_space<vmem>>, vector<1x16xf32>,
        %get3A_563 = vector.shape_cast %get3A_562 : vector<1x16xf32> to vector<16xf32>
        %swap3A = arith.constant 0 : i32
        %swap3A_564 = arith.index_cast %swap3A : i32 to index
        %swap3A_565 = arith.index_cast %add3A_559 : i32 to index
        %swap3A_566 = tpu.vector_load %arg8[%swap3A_564, %swap3A_565] {strides = array<i32>} : memref<4x2048xf32, #tpu.memory_space<vmem>>, vector<1x16xf32>,
        %swap3A_567 = vector.shape_cast %swap3A_566 : vector<1x16xf32> to vector<16xf32>
        %swap3A_568 = vector.shape_cast %get3A_563 : vector<16xf32> to vector<1x16xf32>
        tpu.vector_store %arg8[%swap3A_564, %swap3A_565], %swap3A_568 {add = true, strides = array<i32>} : memref<4x2048xf32, #tpu.memory_space<vmem>>, vector<1x16xf32>,
        %add3A_569 = arith.constant 16 : i32
        %add3A_570 = arith.addi %mul3A_557, %add3A_569 : i32
        %get3A_571 = arith.constant 0 : i32
        %get3A_572 = arith.index_cast %get3A_571 : i32 to index
        %get3A_573 = arith.index_cast %add3A_570 : i32 to index
        %get3A_574 = tpu.vector_load %arg12[%get3A_572, %get3A_573] {strides = array<i32>} : memref<4x2048xf32, #tpu.memory_space<vmem>>, vector<1x16xf32>,
        %get3A_575 = vector.shape_cast %get3A_574 : vector<1x16xf32> to vector<16xf32>
        %swap3A_576 = arith.constant 0 : i32
        %swap3A_577 = arith.index_cast %swap3A_576 : i32 to index
        %swap3A_578 = arith.index_cast %add3A_570 : i32 to index
        %swap3A_579 = tpu.vector_load %arg8[%swap3A_577, %swap3A_578] {strides = array<i32>} : memref<4x2048xf32, #tpu.memory_space<vmem>>, vector<1x16xf32>,
        %swap3A_580 = vector.shape_cast %swap3A_579 : vector<1x16xf32> to vector<16xf32>
        %swap3A_581 = vector.shape_cast %get3A_575 : vector<16xf32> to vector<1x16xf32>
        tpu.vector_store %arg8[%swap3A_577, %swap3A_578], %swap3A_581 {add = true, strides = array<i32>} : memref<4x2048xf32, #tpu.memory_space<vmem>>, vector<1x16xf32>,
        %add3A_582 = arith.constant 32 : i32
        %add3A_583 = arith.addi %mul3A_557, %add3A_582 : i32
        %get3A_584 = arith.constant 0 : i32
        %get3A_585 = arith.index_cast %get3A_584 : i32 to index
        %get3A_586 = arith.index_cast %add3A_583 : i32 to index
        %get3A_587 = tpu.vector_load %arg12[%get3A_585, %get3A_586] {strides = array<i32>} : memref<4x2048xf32, #tpu.memory_space<vmem>>, vector<1x16xf32>,
        %get3A_588 = vector.shape_cast %get3A_587 : vector<1x16xf32> to vector<16xf32>
        %swap3A_589 = arith.constant 0 : i32
        %swap3A_590 = arith.index_cast %swap3A_589 : i32 to index
        %swap3A_591 = arith.index_cast %add3A_583 : i32 to index
        %swap3A_592 = tpu.vector_load %arg8[%swap3A_590, %swap3A_591] {strides = array<i32>} : memref<4x2048xf32, #tpu.memory_space<vmem>>, vector<1x16xf32>,
        %swap3A_593 = vector.shape_cast %swap3A_592 : vector<1x16xf32> to vector<16xf32>
        %swap3A_594 = vector.shape_cast %get3A_588 : vector<16xf32> to vector<1x16xf32>
        tpu.vector_store %arg8[%swap3A_590, %swap3A_591], %swap3A_594 {add = true, strides = array<i32>} : memref<4x2048xf32, #tpu.memory_space<vmem>>, vector<1x16xf32>,
        %add3A_595 = arith.constant 48 : i32
        %add3A_596 = arith.addi %mul3A_557, %add3A_595 : i32
        %get3A_597 = arith.constant 0 : i32
        %get3A_598 = arith.index_cast %get3A_597 : i32 to index
        %get3A_599 = arith.index_cast %add3A_596 : i32 to index
        %get3A_600 = tpu.vector_load %arg12[%get3A_598, %get3A_599] {strides = array<i32>} : memref<4x2048xf32, #tpu.memory_space<vmem>>, vector<1x16xf32>,
        %get3A_601 = vector.shape_cast %get3A_600 : vector<1x16xf32> to vector<16xf32>
        %swap3A_602 = arith.constant 0 : i32
        %swap3A_603 = arith.index_cast %swap3A_602 : i32 to index
        %swap3A_604 = arith.index_cast %add3A_596 : i32 to index
        %swap3A_605 = tpu.vector_load %arg8[%swap3A_603, %swap3A_604] {strides = array<i32>} : memref<4x2048xf32, #tpu.memory_space<vmem>>, vector<1x16xf32>,
        %swap3A_606 = vector.shape_cast %swap3A_605 : vector<1x16xf32> to vector<16xf32>
        %swap3A_607 = vector.shape_cast %get3A_601 : vector<16xf32> to vector<1x16xf32>
        tpu.vector_store %arg8[%swap3A_603, %swap3A_604], %swap3A_607 {add = true, strides = array<i32>} : memref<4x2048xf32, #tpu.memory_space<vmem>>, vector<1x16xf32>,
        %add3A_608 = arith.constant 64 : i32
        %add3A_609 = arith.addi %mul3A_557, %add3A_608 : i32
        %get3A_610 = arith.constant 0 : i32
        %get3A_611 = arith.index_cast %get3A_610 : i32 to index
        %get3A_612 = arith.index_cast %add3A_609 : i32 to index
        %get3A_613 = tpu.vector_load %arg12[%get3A_611, %get3A_612] {strides = array<i32>} : memref<4x2048xf32, #tpu.memory_space<vmem>>, vector<1x16xf32>,
        %get3A_614 = vector.shape_cast %get3A_613 : vector<1x16xf32> to vector<16xf32>
        %swap3A_615 = arith.constant 0 : i32
        %swap3A_616 = arith.index_cast %swap3A_615 : i32 to index
        %swap3A_617 = arith.index_cast %add3A_609 : i32 to index
        %swap3A_618 = tpu.vector_load %arg8[%swap3A_616, %swap3A_617] {strides = array<i32>} : memref<4x2048xf32, #tpu.memory_space<vmem>>, vector<1x16xf32>,
        %swap3A_619 = vector.shape_cast %swap3A_618 : vector<1x16xf32> to vector<16xf32>
        %swap3A_620 = vector.shape_cast %get3A_614 : vector<16xf32> to vector<1x16xf32>
        tpu.vector_store %arg8[%swap3A_616, %swap3A_617], %swap3A_620 {add = true, strides = array<i32>} : memref<4x2048xf32, #tpu.memory_space<vmem>>, vector<1x16xf32>,
        %add3A_621 = arith.constant 80 : i32
        %add3A_622 = arith.addi %mul3A_557, %add3A_621 : i32
        %get3A_623 = arith.constant 0 : i32
        %get3A_624 = arith.index_cast %get3A_623 : i32 to index
        %get3A_625 = arith.index_cast %add3A_622 : i32 to index
        %get3A_626 = tpu.vector_load %arg12[%get3A_624, %get3A_625] {strides = array<i32>} : memref<4x2048xf32, #tpu.memory_space<vmem>>, vector<1x16xf32>,
        %get3A_627 = vector.shape_cast %get3A_626 : vector<1x16xf32> to vector<16xf32>
        %swap3A_628 = arith.constant 0 : i32
        %swap3A_629 = arith.index_cast %swap3A_628 : i32 to index
        %swap3A_630 = arith.index_cast %add3A_622 : i32 to index
        %swap3A_631 = tpu.vector_load %arg8[%swap3A_629, %swap3A_630] {strides = array<i32>} : memref<4x2048xf32, #tpu.memory_space<vmem>>, vector<1x16xf32>,
        %swap3A_632 = vector.shape_cast %swap3A_631 : vector<1x16xf32> to vector<16xf32>
        %swap3A_633 = vector.shape_cast %get3A_627 : vector<16xf32> to vector<1x16xf32>
        tpu.vector_store %arg8[%swap3A_629, %swap3A_630], %swap3A_633 {add = true, strides = array<i32>} : memref<4x2048xf32, #tpu.memory_space<vmem>>, vector<1x16xf32>,
        %add3A_634 = arith.constant 96 : i32
        %add3A_635 = arith.addi %mul3A_557, %add3A_634 : i32
        %get3A_636 = arith.constant 0 : i32
        %get3A_637 = arith.index_cast %get3A_636 : i32 to index
        %get3A_638 = arith.index_cast %add3A_635 : i32 to index
        %get3A_639 = tpu.vector_load %arg12[%get3A_637, %get3A_638] {strides = array<i32>} : memref<4x2048xf32, #tpu.memory_space<vmem>>, vector<1x16xf32>,
        %get3A_640 = vector.shape_cast %get3A_639 : vector<1x16xf32> to vector<16xf32>
        %swap3A_641 = arith.constant 0 : i32
        %swap3A_642 = arith.index_cast %swap3A_641 : i32 to index
        %swap3A_643 = arith.index_cast %add3A_635 : i32 to index
        %swap3A_644 = tpu.vector_load %arg8[%swap3A_642, %swap3A_643] {strides = array<i32>} : memref<4x2048xf32, #tpu.memory_space<vmem>>, vector<1x16xf32>,
        %swap3A_645 = vector.shape_cast %swap3A_644 : vector<1x16xf32> to vector<16xf32>
        %swap3A_646 = vector.shape_cast %get3A_640 : vector<16xf32> to vector<1x16xf32>
        tpu.vector_store %arg8[%swap3A_642, %swap3A_643], %swap3A_646 {add = true, strides = array<i32>} : memref<4x2048xf32, #tpu.memory_space<vmem>>, vector<1x16xf32>,
        %add3A_647 = arith.constant 112 : i32
        %add3A_648 = arith.addi %mul3A_557, %add3A_647 : i32
        %get3A_649 = arith.constant 0 : i32
        %get3A_650 = arith.index_cast %get3A_649 : i32 to index
        %get3A_651 = arith.index_cast %add3A_648 : i32 to index
        %get3A_652 = tpu.vector_load %arg12[%get3A_650, %get3A_651] {strides = array<i32>} : memref<4x2048xf32, #tpu.memory_space<vmem>>, vector<1x16xf32>,
        %get3A_653 = vector.shape_cast %get3A_652 : vector<1x16xf32> to vector<16xf32>
        %swap3A_654 = arith.constant 0 : i32
        %swap3A_655 = arith.index_cast %swap3A_654 : i32 to index
        %swap3A_656 = arith.index_cast %add3A_648 : i32 to index
        %swap3A_657 = tpu.vector_load %arg8[%swap3A_655, %swap3A_656] {strides = array<i32>} : memref<4x2048xf32, #tpu.memory_space<vmem>>, vector<1x16xf32>,
        %swap3A_658 = vector.shape_cast %swap3A_657 : vector<1x16xf32> to vector<16xf32>
        %swap3A_659 = vector.shape_cast %get3A_653 : vector<16xf32> to vector<1x16xf32>
        tpu.vector_store %arg8[%swap3A_655, %swap3A_656], %swap3A_659 {add = true, strides = array<i32>} : memref<4x2048xf32, #tpu.memory_space<vmem>>, vector<1x16xf32>,
        %scan3A_660 = arith.constant 0 : i32
        scf.yield %scan3A_660 : i32
      }
      %scan3A_503 = arith.constant 16 : i32
      %scan3A_504 = arith.constant 0 : i32
      %scan3A_505 = arith.constant 0 : i32
      %scan3A_506 = arith.constant 16 : i32
      %scan3A_507 = arith.addi %scan3A_505, %scan3A_506 : i32
      %scan3A_508 = arith.constant 1 : i32
      %scan3A_509 = scf.for %scan3A_554 = %scan3A_505 to %scan3A_507 step %scan3A_508 iter_args(%scan3A_555 = %scan3A_504) -> (i32)  : i32 {
        %mul3A_556 = arith.constant 128 : i32
        %mul3A_557 = arith.muli %scan3A_554, %mul3A_556 : i32
        %add3A_558 = arith.constant 0 : i32
        %add3A_559 = arith.addi %mul3A_557, %add3A_558 : i32
        %get3A = arith.constant 1 : i32
        %get3A_560 = arith.index_cast %get3A : i32 to index
        %get3A_561 = arith.index_cast %add3A_559 : i32 to index
        %get3A_562 = tpu.vector_load %arg12[%get3A_560, %get3A_561] {strides = array<i32>} : memref<4x2048xf32, #tpu.memory_space<vmem>>, vector<1x16xf32>,
        %get3A_563 = vector.shape_cast %get3A_562 : vector<1x16xf32> to vector<16xf32>
        %swap3A = arith.constant 1 : i32
        %swap3A_564 = arith.index_cast %swap3A : i32 to index
        %swap3A_565 = arith.index_cast %add3A_559 : i32 to index
        %swap3A_566 = tpu.vector_load %arg8[%swap3A_564, %swap3A_565] {strides = array<i32>} : memref<4x2048xf32, #tpu.memory_space<vmem>>, vector<1x16xf32>,
        %swap3A_567 = vector.shape_cast %swap3A_566 : vector<1x16xf32> to vector<16xf32>
        %swap3A_568 = vector.shape_cast %get3A_563 : vector<16xf32> to vector<1x16xf32>
        tpu.vector_store %arg8[%swap3A_564, %swap3A_565], %swap3A_568 {add = true, strides = array<i32>} : memref<4x2048xf32, #tpu.memory_space<vmem>>, vector<1x16xf32>,
        %add3A_569 = arith.constant 16 : i32
        %add3A_570 = arith.addi %mul3A_557, %add3A_569 : i32
        %get3A_571 = arith.constant 1 : i32
        %get3A_572 = arith.index_cast %get3A_571 : i32 to index
        %get3A_573 = arith.index_cast %add3A_570 : i32 to index
        %get3A_574 = tpu.vector_load %arg12[%get3A_572, %get3A_573] {strides = array<i32>} : memref<4x2048xf32, #tpu.memory_space<vmem>>, vector<1x16xf32>,
        %get3A_575 = vector.shape_cast %get3A_574 : vector<1x16xf32> to vector<16xf32>
        %swap3A_576 = arith.constant 1 : i32
        %swap3A_577 = arith.index_cast %swap3A_576 : i32 to index
        %swap3A_578 = arith.index_cast %add3A_570 : i32 to index
        %swap3A_579 = tpu.vector_load %arg8[%swap3A_577, %swap3A_578] {strides = array<i32>} : memref<4x2048xf32, #tpu.memory_space<vmem>>, vector<1x16xf32>,
        %swap3A_580 = vector.shape_cast %swap3A_579 : vector<1x16xf32> to vector<16xf32>
        %swap3A_581 = vector.shape_cast %get3A_575 : vector<16xf32> to vector<1x16xf32>
        tpu.vector_store %arg8[%swap3A_577, %swap3A_578], %swap3A_581 {add = true, strides = array<i32>} : memref<4x2048xf32, #tpu.memory_space<vmem>>, vector<1x16xf32>,
        %add3A_582 = arith.constant 32 : i32
        %add3A_583 = arith.addi %mul3A_557, %add3A_582 : i32
        %get3A_584 = arith.constant 1 : i32
        %get3A_585 = arith.index_cast %get3A_584 : i32 to index
        %get3A_586 = arith.index_cast %add3A_583 : i32 to index
        %get3A_587 = tpu.vector_load %arg12[%get3A_585, %get3A_586] {strides = array<i32>} : memref<4x2048xf32, #tpu.memory_space<vmem>>, vector<1x16xf32>,
        %get3A_588 = vector.shape_cast %get3A_587 : vector<1x16xf32> to vector<16xf32>
        %swap3A_589 = arith.constant 1 : i32
        %swap3A_590 = arith.index_cast %swap3A_589 : i32 to index
        %swap3A_591 = arith.index_cast %add3A_583 : i32 to index
        %swap3A_592 = tpu.vector_load %arg8[%swap3A_590, %swap3A_591] {strides = array<i32>} : memref<4x2048xf32, #tpu.memory_space<vmem>>, vector<1x16xf32>,
        %swap3A_593 = vector.shape_cast %swap3A_592 : vector<1x16xf32> to vector<16xf32>
        %swap3A_594 = vector.shape_cast %get3A_588 : vector<16xf32> to vector<1x16xf32>
        tpu.vector_store %arg8[%swap3A_590, %swap3A_591], %swap3A_594 {add = true, strides = array<i32>} : memref<4x2048xf32, #tpu.memory_space<vmem>>, vector<1x16xf32>,
        %add3A_595 = arith.constant 48 : i32
        %add3A_596 = arith.addi %mul3A_557, %add3A_595 : i32
        %get3A_597 = arith.constant 1 : i32
        %get3A_598 = arith.index_cast %get3A_597 : i32 to index
        %get3A_599 = arith.index_cast %add3A_596 : i32 to index
        %get3A_600 = tpu.vector_load %arg12[%get3A_598, %get3A_599] {strides = array<i32>} : memref<4x2048xf32, #tpu.memory_space<vmem>>, vector<1x16xf32>,
        %get3A_601 = vector.shape_cast %get3A_600 : vector<1x16xf32> to vector<16xf32>
        %swap3A_602 = arith.constant 1 : i32
        %swap3A_603 = arith.index_cast %swap3A_602 : i32 to index
        %swap3A_604 = arith.index_cast %add3A_596 : i32 to index
        %swap3A_605 = tpu.vector_load %arg8[%swap3A_603, %swap3A_604] {strides = array<i32>} : memref<4x2048xf32, #tpu.memory_space<vmem>>, vector<1x16xf32>,
        %swap3A_606 = vector.shape_cast %swap3A_605 : vector<1x16xf32> to vector<16xf32>
        %swap3A_607 = vector.shape_cast %get3A_601 : vector<16xf32> to vector<1x16xf32>
        tpu.vector_store %arg8[%swap3A_603, %swap3A_604], %swap3A_607 {add = true, strides = array<i32>} : memref<4x2048xf32, #tpu.memory_space<vmem>>, vector<1x16xf32>,
        %add3A_608 = arith.constant 64 : i32
        %add3A_609 = arith.addi %mul3A_557, %add3A_608 : i32
        %get3A_610 = arith.constant 1 : i32
        %get3A_611 = arith.index_cast %get3A_610 : i32 to index
        %get3A_612 = arith.index_cast %add3A_609 : i32 to index
        %get3A_613 = tpu.vector_load %arg12[%get3A_611, %get3A_612] {strides = array<i32>} : memref<4x2048xf32, #tpu.memory_space<vmem>>, vector<1x16xf32>,
        %get3A_614 = vector.shape_cast %get3A_613 : vector<1x16xf32> to vector<16xf32>
        %swap3A_615 = arith.constant 1 : i32
        %swap3A_616 = arith.index_cast %swap3A_615 : i32 to index
        %swap3A_617 = arith.index_cast %add3A_609 : i32 to index
        %swap3A_618 = tpu.vector_load %arg8[%swap3A_616, %swap3A_617] {strides = array<i32>} : memref<4x2048xf32, #tpu.memory_space<vmem>>, vector<1x16xf32>,
        %swap3A_619 = vector.shape_cast %swap3A_618 : vector<1x16xf32> to vector<16xf32>
        %swap3A_620 = vector.shape_cast %get3A_614 : vector<16xf32> to vector<1x16xf32>
        tpu.vector_store %arg8[%swap3A_616, %swap3A_617], %swap3A_620 {add = true, strides = array<i32>} : memref<4x2048xf32, #tpu.memory_space<vmem>>, vector<1x16xf32>,
        %add3A_621 = arith.constant 80 : i32
        %add3A_622 = arith.addi %mul3A_557, %add3A_621 : i32
        %get3A_623 = arith.constant 1 : i32
        %get3A_624 = arith.index_cast %get3A_623 : i32 to index
        %get3A_625 = arith.index_cast %add3A_622 : i32 to index
        %get3A_626 = tpu.vector_load %arg12[%get3A_624, %get3A_625] {strides = array<i32>} : memref<4x2048xf32, #tpu.memory_space<vmem>>, vector<1x16xf32>,
        %get3A_627 = vector.shape_cast %get3A_626 : vector<1x16xf32> to vector<16xf32>
        %swap3A_628 = arith.constant 1 : i32
        %swap3A_629 = arith.index_cast %swap3A_628 : i32 to index
        %swap3A_630 = arith.index_cast %add3A_622 : i32 to index
        %swap3A_631 = tpu.vector_load %arg8[%swap3A_629, %swap3A_630] {strides = array<i32>} : memref<4x2048xf32, #tpu.memory_space<vmem>>, vector<1x16xf32>,
        %swap3A_632 = vector.shape_cast %swap3A_631 : vector<1x16xf32> to vector<16xf32>
        %swap3A_633 = vector.shape_cast %get3A_627 : vector<16xf32> to vector<1x16xf32>
        tpu.vector_store %arg8[%swap3A_629, %swap3A_630], %swap3A_633 {add = true, strides = array<i32>} : memref<4x2048xf32, #tpu.memory_space<vmem>>, vector<1x16xf32>,
        %add3A_634 = arith.constant 96 : i32
        %add3A_635 = arith.addi %mul3A_557, %add3A_634 : i32
        %get3A_636 = arith.constant 1 : i32
        %get3A_637 = arith.index_cast %get3A_636 : i32 to index
        %get3A_638 = arith.index_cast %add3A_635 : i32 to index
        %get3A_639 = tpu.vector_load %arg12[%get3A_637, %get3A_638] {strides = array<i32>} : memref<4x2048xf32, #tpu.memory_space<vmem>>, vector<1x16xf32>,
        %get3A_640 = vector.shape_cast %get3A_639 : vector<1x16xf32> to vector<16xf32>
        %swap3A_641 = arith.constant 1 : i32
        %swap3A_642 = arith.index_cast %swap3A_641 : i32 to index
        %swap3A_643 = arith.index_cast %add3A_635 : i32 to index
        %swap3A_644 = tpu.vector_load %arg8[%swap3A_642, %swap3A_643] {strides = array<i32>} : memref<4x2048xf32, #tpu.memory_space<vmem>>, vector<1x16xf32>,
        %swap3A_645 = vector.shape_cast %swap3A_644 : vector<1x16xf32> to vector<16xf32>
        %swap3A_646 = vector.shape_cast %get3A_640 : vector<16xf32> to vector<1x16xf32>
        tpu.vector_store %arg8[%swap3A_642, %swap3A_643], %swap3A_646 {add = true, strides = array<i32>} : memref<4x2048xf32, #tpu.memory_space<vmem>>, vector<1x16xf32>,
        %add3A_647 = arith.constant 112 : i32
        %add3A_648 = arith.addi %mul3A_557, %add3A_647 : i32
        %get3A_649 = arith.constant 1 : i32
        %get3A_650 = arith.index_cast %get3A_649 : i32 to index
        %get3A_651 = arith.index_cast %add3A_648 : i32 to index
        %get3A_652 = tpu.vector_load %arg12[%get3A_650, %get3A_651] {strides = array<i32>} : memref<4x2048xf32, #tpu.memory_space<vmem>>, vector<1x16xf32>,
        %get3A_653 = vector.shape_cast %get3A_652 : vector<1x16xf32> to vector<16xf32>
        %swap3A_654 = arith.constant 1 : i32
        %swap3A_655 = arith.index_cast %swap3A_654 : i32 to index
        %swap3A_656 = arith.index_cast %add3A_648 : i32 to index
        %swap3A_657 = tpu.vector_load %arg8[%swap3A_655, %swap3A_656] {strides = array<i32>} : memref<4x2048xf32, #tpu.memory_space<vmem>>, vector<1x16xf32>,
        %swap3A_658 = vector.shape_cast %swap3A_657 : vector<1x16xf32> to vector<16xf32>
        %swap3A_659 = vector.shape_cast %get3A_653 : vector<16xf32> to vector<1x16xf32>
        tpu.vector_store %arg8[%swap3A_655, %swap3A_656], %swap3A_659 {add = true, strides = array<i32>} : memref<4x2048xf32, #tpu.memory_space<vmem>>, vector<1x16xf32>,
        %scan3A_660 = arith.constant 0 : i32
        scf.yield %scan3A_660 : i32
      }
      %scan3A_510 = arith.constant 16 : i32
      %scan3A_511 = arith.constant 0 : i32
      %scan3A_512 = arith.constant 0 : i32
      %scan3A_513 = arith.constant 16 : i32
      %scan3A_514 = arith.addi %scan3A_512, %scan3A_513 : i32
      %scan3A_515 = arith.constant 1 : i32
      %scan3A_516 = scf.for %scan3A_554 = %scan3A_512 to %scan3A_514 step %scan3A_515 iter_args(%scan3A_555 = %scan3A_511) -> (i32)  : i32 {
        %mul3A_556 = arith.constant 128 : i32
        %mul3A_557 = arith.muli %scan3A_554, %mul3A_556 : i32
        %add3A_558 = arith.constant 0 : i32
        %add3A_559 = arith.addi %mul3A_557, %add3A_558 : i32
        %get3A = arith.constant 2 : i32
        %get3A_560 = arith.index_cast %get3A : i32 to index
        %get3A_561 = arith.index_cast %add3A_559 : i32 to index
        %get3A_562 = tpu.vector_load %arg12[%get3A_560, %get3A_561] {strides = array<i32>} : memref<4x2048xf32, #tpu.memory_space<vmem>>, vector<1x16xf32>,
        %get3A_563 = vector.shape_cast %get3A_562 : vector<1x16xf32> to vector<16xf32>
        %swap3A = arith.constant 2 : i32
        %swap3A_564 = arith.index_cast %swap3A : i32 to index
        %swap3A_565 = arith.index_cast %add3A_559 : i32 to index
        %swap3A_566 = tpu.vector_load %arg8[%swap3A_564, %swap3A_565] {strides = array<i32>} : memref<4x2048xf32, #tpu.memory_space<vmem>>, vector<1x16xf32>,
        %swap3A_567 = vector.shape_cast %swap3A_566 : vector<1x16xf32> to vector<16xf32>
        %swap3A_568 = vector.shape_cast %get3A_563 : vector<16xf32> to vector<1x16xf32>
        tpu.vector_store %arg8[%swap3A_564, %swap3A_565], %swap3A_568 {add = true, strides = array<i32>} : memref<4x2048xf32, #tpu.memory_space<vmem>>, vector<1x16xf32>,
        %add3A_569 = arith.constant 16 : i32
        %add3A_570 = arith.addi %mul3A_557, %add3A_569 : i32
        %get3A_571 = arith.constant 2 : i32
        %get3A_572 = arith.index_cast %get3A_571 : i32 to index
        %get3A_573 = arith.index_cast %add3A_570 : i32 to index
        %get3A_574 = tpu.vector_load %arg12[%get3A_572, %get3A_573] {strides = array<i32>} : memref<4x2048xf32, #tpu.memory_space<vmem>>, vector<1x16xf32>,
        %get3A_575 = vector.shape_cast %get3A_574 : vector<1x16xf32> to vector<16xf32>
        %swap3A_576 = arith.constant 2 : i32
        %swap3A_577 = arith.index_cast %swap3A_576 : i32 to index
        %swap3A_578 = arith.index_cast %add3A_570 : i32 to index
        %swap3A_579 = tpu.vector_load %arg8[%swap3A_577, %swap3A_578] {strides = array<i32>} : memref<4x2048xf32, #tpu.memory_space<vmem>>, vector<1x16xf32>,
        %swap3A_580 = vector.shape_cast %swap3A_579 : vector<1x16xf32> to vector<16xf32>
        %swap3A_581 = vector.shape_cast %get3A_575 : vector<16xf32> to vector<1x16xf32>
        tpu.vector_store %arg8[%swap3A_577, %swap3A_578], %swap3A_581 {add = true, strides = array<i32>} : memref<4x2048xf32, #tpu.memory_space<vmem>>, vector<1x16xf32>,
        %add3A_582 = arith.constant 32 : i32
        %add3A_583 = arith.addi %mul3A_557, %add3A_582 : i32
        %get3A_584 = arith.constant 2 : i32
        %get3A_585 = arith.index_cast %get3A_584 : i32 to index
        %get3A_586 = arith.index_cast %add3A_583 : i32 to index
        %get3A_587 = tpu.vector_load %arg12[%get3A_585, %get3A_586] {strides = array<i32>} : memref<4x2048xf32, #tpu.memory_space<vmem>>, vector<1x16xf32>,
        %get3A_588 = vector.shape_cast %get3A_587 : vector<1x16xf32> to vector<16xf32>
        %swap3A_589 = arith.constant 2 : i32
        %swap3A_590 = arith.index_cast %swap3A_589 : i32 to index
        %swap3A_591 = arith.index_cast %add3A_583 : i32 to index
        %swap3A_592 = tpu.vector_load %arg8[%swap3A_590, %swap3A_591] {strides = array<i32>} : memref<4x2048xf32, #tpu.memory_space<vmem>>, vector<1x16xf32>,
        %swap3A_593 = vector.shape_cast %swap3A_592 : vector<1x16xf32> to vector<16xf32>
        %swap3A_594 = vector.shape_cast %get3A_588 : vector<16xf32> to vector<1x16xf32>
        tpu.vector_store %arg8[%swap3A_590, %swap3A_591], %swap3A_594 {add = true, strides = array<i32>} : memref<4x2048xf32, #tpu.memory_space<vmem>>, vector<1x16xf32>,
        %add3A_595 = arith.constant 48 : i32
        %add3A_596 = arith.addi %mul3A_557, %add3A_595 : i32
        %get3A_597 = arith.constant 2 : i32
        %get3A_598 = arith.index_cast %get3A_597 : i32 to index
        %get3A_599 = arith.index_cast %add3A_596 : i32 to index
        %get3A_600 = tpu.vector_load %arg12[%get3A_598, %get3A_599] {strides = array<i32>} : memref<4x2048xf32, #tpu.memory_space<vmem>>, vector<1x16xf32>,
        %get3A_601 = vector.shape_cast %get3A_600 : vector<1x16xf32> to vector<16xf32>
        %swap3A_602 = arith.constant 2 : i32
        %swap3A_603 = arith.index_cast %swap3A_602 : i32 to index
        %swap3A_604 = arith.index_cast %add3A_596 : i32 to index
        %swap3A_605 = tpu.vector_load %arg8[%swap3A_603, %swap3A_604] {strides = array<i32>} : memref<4x2048xf32, #tpu.memory_space<vmem>>, vector<1x16xf32>,
        %swap3A_606 = vector.shape_cast %swap3A_605 : vector<1x16xf32> to vector<16xf32>
        %swap3A_607 = vector.shape_cast %get3A_601 : vector<16xf32> to vector<1x16xf32>
        tpu.vector_store %arg8[%swap3A_603, %swap3A_604], %swap3A_607 {add = true, strides = array<i32>} : memref<4x2048xf32, #tpu.memory_space<vmem>>, vector<1x16xf32>,
        %add3A_608 = arith.constant 64 : i32
        %add3A_609 = arith.addi %mul3A_557, %add3A_608 : i32
        %get3A_610 = arith.constant 2 : i32
        %get3A_611 = arith.index_cast %get3A_610 : i32 to index
        %get3A_612 = arith.index_cast %add3A_609 : i32 to index
        %get3A_613 = tpu.vector_load %arg12[%get3A_611, %get3A_612] {strides = array<i32>} : memref<4x2048xf32, #tpu.memory_space<vmem>>, vector<1x16xf32>,
        %get3A_614 = vector.shape_cast %get3A_613 : vector<1x16xf32> to vector<16xf32>
        %swap3A_615 = arith.constant 2 : i32
        %swap3A_616 = arith.index_cast %swap3A_615 : i32 to index
        %swap3A_617 = arith.index_cast %add3A_609 : i32 to index
        %swap3A_618 = tpu.vector_load %arg8[%swap3A_616, %swap3A_617] {strides = array<i32>} : memref<4x2048xf32, #tpu.memory_space<vmem>>, vector<1x16xf32>,
        %swap3A_619 = vector.shape_cast %swap3A_618 : vector<1x16xf32> to vector<16xf32>
        %swap3A_620 = vector.shape_cast %get3A_614 : vector<16xf32> to vector<1x16xf32>
        tpu.vector_store %arg8[%swap3A_616, %swap3A_617], %swap3A_620 {add = true, strides = array<i32>} : memref<4x2048xf32, #tpu.memory_space<vmem>>, vector<1x16xf32>,
        %add3A_621 = arith.constant 80 : i32
        %add3A_622 = arith.addi %mul3A_557, %add3A_621 : i32
        %get3A_623 = arith.constant 2 : i32
        %get3A_624 = arith.index_cast %get3A_623 : i32 to index
        %get3A_625 = arith.index_cast %add3A_622 : i32 to index
        %get3A_626 = tpu.vector_load %arg12[%get3A_624, %get3A_625] {strides = array<i32>} : memref<4x2048xf32, #tpu.memory_space<vmem>>, vector<1x16xf32>,
        %get3A_627 = vector.shape_cast %get3A_626 : vector<1x16xf32> to vector<16xf32>
        %swap3A_628 = arith.constant 2 : i32
        %swap3A_629 = arith.index_cast %swap3A_628 : i32 to index
        %swap3A_630 = arith.index_cast %add3A_622 : i32 to index
        %swap3A_631 = tpu.vector_load %arg8[%swap3A_629, %swap3A_630] {strides = array<i32>} : memref<4x2048xf32, #tpu.memory_space<vmem>>, vector<1x16xf32>,
        %swap3A_632 = vector.shape_cast %swap3A_631 : vector<1x16xf32> to vector<16xf32>
        %swap3A_633 = vector.shape_cast %get3A_627 : vector<16xf32> to vector<1x16xf32>
        tpu.vector_store %arg8[%swap3A_629, %swap3A_630], %swap3A_633 {add = true, strides = array<i32>} : memref<4x2048xf32, #tpu.memory_space<vmem>>, vector<1x16xf32>,
        %add3A_634 = arith.constant 96 : i32
        %add3A_635 = arith.addi %mul3A_557, %add3A_634 : i32
        %get3A_636 = arith.constant 2 : i32
        %get3A_637 = arith.index_cast %get3A_636 : i32 to index
        %get3A_638 = arith.index_cast %add3A_635 : i32 to index
        %get3A_639 = tpu.vector_load %arg12[%get3A_637, %get3A_638] {strides = array<i32>} : memref<4x2048xf32, #tpu.memory_space<vmem>>, vector<1x16xf32>,
        %get3A_640 = vector.shape_cast %get3A_639 : vector<1x16xf32> to vector<16xf32>
        %swap3A_641 = arith.constant 2 : i32
        %swap3A_642 = arith.index_cast %swap3A_641 : i32 to index
        %swap3A_643 = arith.index_cast %add3A_635 : i32 to index
        %swap3A_644 = tpu.vector_load %arg8[%swap3A_642, %swap3A_643] {strides = array<i32>} : memref<4x2048xf32, #tpu.memory_space<vmem>>, vector<1x16xf32>,
        %swap3A_645 = vector.shape_cast %swap3A_644 : vector<1x16xf32> to vector<16xf32>
        %swap3A_646 = vector.shape_cast %get3A_640 : vector<16xf32> to vector<1x16xf32>
        tpu.vector_store %arg8[%swap3A_642, %swap3A_643], %swap3A_646 {add = true, strides = array<i32>} : memref<4x2048xf32, #tpu.memory_space<vmem>>, vector<1x16xf32>,
        %add3A_647 = arith.constant 112 : i32
        %add3A_648 = arith.addi %mul3A_557, %add3A_647 : i32
        %get3A_649 = arith.constant 2 : i32
        %get3A_650 = arith.index_cast %get3A_649 : i32 to index
        %get3A_651 = arith.index_cast %add3A_648 : i32 to index
        %get3A_652 = tpu.vector_load %arg12[%get3A_650, %get3A_651] {strides = array<i32>} : memref<4x2048xf32, #tpu.memory_space<vmem>>, vector<1x16xf32>,
        %get3A_653 = vector.shape_cast %get3A_652 : vector<1x16xf32> to vector<16xf32>
        %swap3A_654 = arith.constant 2 : i32
        %swap3A_655 = arith.index_cast %swap3A_654 : i32 to index
        %swap3A_656 = arith.index_cast %add3A_648 : i32 to index
        %swap3A_657 = tpu.vector_load %arg8[%swap3A_655, %swap3A_656] {strides = array<i32>} : memref<4x2048xf32, #tpu.memory_space<vmem>>, vector<1x16xf32>,
        %swap3A_658 = vector.shape_cast %swap3A_657 : vector<1x16xf32> to vector<16xf32>
        %swap3A_659 = vector.shape_cast %get3A_653 : vector<16xf32> to vector<1x16xf32>
        tpu.vector_store %arg8[%swap3A_655, %swap3A_656], %swap3A_659 {add = true, strides = array<i32>} : memref<4x2048xf32, #tpu.memory_space<vmem>>, vector<1x16xf32>,
        %scan3A_660 = arith.constant 0 : i32
        scf.yield %scan3A_660 : i32
      }
      %scan3A_517 = arith.constant 16 : i32
      %scan3A_518 = arith.constant 0 : i32
      %scan3A_519 = arith.constant 0 : i32
      %scan3A_520 = arith.constant 16 : i32
      %scan3A_521 = arith.addi %scan3A_519, %scan3A_520 : i32
      %scan3A_522 = arith.constant 1 : i32
      %scan3A_523 = scf.for %scan3A_554 = %scan3A_519 to %scan3A_521 step %scan3A_522 iter_args(%scan3A_555 = %scan3A_518) -> (i32)  : i32 {
        %mul3A_556 = arith.constant 128 : i32
        %mul3A_557 = arith.muli %scan3A_554, %mul3A_556 : i32
        %add3A_558 = arith.constant 0 : i32
        %add3A_559 = arith.addi %mul3A_557, %add3A_558 : i32
        %get3A = arith.constant 3 : i32
        %get3A_560 = arith.index_cast %get3A : i32 to index
        %get3A_561 = arith.index_cast %add3A_559 : i32 to index
        %get3A_562 = tpu.vector_load %arg12[%get3A_560, %get3A_561] {strides = array<i32>} : memref<4x2048xf32, #tpu.memory_space<vmem>>, vector<1x16xf32>,
        %get3A_563 = vector.shape_cast %get3A_562 : vector<1x16xf32> to vector<16xf32>
        %swap3A = arith.constant 3 : i32
        %swap3A_564 = arith.index_cast %swap3A : i32 to index
        %swap3A_565 = arith.index_cast %add3A_559 : i32 to index
        %swap3A_566 = tpu.vector_load %arg8[%swap3A_564, %swap3A_565] {strides = array<i32>} : memref<4x2048xf32, #tpu.memory_space<vmem>>, vector<1x16xf32>,
        %swap3A_567 = vector.shape_cast %swap3A_566 : vector<1x16xf32> to vector<16xf32>
        %swap3A_568 = vector.shape_cast %get3A_563 : vector<16xf32> to vector<1x16xf32>
        tpu.vector_store %arg8[%swap3A_564, %swap3A_565], %swap3A_568 {add = true, strides = array<i32>} : memref<4x2048xf32, #tpu.memory_space<vmem>>, vector<1x16xf32>,
        %add3A_569 = arith.constant 16 : i32
        %add3A_570 = arith.addi %mul3A_557, %add3A_569 : i32
        %get3A_571 = arith.constant 3 : i32
        %get3A_572 = arith.index_cast %get3A_571 : i32 to index
        %get3A_573 = arith.index_cast %add3A_570 : i32 to index
        %get3A_574 = tpu.vector_load %arg12[%get3A_572, %get3A_573] {strides = array<i32>} : memref<4x2048xf32, #tpu.memory_space<vmem>>, vector<1x16xf32>,
        %get3A_575 = vector.shape_cast %get3A_574 : vector<1x16xf32> to vector<16xf32>
        %swap3A_576 = arith.constant 3 : i32
        %swap3A_577 = arith.index_cast %swap3A_576 : i32 to index
        %swap3A_578 = arith.index_cast %add3A_570 : i32 to index
        %swap3A_579 = tpu.vector_load %arg8[%swap3A_577, %swap3A_578] {strides = array<i32>} : memref<4x2048xf32, #tpu.memory_space<vmem>>, vector<1x16xf32>,
        %swap3A_580 = vector.shape_cast %swap3A_579 : vector<1x16xf32> to vector<16xf32>
        %swap3A_581 = vector.shape_cast %get3A_575 : vector<16xf32> to vector<1x16xf32>
        tpu.vector_store %arg8[%swap3A_577, %swap3A_578], %swap3A_581 {add = true, strides = array<i32>} : memref<4x2048xf32, #tpu.memory_space<vmem>>, vector<1x16xf32>,
        %add3A_582 = arith.constant 32 : i32
        %add3A_583 = arith.addi %mul3A_557, %add3A_582 : i32
        %get3A_584 = arith.constant 3 : i32
        %get3A_585 = arith.index_cast %get3A_584 : i32 to index
        %get3A_586 = arith.index_cast %add3A_583 : i32 to index
        %get3A_587 = tpu.vector_load %arg12[%get3A_585, %get3A_586] {strides = array<i32>} : memref<4x2048xf32, #tpu.memory_space<vmem>>, vector<1x16xf32>,
        %get3A_588 = vector.shape_cast %get3A_587 : vector<1x16xf32> to vector<16xf32>
        %swap3A_589 = arith.constant 3 : i32
        %swap3A_590 = arith.index_cast %swap3A_589 : i32 to index
        %swap3A_591 = arith.index_cast %add3A_583 : i32 to index
        %swap3A_592 = tpu.vector_load %arg8[%swap3A_590, %swap3A_591] {strides = array<i32>} : memref<4x2048xf32, #tpu.memory_space<vmem>>, vector<1x16xf32>,
        %swap3A_593 = vector.shape_cast %swap3A_592 : vector<1x16xf32> to vector<16xf32>
        %swap3A_594 = vector.shape_cast %get3A_588 : vector<16xf32> to vector<1x16xf32>
        tpu.vector_store %arg8[%swap3A_590, %swap3A_591], %swap3A_594 {add = true, strides = array<i32>} : memref<4x2048xf32, #tpu.memory_space<vmem>>, vector<1x16xf32>,
        %add3A_595 = arith.constant 48 : i32
        %add3A_596 = arith.addi %mul3A_557, %add3A_595 : i32
        %get3A_597 = arith.constant 3 : i32
        %get3A_598 = arith.index_cast %get3A_597 : i32 to index
        %get3A_599 = arith.index_cast %add3A_596 : i32 to index
        %get3A_600 = tpu.vector_load %arg12[%get3A_598, %get3A_599] {strides = array<i32>} : memref<4x2048xf32, #tpu.memory_space<vmem>>, vector<1x16xf32>,
        %get3A_601 = vector.shape_cast %get3A_600 : vector<1x16xf32> to vector<16xf32>
        %swap3A_602 = arith.constant 3 : i32
        %swap3A_603 = arith.index_cast %swap3A_602 : i32 to index
        %swap3A_604 = arith.index_cast %add3A_596 : i32 to index
        %swap3A_605 = tpu.vector_load %arg8[%swap3A_603, %swap3A_604] {strides = array<i32>} : memref<4x2048xf32, #tpu.memory_space<vmem>>, vector<1x16xf32>,
        %swap3A_606 = vector.shape_cast %swap3A_605 : vector<1x16xf32> to vector<16xf32>
        %swap3A_607 = vector.shape_cast %get3A_601 : vector<16xf32> to vector<1x16xf32>
        tpu.vector_store %arg8[%swap3A_603, %swap3A_604], %swap3A_607 {add = true, strides = array<i32>} : memref<4x2048xf32, #tpu.memory_space<vmem>>, vector<1x16xf32>,
        %add3A_608 = arith.constant 64 : i32
        %add3A_609 = arith.addi %mul3A_557, %add3A_608 : i32
        %get3A_610 = arith.constant 3 : i32
        %get3A_611 = arith.index_cast %get3A_610 : i32 to index
        %get3A_612 = arith.index_cast %add3A_609 : i32 to index
        %get3A_613 = tpu.vector_load %arg12[%get3A_611, %get3A_612] {strides = array<i32>} : memref<4x2048xf32, #tpu.memory_space<vmem>>, vector<1x16xf32>,
        %get3A_614 = vector.shape_cast %get3A_613 : vector<1x16xf32> to vector<16xf32>
        %swap3A_615 = arith.constant 3 : i32
        %swap3A_616 = arith.index_cast %swap3A_615 : i32 to index
        %swap3A_617 = arith.index_cast %add3A_609 : i32 to index
        %swap3A_618 = tpu.vector_load %arg8[%swap3A_616, %swap3A_617] {strides = array<i32>} : memref<4x2048xf32, #tpu.memory_space<vmem>>, vector<1x16xf32>,
        %swap3A_619 = vector.shape_cast %swap3A_618 : vector<1x16xf32> to vector<16xf32>
        %swap3A_620 = vector.shape_cast %get3A_614 : vector<16xf32> to vector<1x16xf32>
        tpu.vector_store %arg8[%swap3A_616, %swap3A_617], %swap3A_620 {add = true, strides = array<i32>} : memref<4x2048xf32, #tpu.memory_space<vmem>>, vector<1x16xf32>,
        %add3A_621 = arith.constant 80 : i32
        %add3A_622 = arith.addi %mul3A_557, %add3A_621 : i32
        %get3A_623 = arith.constant 3 : i32
        %get3A_624 = arith.index_cast %get3A_623 : i32 to index
        %get3A_625 = arith.index_cast %add3A_622 : i32 to index
        %get3A_626 = tpu.vector_load %arg12[%get3A_624, %get3A_625] {strides = array<i32>} : memref<4x2048xf32, #tpu.memory_space<vmem>>, vector<1x16xf32>,
        %get3A_627 = vector.shape_cast %get3A_626 : vector<1x16xf32> to vector<16xf32>
        %swap3A_628 = arith.constant 3 : i32
        %swap3A_629 = arith.index_cast %swap3A_628 : i32 to index
        %swap3A_630 = arith.index_cast %add3A_622 : i32 to index
        %swap3A_631 = tpu.vector_load %arg8[%swap3A_629, %swap3A_630] {strides = array<i32>} : memref<4x2048xf32, #tpu.memory_space<vmem>>, vector<1x16xf32>,
        %swap3A_632 = vector.shape_cast %swap3A_631 : vector<1x16xf32> to vector<16xf32>
        %swap3A_633 = vector.shape_cast %get3A_627 : vector<16xf32> to vector<1x16xf32>
        tpu.vector_store %arg8[%swap3A_629, %swap3A_630], %swap3A_633 {add = true, strides = array<i32>} : memref<4x2048xf32, #tpu.memory_space<vmem>>, vector<1x16xf32>,
        %add3A_634 = arith.constant 96 : i32
        %add3A_635 = arith.addi %mul3A_557, %add3A_634 : i32
        %get3A_636 = arith.constant 3 : i32
        %get3A_637 = arith.index_cast %get3A_636 : i32 to index
        %get3A_638 = arith.index_cast %add3A_635 : i32 to index
        %get3A_639 = tpu.vector_load %arg12[%get3A_637, %get3A_638] {strides = array<i32>} : memref<4x2048xf32, #tpu.memory_space<vmem>>, vector<1x16xf32>,
        %get3A_640 = vector.shape_cast %get3A_639 : vector<1x16xf32> to vector<16xf32>
        %swap3A_641 = arith.constant 3 : i32
        %swap3A_642 = arith.index_cast %swap3A_641 : i32 to index
        %swap3A_643 = arith.index_cast %add3A_635 : i32 to index
        %swap3A_644 = tpu.vector_load %arg8[%swap3A_642, %swap3A_643] {strides = array<i32>} : memref<4x2048xf32, #tpu.memory_space<vmem>>, vector<1x16xf32>,
        %swap3A_645 = vector.shape_cast %swap3A_644 : vector<1x16xf32> to vector<16xf32>
        %swap3A_646 = vector.shape_cast %get3A_640 : vector<16xf32> to vector<1x16xf32>
        tpu.vector_store %arg8[%swap3A_642, %swap3A_643], %swap3A_646 {add = true, strides = array<i32>} : memref<4x2048xf32, #tpu.memory_space<vmem>>, vector<1x16xf32>,
        %add3A_647 = arith.constant 112 : i32
        %add3A_648 = arith.addi %mul3A_557, %add3A_647 : i32
        %get3A_649 = arith.constant 3 : i32
        %get3A_650 = arith.index_cast %get3A_649 : i32 to index
        %get3A_651 = arith.index_cast %add3A_648 : i32 to index
        %get3A_652 = tpu.vector_load %arg12[%get3A_650, %get3A_651] {strides = array<i32>} : memref<4x2048xf32, #tpu.memory_space<vmem>>, vector<1x16xf32>,
        %get3A_653 = vector.shape_cast %get3A_652 : vector<1x16xf32> to vector<16xf32>
        %swap3A_654 = arith.constant 3 : i32
        %swap3A_655 = arith.index_cast %swap3A_654 : i32 to index
        %swap3A_656 = arith.index_cast %add3A_648 : i32 to index
        %swap3A_657 = tpu.vector_load %arg8[%swap3A_655, %swap3A_656] {strides = array<i32>} : memref<4x2048xf32, #tpu.memory_space<vmem>>, vector<1x16xf32>,
        %swap3A_658 = vector.shape_cast %swap3A_657 : vector<1x16xf32> to vector<16xf32>
        %swap3A_659 = vector.shape_cast %get3A_653 : vector<16xf32> to vector<1x16xf32>
        tpu.vector_store %arg8[%swap3A_655, %swap3A_656], %swap3A_659 {add = true, strides = array<i32>} : memref<4x2048xf32, #tpu.memory_space<vmem>>, vector<1x16xf32>,
        %scan3A_660 = arith.constant 0 : i32
        scf.yield %scan3A_660 : i32
      }
      %scan3A_524 = arith.constant 16 : i32
      %mul3A_525 = arith.constant 4 : i32
      %mul3A_526 = arith.muli %add3A_484, %mul3A_525 : i32
      %add3A_527 = arith.addi %mul3A_2, %mul3A_526 : i32
      %dma_start3A_528 = arith.constant 0 : i32
      %dma_start3A_529 = tpu.memref_slice %arg5[%add3A_527, %dma_start3A_528] : memref<4096x2048xf32, #tpu.memory_space<hbm>> -> memref<4x2048xf32, #tpu.memory_space<hbm>>
      %dma_start3A_530 = arith.constant 0 : i32
      %dma_start3A_531 = tpu.memref_slice %arg5[%add3A_527, %dma_start3A_530] : memref<4096x2048xf32, #tpu.memory_space<hbm>> -> memref<4x2048xf32, #tpu.memory_space<hbm>>
      tpu.enqueue_dma source(%arg8 : memref<4x2048xf32, #tpu.memory_space<vmem>>) target(%dma_start3A_531 : memref<4x2048xf32, #tpu.memory_space<hbm>>) target_semaphore(%arg24 : memref<!tpu.dma_semaphore, #tpu.memory_space<semaphore_mem>>)
      %dma_wait3A_532 = arith.constant 0 : i32
      %dma_wait3A_533 = arith.constant 0 : i32
      %dma_wait3A_534 = tpu.memref_slice %arg5[%dma_wait3A_532, %dma_wait3A_533] : memref<4096x2048xf32, #tpu.memory_space<hbm>> -> memref<4x2048xf32, #tpu.memory_space<hbm>>
      %dma_wait3A_535 = arith.constant 0 : i32
      %dma_wait3A_536 = arith.constant 0 : i32
      %dma_wait3A_537 = tpu.memref_slice %arg5[%dma_wait3A_535, %dma_wait3A_536] : memref<4096x2048xf32, #tpu.memory_space<hbm>> -> memref<4x2048xf32, #tpu.memory_space<hbm>>
      tpu.wait_dma2 semaphore(%arg26 : memref<!tpu.dma_semaphore, #tpu.memory_space<semaphore_mem>>) src(%arg10 : memref<4x2048xf32, #tpu.memory_space<vmem>>) dst(%dma_wait3A_537 : memref<4x2048xf32, #tpu.memory_space<hbm>>)
      %add3A_538 = arith.constant 2 : i32
      %add3A_539 = arith.addi %add3A_484, %add3A_538 : i32
      %dma_start3A_540 = arith.constant 0 : i32
      %dma_start3A_541 = tpu.memref_slice %arg6[%add3A_539, %dma_start3A_540] : memref<32x4xi32, #tpu.memory_space<vmem>> -> memref<1x4xi32, #tpu.memory_space<vmem>>
      %dma_start3A_542 = tpu.memref_squeeze %dma_start3A_541 : memref<1x4xi32, #tpu.memory_space<vmem>> -> memref<4xi32, #tpu.memory_space<vmem>>
      %dma_start3A_543 = arith.constant 0 : i32
      %dma_start3A_544 = arith.constant 0 : i32
      %dma_start3A_545 = tpu.memref_slice %arg3[%dma_start3A_543, %dma_start3A_544] : memref<15232x2048xf32, #tpu.memory_space<hbm>> -> memref<15232x2048xf32, #tpu.memory_space<hbm>>
      tpu.enqueue_indirect_dma source(%dma_start3A_545 : memref<15232x2048xf32, #tpu.memory_space<hbm>>) target(%arg14 : memref<4x2048xf32, #tpu.memory_space<vmem>>) offsets(%dma_start3A_542 : memref<4xi32, #tpu.memory_space<vmem>>) semaphore(%arg22 : memref<!tpu.dma_semaphore, #tpu.memory_space<semaphore_mem>>)
      %mul3A_546 = arith.constant 4 : i32
      %mul3A_547 = arith.muli %add3A_539, %mul3A_546 : i32
      %add3A_548 = arith.addi %mul3A_2, %mul3A_547 : i32
      %dma_start3A_549 = arith.constant 0 : i32
      %dma_start3A_550 = tpu.memref_slice %arg2[%add3A_548, %dma_start3A_549] : memref<4096x2048xf32, #tpu.memory_space<hbm>> -> memref<4x2048xf32, #tpu.memory_space<hbm>>
      %dma_start3A_551 = arith.constant 0 : i32
      %dma_start3A_552 = tpu.memref_slice %arg2[%add3A_548, %dma_start3A_551] : memref<4096x2048xf32, #tpu.memory_space<hbm>> -> memref<4x2048xf32, #tpu.memory_space<hbm>>
      tpu.enqueue_dma source(%dma_start3A_552 : memref<4x2048xf32, #tpu.memory_space<hbm>>) target(%arg10 : memref<4x2048xf32, #tpu.memory_space<vmem>>) target_semaphore(%arg18 : memref<!tpu.dma_semaphore, #tpu.memory_space<semaphore_mem>>)
      %scan3A_553 = arith.constant 0 : i32
      scf.yield %scan3A_553 : i32
    }
    %scan3A_150 = arith.constant 7 : i32
    %dma_wait3A_151 = arith.constant 0 : i32
    %dma_wait3A_152 = arith.constant 0 : i32
    %dma_wait3A_153 = tpu.memref_slice %arg2[%dma_wait3A_151, %dma_wait3A_152] : memref<4096x2048xf32, #tpu.memory_space<hbm>> -> memref<4x2048xf32, #tpu.memory_space<hbm>>
    %dma_wait3A_154 = arith.constant 0 : i32
    %dma_wait3A_155 = arith.constant 0 : i32
    %dma_wait3A_156 = tpu.memref_slice %arg2[%dma_wait3A_154, %dma_wait3A_155] : memref<4096x2048xf32, #tpu.memory_space<hbm>> -> memref<4x2048xf32, #tpu.memory_space<hbm>>
    tpu.wait_dma2 semaphore(%arg17 : memref<!tpu.dma_semaphore, #tpu.memory_space<semaphore_mem>>) src(%dma_wait3A_156 : memref<4x2048xf32, #tpu.memory_space<hbm>>) dst(%arg9 : memref<4x2048xf32, #tpu.memory_space<vmem>>)
    %dma_wait3A_157 = arith.constant 0 : i32
    %dma_wait3A_158 = arith.constant 0 : i32
    %dma_wait3A_159 = tpu.memref_slice %arg3[%dma_wait3A_157, %dma_wait3A_158] : memref<15232x2048xf32, #tpu.memory_space<hbm>> -> memref<4x2048xf32, #tpu.memory_space<hbm>>
    %dma_wait3A_160 = arith.constant 0 : i32
    %dma_wait3A_161 = arith.constant 0 : i32
    %dma_wait3A_162 = tpu.memref_slice %arg3[%dma_wait3A_160, %dma_wait3A_161] : memref<15232x2048xf32, #tpu.memory_space<hbm>> -> memref<4x2048xf32, #tpu.memory_space<hbm>>
    tpu.wait_dma2 semaphore(%arg21 : memref<!tpu.dma_semaphore, #tpu.memory_space<semaphore_mem>>) src(%dma_wait3A_162 : memref<4x2048xf32, #tpu.memory_space<hbm>>) dst(%arg13 : memref<4x2048xf32, #tpu.memory_space<vmem>>)
    %scan3A_163 = arith.constant 0 : i32
    %scan3A_164 = arith.constant 0 : i32
    %scan3A_165 = arith.constant 16 : i32
    %scan3A_166 = arith.addi %scan3A_164, %scan3A_165 : i32
    %scan3A_167 = arith.constant 1 : i32
    %scan3A_168 = scf.for %scan3A_267 = %scan3A_164 to %scan3A_166 step %scan3A_167 iter_args(%scan3A_268 = %scan3A_163) -> (i32)  : i32 {
      %mul3A_269 = arith.constant 128 : i32
      %mul3A_270 = arith.muli %scan3A_267, %mul3A_269 : i32
      %add3A_271 = arith.constant 0 : i32
      %add3A_272 = arith.addi %mul3A_270, %add3A_271 : i32
      %get3A = arith.constant 0 : i32
      %get3A_273 = arith.index_cast %get3A : i32 to index
      %get3A_274 = arith.index_cast %add3A_272 : i32 to index
      %get3A_275 = tpu.vector_load %arg13[%get3A_273, %get3A_274] {strides = array<i32>} : memref<4x2048xf32, #tpu.memory_space<vmem>>, vector<1x16xf32>,
      %get3A_276 = vector.shape_cast %get3A_275 : vector<1x16xf32> to vector<16xf32>
      %swap3A = arith.constant 0 : i32
      %swap3A_277 = arith.index_cast %swap3A : i32 to index
      %swap3A_278 = arith.index_cast %add3A_272 : i32 to index
      %swap3A_279 = tpu.vector_load %arg9[%swap3A_277, %swap3A_278] {strides = array<i32>} : memref<4x2048xf32, #tpu.memory_space<vmem>>, vector<1x16xf32>,
      %swap3A_280 = vector.shape_cast %swap3A_279 : vector<1x16xf32> to vector<16xf32>
      %swap3A_281 = vector.shape_cast %get3A_276 : vector<16xf32> to vector<1x16xf32>
      tpu.vector_store %arg9[%swap3A_277, %swap3A_278], %swap3A_281 {add = true, strides = array<i32>} : memref<4x2048xf32, #tpu.memory_space<vmem>>, vector<1x16xf32>,
      %add3A_282 = arith.constant 16 : i32
      %add3A_283 = arith.addi %mul3A_270, %add3A_282 : i32
      %get3A_284 = arith.constant 0 : i32
      %get3A_285 = arith.index_cast %get3A_284 : i32 to index
      %get3A_286 = arith.index_cast %add3A_283 : i32 to index
      %get3A_287 = tpu.vector_load %arg13[%get3A_285, %get3A_286] {strides = array<i32>} : memref<4x2048xf32, #tpu.memory_space<vmem>>, vector<1x16xf32>,
      %get3A_288 = vector.shape_cast %get3A_287 : vector<1x16xf32> to vector<16xf32>
      %swap3A_289 = arith.constant 0 : i32
      %swap3A_290 = arith.index_cast %swap3A_289 : i32 to index
      %swap3A_291 = arith.index_cast %add3A_283 : i32 to index
      %swap3A_292 = tpu.vector_load %arg9[%swap3A_290, %swap3A_291] {strides = array<i32>} : memref<4x2048xf32, #tpu.memory_space<vmem>>, vector<1x16xf32>,
      %swap3A_293 = vector.shape_cast %swap3A_292 : vector<1x16xf32> to vector<16xf32>
      %swap3A_294 = vector.shape_cast %get3A_288 : vector<16xf32> to vector<1x16xf32>
      tpu.vector_store %arg9[%swap3A_290, %swap3A_291], %swap3A_294 {add = true, strides = array<i32>} : memref<4x2048xf32, #tpu.memory_space<vmem>>, vector<1x16xf32>,
      %add3A_295 = arith.constant 32 : i32
      %add3A_296 = arith.addi %mul3A_270, %add3A_295 : i32
      %get3A_297 = arith.constant 0 : i32
      %get3A_298 = arith.index_cast %get3A_297 : i32 to index
      %get3A_299 = arith.index_cast %add3A_296 : i32 to index
      %get3A_300 = tpu.vector_load %arg13[%get3A_298, %get3A_299] {strides = array<i32>} : memref<4x2048xf32, #tpu.memory_space<vmem>>, vector<1x16xf32>,
      %get3A_301 = vector.shape_cast %get3A_300 : vector<1x16xf32> to vector<16xf32>
      %swap3A_302 = arith.constant 0 : i32
      %swap3A_303 = arith.index_cast %swap3A_302 : i32 to index
      %swap3A_304 = arith.index_cast %add3A_296 : i32 to index
      %swap3A_305 = tpu.vector_load %arg9[%swap3A_303, %swap3A_304] {strides = array<i32>} : memref<4x2048xf32, #tpu.memory_space<vmem>>, vector<1x16xf32>,
      %swap3A_306 = vector.shape_cast %swap3A_305 : vector<1x16xf32> to vector<16xf32>
      %swap3A_307 = vector.shape_cast %get3A_301 : vector<16xf32> to vector<1x16xf32>
      tpu.vector_store %arg9[%swap3A_303, %swap3A_304], %swap3A_307 {add = true, strides = array<i32>} : memref<4x2048xf32, #tpu.memory_space<vmem>>, vector<1x16xf32>,
      %add3A_308 = arith.constant 48 : i32
      %add3A_309 = arith.addi %mul3A_270, %add3A_308 : i32
      %get3A_310 = arith.constant 0 : i32
      %get3A_311 = arith.index_cast %get3A_310 : i32 to index
      %get3A_312 = arith.index_cast %add3A_309 : i32 to index
      %get3A_313 = tpu.vector_load %arg13[%get3A_311, %get3A_312] {strides = array<i32>} : memref<4x2048xf32, #tpu.memory_space<vmem>>, vector<1x16xf32>,
      %get3A_314 = vector.shape_cast %get3A_313 : vector<1x16xf32> to vector<16xf32>
      %swap3A_315 = arith.constant 0 : i32
      %swap3A_316 = arith.index_cast %swap3A_315 : i32 to index
      %swap3A_317 = arith.index_cast %add3A_309 : i32 to index
      %swap3A_318 = tpu.vector_load %arg9[%swap3A_316, %swap3A_317] {strides = array<i32>} : memref<4x2048xf32, #tpu.memory_space<vmem>>, vector<1x16xf32>,
      %swap3A_319 = vector.shape_cast %swap3A_318 : vector<1x16xf32> to vector<16xf32>
      %swap3A_320 = vector.shape_cast %get3A_314 : vector<16xf32> to vector<1x16xf32>
      tpu.vector_store %arg9[%swap3A_316, %swap3A_317], %swap3A_320 {add = true, strides = array<i32>} : memref<4x2048xf32, #tpu.memory_space<vmem>>, vector<1x16xf32>,
      %add3A_321 = arith.constant 64 : i32
      %add3A_322 = arith.addi %mul3A_270, %add3A_321 : i32
      %get3A_323 = arith.constant 0 : i32
      %get3A_324 = arith.index_cast %get3A_323 : i32 to index
      %get3A_325 = arith.index_cast %add3A_322 : i32 to index
      %get3A_326 = tpu.vector_load %arg13[%get3A_324, %get3A_325] {strides = array<i32>} : memref<4x2048xf32, #tpu.memory_space<vmem>>, vector<1x16xf32>,
      %get3A_327 = vector.shape_cast %get3A_326 : vector<1x16xf32> to vector<16xf32>
      %swap3A_328 = arith.constant 0 : i32
      %swap3A_329 = arith.index_cast %swap3A_328 : i32 to index
      %swap3A_330 = arith.index_cast %add3A_322 : i32 to index
      %swap3A_331 = tpu.vector_load %arg9[%swap3A_329, %swap3A_330] {strides = array<i32>} : memref<4x2048xf32, #tpu.memory_space<vmem>>, vector<1x16xf32>,
      %swap3A_332 = vector.shape_cast %swap3A_331 : vector<1x16xf32> to vector<16xf32>
      %swap3A_333 = vector.shape_cast %get3A_327 : vector<16xf32> to vector<1x16xf32>
      tpu.vector_store %arg9[%swap3A_329, %swap3A_330], %swap3A_333 {add = true, strides = array<i32>} : memref<4x2048xf32, #tpu.memory_space<vmem>>, vector<1x16xf32>,
      %add3A_334 = arith.constant 80 : i32
      %add3A_335 = arith.addi %mul3A_270, %add3A_334 : i32
      %get3A_336 = arith.constant 0 : i32
      %get3A_337 = arith.index_cast %get3A_336 : i32 to index
      %get3A_338 = arith.index_cast %add3A_335 : i32 to index
      %get3A_339 = tpu.vector_load %arg13[%get3A_337, %get3A_338] {strides = array<i32>} : memref<4x2048xf32, #tpu.memory_space<vmem>>, vector<1x16xf32>,
      %get3A_340 = vector.shape_cast %get3A_339 : vector<1x16xf32> to vector<16xf32>
      %swap3A_341 = arith.constant 0 : i32
      %swap3A_342 = arith.index_cast %swap3A_341 : i32 to index
      %swap3A_343 = arith.index_cast %add3A_335 : i32 to index
      %swap3A_344 = tpu.vector_load %arg9[%swap3A_342, %swap3A_343] {strides = array<i32>} : memref<4x2048xf32, #tpu.memory_space<vmem>>, vector<1x16xf32>,
      %swap3A_345 = vector.shape_cast %swap3A_344 : vector<1x16xf32> to vector<16xf32>
      %swap3A_346 = vector.shape_cast %get3A_340 : vector<16xf32> to vector<1x16xf32>
      tpu.vector_store %arg9[%swap3A_342, %swap3A_343], %swap3A_346 {add = true, strides = array<i32>} : memref<4x2048xf32, #tpu.memory_space<vmem>>, vector<1x16xf32>,
      %add3A_347 = arith.constant 96 : i32
      %add3A_348 = arith.addi %mul3A_270, %add3A_347 : i32
      %get3A_349 = arith.constant 0 : i32
      %get3A_350 = arith.index_cast %get3A_349 : i32 to index
      %get3A_351 = arith.index_cast %add3A_348 : i32 to index
      %get3A_352 = tpu.vector_load %arg13[%get3A_350, %get3A_351] {strides = array<i32>} : memref<4x2048xf32, #tpu.memory_space<vmem>>, vector<1x16xf32>,
      %get3A_353 = vector.shape_cast %get3A_352 : vector<1x16xf32> to vector<16xf32>
      %swap3A_354 = arith.constant 0 : i32
      %swap3A_355 = arith.index_cast %swap3A_354 : i32 to index
      %swap3A_356 = arith.index_cast %add3A_348 : i32 to index
      %swap3A_357 = tpu.vector_load %arg9[%swap3A_355, %swap3A_356] {strides = array<i32>} : memref<4x2048xf32, #tpu.memory_space<vmem>>, vector<1x16xf32>,
      %swap3A_358 = vector.shape_cast %swap3A_357 : vector<1x16xf32> to vector<16xf32>
      %swap3A_359 = vector.shape_cast %get3A_353 : vector<16xf32> to vector<1x16xf32>
      tpu.vector_store %arg9[%swap3A_355, %swap3A_356], %swap3A_359 {add = true, strides = array<i32>} : memref<4x2048xf32, #tpu.memory_space<vmem>>, vector<1x16xf32>,
      %add3A_360 = arith.constant 112 : i32
      %add3A_361 = arith.addi %mul3A_270, %add3A_360 : i32
      %get3A_362 = arith.constant 0 : i32
      %get3A_363 = arith.index_cast %get3A_362 : i32 to index
      %get3A_364 = arith.index_cast %add3A_361 : i32 to index
      %get3A_365 = tpu.vector_load %arg13[%get3A_363, %get3A_364] {strides = array<i32>} : memref<4x2048xf32, #tpu.memory_space<vmem>>, vector<1x16xf32>,
      %get3A_366 = vector.shape_cast %get3A_365 : vector<1x16xf32> to vector<16xf32>
      %swap3A_367 = arith.constant 0 : i32
      %swap3A_368 = arith.index_cast %swap3A_367 : i32 to index
      %swap3A_369 = arith.index_cast %add3A_361 : i32 to index
      %swap3A_370 = tpu.vector_load %arg9[%swap3A_368, %swap3A_369] {strides = array<i32>} : memref<4x2048xf32, #tpu.memory_space<vmem>>, vector<1x16xf32>,
      %swap3A_371 = vector.shape_cast %swap3A_370 : vector<1x16xf32> to vector<16xf32>
      %swap3A_372 = vector.shape_cast %get3A_366 : vector<16xf32> to vector<1x16xf32>
      tpu.vector_store %arg9[%swap3A_368, %swap3A_369], %swap3A_372 {add = true, strides = array<i32>} : memref<4x2048xf32, #tpu.memory_space<vmem>>, vector<1x16xf32>,
      %scan3A_373 = arith.constant 0 : i32
      scf.yield %scan3A_373 : i32
    }
    %scan3A_169 = arith.constant 16 : i32
    %scan3A_170 = arith.constant 0 : i32
    %scan3A_171 = arith.constant 0 : i32
    %scan3A_172 = arith.constant 16 : i32
    %scan3A_173 = arith.addi %scan3A_171, %scan3A_172 : i32
    %scan3A_174 = arith.constant 1 : i32
    %scan3A_175 = scf.for %scan3A_267 = %scan3A_171 to %scan3A_173 step %scan3A_174 iter_args(%scan3A_268 = %scan3A_170) -> (i32)  : i32 {
      %mul3A_269 = arith.constant 128 : i32
      %mul3A_270 = arith.muli %scan3A_267, %mul3A_269 : i32
      %add3A_271 = arith.constant 0 : i32
      %add3A_272 = arith.addi %mul3A_270, %add3A_271 : i32
      %get3A = arith.constant 1 : i32
      %get3A_273 = arith.index_cast %get3A : i32 to index
      %get3A_274 = arith.index_cast %add3A_272 : i32 to index
      %get3A_275 = tpu.vector_load %arg13[%get3A_273, %get3A_274] {strides = array<i32>} : memref<4x2048xf32, #tpu.memory_space<vmem>>, vector<1x16xf32>,
      %get3A_276 = vector.shape_cast %get3A_275 : vector<1x16xf32> to vector<16xf32>
      %swap3A = arith.constant 1 : i32
      %swap3A_277 = arith.index_cast %swap3A : i32 to index
      %swap3A_278 = arith.index_cast %add3A_272 : i32 to index
      %swap3A_279 = tpu.vector_load %arg9[%swap3A_277, %swap3A_278] {strides = array<i32>} : memref<4x2048xf32, #tpu.memory_space<vmem>>, vector<1x16xf32>,
      %swap3A_280 = vector.shape_cast %swap3A_279 : vector<1x16xf32> to vector<16xf32>
      %swap3A_281 = vector.shape_cast %get3A_276 : vector<16xf32> to vector<1x16xf32>
      tpu.vector_store %arg9[%swap3A_277, %swap3A_278], %swap3A_281 {add = true, strides = array<i32>} : memref<4x2048xf32, #tpu.memory_space<vmem>>, vector<1x16xf32>,
      %add3A_282 = arith.constant 16 : i32
      %add3A_283 = arith.addi %mul3A_270, %add3A_282 : i32
      %get3A_284 = arith.constant 1 : i32
      %get3A_285 = arith.index_cast %get3A_284 : i32 to index
      %get3A_286 = arith.index_cast %add3A_283 : i32 to index
      %get3A_287 = tpu.vector_load %arg13[%get3A_285, %get3A_286] {strides = array<i32>} : memref<4x2048xf32, #tpu.memory_space<vmem>>, vector<1x16xf32>,
      %get3A_288 = vector.shape_cast %get3A_287 : vector<1x16xf32> to vector<16xf32>
      %swap3A_289 = arith.constant 1 : i32
      %swap3A_290 = arith.index_cast %swap3A_289 : i32 to index
      %swap3A_291 = arith.index_cast %add3A_283 : i32 to index
      %swap3A_292 = tpu.vector_load %arg9[%swap3A_290, %swap3A_291] {strides = array<i32>} : memref<4x2048xf32, #tpu.memory_space<vmem>>, vector<1x16xf32>,
      %swap3A_293 = vector.shape_cast %swap3A_292 : vector<1x16xf32> to vector<16xf32>
      %swap3A_294 = vector.shape_cast %get3A_288 : vector<16xf32> to vector<1x16xf32>
      tpu.vector_store %arg9[%swap3A_290, %swap3A_291], %swap3A_294 {add = true, strides = array<i32>} : memref<4x2048xf32, #tpu.memory_space<vmem>>, vector<1x16xf32>,
      %add3A_295 = arith.constant 32 : i32
      %add3A_296 = arith.addi %mul3A_270, %add3A_295 : i32
      %get3A_297 = arith.constant 1 : i32
      %get3A_298 = arith.index_cast %get3A_297 : i32 to index
      %get3A_299 = arith.index_cast %add3A_296 : i32 to index
      %get3A_300 = tpu.vector_load %arg13[%get3A_298, %get3A_299] {strides = array<i32>} : memref<4x2048xf32, #tpu.memory_space<vmem>>, vector<1x16xf32>,
      %get3A_301 = vector.shape_cast %get3A_300 : vector<1x16xf32> to vector<16xf32>
      %swap3A_302 = arith.constant 1 : i32
      %swap3A_303 = arith.index_cast %swap3A_302 : i32 to index
      %swap3A_304 = arith.index_cast %add3A_296 : i32 to index
      %swap3A_305 = tpu.vector_load %arg9[%swap3A_303, %swap3A_304] {strides = array<i32>} : memref<4x2048xf32, #tpu.memory_space<vmem>>, vector<1x16xf32>,
      %swap3A_306 = vector.shape_cast %swap3A_305 : vector<1x16xf32> to vector<16xf32>
      %swap3A_307 = vector.shape_cast %get3A_301 : vector<16xf32> to vector<1x16xf32>
      tpu.vector_store %arg9[%swap3A_303, %swap3A_304], %swap3A_307 {add = true, strides = array<i32>} : memref<4x2048xf32, #tpu.memory_space<vmem>>, vector<1x16xf32>,
      %add3A_308 = arith.constant 48 : i32
      %add3A_309 = arith.addi %mul3A_270, %add3A_308 : i32
      %get3A_310 = arith.constant 1 : i32
      %get3A_311 = arith.index_cast %get3A_310 : i32 to index
      %get3A_312 = arith.index_cast %add3A_309 : i32 to index
      %get3A_313 = tpu.vector_load %arg13[%get3A_311, %get3A_312] {strides = array<i32>} : memref<4x2048xf32, #tpu.memory_space<vmem>>, vector<1x16xf32>,
      %get3A_314 = vector.shape_cast %get3A_313 : vector<1x16xf32> to vector<16xf32>
      %swap3A_315 = arith.constant 1 : i32
      %swap3A_316 = arith.index_cast %swap3A_315 : i32 to index
      %swap3A_317 = arith.index_cast %add3A_309 : i32 to index
      %swap3A_318 = tpu.vector_load %arg9[%swap3A_316, %swap3A_317] {strides = array<i32>} : memref<4x2048xf32, #tpu.memory_space<vmem>>, vector<1x16xf32>,
      %swap3A_319 = vector.shape_cast %swap3A_318 : vector<1x16xf32> to vector<16xf32>
      %swap3A_320 = vector.shape_cast %get3A_314 : vector<16xf32> to vector<1x16xf32>
      tpu.vector_store %arg9[%swap3A_316, %swap3A_317], %swap3A_320 {add = true, strides = array<i32>} : memref<4x2048xf32, #tpu.memory_space<vmem>>, vector<1x16xf32>,
      %add3A_321 = arith.constant 64 : i32
      %add3A_322 = arith.addi %mul3A_270, %add3A_321 : i32
      %get3A_323 = arith.constant 1 : i32
      %get3A_324 = arith.index_cast %get3A_323 : i32 to index
      %get3A_325 = arith.index_cast %add3A_322 : i32 to index
      %get3A_326 = tpu.vector_load %arg13[%get3A_324, %get3A_325] {strides = array<i32>} : memref<4x2048xf32, #tpu.memory_space<vmem>>, vector<1x16xf32>,
      %get3A_327 = vector.shape_cast %get3A_326 : vector<1x16xf32> to vector<16xf32>
      %swap3A_328 = arith.constant 1 : i32
      %swap3A_329 = arith.index_cast %swap3A_328 : i32 to index
      %swap3A_330 = arith.index_cast %add3A_322 : i32 to index
      %swap3A_331 = tpu.vector_load %arg9[%swap3A_329, %swap3A_330] {strides = array<i32>} : memref<4x2048xf32, #tpu.memory_space<vmem>>, vector<1x16xf32>,
      %swap3A_332 = vector.shape_cast %swap3A_331 : vector<1x16xf32> to vector<16xf32>
      %swap3A_333 = vector.shape_cast %get3A_327 : vector<16xf32> to vector<1x16xf32>
      tpu.vector_store %arg9[%swap3A_329, %swap3A_330], %swap3A_333 {add = true, strides = array<i32>} : memref<4x2048xf32, #tpu.memory_space<vmem>>, vector<1x16xf32>,
      %add3A_334 = arith.constant 80 : i32
      %add3A_335 = arith.addi %mul3A_270, %add3A_334 : i32
      %get3A_336 = arith.constant 1 : i32
      %get3A_337 = arith.index_cast %get3A_336 : i32 to index
      %get3A_338 = arith.index_cast %add3A_335 : i32 to index
      %get3A_339 = tpu.vector_load %arg13[%get3A_337, %get3A_338] {strides = array<i32>} : memref<4x2048xf32, #tpu.memory_space<vmem>>, vector<1x16xf32>,
      %get3A_340 = vector.shape_cast %get3A_339 : vector<1x16xf32> to vector<16xf32>
      %swap3A_341 = arith.constant 1 : i32
      %swap3A_342 = arith.index_cast %swap3A_341 : i32 to index
      %swap3A_343 = arith.index_cast %add3A_335 : i32 to index
      %swap3A_344 = tpu.vector_load %arg9[%swap3A_342, %swap3A_343] {strides = array<i32>} : memref<4x2048xf32, #tpu.memory_space<vmem>>, vector<1x16xf32>,
      %swap3A_345 = vector.shape_cast %swap3A_344 : vector<1x16xf32> to vector<16xf32>
      %swap3A_346 = vector.shape_cast %get3A_340 : vector<16xf32> to vector<1x16xf32>
      tpu.vector_store %arg9[%swap3A_342, %swap3A_343], %swap3A_346 {add = true, strides = array<i32>} : memref<4x2048xf32, #tpu.memory_space<vmem>>, vector<1x16xf32>,
      %add3A_347 = arith.constant 96 : i32
      %add3A_348 = arith.addi %mul3A_270, %add3A_347 : i32
      %get3A_349 = arith.constant 1 : i32
      %get3A_350 = arith.index_cast %get3A_349 : i32 to index
      %get3A_351 = arith.index_cast %add3A_348 : i32 to index
      %get3A_352 = tpu.vector_load %arg13[%get3A_350, %get3A_351] {strides = array<i32>} : memref<4x2048xf32, #tpu.memory_space<vmem>>, vector<1x16xf32>,
      %get3A_353 = vector.shape_cast %get3A_352 : vector<1x16xf32> to vector<16xf32>
      %swap3A_354 = arith.constant 1 : i32
      %swap3A_355 = arith.index_cast %swap3A_354 : i32 to index
      %swap3A_356 = arith.index_cast %add3A_348 : i32 to index
      %swap3A_357 = tpu.vector_load %arg9[%swap3A_355, %swap3A_356] {strides = array<i32>} : memref<4x2048xf32, #tpu.memory_space<vmem>>, vector<1x16xf32>,
      %swap3A_358 = vector.shape_cast %swap3A_357 : vector<1x16xf32> to vector<16xf32>
      %swap3A_359 = vector.shape_cast %get3A_353 : vector<16xf32> to vector<1x16xf32>
      tpu.vector_store %arg9[%swap3A_355, %swap3A_356], %swap3A_359 {add = true, strides = array<i32>} : memref<4x2048xf32, #tpu.memory_space<vmem>>, vector<1x16xf32>,
      %add3A_360 = arith.constant 112 : i32
      %add3A_361 = arith.addi %mul3A_270, %add3A_360 : i32
      %get3A_362 = arith.constant 1 : i32
      %get3A_363 = arith.index_cast %get3A_362 : i32 to index
      %get3A_364 = arith.index_cast %add3A_361 : i32 to index
      %get3A_365 = tpu.vector_load %arg13[%get3A_363, %get3A_364] {strides = array<i32>} : memref<4x2048xf32, #tpu.memory_space<vmem>>, vector<1x16xf32>,
      %get3A_366 = vector.shape_cast %get3A_365 : vector<1x16xf32> to vector<16xf32>
      %swap3A_367 = arith.constant 1 : i32
      %swap3A_368 = arith.index_cast %swap3A_367 : i32 to index
      %swap3A_369 = arith.index_cast %add3A_361 : i32 to index
      %swap3A_370 = tpu.vector_load %arg9[%swap3A_368, %swap3A_369] {strides = array<i32>} : memref<4x2048xf32, #tpu.memory_space<vmem>>, vector<1x16xf32>,
      %swap3A_371 = vector.shape_cast %swap3A_370 : vector<1x16xf32> to vector<16xf32>
      %swap3A_372 = vector.shape_cast %get3A_366 : vector<16xf32> to vector<1x16xf32>
      tpu.vector_store %arg9[%swap3A_368, %swap3A_369], %swap3A_372 {add = true, strides = array<i32>} : memref<4x2048xf32, #tpu.memory_space<vmem>>, vector<1x16xf32>,
      %scan3A_373 = arith.constant 0 : i32
      scf.yield %scan3A_373 : i32
    }
    %scan3A_176 = arith.constant 16 : i32
    %scan3A_177 = arith.constant 0 : i32
    %scan3A_178 = arith.constant 0 : i32
    %scan3A_179 = arith.constant 16 : i32
    %scan3A_180 = arith.addi %scan3A_178, %scan3A_179 : i32
    %scan3A_181 = arith.constant 1 : i32
    %scan3A_182 = scf.for %scan3A_267 = %scan3A_178 to %scan3A_180 step %scan3A_181 iter_args(%scan3A_268 = %scan3A_177) -> (i32)  : i32 {
      %mul3A_269 = arith.constant 128 : i32
      %mul3A_270 = arith.muli %scan3A_267, %mul3A_269 : i32
      %add3A_271 = arith.constant 0 : i32
      %add3A_272 = arith.addi %mul3A_270, %add3A_271 : i32
      %get3A = arith.constant 2 : i32
      %get3A_273 = arith.index_cast %get3A : i32 to index
      %get3A_274 = arith.index_cast %add3A_272 : i32 to index
      %get3A_275 = tpu.vector_load %arg13[%get3A_273, %get3A_274] {strides = array<i32>} : memref<4x2048xf32, #tpu.memory_space<vmem>>, vector<1x16xf32>,
      %get3A_276 = vector.shape_cast %get3A_275 : vector<1x16xf32> to vector<16xf32>
      %swap3A = arith.constant 2 : i32
      %swap3A_277 = arith.index_cast %swap3A : i32 to index
      %swap3A_278 = arith.index_cast %add3A_272 : i32 to index
      %swap3A_279 = tpu.vector_load %arg9[%swap3A_277, %swap3A_278] {strides = array<i32>} : memref<4x2048xf32, #tpu.memory_space<vmem>>, vector<1x16xf32>,
      %swap3A_280 = vector.shape_cast %swap3A_279 : vector<1x16xf32> to vector<16xf32>
      %swap3A_281 = vector.shape_cast %get3A_276 : vector<16xf32> to vector<1x16xf32>
      tpu.vector_store %arg9[%swap3A_277, %swap3A_278], %swap3A_281 {add = true, strides = array<i32>} : memref<4x2048xf32, #tpu.memory_space<vmem>>, vector<1x16xf32>,
      %add3A_282 = arith.constant 16 : i32
      %add3A_283 = arith.addi %mul3A_270, %add3A_282 : i32
      %get3A_284 = arith.constant 2 : i32
      %get3A_285 = arith.index_cast %get3A_284 : i32 to index
      %get3A_286 = arith.index_cast %add3A_283 : i32 to index
      %get3A_287 = tpu.vector_load %arg13[%get3A_285, %get3A_286] {strides = array<i32>} : memref<4x2048xf32, #tpu.memory_space<vmem>>, vector<1x16xf32>,
      %get3A_288 = vector.shape_cast %get3A_287 : vector<1x16xf32> to vector<16xf32>
      %swap3A_289 = arith.constant 2 : i32
      %swap3A_290 = arith.index_cast %swap3A_289 : i32 to index
      %swap3A_291 = arith.index_cast %add3A_283 : i32 to index
      %swap3A_292 = tpu.vector_load %arg9[%swap3A_290, %swap3A_291] {strides = array<i32>} : memref<4x2048xf32, #tpu.memory_space<vmem>>, vector<1x16xf32>,
      %swap3A_293 = vector.shape_cast %swap3A_292 : vector<1x16xf32> to vector<16xf32>
      %swap3A_294 = vector.shape_cast %get3A_288 : vector<16xf32> to vector<1x16xf32>
      tpu.vector_store %arg9[%swap3A_290, %swap3A_291], %swap3A_294 {add = true, strides = array<i32>} : memref<4x2048xf32, #tpu.memory_space<vmem>>, vector<1x16xf32>,
      %add3A_295 = arith.constant 32 : i32
      %add3A_296 = arith.addi %mul3A_270, %add3A_295 : i32
      %get3A_297 = arith.constant 2 : i32
      %get3A_298 = arith.index_cast %get3A_297 : i32 to index
      %get3A_299 = arith.index_cast %add3A_296 : i32 to index
      %get3A_300 = tpu.vector_load %arg13[%get3A_298, %get3A_299] {strides = array<i32>} : memref<4x2048xf32, #tpu.memory_space<vmem>>, vector<1x16xf32>,
      %get3A_301 = vector.shape_cast %get3A_300 : vector<1x16xf32> to vector<16xf32>
      %swap3A_302 = arith.constant 2 : i32
      %swap3A_303 = arith.index_cast %swap3A_302 : i32 to index
      %swap3A_304 = arith.index_cast %add3A_296 : i32 to index
      %swap3A_305 = tpu.vector_load %arg9[%swap3A_303, %swap3A_304] {strides = array<i32>} : memref<4x2048xf32, #tpu.memory_space<vmem>>, vector<1x16xf32>,
      %swap3A_306 = vector.shape_cast %swap3A_305 : vector<1x16xf32> to vector<16xf32>
      %swap3A_307 = vector.shape_cast %get3A_301 : vector<16xf32> to vector<1x16xf32>
      tpu.vector_store %arg9[%swap3A_303, %swap3A_304], %swap3A_307 {add = true, strides = array<i32>} : memref<4x2048xf32, #tpu.memory_space<vmem>>, vector<1x16xf32>,
      %add3A_308 = arith.constant 48 : i32
      %add3A_309 = arith.addi %mul3A_270, %add3A_308 : i32
      %get3A_310 = arith.constant 2 : i32
      %get3A_311 = arith.index_cast %get3A_310 : i32 to index
      %get3A_312 = arith.index_cast %add3A_309 : i32 to index
      %get3A_313 = tpu.vector_load %arg13[%get3A_311, %get3A_312] {strides = array<i32>} : memref<4x2048xf32, #tpu.memory_space<vmem>>, vector<1x16xf32>,
      %get3A_314 = vector.shape_cast %get3A_313 : vector<1x16xf32> to vector<16xf32>
      %swap3A_315 = arith.constant 2 : i32
      %swap3A_316 = arith.index_cast %swap3A_315 : i32 to index
      %swap3A_317 = arith.index_cast %add3A_309 : i32 to index
      %swap3A_318 = tpu.vector_load %arg9[%swap3A_316, %swap3A_317] {strides = array<i32>} : memref<4x2048xf32, #tpu.memory_space<vmem>>, vector<1x16xf32>,
      %swap3A_319 = vector.shape_cast %swap3A_318 : vector<1x16xf32> to vector<16xf32>
      %swap3A_320 = vector.shape_cast %get3A_314 : vector<16xf32> to vector<1x16xf32>
      tpu.vector_store %arg9[%swap3A_316, %swap3A_317], %swap3A_320 {add = true, strides = array<i32>} : memref<4x2048xf32, #tpu.memory_space<vmem>>, vector<1x16xf32>,
      %add3A_321 = arith.constant 64 : i32
      %add3A_322 = arith.addi %mul3A_270, %add3A_321 : i32
      %get3A_323 = arith.constant 2 : i32
      %get3A_324 = arith.index_cast %get3A_323 : i32 to index
      %get3A_325 = arith.index_cast %add3A_322 : i32 to index
      %get3A_326 = tpu.vector_load %arg13[%get3A_324, %get3A_325] {strides = array<i32>} : memref<4x2048xf32, #tpu.memory_space<vmem>>, vector<1x16xf32>,
      %get3A_327 = vector.shape_cast %get3A_326 : vector<1x16xf32> to vector<16xf32>
      %swap3A_328 = arith.constant 2 : i32
      %swap3A_329 = arith.index_cast %swap3A_328 : i32 to index
      %swap3A_330 = arith.index_cast %add3A_322 : i32 to index
      %swap3A_331 = tpu.vector_load %arg9[%swap3A_329, %swap3A_330] {strides = array<i32>} : memref<4x2048xf32, #tpu.memory_space<vmem>>, vector<1x16xf32>,
      %swap3A_332 = vector.shape_cast %swap3A_331 : vector<1x16xf32> to vector<16xf32>
      %swap3A_333 = vector.shape_cast %get3A_327 : vector<16xf32> to vector<1x16xf32>
      tpu.vector_store %arg9[%swap3A_329, %swap3A_330], %swap3A_333 {add = true, strides = array<i32>} : memref<4x2048xf32, #tpu.memory_space<vmem>>, vector<1x16xf32>,
      %add3A_334 = arith.constant 80 : i32
      %add3A_335 = arith.addi %mul3A_270, %add3A_334 : i32
      %get3A_336 = arith.constant 2 : i32
      %get3A_337 = arith.index_cast %get3A_336 : i32 to index
      %get3A_338 = arith.index_cast %add3A_335 : i32 to index
      %get3A_339 = tpu.vector_load %arg13[%get3A_337, %get3A_338] {strides = array<i32>} : memref<4x2048xf32, #tpu.memory_space<vmem>>, vector<1x16xf32>,
      %get3A_340 = vector.shape_cast %get3A_339 : vector<1x16xf32> to vector<16xf32>
      %swap3A_341 = arith.constant 2 : i32
      %swap3A_342 = arith.index_cast %swap3A_341 : i32 to index
      %swap3A_343 = arith.index_cast %add3A_335 : i32 to index
      %swap3A_344 = tpu.vector_load %arg9[%swap3A_342, %swap3A_343] {strides = array<i32>} : memref<4x2048xf32, #tpu.memory_space<vmem>>, vector<1x16xf32>,
      %swap3A_345 = vector.shape_cast %swap3A_344 : vector<1x16xf32> to vector<16xf32>
      %swap3A_346 = vector.shape_cast %get3A_340 : vector<16xf32> to vector<1x16xf32>
      tpu.vector_store %arg9[%swap3A_342, %swap3A_343], %swap3A_346 {add = true, strides = array<i32>} : memref<4x2048xf32, #tpu.memory_space<vmem>>, vector<1x16xf32>,
      %add3A_347 = arith.constant 96 : i32
      %add3A_348 = arith.addi %mul3A_270, %add3A_347 : i32
      %get3A_349 = arith.constant 2 : i32
      %get3A_350 = arith.index_cast %get3A_349 : i32 to index
      %get3A_351 = arith.index_cast %add3A_348 : i32 to index
      %get3A_352 = tpu.vector_load %arg13[%get3A_350, %get3A_351] {strides = array<i32>} : memref<4x2048xf32, #tpu.memory_space<vmem>>, vector<1x16xf32>,
      %get3A_353 = vector.shape_cast %get3A_352 : vector<1x16xf32> to vector<16xf32>
      %swap3A_354 = arith.constant 2 : i32
      %swap3A_355 = arith.index_cast %swap3A_354 : i32 to index
      %swap3A_356 = arith.index_cast %add3A_348 : i32 to index
      %swap3A_357 = tpu.vector_load %arg9[%swap3A_355, %swap3A_356] {strides = array<i32>} : memref<4x2048xf32, #tpu.memory_space<vmem>>, vector<1x16xf32>,
      %swap3A_358 = vector.shape_cast %swap3A_357 : vector<1x16xf32> to vector<16xf32>
      %swap3A_359 = vector.shape_cast %get3A_353 : vector<16xf32> to vector<1x16xf32>
      tpu.vector_store %arg9[%swap3A_355, %swap3A_356], %swap3A_359 {add = true, strides = array<i32>} : memref<4x2048xf32, #tpu.memory_space<vmem>>, vector<1x16xf32>,
      %add3A_360 = arith.constant 112 : i32
      %add3A_361 = arith.addi %mul3A_270, %add3A_360 : i32
      %get3A_362 = arith.constant 2 : i32
      %get3A_363 = arith.index_cast %get3A_362 : i32 to index
      %get3A_364 = arith.index_cast %add3A_361 : i32 to index
      %get3A_365 = tpu.vector_load %arg13[%get3A_363, %get3A_364] {strides = array<i32>} : memref<4x2048xf32, #tpu.memory_space<vmem>>, vector<1x16xf32>,
      %get3A_366 = vector.shape_cast %get3A_365 : vector<1x16xf32> to vector<16xf32>
      %swap3A_367 = arith.constant 2 : i32
      %swap3A_368 = arith.index_cast %swap3A_367 : i32 to index
      %swap3A_369 = arith.index_cast %add3A_361 : i32 to index
      %swap3A_370 = tpu.vector_load %arg9[%swap3A_368, %swap3A_369] {strides = array<i32>} : memref<4x2048xf32, #tpu.memory_space<vmem>>, vector<1x16xf32>,
      %swap3A_371 = vector.shape_cast %swap3A_370 : vector<1x16xf32> to vector<16xf32>
      %swap3A_372 = vector.shape_cast %get3A_366 : vector<16xf32> to vector<1x16xf32>
      tpu.vector_store %arg9[%swap3A_368, %swap3A_369], %swap3A_372 {add = true, strides = array<i32>} : memref<4x2048xf32, #tpu.memory_space<vmem>>, vector<1x16xf32>,
      %scan3A_373 = arith.constant 0 : i32
      scf.yield %scan3A_373 : i32
    }
    %scan3A_183 = arith.constant 16 : i32
    %scan3A_184 = arith.constant 0 : i32
    %scan3A_185 = arith.constant 0 : i32
    %scan3A_186 = arith.constant 16 : i32
    %scan3A_187 = arith.addi %scan3A_185, %scan3A_186 : i32
    %scan3A_188 = arith.constant 1 : i32
    %scan3A_189 = scf.for %scan3A_267 = %scan3A_185 to %scan3A_187 step %scan3A_188 iter_args(%scan3A_268 = %scan3A_184) -> (i32)  : i32 {
      %mul3A_269 = arith.constant 128 : i32
      %mul3A_270 = arith.muli %scan3A_267, %mul3A_269 : i32
      %add3A_271 = arith.constant 0 : i32
      %add3A_272 = arith.addi %mul3A_270, %add3A_271 : i32
      %get3A = arith.constant 3 : i32
      %get3A_273 = arith.index_cast %get3A : i32 to index
      %get3A_274 = arith.index_cast %add3A_272 : i32 to index
      %get3A_275 = tpu.vector_load %arg13[%get3A_273, %get3A_274] {strides = array<i32>} : memref<4x2048xf32, #tpu.memory_space<vmem>>, vector<1x16xf32>,
      %get3A_276 = vector.shape_cast %get3A_275 : vector<1x16xf32> to vector<16xf32>
      %swap3A = arith.constant 3 : i32
      %swap3A_277 = arith.index_cast %swap3A : i32 to index
      %swap3A_278 = arith.index_cast %add3A_272 : i32 to index
      %swap3A_279 = tpu.vector_load %arg9[%swap3A_277, %swap3A_278] {strides = array<i32>} : memref<4x2048xf32, #tpu.memory_space<vmem>>, vector<1x16xf32>,
      %swap3A_280 = vector.shape_cast %swap3A_279 : vector<1x16xf32> to vector<16xf32>
      %swap3A_281 = vector.shape_cast %get3A_276 : vector<16xf32> to vector<1x16xf32>
      tpu.vector_store %arg9[%swap3A_277, %swap3A_278], %swap3A_281 {add = true, strides = array<i32>} : memref<4x2048xf32, #tpu.memory_space<vmem>>, vector<1x16xf32>,
      %add3A_282 = arith.constant 16 : i32
      %add3A_283 = arith.addi %mul3A_270, %add3A_282 : i32
      %get3A_284 = arith.constant 3 : i32
      %get3A_285 = arith.index_cast %get3A_284 : i32 to index
      %get3A_286 = arith.index_cast %add3A_283 : i32 to index
      %get3A_287 = tpu.vector_load %arg13[%get3A_285, %get3A_286] {strides = array<i32>} : memref<4x2048xf32, #tpu.memory_space<vmem>>, vector<1x16xf32>,
      %get3A_288 = vector.shape_cast %get3A_287 : vector<1x16xf32> to vector<16xf32>
      %swap3A_289 = arith.constant 3 : i32
      %swap3A_290 = arith.index_cast %swap3A_289 : i32 to index
      %swap3A_291 = arith.index_cast %add3A_283 : i32 to index
      %swap3A_292 = tpu.vector_load %arg9[%swap3A_290, %swap3A_291] {strides = array<i32>} : memref<4x2048xf32, #tpu.memory_space<vmem>>, vector<1x16xf32>,
      %swap3A_293 = vector.shape_cast %swap3A_292 : vector<1x16xf32> to vector<16xf32>
      %swap3A_294 = vector.shape_cast %get3A_288 : vector<16xf32> to vector<1x16xf32>
      tpu.vector_store %arg9[%swap3A_290, %swap3A_291], %swap3A_294 {add = true, strides = array<i32>} : memref<4x2048xf32, #tpu.memory_space<vmem>>, vector<1x16xf32>,
      %add3A_295 = arith.constant 32 : i32
      %add3A_296 = arith.addi %mul3A_270, %add3A_295 : i32
      %get3A_297 = arith.constant 3 : i32
      %get3A_298 = arith.index_cast %get3A_297 : i32 to index
      %get3A_299 = arith.index_cast %add3A_296 : i32 to index
      %get3A_300 = tpu.vector_load %arg13[%get3A_298, %get3A_299] {strides = array<i32>} : memref<4x2048xf32, #tpu.memory_space<vmem>>, vector<1x16xf32>,
      %get3A_301 = vector.shape_cast %get3A_300 : vector<1x16xf32> to vector<16xf32>
      %swap3A_302 = arith.constant 3 : i32
      %swap3A_303 = arith.index_cast %swap3A_302 : i32 to index
      %swap3A_304 = arith.index_cast %add3A_296 : i32 to index
      %swap3A_305 = tpu.vector_load %arg9[%swap3A_303, %swap3A_304] {strides = array<i32>} : memref<4x2048xf32, #tpu.memory_space<vmem>>, vector<1x16xf32>,
      %swap3A_306 = vector.shape_cast %swap3A_305 : vector<1x16xf32> to vector<16xf32>
      %swap3A_307 = vector.shape_cast %get3A_301 : vector<16xf32> to vector<1x16xf32>
      tpu.vector_store %arg9[%swap3A_303, %swap3A_304], %swap3A_307 {add = true, strides = array<i32>} : memref<4x2048xf32, #tpu.memory_space<vmem>>, vector<1x16xf32>,
      %add3A_308 = arith.constant 48 : i32
      %add3A_309 = arith.addi %mul3A_270, %add3A_308 : i32
      %get3A_310 = arith.constant 3 : i32
      %get3A_311 = arith.index_cast %get3A_310 : i32 to index
      %get3A_312 = arith.index_cast %add3A_309 : i32 to index
      %get3A_313 = tpu.vector_load %arg13[%get3A_311, %get3A_312] {strides = array<i32>} : memref<4x2048xf32, #tpu.memory_space<vmem>>, vector<1x16xf32>,
      %get3A_314 = vector.shape_cast %get3A_313 : vector<1x16xf32> to vector<16xf32>
      %swap3A_315 = arith.constant 3 : i32
      %swap3A_316 = arith.index_cast %swap3A_315 : i32 to index
      %swap3A_317 = arith.index_cast %add3A_309 : i32 to index
      %swap3A_318 = tpu.vector_load %arg9[%swap3A_316, %swap3A_317] {strides = array<i32>} : memref<4x2048xf32, #tpu.memory_space<vmem>>, vector<1x16xf32>,
      %swap3A_319 = vector.shape_cast %swap3A_318 : vector<1x16xf32> to vector<16xf32>
      %swap3A_320 = vector.shape_cast %get3A_314 : vector<16xf32> to vector<1x16xf32>
      tpu.vector_store %arg9[%swap3A_316, %swap3A_317], %swap3A_320 {add = true, strides = array<i32>} : memref<4x2048xf32, #tpu.memory_space<vmem>>, vector<1x16xf32>,
      %add3A_321 = arith.constant 64 : i32
      %add3A_322 = arith.addi %mul3A_270, %add3A_321 : i32
      %get3A_323 = arith.constant 3 : i32
      %get3A_324 = arith.index_cast %get3A_323 : i32 to index
      %get3A_325 = arith.index_cast %add3A_322 : i32 to index
      %get3A_326 = tpu.vector_load %arg13[%get3A_324, %get3A_325] {strides = array<i32>} : memref<4x2048xf32, #tpu.memory_space<vmem>>, vector<1x16xf32>,
      %get3A_327 = vector.shape_cast %get3A_326 : vector<1x16xf32> to vector<16xf32>
      %swap3A_328 = arith.constant 3 : i32
      %swap3A_329 = arith.index_cast %swap3A_328 : i32 to index
      %swap3A_330 = arith.index_cast %add3A_322 : i32 to index
      %swap3A_331 = tpu.vector_load %arg9[%swap3A_329, %swap3A_330] {strides = array<i32>} : memref<4x2048xf32, #tpu.memory_space<vmem>>, vector<1x16xf32>,
      %swap3A_332 = vector.shape_cast %swap3A_331 : vector<1x16xf32> to vector<16xf32>
      %swap3A_333 = vector.shape_cast %get3A_327 : vector<16xf32> to vector<1x16xf32>
      tpu.vector_store %arg9[%swap3A_329, %swap3A_330], %swap3A_333 {add = true, strides = array<i32>} : memref<4x2048xf32, #tpu.memory_space<vmem>>, vector<1x16xf32>,
      %add3A_334 = arith.constant 80 : i32
      %add3A_335 = arith.addi %mul3A_270, %add3A_334 : i32
      %get3A_336 = arith.constant 3 : i32
      %get3A_337 = arith.index_cast %get3A_336 : i32 to index
      %get3A_338 = arith.index_cast %add3A_335 : i32 to index
      %get3A_339 = tpu.vector_load %arg13[%get3A_337, %get3A_338] {strides = array<i32>} : memref<4x2048xf32, #tpu.memory_space<vmem>>, vector<1x16xf32>,
      %get3A_340 = vector.shape_cast %get3A_339 : vector<1x16xf32> to vector<16xf32>
      %swap3A_341 = arith.constant 3 : i32
      %swap3A_342 = arith.index_cast %swap3A_341 : i32 to index
      %swap3A_343 = arith.index_cast %add3A_335 : i32 to index
      %swap3A_344 = tpu.vector_load %arg9[%swap3A_342, %swap3A_343] {strides = array<i32>} : memref<4x2048xf32, #tpu.memory_space<vmem>>, vector<1x16xf32>,
      %swap3A_345 = vector.shape_cast %swap3A_344 : vector<1x16xf32> to vector<16xf32>
      %swap3A_346 = vector.shape_cast %get3A_340 : vector<16xf32> to vector<1x16xf32>
      tpu.vector_store %arg9[%swap3A_342, %swap3A_343], %swap3A_346 {add = true, strides = array<i32>} : memref<4x2048xf32, #tpu.memory_space<vmem>>, vector<1x16xf32>,
      %add3A_347 = arith.constant 96 : i32
      %add3A_348 = arith.addi %mul3A_270, %add3A_347 : i32
      %get3A_349 = arith.constant 3 : i32
      %get3A_350 = arith.index_cast %get3A_349 : i32 to index
      %get3A_351 = arith.index_cast %add3A_348 : i32 to index
      %get3A_352 = tpu.vector_load %arg13[%get3A_350, %get3A_351] {strides = array<i32>} : memref<4x2048xf32, #tpu.memory_space<vmem>>, vector<1x16xf32>,
      %get3A_353 = vector.shape_cast %get3A_352 : vector<1x16xf32> to vector<16xf32>
      %swap3A_354 = arith.constant 3 : i32
      %swap3A_355 = arith.index_cast %swap3A_354 : i32 to index
      %swap3A_356 = arith.index_cast %add3A_348 : i32 to index
      %swap3A_357 = tpu.vector_load %arg9[%swap3A_355, %swap3A_356] {strides = array<i32>} : memref<4x2048xf32, #tpu.memory_space<vmem>>, vector<1x16xf32>,
      %swap3A_358 = vector.shape_cast %swap3A_357 : vector<1x16xf32> to vector<16xf32>
      %swap3A_359 = vector.shape_cast %get3A_353 : vector<16xf32> to vector<1x16xf32>
      tpu.vector_store %arg9[%swap3A_355, %swap3A_356], %swap3A_359 {add = true, strides = array<i32>} : memref<4x2048xf32, #tpu.memory_space<vmem>>, vector<1x16xf32>,
      %add3A_360 = arith.constant 112 : i32
      %add3A_361 = arith.addi %mul3A_270, %add3A_360 : i32
      %get3A_362 = arith.constant 3 : i32
      %get3A_363 = arith.index_cast %get3A_362 : i32 to index
      %get3A_364 = arith.index_cast %add3A_361 : i32 to index
      %get3A_365 = tpu.vector_load %arg13[%get3A_363, %get3A_364] {strides = array<i32>} : memref<4x2048xf32, #tpu.memory_space<vmem>>, vector<1x16xf32>,
      %get3A_366 = vector.shape_cast %get3A_365 : vector<1x16xf32> to vector<16xf32>
      %swap3A_367 = arith.constant 3 : i32
      %swap3A_368 = arith.index_cast %swap3A_367 : i32 to index
      %swap3A_369 = arith.index_cast %add3A_361 : i32 to index
      %swap3A_370 = tpu.vector_load %arg9[%swap3A_368, %swap3A_369] {strides = array<i32>} : memref<4x2048xf32, #tpu.memory_space<vmem>>, vector<1x16xf32>,
      %swap3A_371 = vector.shape_cast %swap3A_370 : vector<1x16xf32> to vector<16xf32>
      %swap3A_372 = vector.shape_cast %get3A_366 : vector<16xf32> to vector<1x16xf32>
      tpu.vector_store %arg9[%swap3A_368, %swap3A_369], %swap3A_372 {add = true, strides = array<i32>} : memref<4x2048xf32, #tpu.memory_space<vmem>>, vector<1x16xf32>,
      %scan3A_373 = arith.constant 0 : i32
      scf.yield %scan3A_373 : i32
    }
    %scan3A_190 = arith.constant 16 : i32
    %add3A_191 = arith.constant 120 : i32
    %add3A_192 = arith.addi %mul3A_2, %add3A_191 : i32
    %dma_start3A_193 = arith.constant 0 : i32
    %dma_start3A_194 = tpu.memref_slice %arg5[%add3A_192, %dma_start3A_193] : memref<4096x2048xf32, #tpu.memory_space<hbm>> -> memref<4x2048xf32, #tpu.memory_space<hbm>>
    %dma_start3A_195 = arith.constant 0 : i32
    %dma_start3A_196 = tpu.memref_slice %arg5[%add3A_192, %dma_start3A_195] : memref<4096x2048xf32, #tpu.memory_space<hbm>> -> memref<4x2048xf32, #tpu.memory_space<hbm>>
    tpu.enqueue_dma source(%arg9 : memref<4x2048xf32, #tpu.memory_space<vmem>>) target(%dma_start3A_196 : memref<4x2048xf32, #tpu.memory_space<hbm>>) target_semaphore(%arg25 : memref<!tpu.dma_semaphore, #tpu.memory_space<semaphore_mem>>)
    %dma_wait3A_197 = arith.constant 0 : i32
    %dma_wait3A_198 = arith.constant 0 : i32
    %dma_wait3A_199 = tpu.memref_slice %arg5[%dma_wait3A_197, %dma_wait3A_198] : memref<4096x2048xf32, #tpu.memory_space<hbm>> -> memref<4x2048xf32, #tpu.memory_space<hbm>>
    %dma_wait3A_200 = arith.constant 0 : i32
    %dma_wait3A_201 = arith.constant 0 : i32
    %dma_wait3A_202 = tpu.memref_slice %arg5[%dma_wait3A_200, %dma_wait3A_201] : memref<4096x2048xf32, #tpu.memory_space<hbm>> -> memref<4x2048xf32, #tpu.memory_space<hbm>>
    tpu.wait_dma2 semaphore(%arg23 : memref<!tpu.dma_semaphore, #tpu.memory_space<semaphore_mem>>) src(%arg7 : memref<4x2048xf32, #tpu.memory_space<vmem>>) dst(%dma_wait3A_202 : memref<4x2048xf32, #tpu.memory_space<hbm>>)
    %dma_wait3A_203 = arith.constant 0 : i32
    %dma_wait3A_204 = arith.constant 0 : i32
    %dma_wait3A_205 = tpu.memref_slice %arg2[%dma_wait3A_203, %dma_wait3A_204] : memref<4096x2048xf32, #tpu.memory_space<hbm>> -> memref<4x2048xf32, #tpu.memory_space<hbm>>
    %dma_wait3A_206 = arith.constant 0 : i32
    %dma_wait3A_207 = arith.constant 0 : i32
    %dma_wait3A_208 = tpu.memref_slice %arg2[%dma_wait3A_206, %dma_wait3A_207] : memref<4096x2048xf32, #tpu.memory_space<hbm>> -> memref<4x2048xf32, #tpu.memory_space<hbm>>
    tpu.wait_dma2 semaphore(%arg18 : memref<!tpu.dma_semaphore, #tpu.memory_space<semaphore_mem>>) src(%dma_wait3A_208 : memref<4x2048xf32, #tpu.memory_space<hbm>>) dst(%arg10 : memref<4x2048xf32, #tpu.memory_space<vmem>>)
    %dma_wait3A_209 = arith.constant 0 : i32
    %dma_wait3A_210 = arith.constant 0 : i32
    %dma_wait3A_211 = tpu.memref_slice %arg3[%dma_wait3A_209, %dma_wait3A_210] : memref<15232x2048xf32, #tpu.memory_space<hbm>> -> memref<4x2048xf32, #tpu.memory_space<hbm>>
    %dma_wait3A_212 = arith.constant 0 : i32
    %dma_wait3A_213 = arith.constant 0 : i32
    %dma_wait3A_214 = tpu.memref_slice %arg3[%dma_wait3A_212, %dma_wait3A_213] : memref<15232x2048xf32, #tpu.memory_space<hbm>> -> memref<4x2048xf32, #tpu.memory_space<hbm>>
    tpu.wait_dma2 semaphore(%arg22 : memref<!tpu.dma_semaphore, #tpu.memory_space<semaphore_mem>>) src(%dma_wait3A_214 : memref<4x2048xf32, #tpu.memory_space<hbm>>) dst(%arg14 : memref<4x2048xf32, #tpu.memory_space<vmem>>)
    %scan3A_215 = arith.constant 0 : i32
    %scan3A_216 = arith.constant 0 : i32
    %scan3A_217 = arith.constant 16 : i32
    %scan3A_218 = arith.addi %scan3A_216, %scan3A_217 : i32
    %scan3A_219 = arith.constant 1 : i32
    %scan3A_220 = scf.for %scan3A_267 = %scan3A_216 to %scan3A_218 step %scan3A_219 iter_args(%scan3A_268 = %scan3A_215) -> (i32)  : i32 {
      %mul3A_269 = arith.constant 128 : i32
      %mul3A_270 = arith.muli %scan3A_267, %mul3A_269 : i32
      %add3A_271 = arith.constant 0 : i32
      %add3A_272 = arith.addi %mul3A_270, %add3A_271 : i32
      %get3A = arith.constant 0 : i32
      %get3A_273 = arith.index_cast %get3A : i32 to index
      %get3A_274 = arith.index_cast %add3A_272 : i32 to index
      %get3A_275 = tpu.vector_load %arg14[%get3A_273, %get3A_274] {strides = array<i32>} : memref<4x2048xf32, #tpu.memory_space<vmem>>, vector<1x16xf32>,
      %get3A_276 = vector.shape_cast %get3A_275 : vector<1x16xf32> to vector<16xf32>
      %swap3A = arith.constant 0 : i32
      %swap3A_277 = arith.index_cast %swap3A : i32 to index
      %swap3A_278 = arith.index_cast %add3A_272 : i32 to index
      %swap3A_279 = tpu.vector_load %arg10[%swap3A_277, %swap3A_278] {strides = array<i32>} : memref<4x2048xf32, #tpu.memory_space<vmem>>, vector<1x16xf32>,
      %swap3A_280 = vector.shape_cast %swap3A_279 : vector<1x16xf32> to vector<16xf32>
      %swap3A_281 = vector.shape_cast %get3A_276 : vector<16xf32> to vector<1x16xf32>
      tpu.vector_store %arg10[%swap3A_277, %swap3A_278], %swap3A_281 {add = true, strides = array<i32>} : memref<4x2048xf32, #tpu.memory_space<vmem>>, vector<1x16xf32>,
      %add3A_282 = arith.constant 16 : i32
      %add3A_283 = arith.addi %mul3A_270, %add3A_282 : i32
      %get3A_284 = arith.constant 0 : i32
      %get3A_285 = arith.index_cast %get3A_284 : i32 to index
      %get3A_286 = arith.index_cast %add3A_283 : i32 to index
      %get3A_287 = tpu.vector_load %arg14[%get3A_285, %get3A_286] {strides = array<i32>} : memref<4x2048xf32, #tpu.memory_space<vmem>>, vector<1x16xf32>,
      %get3A_288 = vector.shape_cast %get3A_287 : vector<1x16xf32> to vector<16xf32>
      %swap3A_289 = arith.constant 0 : i32
      %swap3A_290 = arith.index_cast %swap3A_289 : i32 to index
      %swap3A_291 = arith.index_cast %add3A_283 : i32 to index
      %swap3A_292 = tpu.vector_load %arg10[%swap3A_290, %swap3A_291] {strides = array<i32>} : memref<4x2048xf32, #tpu.memory_space<vmem>>, vector<1x16xf32>,
      %swap3A_293 = vector.shape_cast %swap3A_292 : vector<1x16xf32> to vector<16xf32>
      %swap3A_294 = vector.shape_cast %get3A_288 : vector<16xf32> to vector<1x16xf32>
      tpu.vector_store %arg10[%swap3A_290, %swap3A_291], %swap3A_294 {add = true, strides = array<i32>} : memref<4x2048xf32, #tpu.memory_space<vmem>>, vector<1x16xf32>,
      %add3A_295 = arith.constant 32 : i32
      %add3A_296 = arith.addi %mul3A_270, %add3A_295 : i32
      %get3A_297 = arith.constant 0 : i32
      %get3A_298 = arith.index_cast %get3A_297 : i32 to index
      %get3A_299 = arith.index_cast %add3A_296 : i32 to index
      %get3A_300 = tpu.vector_load %arg14[%get3A_298, %get3A_299] {strides = array<i32>} : memref<4x2048xf32, #tpu.memory_space<vmem>>, vector<1x16xf32>,
      %get3A_301 = vector.shape_cast %get3A_300 : vector<1x16xf32> to vector<16xf32>
      %swap3A_302 = arith.constant 0 : i32
      %swap3A_303 = arith.index_cast %swap3A_302 : i32 to index
      %swap3A_304 = arith.index_cast %add3A_296 : i32 to index
      %swap3A_305 = tpu.vector_load %arg10[%swap3A_303, %swap3A_304] {strides = array<i32>} : memref<4x2048xf32, #tpu.memory_space<vmem>>, vector<1x16xf32>,
      %swap3A_306 = vector.shape_cast %swap3A_305 : vector<1x16xf32> to vector<16xf32>
      %swap3A_307 = vector.shape_cast %get3A_301 : vector<16xf32> to vector<1x16xf32>
      tpu.vector_store %arg10[%swap3A_303, %swap3A_304], %swap3A_307 {add = true, strides = array<i32>} : memref<4x2048xf32, #tpu.memory_space<vmem>>, vector<1x16xf32>,
      %add3A_308 = arith.constant 48 : i32
      %add3A_309 = arith.addi %mul3A_270, %add3A_308 : i32
      %get3A_310 = arith.constant 0 : i32
      %get3A_311 = arith.index_cast %get3A_310 : i32 to index
      %get3A_312 = arith.index_cast %add3A_309 : i32 to index
      %get3A_313 = tpu.vector_load %arg14[%get3A_311, %get3A_312] {strides = array<i32>} : memref<4x2048xf32, #tpu.memory_space<vmem>>, vector<1x16xf32>,
      %get3A_314 = vector.shape_cast %get3A_313 : vector<1x16xf32> to vector<16xf32>
      %swap3A_315 = arith.constant 0 : i32
      %swap3A_316 = arith.index_cast %swap3A_315 : i32 to index
      %swap3A_317 = arith.index_cast %add3A_309 : i32 to index
      %swap3A_318 = tpu.vector_load %arg10[%swap3A_316, %swap3A_317] {strides = array<i32>} : memref<4x2048xf32, #tpu.memory_space<vmem>>, vector<1x16xf32>,
      %swap3A_319 = vector.shape_cast %swap3A_318 : vector<1x16xf32> to vector<16xf32>
      %swap3A_320 = vector.shape_cast %get3A_314 : vector<16xf32> to vector<1x16xf32>
      tpu.vector_store %arg10[%swap3A_316, %swap3A_317], %swap3A_320 {add = true, strides = array<i32>} : memref<4x2048xf32, #tpu.memory_space<vmem>>, vector<1x16xf32>,
      %add3A_321 = arith.constant 64 : i32
      %add3A_322 = arith.addi %mul3A_270, %add3A_321 : i32
      %get3A_323 = arith.constant 0 : i32
      %get3A_324 = arith.index_cast %get3A_323 : i32 to index
      %get3A_325 = arith.index_cast %add3A_322 : i32 to index
      %get3A_326 = tpu.vector_load %arg14[%get3A_324, %get3A_325] {strides = array<i32>} : memref<4x2048xf32, #tpu.memory_space<vmem>>, vector<1x16xf32>,
      %get3A_327 = vector.shape_cast %get3A_326 : vector<1x16xf32> to vector<16xf32>
      %swap3A_328 = arith.constant 0 : i32
      %swap3A_329 = arith.index_cast %swap3A_328 : i32 to index
      %swap3A_330 = arith.index_cast %add3A_322 : i32 to index
      %swap3A_331 = tpu.vector_load %arg10[%swap3A_329, %swap3A_330] {strides = array<i32>} : memref<4x2048xf32, #tpu.memory_space<vmem>>, vector<1x16xf32>,
      %swap3A_332 = vector.shape_cast %swap3A_331 : vector<1x16xf32> to vector<16xf32>
      %swap3A_333 = vector.shape_cast %get3A_327 : vector<16xf32> to vector<1x16xf32>
      tpu.vector_store %arg10[%swap3A_329, %swap3A_330], %swap3A_333 {add = true, strides = array<i32>} : memref<4x2048xf32, #tpu.memory_space<vmem>>, vector<1x16xf32>,
      %add3A_334 = arith.constant 80 : i32
      %add3A_335 = arith.addi %mul3A_270, %add3A_334 : i32
      %get3A_336 = arith.constant 0 : i32
      %get3A_337 = arith.index_cast %get3A_336 : i32 to index
      %get3A_338 = arith.index_cast %add3A_335 : i32 to index
      %get3A_339 = tpu.vector_load %arg14[%get3A_337, %get3A_338] {strides = array<i32>} : memref<4x2048xf32, #tpu.memory_space<vmem>>, vector<1x16xf32>,
      %get3A_340 = vector.shape_cast %get3A_339 : vector<1x16xf32> to vector<16xf32>
      %swap3A_341 = arith.constant 0 : i32
      %swap3A_342 = arith.index_cast %swap3A_341 : i32 to index
      %swap3A_343 = arith.index_cast %add3A_335 : i32 to index
      %swap3A_344 = tpu.vector_load %arg10[%swap3A_342, %swap3A_343] {strides = array<i32>} : memref<4x2048xf32, #tpu.memory_space<vmem>>, vector<1x16xf32>,
      %swap3A_345 = vector.shape_cast %swap3A_344 : vector<1x16xf32> to vector<16xf32>
      %swap3A_346 = vector.shape_cast %get3A_340 : vector<16xf32> to vector<1x16xf32>
      tpu.vector_store %arg10[%swap3A_342, %swap3A_343], %swap3A_346 {add = true, strides = array<i32>} : memref<4x2048xf32, #tpu.memory_space<vmem>>, vector<1x16xf32>,
      %add3A_347 = arith.constant 96 : i32
      %add3A_348 = arith.addi %mul3A_270, %add3A_347 : i32
      %get3A_349 = arith.constant 0 : i32
      %get3A_350 = arith.index_cast %get3A_349 : i32 to index
      %get3A_351 = arith.index_cast %add3A_348 : i32 to index
      %get3A_352 = tpu.vector_load %arg14[%get3A_350, %get3A_351] {strides = array<i32>} : memref<4x2048xf32, #tpu.memory_space<vmem>>, vector<1x16xf32>,
      %get3A_353 = vector.shape_cast %get3A_352 : vector<1x16xf32> to vector<16xf32>
      %swap3A_354 = arith.constant 0 : i32
      %swap3A_355 = arith.index_cast %swap3A_354 : i32 to index
      %swap3A_356 = arith.index_cast %add3A_348 : i32 to index
      %swap3A_357 = tpu.vector_load %arg10[%swap3A_355, %swap3A_356] {strides = array<i32>} : memref<4x2048xf32, #tpu.memory_space<vmem>>, vector<1x16xf32>,
      %swap3A_358 = vector.shape_cast %swap3A_357 : vector<1x16xf32> to vector<16xf32>
      %swap3A_359 = vector.shape_cast %get3A_353 : vector<16xf32> to vector<1x16xf32>
      tpu.vector_store %arg10[%swap3A_355, %swap3A_356], %swap3A_359 {add = true, strides = array<i32>} : memref<4x2048xf32, #tpu.memory_space<vmem>>, vector<1x16xf32>,
      %add3A_360 = arith.constant 112 : i32
      %add3A_361 = arith.addi %mul3A_270, %add3A_360 : i32
      %get3A_362 = arith.constant 0 : i32
      %get3A_363 = arith.index_cast %get3A_362 : i32 to index
      %get3A_364 = arith.index_cast %add3A_361 : i32 to index
      %get3A_365 = tpu.vector_load %arg14[%get3A_363, %get3A_364] {strides = array<i32>} : memref<4x2048xf32, #tpu.memory_space<vmem>>, vector<1x16xf32>,
      %get3A_366 = vector.shape_cast %get3A_365 : vector<1x16xf32> to vector<16xf32>
      %swap3A_367 = arith.constant 0 : i32
      %swap3A_368 = arith.index_cast %swap3A_367 : i32 to index
      %swap3A_369 = arith.index_cast %add3A_361 : i32 to index
      %swap3A_370 = tpu.vector_load %arg10[%swap3A_368, %swap3A_369] {strides = array<i32>} : memref<4x2048xf32, #tpu.memory_space<vmem>>, vector<1x16xf32>,
      %swap3A_371 = vector.shape_cast %swap3A_370 : vector<1x16xf32> to vector<16xf32>
      %swap3A_372 = vector.shape_cast %get3A_366 : vector<16xf32> to vector<1x16xf32>
      tpu.vector_store %arg10[%swap3A_368, %swap3A_369], %swap3A_372 {add = true, strides = array<i32>} : memref<4x2048xf32, #tpu.memory_space<vmem>>, vector<1x16xf32>,
      %scan3A_373 = arith.constant 0 : i32
      scf.yield %scan3A_373 : i32
    }
    %scan3A_221 = arith.constant 16 : i32
    %scan3A_222 = arith.constant 0 : i32
    %scan3A_223 = arith.constant 0 : i32
    %scan3A_224 = arith.constant 16 : i32
    %scan3A_225 = arith.addi %scan3A_223, %scan3A_224 : i32
    %scan3A_226 = arith.constant 1 : i32
    %scan3A_227 = scf.for %scan3A_267 = %scan3A_223 to %scan3A_225 step %scan3A_226 iter_args(%scan3A_268 = %scan3A_222) -> (i32)  : i32 {
      %mul3A_269 = arith.constant 128 : i32
      %mul3A_270 = arith.muli %scan3A_267, %mul3A_269 : i32
      %add3A_271 = arith.constant 0 : i32
      %add3A_272 = arith.addi %mul3A_270, %add3A_271 : i32
      %get3A = arith.constant 1 : i32
      %get3A_273 = arith.index_cast %get3A : i32 to index
      %get3A_274 = arith.index_cast %add3A_272 : i32 to index
      %get3A_275 = tpu.vector_load %arg14[%get3A_273, %get3A_274] {strides = array<i32>} : memref<4x2048xf32, #tpu.memory_space<vmem>>, vector<1x16xf32>,
      %get3A_276 = vector.shape_cast %get3A_275 : vector<1x16xf32> to vector<16xf32>
      %swap3A = arith.constant 1 : i32
      %swap3A_277 = arith.index_cast %swap3A : i32 to index
      %swap3A_278 = arith.index_cast %add3A_272 : i32 to index
      %swap3A_279 = tpu.vector_load %arg10[%swap3A_277, %swap3A_278] {strides = array<i32>} : memref<4x2048xf32, #tpu.memory_space<vmem>>, vector<1x16xf32>,
      %swap3A_280 = vector.shape_cast %swap3A_279 : vector<1x16xf32> to vector<16xf32>
      %swap3A_281 = vector.shape_cast %get3A_276 : vector<16xf32> to vector<1x16xf32>
      tpu.vector_store %arg10[%swap3A_277, %swap3A_278], %swap3A_281 {add = true, strides = array<i32>} : memref<4x2048xf32, #tpu.memory_space<vmem>>, vector<1x16xf32>,
      %add3A_282 = arith.constant 16 : i32
      %add3A_283 = arith.addi %mul3A_270, %add3A_282 : i32
      %get3A_284 = arith.constant 1 : i32
      %get3A_285 = arith.index_cast %get3A_284 : i32 to index
      %get3A_286 = arith.index_cast %add3A_283 : i32 to index
      %get3A_287 = tpu.vector_load %arg14[%get3A_285, %get3A_286] {strides = array<i32>} : memref<4x2048xf32, #tpu.memory_space<vmem>>, vector<1x16xf32>,
      %get3A_288 = vector.shape_cast %get3A_287 : vector<1x16xf32> to vector<16xf32>
      %swap3A_289 = arith.constant 1 : i32
      %swap3A_290 = arith.index_cast %swap3A_289 : i32 to index
      %swap3A_291 = arith.index_cast %add3A_283 : i32 to index
      %swap3A_292 = tpu.vector_load %arg10[%swap3A_290, %swap3A_291] {strides = array<i32>} : memref<4x2048xf32, #tpu.memory_space<vmem>>, vector<1x16xf32>,
      %swap3A_293 = vector.shape_cast %swap3A_292 : vector<1x16xf32> to vector<16xf32>
      %swap3A_294 = vector.shape_cast %get3A_288 : vector<16xf32> to vector<1x16xf32>
      tpu.vector_store %arg10[%swap3A_290, %swap3A_291], %swap3A_294 {add = true, strides = array<i32>} : memref<4x2048xf32, #tpu.memory_space<vmem>>, vector<1x16xf32>,
      %add3A_295 = arith.constant 32 : i32
      %add3A_296 = arith.addi %mul3A_270, %add3A_295 : i32
      %get3A_297 = arith.constant 1 : i32
      %get3A_298 = arith.index_cast %get3A_297 : i32 to index
      %get3A_299 = arith.index_cast %add3A_296 : i32 to index
      %get3A_300 = tpu.vector_load %arg14[%get3A_298, %get3A_299] {strides = array<i32>} : memref<4x2048xf32, #tpu.memory_space<vmem>>, vector<1x16xf32>,
      %get3A_301 = vector.shape_cast %get3A_300 : vector<1x16xf32> to vector<16xf32>
      %swap3A_302 = arith.constant 1 : i32
      %swap3A_303 = arith.index_cast %swap3A_302 : i32 to index
      %swap3A_304 = arith.index_cast %add3A_296 : i32 to index
      %swap3A_305 = tpu.vector_load %arg10[%swap3A_303, %swap3A_304] {strides = array<i32>} : memref<4x2048xf32, #tpu.memory_space<vmem>>, vector<1x16xf32>,
      %swap3A_306 = vector.shape_cast %swap3A_305 : vector<1x16xf32> to vector<16xf32>
      %swap3A_307 = vector.shape_cast %get3A_301 : vector<16xf32> to vector<1x16xf32>
      tpu.vector_store %arg10[%swap3A_303, %swap3A_304], %swap3A_307 {add = true, strides = array<i32>} : memref<4x2048xf32, #tpu.memory_space<vmem>>, vector<1x16xf32>,
      %add3A_308 = arith.constant 48 : i32
      %add3A_309 = arith.addi %mul3A_270, %add3A_308 : i32
      %get3A_310 = arith.constant 1 : i32
      %get3A_311 = arith.index_cast %get3A_310 : i32 to index
      %get3A_312 = arith.index_cast %add3A_309 : i32 to index
      %get3A_313 = tpu.vector_load %arg14[%get3A_311, %get3A_312] {strides = array<i32>} : memref<4x2048xf32, #tpu.memory_space<vmem>>, vector<1x16xf32>,
      %get3A_314 = vector.shape_cast %get3A_313 : vector<1x16xf32> to vector<16xf32>
      %swap3A_315 = arith.constant 1 : i32
      %swap3A_316 = arith.index_cast %swap3A_315 : i32 to index
      %swap3A_317 = arith.index_cast %add3A_309 : i32 to index
      %swap3A_318 = tpu.vector_load %arg10[%swap3A_316, %swap3A_317] {strides = array<i32>} : memref<4x2048xf32, #tpu.memory_space<vmem>>, vector<1x16xf32>,
      %swap3A_319 = vector.shape_cast %swap3A_318 : vector<1x16xf32> to vector<16xf32>
      %swap3A_320 = vector.shape_cast %get3A_314 : vector<16xf32> to vector<1x16xf32>
      tpu.vector_store %arg10[%swap3A_316, %swap3A_317], %swap3A_320 {add = true, strides = array<i32>} : memref<4x2048xf32, #tpu.memory_space<vmem>>, vector<1x16xf32>,
      %add3A_321 = arith.constant 64 : i32
      %add3A_322 = arith.addi %mul3A_270, %add3A_321 : i32
      %get3A_323 = arith.constant 1 : i32
      %get3A_324 = arith.index_cast %get3A_323 : i32 to index
      %get3A_325 = arith.index_cast %add3A_322 : i32 to index
      %get3A_326 = tpu.vector_load %arg14[%get3A_324, %get3A_325] {strides = array<i32>} : memref<4x2048xf32, #tpu.memory_space<vmem>>, vector<1x16xf32>,
      %get3A_327 = vector.shape_cast %get3A_326 : vector<1x16xf32> to vector<16xf32>
      %swap3A_328 = arith.constant 1 : i32
      %swap3A_329 = arith.index_cast %swap3A_328 : i32 to index
      %swap3A_330 = arith.index_cast %add3A_322 : i32 to index
      %swap3A_331 = tpu.vector_load %arg10[%swap3A_329, %swap3A_330] {strides = array<i32>} : memref<4x2048xf32, #tpu.memory_space<vmem>>, vector<1x16xf32>,
      %swap3A_332 = vector.shape_cast %swap3A_331 : vector<1x16xf32> to vector<16xf32>
      %swap3A_333 = vector.shape_cast %get3A_327 : vector<16xf32> to vector<1x16xf32>
      tpu.vector_store %arg10[%swap3A_329, %swap3A_330], %swap3A_333 {add = true, strides = array<i32>} : memref<4x2048xf32, #tpu.memory_space<vmem>>, vector<1x16xf32>,
      %add3A_334 = arith.constant 80 : i32
      %add3A_335 = arith.addi %mul3A_270, %add3A_334 : i32
      %get3A_336 = arith.constant 1 : i32
      %get3A_337 = arith.index_cast %get3A_336 : i32 to index
      %get3A_338 = arith.index_cast %add3A_335 : i32 to index
      %get3A_339 = tpu.vector_load %arg14[%get3A_337, %get3A_338] {strides = array<i32>} : memref<4x2048xf32, #tpu.memory_space<vmem>>, vector<1x16xf32>,
      %get3A_340 = vector.shape_cast %get3A_339 : vector<1x16xf32> to vector<16xf32>
      %swap3A_341 = arith.constant 1 : i32
      %swap3A_342 = arith.index_cast %swap3A_341 : i32 to index
      %swap3A_343 = arith.index_cast %add3A_335 : i32 to index
      %swap3A_344 = tpu.vector_load %arg10[%swap3A_342, %swap3A_343] {strides = array<i32>} : memref<4x2048xf32, #tpu.memory_space<vmem>>, vector<1x16xf32>,
      %swap3A_345 = vector.shape_cast %swap3A_344 : vector<1x16xf32> to vector<16xf32>
      %swap3A_346 = vector.shape_cast %get3A_340 : vector<16xf32> to vector<1x16xf32>
      tpu.vector_store %arg10[%swap3A_342, %swap3A_343], %swap3A_346 {add = true, strides = array<i32>} : memref<4x2048xf32, #tpu.memory_space<vmem>>, vector<1x16xf32>,
      %add3A_347 = arith.constant 96 : i32
      %add3A_348 = arith.addi %mul3A_270, %add3A_347 : i32
      %get3A_349 = arith.constant 1 : i32
      %get3A_350 = arith.index_cast %get3A_349 : i32 to index
      %get3A_351 = arith.index_cast %add3A_348 : i32 to index
      %get3A_352 = tpu.vector_load %arg14[%get3A_350, %get3A_351] {strides = array<i32>} : memref<4x2048xf32, #tpu.memory_space<vmem>>, vector<1x16xf32>,
      %get3A_353 = vector.shape_cast %get3A_352 : vector<1x16xf32> to vector<16xf32>
      %swap3A_354 = arith.constant 1 : i32
      %swap3A_355 = arith.index_cast %swap3A_354 : i32 to index
      %swap3A_356 = arith.index_cast %add3A_348 : i32 to index
      %swap3A_357 = tpu.vector_load %arg10[%swap3A_355, %swap3A_356] {strides = array<i32>} : memref<4x2048xf32, #tpu.memory_space<vmem>>, vector<1x16xf32>,
      %swap3A_358 = vector.shape_cast %swap3A_357 : vector<1x16xf32> to vector<16xf32>
      %swap3A_359 = vector.shape_cast %get3A_353 : vector<16xf32> to vector<1x16xf32>
      tpu.vector_store %arg10[%swap3A_355, %swap3A_356], %swap3A_359 {add = true, strides = array<i32>} : memref<4x2048xf32, #tpu.memory_space<vmem>>, vector<1x16xf32>,
      %add3A_360 = arith.constant 112 : i32
      %add3A_361 = arith.addi %mul3A_270, %add3A_360 : i32
      %get3A_362 = arith.constant 1 : i32
      %get3A_363 = arith.index_cast %get3A_362 : i32 to index
      %get3A_364 = arith.index_cast %add3A_361 : i32 to index
      %get3A_365 = tpu.vector_load %arg14[%get3A_363, %get3A_364] {strides = array<i32>} : memref<4x2048xf32, #tpu.memory_space<vmem>>, vector<1x16xf32>,
      %get3A_366 = vector.shape_cast %get3A_365 : vector<1x16xf32> to vector<16xf32>
      %swap3A_367 = arith.constant 1 : i32
      %swap3A_368 = arith.index_cast %swap3A_367 : i32 to index
      %swap3A_369 = arith.index_cast %add3A_361 : i32 to index
      %swap3A_370 = tpu.vector_load %arg10[%swap3A_368, %swap3A_369] {strides = array<i32>} : memref<4x2048xf32, #tpu.memory_space<vmem>>, vector<1x16xf32>,
      %swap3A_371 = vector.shape_cast %swap3A_370 : vector<1x16xf32> to vector<16xf32>
      %swap3A_372 = vector.shape_cast %get3A_366 : vector<16xf32> to vector<1x16xf32>
      tpu.vector_store %arg10[%swap3A_368, %swap3A_369], %swap3A_372 {add = true, strides = array<i32>} : memref<4x2048xf32, #tpu.memory_space<vmem>>, vector<1x16xf32>,
      %scan3A_373 = arith.constant 0 : i32
      scf.yield %scan3A_373 : i32
    }
    %scan3A_228 = arith.constant 16 : i32
    %scan3A_229 = arith.constant 0 : i32
    %scan3A_230 = arith.constant 0 : i32
    %scan3A_231 = arith.constant 16 : i32
    %scan3A_232 = arith.addi %scan3A_230, %scan3A_231 : i32
    %scan3A_233 = arith.constant 1 : i32
    %scan3A_234 = scf.for %scan3A_267 = %scan3A_230 to %scan3A_232 step %scan3A_233 iter_args(%scan3A_268 = %scan3A_229) -> (i32)  : i32 {
      %mul3A_269 = arith.constant 128 : i32
      %mul3A_270 = arith.muli %scan3A_267, %mul3A_269 : i32
      %add3A_271 = arith.constant 0 : i32
      %add3A_272 = arith.addi %mul3A_270, %add3A_271 : i32
      %get3A = arith.constant 2 : i32
      %get3A_273 = arith.index_cast %get3A : i32 to index
      %get3A_274 = arith.index_cast %add3A_272 : i32 to index
      %get3A_275 = tpu.vector_load %arg14[%get3A_273, %get3A_274] {strides = array<i32>} : memref<4x2048xf32, #tpu.memory_space<vmem>>, vector<1x16xf32>,
      %get3A_276 = vector.shape_cast %get3A_275 : vector<1x16xf32> to vector<16xf32>
      %swap3A = arith.constant 2 : i32
      %swap3A_277 = arith.index_cast %swap3A : i32 to index
      %swap3A_278 = arith.index_cast %add3A_272 : i32 to index
      %swap3A_279 = tpu.vector_load %arg10[%swap3A_277, %swap3A_278] {strides = array<i32>} : memref<4x2048xf32, #tpu.memory_space<vmem>>, vector<1x16xf32>,
      %swap3A_280 = vector.shape_cast %swap3A_279 : vector<1x16xf32> to vector<16xf32>
      %swap3A_281 = vector.shape_cast %get3A_276 : vector<16xf32> to vector<1x16xf32>
      tpu.vector_store %arg10[%swap3A_277, %swap3A_278], %swap3A_281 {add = true, strides = array<i32>} : memref<4x2048xf32, #tpu.memory_space<vmem>>, vector<1x16xf32>,
      %add3A_282 = arith.constant 16 : i32
      %add3A_283 = arith.addi %mul3A_270, %add3A_282 : i32
      %get3A_284 = arith.constant 2 : i32
      %get3A_285 = arith.index_cast %get3A_284 : i32 to index
      %get3A_286 = arith.index_cast %add3A_283 : i32 to index
      %get3A_287 = tpu.vector_load %arg14[%get3A_285, %get3A_286] {strides = array<i32>} : memref<4x2048xf32, #tpu.memory_space<vmem>>, vector<1x16xf32>,
      %get3A_288 = vector.shape_cast %get3A_287 : vector<1x16xf32> to vector<16xf32>
      %swap3A_289 = arith.constant 2 : i32
      %swap3A_290 = arith.index_cast %swap3A_289 : i32 to index
      %swap3A_291 = arith.index_cast %add3A_283 : i32 to index
      %swap3A_292 = tpu.vector_load %arg10[%swap3A_290, %swap3A_291] {strides = array<i32>} : memref<4x2048xf32, #tpu.memory_space<vmem>>, vector<1x16xf32>,
      %swap3A_293 = vector.shape_cast %swap3A_292 : vector<1x16xf32> to vector<16xf32>
      %swap3A_294 = vector.shape_cast %get3A_288 : vector<16xf32> to vector<1x16xf32>
      tpu.vector_store %arg10[%swap3A_290, %swap3A_291], %swap3A_294 {add = true, strides = array<i32>} : memref<4x2048xf32, #tpu.memory_space<vmem>>, vector<1x16xf32>,
      %add3A_295 = arith.constant 32 : i32
      %add3A_296 = arith.addi %mul3A_270, %add3A_295 : i32
      %get3A_297 = arith.constant 2 : i32
      %get3A_298 = arith.index_cast %get3A_297 : i32 to index
      %get3A_299 = arith.index_cast %add3A_296 : i32 to index
      %get3A_300 = tpu.vector_load %arg14[%get3A_298, %get3A_299] {strides = array<i32>} : memref<4x2048xf32, #tpu.memory_space<vmem>>, vector<1x16xf32>,
      %get3A_301 = vector.shape_cast %get3A_300 : vector<1x16xf32> to vector<16xf32>
      %swap3A_302 = arith.constant 2 : i32
      %swap3A_303 = arith.index_cast %swap3A_302 : i32 to index
      %swap3A_304 = arith.index_cast %add3A_296 : i32 to index
      %swap3A_305 = tpu.vector_load %arg10[%swap3A_303, %swap3A_304] {strides = array<i32>} : memref<4x2048xf32, #tpu.memory_space<vmem>>, vector<1x16xf32>,
      %swap3A_306 = vector.shape_cast %swap3A_305 : vector<1x16xf32> to vector<16xf32>
      %swap3A_307 = vector.shape_cast %get3A_301 : vector<16xf32> to vector<1x16xf32>
      tpu.vector_store %arg10[%swap3A_303, %swap3A_304], %swap3A_307 {add = true, strides = array<i32>} : memref<4x2048xf32, #tpu.memory_space<vmem>>, vector<1x16xf32>,
      %add3A_308 = arith.constant 48 : i32
      %add3A_309 = arith.addi %mul3A_270, %add3A_308 : i32
      %get3A_310 = arith.constant 2 : i32
      %get3A_311 = arith.index_cast %get3A_310 : i32 to index
      %get3A_312 = arith.index_cast %add3A_309 : i32 to index
      %get3A_313 = tpu.vector_load %arg14[%get3A_311, %get3A_312] {strides = array<i32>} : memref<4x2048xf32, #tpu.memory_space<vmem>>, vector<1x16xf32>,
      %get3A_314 = vector.shape_cast %get3A_313 : vector<1x16xf32> to vector<16xf32>
      %swap3A_315 = arith.constant 2 : i32
      %swap3A_316 = arith.index_cast %swap3A_315 : i32 to index
      %swap3A_317 = arith.index_cast %add3A_309 : i32 to index
      %swap3A_318 = tpu.vector_load %arg10[%swap3A_316, %swap3A_317] {strides = array<i32>} : memref<4x2048xf32, #tpu.memory_space<vmem>>, vector<1x16xf32>,
      %swap3A_319 = vector.shape_cast %swap3A_318 : vector<1x16xf32> to vector<16xf32>
      %swap3A_320 = vector.shape_cast %get3A_314 : vector<16xf32> to vector<1x16xf32>
      tpu.vector_store %arg10[%swap3A_316, %swap3A_317], %swap3A_320 {add = true, strides = array<i32>} : memref<4x2048xf32, #tpu.memory_space<vmem>>, vector<1x16xf32>,
      %add3A_321 = arith.constant 64 : i32
      %add3A_322 = arith.addi %mul3A_270, %add3A_321 : i32
      %get3A_323 = arith.constant 2 : i32
      %get3A_324 = arith.index_cast %get3A_323 : i32 to index
      %get3A_325 = arith.index_cast %add3A_322 : i32 to index
      %get3A_326 = tpu.vector_load %arg14[%get3A_324, %get3A_325] {strides = array<i32>} : memref<4x2048xf32, #tpu.memory_space<vmem>>, vector<1x16xf32>,
      %get3A_327 = vector.shape_cast %get3A_326 : vector<1x16xf32> to vector<16xf32>
      %swap3A_328 = arith.constant 2 : i32
      %swap3A_329 = arith.index_cast %swap3A_328 : i32 to index
      %swap3A_330 = arith.index_cast %add3A_322 : i32 to index
      %swap3A_331 = tpu.vector_load %arg10[%swap3A_329, %swap3A_330] {strides = array<i32>} : memref<4x2048xf32, #tpu.memory_space<vmem>>, vector<1x16xf32>,
      %swap3A_332 = vector.shape_cast %swap3A_331 : vector<1x16xf32> to vector<16xf32>
      %swap3A_333 = vector.shape_cast %get3A_327 : vector<16xf32> to vector<1x16xf32>
      tpu.vector_store %arg10[%swap3A_329, %swap3A_330], %swap3A_333 {add = true, strides = array<i32>} : memref<4x2048xf32, #tpu.memory_space<vmem>>, vector<1x16xf32>,
      %add3A_334 = arith.constant 80 : i32
      %add3A_335 = arith.addi %mul3A_270, %add3A_334 : i32
      %get3A_336 = arith.constant 2 : i32
      %get3A_337 = arith.index_cast %get3A_336 : i32 to index
      %get3A_338 = arith.index_cast %add3A_335 : i32 to index
      %get3A_339 = tpu.vector_load %arg14[%get3A_337, %get3A_338] {strides = array<i32>} : memref<4x2048xf32, #tpu.memory_space<vmem>>, vector<1x16xf32>,
      %get3A_340 = vector.shape_cast %get3A_339 : vector<1x16xf32> to vector<16xf32>
      %swap3A_341 = arith.constant 2 : i32
      %swap3A_342 = arith.index_cast %swap3A_341 : i32 to index
      %swap3A_343 = arith.index_cast %add3A_335 : i32 to index
      %swap3A_344 = tpu.vector_load %arg10[%swap3A_342, %swap3A_343] {strides = array<i32>} : memref<4x2048xf32, #tpu.memory_space<vmem>>, vector<1x16xf32>,
      %swap3A_345 = vector.shape_cast %swap3A_344 : vector<1x16xf32> to vector<16xf32>
      %swap3A_346 = vector.shape_cast %get3A_340 : vector<16xf32> to vector<1x16xf32>
      tpu.vector_store %arg10[%swap3A_342, %swap3A_343], %swap3A_346 {add = true, strides = array<i32>} : memref<4x2048xf32, #tpu.memory_space<vmem>>, vector<1x16xf32>,
      %add3A_347 = arith.constant 96 : i32
      %add3A_348 = arith.addi %mul3A_270, %add3A_347 : i32
      %get3A_349 = arith.constant 2 : i32
      %get3A_350 = arith.index_cast %get3A_349 : i32 to index
      %get3A_351 = arith.index_cast %add3A_348 : i32 to index
      %get3A_352 = tpu.vector_load %arg14[%get3A_350, %get3A_351] {strides = array<i32>} : memref<4x2048xf32, #tpu.memory_space<vmem>>, vector<1x16xf32>,
      %get3A_353 = vector.shape_cast %get3A_352 : vector<1x16xf32> to vector<16xf32>
      %swap3A_354 = arith.constant 2 : i32
      %swap3A_355 = arith.index_cast %swap3A_354 : i32 to index
      %swap3A_356 = arith.index_cast %add3A_348 : i32 to index
      %swap3A_357 = tpu.vector_load %arg10[%swap3A_355, %swap3A_356] {strides = array<i32>} : memref<4x2048xf32, #tpu.memory_space<vmem>>, vector<1x16xf32>,
      %swap3A_358 = vector.shape_cast %swap3A_357 : vector<1x16xf32> to vector<16xf32>
      %swap3A_359 = vector.shape_cast %get3A_353 : vector<16xf32> to vector<1x16xf32>
      tpu.vector_store %arg10[%swap3A_355, %swap3A_356], %swap3A_359 {add = true, strides = array<i32>} : memref<4x2048xf32, #tpu.memory_space<vmem>>, vector<1x16xf32>,
      %add3A_360 = arith.constant 112 : i32
      %add3A_361 = arith.addi %mul3A_270, %add3A_360 : i32
      %get3A_362 = arith.constant 2 : i32
      %get3A_363 = arith.index_cast %get3A_362 : i32 to index
      %get3A_364 = arith.index_cast %add3A_361 : i32 to index
      %get3A_365 = tpu.vector_load %arg14[%get3A_363, %get3A_364] {strides = array<i32>} : memref<4x2048xf32, #tpu.memory_space<vmem>>, vector<1x16xf32>,
      %get3A_366 = vector.shape_cast %get3A_365 : vector<1x16xf32> to vector<16xf32>
      %swap3A_367 = arith.constant 2 : i32
      %swap3A_368 = arith.index_cast %swap3A_367 : i32 to index
      %swap3A_369 = arith.index_cast %add3A_361 : i32 to index
      %swap3A_370 = tpu.vector_load %arg10[%swap3A_368, %swap3A_369] {strides = array<i32>} : memref<4x2048xf32, #tpu.memory_space<vmem>>, vector<1x16xf32>,
      %swap3A_371 = vector.shape_cast %swap3A_370 : vector<1x16xf32> to vector<16xf32>
      %swap3A_372 = vector.shape_cast %get3A_366 : vector<16xf32> to vector<1x16xf32>
      tpu.vector_store %arg10[%swap3A_368, %swap3A_369], %swap3A_372 {add = true, strides = array<i32>} : memref<4x2048xf32, #tpu.memory_space<vmem>>, vector<1x16xf32>,
      %scan3A_373 = arith.constant 0 : i32
      scf.yield %scan3A_373 : i32
    }
    %scan3A_235 = arith.constant 16 : i32
    %scan3A_236 = arith.constant 0 : i32
    %scan3A_237 = arith.constant 0 : i32
    %scan3A_238 = arith.constant 16 : i32
    %scan3A_239 = arith.addi %scan3A_237, %scan3A_238 : i32
    %scan3A_240 = arith.constant 1 : i32
    %scan3A_241 = scf.for %scan3A_267 = %scan3A_237 to %scan3A_239 step %scan3A_240 iter_args(%scan3A_268 = %scan3A_236) -> (i32)  : i32 {
      %mul3A_269 = arith.constant 128 : i32
      %mul3A_270 = arith.muli %scan3A_267, %mul3A_269 : i32
      %add3A_271 = arith.constant 0 : i32
      %add3A_272 = arith.addi %mul3A_270, %add3A_271 : i32
      %get3A = arith.constant 3 : i32
      %get3A_273 = arith.index_cast %get3A : i32 to index
      %get3A_274 = arith.index_cast %add3A_272 : i32 to index
      %get3A_275 = tpu.vector_load %arg14[%get3A_273, %get3A_274] {strides = array<i32>} : memref<4x2048xf32, #tpu.memory_space<vmem>>, vector<1x16xf32>,
      %get3A_276 = vector.shape_cast %get3A_275 : vector<1x16xf32> to vector<16xf32>
      %swap3A = arith.constant 3 : i32
      %swap3A_277 = arith.index_cast %swap3A : i32 to index
      %swap3A_278 = arith.index_cast %add3A_272 : i32 to index
      %swap3A_279 = tpu.vector_load %arg10[%swap3A_277, %swap3A_278] {strides = array<i32>} : memref<4x2048xf32, #tpu.memory_space<vmem>>, vector<1x16xf32>,
      %swap3A_280 = vector.shape_cast %swap3A_279 : vector<1x16xf32> to vector<16xf32>
      %swap3A_281 = vector.shape_cast %get3A_276 : vector<16xf32> to vector<1x16xf32>
      tpu.vector_store %arg10[%swap3A_277, %swap3A_278], %swap3A_281 {add = true, strides = array<i32>} : memref<4x2048xf32, #tpu.memory_space<vmem>>, vector<1x16xf32>,
      %add3A_282 = arith.constant 16 : i32
      %add3A_283 = arith.addi %mul3A_270, %add3A_282 : i32
      %get3A_284 = arith.constant 3 : i32
      %get3A_285 = arith.index_cast %get3A_284 : i32 to index
      %get3A_286 = arith.index_cast %add3A_283 : i32 to index
      %get3A_287 = tpu.vector_load %arg14[%get3A_285, %get3A_286] {strides = array<i32>} : memref<4x2048xf32, #tpu.memory_space<vmem>>, vector<1x16xf32>,
      %get3A_288 = vector.shape_cast %get3A_287 : vector<1x16xf32> to vector<16xf32>
      %swap3A_289 = arith.constant 3 : i32
      %swap3A_290 = arith.index_cast %swap3A_289 : i32 to index
      %swap3A_291 = arith.index_cast %add3A_283 : i32 to index
      %swap3A_292 = tpu.vector_load %arg10[%swap3A_290, %swap3A_291] {strides = array<i32>} : memref<4x2048xf32, #tpu.memory_space<vmem>>, vector<1x16xf32>,
      %swap3A_293 = vector.shape_cast %swap3A_292 : vector<1x16xf32> to vector<16xf32>
      %swap3A_294 = vector.shape_cast %get3A_288 : vector<16xf32> to vector<1x16xf32>
      tpu.vector_store %arg10[%swap3A_290, %swap3A_291], %swap3A_294 {add = true, strides = array<i32>} : memref<4x2048xf32, #tpu.memory_space<vmem>>, vector<1x16xf32>,
      %add3A_295 = arith.constant 32 : i32
      %add3A_296 = arith.addi %mul3A_270, %add3A_295 : i32
      %get3A_297 = arith.constant 3 : i32
      %get3A_298 = arith.index_cast %get3A_297 : i32 to index
      %get3A_299 = arith.index_cast %add3A_296 : i32 to index
      %get3A_300 = tpu.vector_load %arg14[%get3A_298, %get3A_299] {strides = array<i32>} : memref<4x2048xf32, #tpu.memory_space<vmem>>, vector<1x16xf32>,
      %get3A_301 = vector.shape_cast %get3A_300 : vector<1x16xf32> to vector<16xf32>
      %swap3A_302 = arith.constant 3 : i32
      %swap3A_303 = arith.index_cast %swap3A_302 : i32 to index
      %swap3A_304 = arith.index_cast %add3A_296 : i32 to index
      %swap3A_305 = tpu.vector_load %arg10[%swap3A_303, %swap3A_304] {strides = array<i32>} : memref<4x2048xf32, #tpu.memory_space<vmem>>, vector<1x16xf32>,
      %swap3A_306 = vector.shape_cast %swap3A_305 : vector<1x16xf32> to vector<16xf32>
      %swap3A_307 = vector.shape_cast %get3A_301 : vector<16xf32> to vector<1x16xf32>
      tpu.vector_store %arg10[%swap3A_303, %swap3A_304], %swap3A_307 {add = true, strides = array<i32>} : memref<4x2048xf32, #tpu.memory_space<vmem>>, vector<1x16xf32>,
      %add3A_308 = arith.constant 48 : i32
      %add3A_309 = arith.addi %mul3A_270, %add3A_308 : i32
      %get3A_310 = arith.constant 3 : i32
      %get3A_311 = arith.index_cast %get3A_310 : i32 to index
      %get3A_312 = arith.index_cast %add3A_309 : i32 to index
      %get3A_313 = tpu.vector_load %arg14[%get3A_311, %get3A_312] {strides = array<i32>} : memref<4x2048xf32, #tpu.memory_space<vmem>>, vector<1x16xf32>,
      %get3A_314 = vector.shape_cast %get3A_313 : vector<1x16xf32> to vector<16xf32>
      %swap3A_315 = arith.constant 3 : i32
      %swap3A_316 = arith.index_cast %swap3A_315 : i32 to index
      %swap3A_317 = arith.index_cast %add3A_309 : i32 to index
      %swap3A_318 = tpu.vector_load %arg10[%swap3A_316, %swap3A_317] {strides = array<i32>} : memref<4x2048xf32, #tpu.memory_space<vmem>>, vector<1x16xf32>,
      %swap3A_319 = vector.shape_cast %swap3A_318 : vector<1x16xf32> to vector<16xf32>
      %swap3A_320 = vector.shape_cast %get3A_314 : vector<16xf32> to vector<1x16xf32>
      tpu.vector_store %arg10[%swap3A_316, %swap3A_317], %swap3A_320 {add = true, strides = array<i32>} : memref<4x2048xf32, #tpu.memory_space<vmem>>, vector<1x16xf32>,
      %add3A_321 = arith.constant 64 : i32
      %add3A_322 = arith.addi %mul3A_270, %add3A_321 : i32
      %get3A_323 = arith.constant 3 : i32
      %get3A_324 = arith.index_cast %get3A_323 : i32 to index
      %get3A_325 = arith.index_cast %add3A_322 : i32 to index
      %get3A_326 = tpu.vector_load %arg14[%get3A_324, %get3A_325] {strides = array<i32>} : memref<4x2048xf32, #tpu.memory_space<vmem>>, vector<1x16xf32>,
      %get3A_327 = vector.shape_cast %get3A_326 : vector<1x16xf32> to vector<16xf32>
      %swap3A_328 = arith.constant 3 : i32
      %swap3A_329 = arith.index_cast %swap3A_328 : i32 to index
      %swap3A_330 = arith.index_cast %add3A_322 : i32 to index
      %swap3A_331 = tpu.vector_load %arg10[%swap3A_329, %swap3A_330] {strides = array<i32>} : memref<4x2048xf32, #tpu.memory_space<vmem>>, vector<1x16xf32>,
      %swap3A_332 = vector.shape_cast %swap3A_331 : vector<1x16xf32> to vector<16xf32>
      %swap3A_333 = vector.shape_cast %get3A_327 : vector<16xf32> to vector<1x16xf32>
      tpu.vector_store %arg10[%swap3A_329, %swap3A_330], %swap3A_333 {add = true, strides = array<i32>} : memref<4x2048xf32, #tpu.memory_space<vmem>>, vector<1x16xf32>,
      %add3A_334 = arith.constant 80 : i32
      %add3A_335 = arith.addi %mul3A_270, %add3A_334 : i32
      %get3A_336 = arith.constant 3 : i32
      %get3A_337 = arith.index_cast %get3A_336 : i32 to index
      %get3A_338 = arith.index_cast %add3A_335 : i32 to index
      %get3A_339 = tpu.vector_load %arg14[%get3A_337, %get3A_338] {strides = array<i32>} : memref<4x2048xf32, #tpu.memory_space<vmem>>, vector<1x16xf32>,
      %get3A_340 = vector.shape_cast %get3A_339 : vector<1x16xf32> to vector<16xf32>
      %swap3A_341 = arith.constant 3 : i32
      %swap3A_342 = arith.index_cast %swap3A_341 : i32 to index
      %swap3A_343 = arith.index_cast %add3A_335 : i32 to index
      %swap3A_344 = tpu.vector_load %arg10[%swap3A_342, %swap3A_343] {strides = array<i32>} : memref<4x2048xf32, #tpu.memory_space<vmem>>, vector<1x16xf32>,
      %swap3A_345 = vector.shape_cast %swap3A_344 : vector<1x16xf32> to vector<16xf32>
      %swap3A_346 = vector.shape_cast %get3A_340 : vector<16xf32> to vector<1x16xf32>
      tpu.vector_store %arg10[%swap3A_342, %swap3A_343], %swap3A_346 {add = true, strides = array<i32>} : memref<4x2048xf32, #tpu.memory_space<vmem>>, vector<1x16xf32>,
      %add3A_347 = arith.constant 96 : i32
      %add3A_348 = arith.addi %mul3A_270, %add3A_347 : i32
      %get3A_349 = arith.constant 3 : i32
      %get3A_350 = arith.index_cast %get3A_349 : i32 to index
      %get3A_351 = arith.index_cast %add3A_348 : i32 to index
      %get3A_352 = tpu.vector_load %arg14[%get3A_350, %get3A_351] {strides = array<i32>} : memref<4x2048xf32, #tpu.memory_space<vmem>>, vector<1x16xf32>,
      %get3A_353 = vector.shape_cast %get3A_352 : vector<1x16xf32> to vector<16xf32>
      %swap3A_354 = arith.constant 3 : i32
      %swap3A_355 = arith.index_cast %swap3A_354 : i32 to index
      %swap3A_356 = arith.index_cast %add3A_348 : i32 to index
      %swap3A_357 = tpu.vector_load %arg10[%swap3A_355, %swap3A_356] {strides = array<i32>} : memref<4x2048xf32, #tpu.memory_space<vmem>>, vector<1x16xf32>,
      %swap3A_358 = vector.shape_cast %swap3A_357 : vector<1x16xf32> to vector<16xf32>
      %swap3A_359 = vector.shape_cast %get3A_353 : vector<16xf32> to vector<1x16xf32>
      tpu.vector_store %arg10[%swap3A_355, %swap3A_356], %swap3A_359 {add = true, strides = array<i32>} : memref<4x2048xf32, #tpu.memory_space<vmem>>, vector<1x16xf32>,
      %add3A_360 = arith.constant 112 : i32
      %add3A_361 = arith.addi %mul3A_270, %add3A_360 : i32
      %get3A_362 = arith.constant 3 : i32
      %get3A_363 = arith.index_cast %get3A_362 : i32 to index
      %get3A_364 = arith.index_cast %add3A_361 : i32 to index
      %get3A_365 = tpu.vector_load %arg14[%get3A_363, %get3A_364] {strides = array<i32>} : memref<4x2048xf32, #tpu.memory_space<vmem>>, vector<1x16xf32>,
      %get3A_366 = vector.shape_cast %get3A_365 : vector<1x16xf32> to vector<16xf32>
      %swap3A_367 = arith.constant 3 : i32
      %swap3A_368 = arith.index_cast %swap3A_367 : i32 to index
      %swap3A_369 = arith.index_cast %add3A_361 : i32 to index
      %swap3A_370 = tpu.vector_load %arg10[%swap3A_368, %swap3A_369] {strides = array<i32>} : memref<4x2048xf32, #tpu.memory_space<vmem>>, vector<1x16xf32>,
      %swap3A_371 = vector.shape_cast %swap3A_370 : vector<1x16xf32> to vector<16xf32>
      %swap3A_372 = vector.shape_cast %get3A_366 : vector<16xf32> to vector<1x16xf32>
      tpu.vector_store %arg10[%swap3A_368, %swap3A_369], %swap3A_372 {add = true, strides = array<i32>} : memref<4x2048xf32, #tpu.memory_space<vmem>>, vector<1x16xf32>,
      %scan3A_373 = arith.constant 0 : i32
      scf.yield %scan3A_373 : i32
    }
    %scan3A_242 = arith.constant 16 : i32
    %add3A_243 = arith.constant 124 : i32
    %add3A_244 = arith.addi %mul3A_2, %add3A_243 : i32
    %dma_start3A_245 = arith.constant 0 : i32
    %dma_start3A_246 = tpu.memref_slice %arg5[%add3A_244, %dma_start3A_245] : memref<4096x2048xf32, #tpu.memory_space<hbm>> -> memref<4x2048xf32, #tpu.memory_space<hbm>>
    %dma_start3A_247 = arith.constant 0 : i32
    %dma_start3A_248 = tpu.memref_slice %arg5[%add3A_244, %dma_start3A_247] : memref<4096x2048xf32, #tpu.memory_space<hbm>> -> memref<4x2048xf32, #tpu.memory_space<hbm>>
    tpu.enqueue_dma source(%arg10 : memref<4x2048xf32, #tpu.memory_space<vmem>>) target(%dma_start3A_248 : memref<4x2048xf32, #tpu.memory_space<hbm>>) target_semaphore(%arg26 : memref<!tpu.dma_semaphore, #tpu.memory_space<semaphore_mem>>)
    %dma_wait3A_249 = arith.constant 0 : i32
    %dma_wait3A_250 = arith.constant 0 : i32
    %dma_wait3A_251 = tpu.memref_slice %arg5[%dma_wait3A_249, %dma_wait3A_250] : memref<4096x2048xf32, #tpu.memory_space<hbm>> -> memref<4x2048xf32, #tpu.memory_space<hbm>>
    %dma_wait3A_252 = arith.constant 0 : i32
    %dma_wait3A_253 = arith.constant 0 : i32
    %dma_wait3A_254 = tpu.memref_slice %arg5[%dma_wait3A_252, %dma_wait3A_253] : memref<4096x2048xf32, #tpu.memory_space<hbm>> -> memref<4x2048xf32, #tpu.memory_space<hbm>>
    tpu.wait_dma2 semaphore(%arg24 : memref<!tpu.dma_semaphore, #tpu.memory_space<semaphore_mem>>) src(%arg8 : memref<4x2048xf32, #tpu.memory_space<vmem>>) dst(%dma_wait3A_254 : memref<4x2048xf32, #tpu.memory_space<hbm>>)
    %dma_wait3A_255 = arith.constant 0 : i32
    %dma_wait3A_256 = arith.constant 0 : i32
    %dma_wait3A_257 = tpu.memref_slice %arg5[%dma_wait3A_255, %dma_wait3A_256] : memref<4096x2048xf32, #tpu.memory_space<hbm>> -> memref<4x2048xf32, #tpu.memory_space<hbm>>
    %dma_wait3A_258 = arith.constant 0 : i32
    %dma_wait3A_259 = arith.constant 0 : i32
    %dma_wait3A_260 = tpu.memref_slice %arg5[%dma_wait3A_258, %dma_wait3A_259] : memref<4096x2048xf32, #tpu.memory_space<hbm>> -> memref<4x2048xf32, #tpu.memory_space<hbm>>
    tpu.wait_dma2 semaphore(%arg25 : memref<!tpu.dma_semaphore, #tpu.memory_space<semaphore_mem>>) src(%arg9 : memref<4x2048xf32, #tpu.memory_space<vmem>>) dst(%dma_wait3A_260 : memref<4x2048xf32, #tpu.memory_space<hbm>>)
    %dma_wait3A_261 = arith.constant 0 : i32
    %dma_wait3A_262 = arith.constant 0 : i32
    %dma_wait3A_263 = tpu.memref_slice %arg5[%dma_wait3A_261, %dma_wait3A_262] : memref<4096x2048xf32, #tpu.memory_space<hbm>> -> memref<4x2048xf32, #tpu.memory_space<hbm>>
    %dma_wait3A_264 = arith.constant 0 : i32
    %dma_wait3A_265 = arith.constant 0 : i32
    %dma_wait3A_266 = tpu.memref_slice %arg5[%dma_wait3A_264, %dma_wait3A_265] : memref<4096x2048xf32, #tpu.memory_space<hbm>> -> memref<4x2048xf32, #tpu.memory_space<hbm>>
    tpu.wait_dma2 semaphore(%arg26 : memref<!tpu.dma_semaphore, #tpu.memory_space<semaphore_mem>>) src(%arg10 : memref<4x2048xf32, #tpu.memory_space<vmem>>) dst(%dma_wait3A_266 : memref<4x2048xf32, #tpu.memory_space<hbm>>)
    return
  }
}

</mosaic_0001>

<sc_bundles>
// kernel: kernel.3.cloned.1.call-start
scs
__scs_entry_jumppad:
0x0: {  	(pc) =	sbr.rel $0x88, $3  }
0x1: {  	(tag) =	ssettag $0x0;
	lr =	simm.s32 $0x1  }
0x2: {  	[smem:$0x3F9E] =	sst lr;
	_ =	strace $0xD0000000  }
0x3: {  	_ = 	snop  }
0x4: {  	_ = 	snop  }
0x5: {  	_ = 	snop  }
0x6: {  	_ = 	snop  }
0x7: {  	_ = 	snop  }
__scs_overlays_trampoline_lowered:
0x8: {  	[smem:$0x3FAD] =	sst s0  }
0x9: {  	[smem:$0x3FAE] =	sst s1  }
0xa: {  	[smem:$0x3FAF] =	sst s2  }
0xb: {  	[smem:$0x3FB0] =	sst s3  }
0xc: {  	[smem:$0x3FB1] =	sst s4  }
0xd: {  	[smem:$0x3FB2] =	sst s5  }
0xe: {  	[smem:$0x3FB3] =	sst s6  }
0xf: {  	[smem:$0x3FB4] =	sst s7  }
0x10: {  	[smem:$0x3FB5] =	sst s8  }
0x11: {  	[smem:$0x3FB6] =	sst s9;
	s0 =	simm.s32 @!p0 $0x0  }
0x12: {  	s1 =	sld [smem:$0x3F9C];
	s0 =	simm.s32 @p0 $0x1  }
0x13: {  	[smem:$0x3FB7] =	sst s0;
	s0 =	simm.s32 @!p1 $0x0  }
0x14: {  	s2 =	sld [smem:$0x3F9B];
	s0 =	simm.s32 @p1 $0x1  }
0x15: {  	[smem:$0x3FB8] =	sst s0;
	s0 =	simm.s32 @!p2 $0x0  }
0x16: {  	s3 =	sld [smem:$0x3FDB];
	s0 =	simm.s32 @p2 $0x1  }
0x17: {  	s4 =	simm.s32 $0x1BF5;
	[smem:$0x3FBA] =	sst s0  }
0x18: {  	s0 =	sld [smem:$0x3F9D];
	_ =	swait.ge [sflag:s4], $0x0  }
0x19: {  	s7 =	sld [smem:$0x3F9E]  }
0x1a: {  	s8 =	sadd.s32 $0xFFFFE003, lr  }
0x1b: {  	s9 =	sadd.s32 $0xFFFFFEF7, lr;
	s5 =	simm.s32 $0xFFFFFFFF;
	p2 =	slt.u32 s8, $0xFFFFF086  }
0x1c: {  	p1 =	slt.u32 s9, $0xF7A;
	s5 =	simm.s32 @!p2 $0x0  }
0x1d: {  	s5 =	simm.s32 @p1 $0x1;
	p0 =	seq.s32 s7, s2  }
0x1e: {  	s7 =	smul.u32 @!p0 $0xF7A, s2;
	p2 =	seq.s32 @!p0 s5, $0x0  }
0x1f: {  	s9 =	smul.u32 $0xF7A, s1;
	s8 =	simm.s32 @!p0 $0x1BF5;
	p2 =	por !p2, p0  }
0x20: {  	[sflag:s8] =	ssyncset.s32 @!p0 $0xFFFFF086;
	s6 =	sadd.s32 @!p0 s3, s7;
	s7 =	simm.s32 @!p0 $0x108  }
0x21: {  	s3 =	sadd.s32 s3, s9;
	s6 =	sadd.s32 @!p0 $0x88, s6;
	s7 =	simm.s32 @p2 $0x1082  }
0x22: {  	[simem:s7], [sflag:s8] =	dma.local @!p0 [hbm:s6], $0xF7A  }
0x23: {  	s9 =	sor.u32 $0xD0000000, s2;
	s6 =	simm.s32 $0x108;
	_ =	swait.ge @!p0 [sflag:s8], $0x0  }
0x24: {  	s3 =	sadd.s32 $0x88, s3;
	s6 =	simm.s32 @!p1 $0x1082;
	[sflag:s4] =	ssyncset.s32 $0xFFFFF086  }
0x25: {  	[simem:s6], [sflag:s4] =	dma.local [hbm:s3], $0xF7A  }
0x26: {  	[smem:$0x3F9E] =	sst s1;
	(tag) =	ssettag s2;
	_ =	strace s9  }
0x27: {  	s1 =	sld [smem:$0x3FAE]  }
0x28: {  	s2 =	sld [smem:$0x3FAF]  }
0x29: {  	s4 =	sld [smem:$0x3FB1]  }
0x2a: {  	p0 =	seq.s32 s5, $0x0;
	s5 =	sld [smem:$0x3FB2]  }
0x2b: {  	s6 =	sld [smem:$0x3FB3]  }
0x2c: {  	s7 =	sld [smem:$0x3FB4]  }
0x2d: {  	s3 =	simm.s32 $0x108;
	s8 =	sld [smem:$0x3FB5]  }
0x2e: {  	s3 =	simm.s32 @!p0 $0x1082;
	s9 =	sld [smem:$0x3FB6]  }
0x2f: {  	lr =	sadd.s32 s0, s3;
	s0 =	sld [smem:$0x3FAD]  }
0x30: {  	s3 =	sld [smem:$0x3FB0]  }
0x31: {  	[smem:$0x3FB9] =	sst s10  }
0x32: {  	s10 =	sld [smem:$0x3FB7];
	_ =	sdelay $0x3  }
0x33: {  	p0 =	seq.s32 s10, $0x1;
	s10 =	sld [smem:$0x3FB9];
	_ =	sdelay $0x3  }
0x34: {  	[smem:$0x3FB9] =	sst s10  }
0x35: {  	s10 =	sld [smem:$0x3FB8];
	_ =	sdelay $0x3  }
0x36: {  	p1 =	seq.s32 s10, $0x1;
	s10 =	sld [smem:$0x3FB9];
	_ =	sdelay $0x3  }
0x37: {  	[smem:$0x3FB9] =	sst s10  }
0x38: {  	s10 =	sld [smem:$0x3FBA]  }
0x39: {  	_ = 	snop;
	(pc) =	sbr.ind lr, $3  }
0x3a: {  	_ = 	snop  }
0x3b: {  	_ = 	snop  }
0x3c: {  	p2 =	seq.s32 s10, $0x1;
	s10 =	sld [smem:$0x3FB9]  }
0x3d: {  	_ =	shalt  }
0x3e: {  	_ =	shalt  }
0x3f: {  	_ =	shalt  }
0x40: {  	_ =	shalt  }
0x41: {  	_ =	shalt  }
0x42: {  	_ =	shalt  }
0x43: {  	_ =	shalt  }
0x44: {  	_ =	shalt  }
0x45: {  	_ =	shalt  }
0x46: {  	_ =	shalt  }
0x47: {  	_ =	shalt  }
0x48: {  	_ =	shalt  }
0x49: {  	_ =	shalt  }
0x4a: {  	_ =	shalt  }
0x4b: {  	_ =	shalt  }
0x4c: {  	_ =	shalt  }
0x4d: {  	_ =	shalt  }
0x4e: {  	_ =	shalt  }
0x4f: {  	_ =	shalt  }
0x50: {  	_ =	shalt  }
0x51: {  	_ =	shalt  }
0x52: {  	_ =	shalt  }
0x53: {  	_ =	shalt  }
0x54: {  	_ =	shalt  }
0x55: {  	_ =	shalt  }
0x56: {  	_ =	shalt  }
0x57: {  	_ =	shalt  }
0x58: {  	_ =	shalt  }
0x59: {  	_ =	shalt  }
0x5a: {  	_ =	shalt  }
0x5b: {  	_ =	shalt  }
0x5c: {  	_ =	shalt  }
0x5d: {  	_ =	shalt  }
0x5e: {  	_ =	shalt  }
0x5f: {  	_ =	shalt  }
0x60: {  	_ =	shalt  }
0x61: {  	_ =	shalt  }
0x62: {  	_ =	shalt  }
0x63: {  	_ =	shalt  }
0x64: {  	_ =	shalt  }
0x65: {  	_ =	shalt  }
0x66: {  	_ =	shalt  }
0x67: {  	_ =	shalt  }
0x68: {  	_ =	shalt  }
0x69: {  	_ =	shalt  }
0x6a: {  	_ =	shalt  }
0x6b: {  	_ =	shalt  }
0x6c: {  	_ =	shalt  }
0x6d: {  	_ =	shalt  }
0x6e: {  	_ =	shalt  }
0x6f: {  	_ =	shalt  }
0x70: {  	_ =	shalt  }
0x71: {  	_ =	shalt  }
0x72: {  	_ =	shalt  }
0x73: {  	_ =	shalt  }
0x74: {  	_ =	shalt  }
0x75: {  	_ =	shalt  }
0x76: {  	_ =	shalt  }
0x77: {  	_ =	shalt  }
0x78: {  	_ =	shalt  }
0x79: {  	_ =	shalt  }
0x7a: {  	_ =	shalt  }
0x7b: {  	_ =	shalt  }
0x7c: {  	_ =	shalt  }
0x7d: {  	_ =	shalt  }
0x7e: {  	_ =	shalt  }
0x7f: {  	_ =	shalt  }
0x80: {  	_ =	shalt  }
0x81: {  	_ =	shalt  }
0x82: {  	_ =	shalt  }
0x83: {  	_ =	shalt  }
0x84: {  	_ =	shalt  }
0x85: {  	_ =	shalt  }
0x86: {  	_ =	shalt  }
0x87: {  	_ =	shalt  }
.Lfunc_end0:
.L_simem_size_0:
called_computation_lowered:
.L_overlay_start_0:
0x88: {  	s2 =	sld [smem:$0x3FD9]  }
0x89: {  	s3 =	sld [smem:$0x3FFE];
	_ =	sdelay $0x1  }
0x8a: {  	s1 =	srdreg.scid  }
0x8b: {  	s0 =	sand.u32 $0x1, s1  }
0x8c: {  	s17 =	sshll.u32 s0, $0xA;
	s2 =	sadd.s32 s3, s2  }
0x8d: {  	s2 =	sadd.s32 s2, s17  }
0x8e: {  	[smem:$0x3FC5] =	sst s2  }
0x8f: {  	_ = 	snop  }
0x90: {  	s2 =	sld [smem:$0x3FC9]  }
0x91: {  	s18 =	sld [smem:$0x3FC8]  }
0x92: {  	s4 =	sld [smem:$0x3FD0];
	(tm) =	ssettm $0x1  }
0x93: {  	s5 =	sld [smem:$0x3FFB];
	_ =	sdelay $0x3  }
0x94: {  	_ =	strace s5  }
0x95: {  	s5 =	sld [smem:$0x3FFC];
	_ =	sdelay $0x3  }
0x96: {  	_ =	strace s5  }
0x97: {  	s5 =	sld [smem:$0x3FFD];
	_ =	sdelay $0x3  }
0x98: {  	_ =	strace s5  }
0x99: {  	_ =	strace $0x8FFFFFFF  }
0x9a: {  	s19 =	sld [smem:$0x3FDB];
	_ =	sdelay $0x1  }
0x9b: {  	s6 =	simm.s32 $_scs_section_size  }
0x9c: {  	s7 =	simm.s32 $_size__tile_overlayer_lowered;
	s8 =	simm.s32 $_tile_overlayer_lowered  }
0x9d: {  	s22 =	simm.s32 $0x1BFF;
	s21 =	sshll.u32 s8, $0x1;
	s5 =	sadd.s32 s6, s19  }
0x9e: {  	s9 =	simm.s32 $0x0;
	s20 =	sshll.u32 s7, $0x1;
	s7 =	sadd.s32 s21, s5  }
0x9f: {  	[timem:s9], [sflag:s22] =	dma.local [hbm:s7], s20  }
0xa0: {  	_ =	swait.ge [sflag:s22], s20  }
0xa1: {  	s6 =	ssub.s32 $0x0, s20;
	[sflag:s22] =	ssyncset.done $0x0  }
0xa2: {  	[sflag:s22] =	ssyncadd.s32 s6;
	_ =	sdelay $0x1  }
0xa3: {  	s23 =	simm.s32 $0x1B8B  }
0xa4: {  	_ =	swait.ge [sflag:s23], $0x1  }
0xa5: {  	[sflag:s23] =	ssyncset.done $0x0  }
0xa6: {  	s25 =	simm.s32 $0x1B8E;
	s24 =	sld [smem:$0x3FFE];
	[sflag:s23] =	ssyncadd.s32 $0xFFFFFFFF  }
0xa7: {  	s26 =	simm.s32 $execute0_lowered;
	[smem:$0x3FD2] =	sst s25  }
0xa8: {  	s7 =	sshll.u32 s26, $0x1;
	_ =	strace $0x80000046;
	[dreg:$0x1] =	wrdreg $0xFFFFFFFF  }
0xa9: {  	s28 =	simm.s32 $_size_execute0_lowered;
	s5 =	sadd.s32 s5, s7;
	[dreg:$0x0] =	wrdreg $0x0  }
0xaa: {  	s7 =	sshll.u32 s28, $0x1;
	[dreg:$0x2] =	wrdreg s5  }
0xab: {  	[dreg:$0x3] =	wrdreg s7  }
0xac: {  	[dreg:$0x4] =	wrdreg $0xC0  }
0xad: {  	_ =	task [dreg:s9], $0x5FFFF  }
0xae: {  	[dreg:$0x1] =	wrdreg $0xFFFFFFFF  }
0xaf: {  	[dreg:$0x0] =	wrdreg $0x60  }
0xb0: {  	[dreg:$0x2] =	wrdreg s2  }
0xb1: {  	[dreg:$0x3] =	wrdreg s18  }
0xb2: {  	[dreg:$0x4] =	wrdreg s24  }
0xb3: {  	[dreg:$0x5] =	wrdreg s4  }
0xb4: {  	[dreg:$0x6] =	wrdreg $0x9  }
0xb5: {  	_ =	task.clear_ibuf [dreg:s9], $0x7FFFF;
	_ =	strace $0x90000046  }
0xb6: {  	s29 =	simm.s32 $0x9;
	_ =	strace $0x80000048  }
0xb7: {  	_ =	swait.ge [sflag:s29], $0x1  }
0xb8: {  	[sflag:s29] =	ssyncadd.s32 $0xFFFFFFFF  }
0xb9: {  	_ =	strace $0x90000048  }
0xba: {  	_ =	sfence  }
0xbb: {  	s30 =	sld [smem:$0x0];
	_ =	sdelay $0x2  }
0xbc: {  	s31 =	sshll.u32 s1, $0xD;
	s1 =	sshrl.u32 s1, $0x2  }
0xbd: {  	s3 =	sand.u32 $0x4000, s31;
	s1 =	sadd.s32 s1, s30  }
0xbe: {  	s0 =	sor.u32 s3, s0;
	s1 =	sshll.u32 s1, $0x11  }
0xbf: {  	s0 =	sor.u32 s1, s0  }
0xc0: {  	s0 =	sadd.s32 $0x8F2B, s0  }
0xc1: {  	[sflag:s0] =	ssyncadd.remote.s32 $0x1  }
0xc2: {  	_ =	sfence.sel $0xFFFF  }
0xc3: {  	[dreg:$0x0] =	wrdreg $0xFFFFFFFF;
	(pc) =	sbr.abs _section_cstart, $3  }
0xc4: {  	[dreg:$0x1] =	wrdreg $0xFFFFFFFF  }
0xc5: {  	_ =	task.clear_ibuf [dreg:s9], $0x2FFFF;
	_ =	strace $0x9FFFFFFF  }
0xc6: {  	(tm) =	ssettm $0x7FFFFFFF  }
0xc7: {  	_ =	shalt  }
tec
execute0_lowered:
.L_overlay_start_1:
0x0: {  	(tag) =	ssettag $0x1  }
0x1: {  	s11 =	rddreg [dreg:$0x0]  }
0x2: {  	s3 =	rddreg [dreg:$0x1]  }
0x3: {  	s0 =	rddreg [dreg:$0x2]  }
0x4: {  	s4 =	rddreg [dreg:$0x3]  }
0x5: {  	s1 =	srdreg.scid;
	s2 =	stileid.u32  }
0x6: {  	s5 =	simm.s32 $0x0;
	s29 =	simm.s32 $0x200;
	s30 =	simm.s32 $0x400  }
0x7: {  	s14 =	simm.s32 $0x3000;
	s15 =	simm.s32 $0x1;
	s16 =	simm.s32 $0x5  }
0x8: {  	s13 =	simm.s32 $0x8;
	s28 =	simm.s32 $0xB;
	s1 =	sand.u32 $0x1, s1  }
0x9: {  	s2 =	sshll.u32 s2, $0x1;
	[smem:$0x7FF] =	sst s5;
	s8 =	sadd.s32 $0x200, s3  }
0xa: {  	s9 =	sadd.s32 $0x400, s3;
	s10 =	sadd.s32 $0x600, s3;
	s22 =	sadd.s32 $0x40, s4  }
0xb: {  	s23 =	sadd.s32 $0x40, s11;
	s2 =	sor.u32 s1, s2;
	s1 =	ssub.s32 $0x2, s1  }
0xc: {  	_ =	strace $0x80000047;
	[dreg:$0xc] =	wrdreg s22;
	s6 =	sshll.u32 s2, $0x9  }
0xd: {  	[dreg:$0xd] =	wrdreg s23;
	s7 =	sshrl.u32 s1, $0x1;
	s0 =	sadd.s32 s6, s0  }
0xe: {  	s1 =	ssub.s32 s1, s7;
	s7 =	sshll.u32 s2, $0xF;
	s0 =	sadd.s32 $0x400, s0  }
0xf: {  	s23 =	simm.s32 $0x5000;
	s21 =	sor.u32 $0x800, s7;
	[dreg:$0x5] =	wrdreg s0  }
0x10: {  	s22 =	simm.s32 $0x4;
	s19 =	sadd.s32 s4, s7;
	[dreg:$0xb] =	wrdreg s21  }
0x11: {  	s17 =	sor.u32 $0x40, s7;
	s26 =	smax.u32 s1, $0x1;
	[dreg:$0x7] =	wrdreg s19  }
0x12: {  	s2 =	sadd.s32 s11, s7;
	s18 =	sadd.s32 s11, s17;
	[dreg:$0x10] =	wrdreg s26  }
0x13: {  	s6 =	simm.s32 $0x7000;
	s12 =	sadd.s32 $0x800, s2;
	[dreg:$0x6] =	wrdreg s18  }
0x14: {  	s0 =	sadd.s32 s4, s17;
	s31 =	smov.u32 s2;
	[dreg:$0x8] =	wrdreg s12  }
0x15: {  	s20 =	sadd.s32 $0x840, s2;
	s24 =	sadd.s32 $0x7800, s19;
	[dreg:$0x9] =	wrdreg s0  }
0x16: {  	s25 =	sadd.s32 $0x7840, s19;
	s21 =	simm.s32 $0x9;
	[dreg:$0xa] =	wrdreg s20  }
0x17: {  	v0 =	vlaneseq.u32;
	s26 =	simm.s32 $0xA;
	s2 =	simm.s32 $0x0;
	[dreg:$0xe] =	wrdreg s24  }
0x18: {  	v1 =	vshrl.u32 v0, $0x2;
	[dreg:$0xf] =	wrdreg s25;
	s24 =	simm.s32 $0x2;
	s25 =	simm.s32 $0x6  }
0x19: {  	vm0 =	vmmov $0xffff;
	v0 =	vand.u32 $0x3, v0;
	v1 =	vmul.u32 $0x8, v1;
	s12 =	simm.s32 $0x3;
	s20 =	simm.s32 $0x7;
	s0 =	simm.s32 $0xC  }
.LBB2_1:
0x1a: {  	[dreg:$0x11] =	wrdreg s2  }
0x1b: {  	s1 =	rddreg [dreg:$0x5];
	s19 =	simm.s32 $0xD  }
0x1c: {  	[tilespmem:s5], [sflag:$0xD] =	stream.linear.gather [hbm4b:s1+s5], $0x1000, $0x38;
	[tilespmem:$0x11000] =	vst v63  }
0x1d: {  	_ =	swait.ge [sflag:s19], $0x1000  }
0x1e: {  	[sflag:s19] =	ssyncset.done $0x0  }
0x1f: {  	[sflag:s19] =	ssyncadd.s32 $0xFFFFF000  }
0x20: {  	v2 =	vld.msk [tilespmem:$0x0], $0xf;
	_ =	sdelay $0x4  }
0x21: {  	v3 =	vshll.u32 v2, $0x4  }
0x22: {  	v2 =	vand.u32 $0x7, v2;
	v3 =	vand.u32 $0xFFFFFF80, v3  }
0x23: {  	v2 =	vor.u32 v2, v3  }
0x24: {  	v2 =	vperm.xlane v2, v0;
	_ =	sdelay $0x1  }
0x25: {  	v2 =	vadd.s32 v1, v2;
	_ =	sdelay $0x3  }
0x26: {  	s2 =	simm.s32 $0x9000  }
0x27: {  	[tilespmem:s2], [sflag:$0x5] =	stream.indirect_vreg.gather [hbm4b:s3+s5], $0x80, v2, vm0, $0xb8;
	[tilespmem:$0x11000] =	vst v63  }
0x28: {  	s11 =	simm.s32 $0x9800  }
0x29: {  	[tilespmem:s11], [sflag:$0x5] =	stream.indirect_vreg.gather [hbm4b:s8+s5], $0x80, v2, vm0, $0xb8;
	[tilespmem:$0x11000] =	vst v63  }
0x2a: {  	s17 =	simm.s32 $0xA000  }
0x2b: {  	[tilespmem:s17], [sflag:$0x5] =	stream.indirect_vreg.gather [hbm4b:s9+s5], $0x80, v2, vm0, $0xb8;
	[tilespmem:$0x11000] =	vst v63  }
0x2c: {  	s18 =	simm.s32 $0xA800  }
0x2d: {  	[tilespmem:s18], [sflag:$0x5] =	stream.indirect_vreg.gather [hbm4b:s10+s5], $0x80, v2, vm0, $0xb8;
	[tilespmem:$0x11000] =	vst v63  }
0x2e: {  	s19 =	simm.s32 $0x1000  }
0x2f: {  	[tilespmem:s19], [sflag:$0x1] =	stream.strided.gather [hbm4b:s31+s29], $0x2000, s30, s29, $0x38;
	[tilespmem:$0x11000] =	vst v63  }
0x30: {  	v2 =	vld.msk [tilespmem:$0x80], $0xf;
	_ =	sdelay $0x4  }
0x31: {  	v3 =	vshll.u32 v2, $0x4  }
0x32: {  	v2 =	vand.u32 $0x7, v2;
	v3 =	vand.u32 $0xFFFFFF80, v3  }
0x33: {  	v2 =	vor.u32 v2, v3  }
0x34: {  	v2 =	vperm.xlane v2, v0;
	_ =	sdelay $0x1  }
0x35: {  	v2 =	vadd.s32 v1, v2;
	_ =	sdelay $0x3  }
0x36: {  	s2 =	simm.s32 $0xB000  }
0x37: {  	[tilespmem:s2], [sflag:$0x6] =	stream.indirect_vreg.gather [hbm4b:s3+s5], $0x80, v2, vm0, $0xb8;
	[tilespmem:$0x11000] =	vst v63  }
0x38: {  	s11 =	simm.s32 $0xB800  }
0x39: {  	[tilespmem:s11], [sflag:$0x6] =	stream.indirect_vreg.gather [hbm4b:s8+s5], $0x80, v2, vm0, $0xb8;
	[tilespmem:$0x11000] =	vst v63  }
0x3a: {  	s17 =	simm.s32 $0xC000  }
0x3b: {  	[tilespmem:s17], [sflag:$0x6] =	stream.indirect_vreg.gather [hbm4b:s9+s5], $0x80, v2, vm0, $0xb8;
	[tilespmem:$0x11000] =	vst v63  }
0x3c: {  	s18 =	simm.s32 $0xC800  }
0x3d: {  	[tilespmem:s18], [sflag:$0x6] =	stream.indirect_vreg.gather [hbm4b:s10+s5], $0x80, v2, vm0, $0xb8;
	[tilespmem:$0x11000] =	vst v63  }
0x3e: {  	s19 =	rddreg [dreg:$0x6]  }
0x3f: {  	[tilespmem:s14], [sflag:$0x2] =	stream.strided.gather [hbm4b:s19+s29], $0x2000, s30, s29, $0x38;
	[tilespmem:$0x11000] =	vst v63  }
0x40: {  	_ =	swait.ge [sflag:s15], $0x2000  }
0x41: {  	[sflag:s15] =	ssyncset.done $0x0  }
0x42: {  	[sflag:s15] =	ssyncadd.s32 $0xFFFFE000  }
0x43: {  	_ =	swait.ge [sflag:s16], $0x2000  }
0x44: {  	[sflag:s16] =	ssyncset.done $0x0  }
0x45: {  	s1 =	simm.s32 $0x0;
	s2 =	simm.s32 $0x800;
	[sflag:s16] =	ssyncadd.s32 $0xFFFFE000  }
.LBB2_2:
0x46: {  	p0 =	sne.s32 s2, $0x7800;
	v2 =	vld [tilespmem:s1+$0x9070]  }
0x47: {  	v3 =	vld [tilespmem:s1+$0x9000]  }
0x48: {  	v4 =	vld [tilespmem:s1+$0x9010]  }
0x49: {  	v5 =	vld [tilespmem:s1+$0x9020]  }
0x4a: {  	v6 =	vld [tilespmem:s1+$0x9030]  }
0x4b: {  	[tilespmem:s1+$0x1070] =	vst.add.f32.msk $0xffff, v2  }
0x4c: {  	v2 =	vld [tilespmem:s1+$0x9040]  }
0x4d: {  	v7 =	vld [tilespmem:s1+$0x9050]  }
0x4e: {  	v8 =	vld [tilespmem:s1+$0x9060]  }
0x4f: {  	[tilespmem:s1+$0x1000] =	vst.add.f32.msk $0xffff, v3  }
0x50: {  	[tilespmem:s1+$0x1010] =	vst.add.f32.msk $0xffff, v4  }
.Ltmp0:
0x51: {  	[tilespmem:s1+$0x1020] =	vst.add.f32.msk $0xffff, v5;
	(pc) =	sbr.rel @p0 .LBB2_2-.Ltmp0, $4  }
0x52: {  	[tilespmem:s1+$0x1030] =	vst.add.f32.msk $0xffff, v6  }
0x53: {  	[tilespmem:s1+$0x1040] =	vst.add.f32.msk $0xffff, v2  }
0x54: {  	[tilespmem:s1+$0x1050] =	vst.add.f32.msk $0xffff, v7  }
0x55: {  	[tilespmem:s1+$0x1060] =	vst.add.f32.msk $0xffff, v8;
	s1 =	sshra.s32 s2, $0x2;
	s2 =	sadd.s32 $0x800, s2  }
0x56: {  	v2 =	vld [tilespmem:s1+$0x9070]  }
0x57: {  	v3 =	vld [tilespmem:s1+$0x9000]  }
0x58: {  	v4 =	vld [tilespmem:s1+$0x9010]  }
0x59: {  	v5 =	vld [tilespmem:s1+$0x9020]  }
0x5a: {  	v6 =	vld [tilespmem:s1+$0x9030]  }
0x5b: {  	v7 =	vld [tilespmem:s1+$0x9050]  }
0x5c: {  	v8 =	vld [tilespmem:s1+$0x9060]  }
0x5d: {  	[tilespmem:s1+$0x1070] =	vst.add.f32.msk $0xffff, v2  }
0x5e: {  	v2 =	vld [tilespmem:s1+$0x9040]  }
0x5f: {  	[tilespmem:s1+$0x1000] =	vst.add.f32.msk $0xffff, v3  }
0x60: {  	[tilespmem:s1+$0x1010] =	vst.add.f32.msk $0xffff, v4  }
0x61: {  	[tilespmem:s1+$0x1020] =	vst.add.f32.msk $0xffff, v5  }
0x62: {  	[tilespmem:s1+$0x1030] =	vst.add.f32.msk $0xffff, v6  }
0x63: {  	[tilespmem:s1+$0x1050] =	vst.add.f32.msk $0xffff, v7  }
0x64: {  	[tilespmem:s1+$0x1060] =	vst.add.f32.msk $0xffff, v8  }
0x65: {  	s2 =	simm.s32 $0x800;
	[tilespmem:s1+$0x1040] =	vst.add.f32.msk $0xffff, v2;
	s1 =	simm.s32 $0x0  }
.LBB2_4:
0x66: {  	p0 =	sne.s32 s2, $0x7800;
	v2 =	vld [tilespmem:s1+$0x90F0]  }
0x67: {  	v3 =	vld [tilespmem:s1+$0x9080]  }
0x68: {  	v4 =	vld [tilespmem:s1+$0x9090]  }
0x69: {  	v5 =	vld [tilespmem:s1+$0x90A0]  }
0x6a: {  	v6 =	vld [tilespmem:s1+$0x90B0]  }
0x6b: {  	[tilespmem:s1+$0x10F0] =	vst.add.f32.msk $0xffff, v2  }
0x6c: {  	v2 =	vld [tilespmem:s1+$0x90C0]  }
0x6d: {  	v7 =	vld [tilespmem:s1+$0x90D0]  }
0x6e: {  	v8 =	vld [tilespmem:s1+$0x90E0]  }
0x6f: {  	[tilespmem:s1+$0x1080] =	vst.add.f32.msk $0xffff, v3  }
0x70: {  	[tilespmem:s1+$0x1090] =	vst.add.f32.msk $0xffff, v4  }
.Ltmp1:
0x71: {  	[tilespmem:s1+$0x10A0] =	vst.add.f32.msk $0xffff, v5;
	(pc) =	sbr.rel @p0 .LBB2_4-.Ltmp1, $4  }
0x72: {  	[tilespmem:s1+$0x10B0] =	vst.add.f32.msk $0xffff, v6  }
0x73: {  	[tilespmem:s1+$0x10C0] =	vst.add.f32.msk $0xffff, v2  }
0x74: {  	[tilespmem:s1+$0x10D0] =	vst.add.f32.msk $0xffff, v7  }
0x75: {  	[tilespmem:s1+$0x10E0] =	vst.add.f32.msk $0xffff, v8;
	s1 =	sshra.s32 s2, $0x2;
	s2 =	sadd.s32 $0x800, s2  }
0x76: {  	v2 =	vld [tilespmem:s1+$0x90F0]  }
0x77: {  	v3 =	vld [tilespmem:s1+$0x9080]  }
0x78: {  	v4 =	vld [tilespmem:s1+$0x9090]  }
0x79: {  	v5 =	vld [tilespmem:s1+$0x90A0]  }
0x7a: {  	v6 =	vld [tilespmem:s1+$0x90B0]  }
0x7b: {  	v7 =	vld [tilespmem:s1+$0x90D0]  }
0x7c: {  	v8 =	vld [tilespmem:s1+$0x90E0]  }
0x7d: {  	[tilespmem:s1+$0x10F0] =	vst.add.f32.msk $0xffff, v2  }
0x7e: {  	v2 =	vld [tilespmem:s1+$0x90C0]  }
0x7f: {  	[tilespmem:s1+$0x1080] =	vst.add.f32.msk $0xffff, v3  }
0x80: {  	[tilespmem:s1+$0x1090] =	vst.add.f32.msk $0xffff, v4  }
0x81: {  	[tilespmem:s1+$0x10A0] =	vst.add.f32.msk $0xffff, v5  }
0x82: {  	[tilespmem:s1+$0x10B0] =	vst.add.f32.msk $0xffff, v6  }
0x83: {  	[tilespmem:s1+$0x10D0] =	vst.add.f32.msk $0xffff, v7  }
0x84: {  	[tilespmem:s1+$0x10E0] =	vst.add.f32.msk $0xffff, v8  }
0x85: {  	s2 =	simm.s32 $0x800;
	[tilespmem:s1+$0x10C0] =	vst.add.f32.msk $0xffff, v2;
	s1 =	simm.s32 $0x0  }
.LBB2_6:
0x86: {  	p0 =	sne.s32 s2, $0x7800;
	v2 =	vld [tilespmem:s1+$0x9170]  }
0x87: {  	v3 =	vld [tilespmem:s1+$0x9100]  }
0x88: {  	v4 =	vld [tilespmem:s1+$0x9110]  }
0x89: {  	v5 =	vld [tilespmem:s1+$0x9120]  }
0x8a: {  	v6 =	vld [tilespmem:s1+$0x9130]  }
0x8b: {  	[tilespmem:s1+$0x1170] =	vst.add.f32.msk $0xffff, v2  }
0x8c: {  	v2 =	vld [tilespmem:s1+$0x9140]  }
0x8d: {  	v7 =	vld [tilespmem:s1+$0x9150]  }
0x8e: {  	v8 =	vld [tilespmem:s1+$0x9160]  }
0x8f: {  	[tilespmem:s1+$0x1100] =	vst.add.f32.msk $0xffff, v3  }
0x90: {  	[tilespmem:s1+$0x1110] =	vst.add.f32.msk $0xffff, v4  }
.Ltmp2:
0x91: {  	[tilespmem:s1+$0x1120] =	vst.add.f32.msk $0xffff, v5;
	(pc) =	sbr.rel @p0 .LBB2_6-.Ltmp2, $4  }
0x92: {  	[tilespmem:s1+$0x1130] =	vst.add.f32.msk $0xffff, v6  }
0x93: {  	[tilespmem:s1+$0x1140] =	vst.add.f32.msk $0xffff, v2  }
0x94: {  	[tilespmem:s1+$0x1150] =	vst.add.f32.msk $0xffff, v7  }
0x95: {  	[tilespmem:s1+$0x1160] =	vst.add.f32.msk $0xffff, v8;
	s1 =	sshra.s32 s2, $0x2;
	s2 =	sadd.s32 $0x800, s2  }
0x96: {  	v2 =	vld [tilespmem:s1+$0x9170]  }
0x97: {  	v3 =	vld [tilespmem:s1+$0x9100]  }
0x98: {  	v4 =	vld [tilespmem:s1+$0x9110]  }
0x99: {  	v5 =	vld [tilespmem:s1+$0x9120]  }
0x9a: {  	v6 =	vld [tilespmem:s1+$0x9130]  }
0x9b: {  	v7 =	vld [tilespmem:s1+$0x9150]  }
0x9c: {  	v8 =	vld [tilespmem:s1+$0x9160]  }
0x9d: {  	[tilespmem:s1+$0x1170] =	vst.add.f32.msk $0xffff, v2  }
0x9e: {  	v2 =	vld [tilespmem:s1+$0x9140]  }
0x9f: {  	[tilespmem:s1+$0x1100] =	vst.add.f32.msk $0xffff, v3  }
0xa0: {  	[tilespmem:s1+$0x1110] =	vst.add.f32.msk $0xffff, v4  }
0xa1: {  	[tilespmem:s1+$0x1120] =	vst.add.f32.msk $0xffff, v5  }
0xa2: {  	[tilespmem:s1+$0x1130] =	vst.add.f32.msk $0xffff, v6  }
0xa3: {  	[tilespmem:s1+$0x1150] =	vst.add.f32.msk $0xffff, v7  }
0xa4: {  	[tilespmem:s1+$0x1160] =	vst.add.f32.msk $0xffff, v8  }
0xa5: {  	s2 =	simm.s32 $0x800;
	[tilespmem:s1+$0x1140] =	vst.add.f32.msk $0xffff, v2;
	s1 =	simm.s32 $0x0  }
.LBB2_8:
0xa6: {  	p0 =	sne.s32 s2, $0x7800;
	v2 =	vld [tilespmem:s1+$0x91F0]  }
0xa7: {  	v3 =	vld [tilespmem:s1+$0x9180]  }
0xa8: {  	v4 =	vld [tilespmem:s1+$0x9190]  }
0xa9: {  	v5 =	vld [tilespmem:s1+$0x91A0]  }
0xaa: {  	v6 =	vld [tilespmem:s1+$0x91B0]  }
0xab: {  	[tilespmem:s1+$0x11F0] =	vst.add.f32.msk $0xffff, v2  }
0xac: {  	v2 =	vld [tilespmem:s1+$0x91C0]  }
0xad: {  	v7 =	vld [tilespmem:s1+$0x91D0]  }
0xae: {  	v8 =	vld [tilespmem:s1+$0x91E0]  }
0xaf: {  	[tilespmem:s1+$0x1180] =	vst.add.f32.msk $0xffff, v3  }
0xb0: {  	[tilespmem:s1+$0x1190] =	vst.add.f32.msk $0xffff, v4  }
.Ltmp3:
0xb1: {  	[tilespmem:s1+$0x11A0] =	vst.add.f32.msk $0xffff, v5;
	(pc) =	sbr.rel @p0 .LBB2_8-.Ltmp3, $4  }
0xb2: {  	[tilespmem:s1+$0x11B0] =	vst.add.f32.msk $0xffff, v6  }
0xb3: {  	[tilespmem:s1+$0x11C0] =	vst.add.f32.msk $0xffff, v2  }
0xb4: {  	[tilespmem:s1+$0x11D0] =	vst.add.f32.msk $0xffff, v7  }
0xb5: {  	[tilespmem:s1+$0x11E0] =	vst.add.f32.msk $0xffff, v8;
	s1 =	sshra.s32 s2, $0x2;
	s2 =	sadd.s32 $0x800, s2  }
0xb6: {  	v2 =	vld [tilespmem:s1+$0x91F0]  }
0xb7: {  	v3 =	vld [tilespmem:s1+$0x9180]  }
0xb8: {  	v4 =	vld [tilespmem:s1+$0x9190]  }
0xb9: {  	v5 =	vld [tilespmem:s1+$0x91A0]  }
0xba: {  	v6 =	vld [tilespmem:s1+$0x91B0]  }
0xbb: {  	v7 =	vld [tilespmem:s1+$0x91D0]  }
0xbc: {  	v8 =	vld [tilespmem:s1+$0x91E0]  }
0xbd: {  	[tilespmem:s1+$0x11F0] =	vst.add.f32.msk $0xffff, v2  }
0xbe: {  	v2 =	vld [tilespmem:s1+$0x91C0]  }
0xbf: {  	[tilespmem:s1+$0x1180] =	vst.add.f32.msk $0xffff, v3  }
0xc0: {  	[tilespmem:s1+$0x1190] =	vst.add.f32.msk $0xffff, v4  }
0xc1: {  	[tilespmem:s1+$0x11A0] =	vst.add.f32.msk $0xffff, v5  }
0xc2: {  	[tilespmem:s1+$0x11B0] =	vst.add.f32.msk $0xffff, v6  }
0xc3: {  	[tilespmem:s1+$0x11D0] =	vst.add.f32.msk $0xffff, v7  }
0xc4: {  	[tilespmem:s1+$0x11E0] =	vst.add.f32.msk $0xffff, v8  }
0xc5: {  	s18 =	rddreg [dreg:$0x7];
	s2 =	simm.s32 $0x1000;
	[tilespmem:s1+$0x11C0] =	vst.add.f32.msk $0xffff, v2  }
0xc6: {  	[hbm4b:s18+s29] =	stream.strided.scatter [tilespmem:s2], [sflag:$0x9], $0x2000, s30, s29, $0x38;
	[tilespmem:$0x11000] =	vst v63  }
0xc7: {  	v2 =	vld.msk [tilespmem:$0x100], $0xf;
	_ =	sdelay $0x4  }
0xc8: {  	v3 =	vshll.u32 v2, $0x4  }
0xc9: {  	v2 =	vand.u32 $0x7, v2;
	v3 =	vand.u32 $0xFFFFFF80, v3  }
0xca: {  	v2 =	vor.u32 v2, v3  }
0xcb: {  	v2 =	vperm.xlane v2, v0;
	_ =	sdelay $0x1  }
0xcc: {  	v2 =	vadd.s32 v1, v2;
	_ =	sdelay $0x3  }
0xcd: {  	s19 =	simm.s32 $0xD000;
	s1 =	simm.s32 $0x0  }
0xce: {  	[tilespmem:s19], [sflag:$0x7] =	stream.indirect_vreg.gather [hbm4b:s3+s1], $0x80, v2, vm0, $0xb8;
	[tilespmem:$0x11000] =	vst v63  }
0xcf: {  	s11 =	simm.s32 $0xD800  }
0xd0: {  	[tilespmem:s11], [sflag:$0x7] =	stream.indirect_vreg.gather [hbm4b:s8+s1], $0x80, v2, vm0, $0xb8;
	[tilespmem:$0x11000] =	vst v63  }
0xd1: {  	s17 =	simm.s32 $0xE000  }
0xd2: {  	[tilespmem:s17], [sflag:$0x7] =	stream.indirect_vreg.gather [hbm4b:s9+s1], $0x80, v2, vm0, $0xb8;
	[tilespmem:$0x11000] =	vst v63  }
0xd3: {  	s18 =	simm.s32 $0xE800  }
0xd4: {  	[tilespmem:s18], [sflag:$0x7] =	stream.indirect_vreg.gather [hbm4b:s10+s1], $0x80, v2, vm0, $0xb8;
	[tilespmem:$0x11000] =	vst v63  }
0xd5: {  	s19 =	rddreg [dreg:$0x8]  }
0xd6: {  	[tilespmem:s23], [sflag:$0x3] =	stream.strided.gather [hbm4b:s19+s29], $0x2000, s30, s29, $0x38;
	[tilespmem:$0x11000] =	vst v63  }
0xd7: {  	_ =	swait.ge [sflag:s24], $0x2000  }
0xd8: {  	[sflag:s24] =	ssyncset.done $0x0  }
0xd9: {  	[sflag:s24] =	ssyncadd.s32 $0xFFFFE000  }
0xda: {  	_ =	swait.ge [sflag:s25], $0x2000  }
0xdb: {  	[sflag:s25] =	ssyncset.done $0x0  }
0xdc: {  	s2 =	simm.s32 $0x800;
	s1 =	simm.s32 $0x0;
	[sflag:s25] =	ssyncadd.s32 $0xFFFFE000  }
.LBB2_10:
0xdd: {  	p0 =	sne.s32 s2, $0x7800;
	v2 =	vld [tilespmem:s1+$0xB070]  }
0xde: {  	v3 =	vld [tilespmem:s1+$0xB000]  }
0xdf: {  	v4 =	vld [tilespmem:s1+$0xB010]  }
0xe0: {  	v5 =	vld [tilespmem:s1+$0xB020]  }
0xe1: {  	v6 =	vld [tilespmem:s1+$0xB030]  }
0xe2: {  	[tilespmem:s1+$0x3070] =	vst.add.f32.msk $0xffff, v2  }
0xe3: {  	v2 =	vld [tilespmem:s1+$0xB040]  }
0xe4: {  	v7 =	vld [tilespmem:s1+$0xB050]  }
0xe5: {  	v8 =	vld [tilespmem:s1+$0xB060]  }
0xe6: {  	[tilespmem:s1+$0x3000] =	vst.add.f32.msk $0xffff, v3  }
0xe7: {  	[tilespmem:s1+$0x3010] =	vst.add.f32.msk $0xffff, v4  }
.Ltmp4:
0xe8: {  	[tilespmem:s1+$0x3020] =	vst.add.f32.msk $0xffff, v5;
	(pc) =	sbr.rel @p0 .LBB2_10-.Ltmp4, $4  }
0xe9: {  	[tilespmem:s1+$0x3030] =	vst.add.f32.msk $0xffff, v6  }
0xea: {  	[tilespmem:s1+$0x3040] =	vst.add.f32.msk $0xffff, v2  }
0xeb: {  	[tilespmem:s1+$0x3050] =	vst.add.f32.msk $0xffff, v7  }
0xec: {  	[tilespmem:s1+$0x3060] =	vst.add.f32.msk $0xffff, v8;
	s1 =	sshra.s32 s2, $0x2;
	s2 =	sadd.s32 $0x800, s2  }
0xed: {  	v2 =	vld [tilespmem:s1+$0xB070]  }
0xee: {  	v3 =	vld [tilespmem:s1+$0xB000]  }
0xef: {  	v4 =	vld [tilespmem:s1+$0xB010]  }
0xf0: {  	v5 =	vld [tilespmem:s1+$0xB020]  }
0xf1: {  	v6 =	vld [tilespmem:s1+$0xB030]  }
0xf2: {  	v7 =	vld [tilespmem:s1+$0xB050]  }
0xf3: {  	v8 =	vld [tilespmem:s1+$0xB060]  }
0xf4: {  	[tilespmem:s1+$0x3070] =	vst.add.f32.msk $0xffff, v2  }
0xf5: {  	v2 =	vld [tilespmem:s1+$0xB040]  }
0xf6: {  	[tilespmem:s1+$0x3000] =	vst.add.f32.msk $0xffff, v3  }
0xf7: {  	[tilespmem:s1+$0x3010] =	vst.add.f32.msk $0xffff, v4  }
0xf8: {  	[tilespmem:s1+$0x3020] =	vst.add.f32.msk $0xffff, v5  }
0xf9: {  	[tilespmem:s1+$0x3030] =	vst.add.f32.msk $0xffff, v6  }
0xfa: {  	[tilespmem:s1+$0x3050] =	vst.add.f32.msk $0xffff, v7  }
0xfb: {  	[tilespmem:s1+$0x3060] =	vst.add.f32.msk $0xffff, v8  }
0xfc: {  	s2 =	simm.s32 $0x800;
	[tilespmem:s1+$0x3040] =	vst.add.f32.msk $0xffff, v2;
	s1 =	simm.s32 $0x0  }
.LBB2_12:
0xfd: {  	p0 =	sne.s32 s2, $0x7800;
	v2 =	vld [tilespmem:s1+$0xB0F0]  }
0xfe: {  	v3 =	vld [tilespmem:s1+$0xB080]  }
0xff: {  	v4 =	vld [tilespmem:s1+$0xB090]  }
0x100: {  	v5 =	vld [tilespmem:s1+$0xB0A0]  }
0x101: {  	v6 =	vld [tilespmem:s1+$0xB0B0]  }
0x102: {  	[tilespmem:s1+$0x30F0] =	vst.add.f32.msk $0xffff, v2  }
0x103: {  	v2 =	vld [tilespmem:s1+$0xB0C0]  }
0x104: {  	v7 =	vld [tilespmem:s1+$0xB0D0]  }
0x105: {  	v8 =	vld [tilespmem:s1+$0xB0E0]  }
0x106: {  	[tilespmem:s1+$0x3080] =	vst.add.f32.msk $0xffff, v3  }
0x107: {  	[tilespmem:s1+$0x3090] =	vst.add.f32.msk $0xffff, v4  }
.Ltmp5:
0x108: {  	[tilespmem:s1+$0x30A0] =	vst.add.f32.msk $0xffff, v5;
	(pc) =	sbr.rel @p0 .LBB2_12-.Ltmp5, $4  }
0x109: {  	[tilespmem:s1+$0x30B0] =	vst.add.f32.msk $0xffff, v6  }
0x10a: {  	[tilespmem:s1+$0x30C0] =	vst.add.f32.msk $0xffff, v2  }
0x10b: {  	[tilespmem:s1+$0x30D0] =	vst.add.f32.msk $0xffff, v7  }
0x10c: {  	[tilespmem:s1+$0x30E0] =	vst.add.f32.msk $0xffff, v8;
	s1 =	sshra.s32 s2, $0x2;
	s2 =	sadd.s32 $0x800, s2  }
0x10d: {  	v2 =	vld [tilespmem:s1+$0xB0F0]  }
0x10e: {  	v3 =	vld [tilespmem:s1+$0xB080]  }
0x10f: {  	v4 =	vld [tilespmem:s1+$0xB090]  }
0x110: {  	v5 =	vld [tilespmem:s1+$0xB0A0]  }
0x111: {  	v6 =	vld [tilespmem:s1+$0xB0B0]  }
0x112: {  	v7 =	vld [tilespmem:s1+$0xB0D0]  }
0x113: {  	v8 =	vld [tilespmem:s1+$0xB0E0]  }
0x114: {  	[tilespmem:s1+$0x30F0] =	vst.add.f32.msk $0xffff, v2  }
0x115: {  	v2 =	vld [tilespmem:s1+$0xB0C0]  }
0x116: {  	[tilespmem:s1+$0x3080] =	vst.add.f32.msk $0xffff, v3  }
0x117: {  	[tilespmem:s1+$0x3090] =	vst.add.f32.msk $0xffff, v4  }
0x118: {  	[tilespmem:s1+$0x30A0] =	vst.add.f32.msk $0xffff, v5  }
0x119: {  	[tilespmem:s1+$0x30B0] =	vst.add.f32.msk $0xffff, v6  }
0x11a: {  	[tilespmem:s1+$0x30D0] =	vst.add.f32.msk $0xffff, v7  }
0x11b: {  	[tilespmem:s1+$0x30E0] =	vst.add.f32.msk $0xffff, v8  }
0x11c: {  	s2 =	simm.s32 $0x800;
	[tilespmem:s1+$0x30C0] =	vst.add.f32.msk $0xffff, v2;
	s1 =	simm.s32 $0x0  }
.LBB2_14:
0x11d: {  	p0 =	sne.s32 s2, $0x7800;
	v2 =	vld [tilespmem:s1+$0xB170]  }
0x11e: {  	v3 =	vld [tilespmem:s1+$0xB100]  }
0x11f: {  	v4 =	vld [tilespmem:s1+$0xB110]  }
0x120: {  	v5 =	vld [tilespmem:s1+$0xB120]  }
0x121: {  	v6 =	vld [tilespmem:s1+$0xB130]  }
0x122: {  	[tilespmem:s1+$0x3170] =	vst.add.f32.msk $0xffff, v2  }
0x123: {  	v2 =	vld [tilespmem:s1+$0xB140]  }
0x124: {  	v7 =	vld [tilespmem:s1+$0xB150]  }
0x125: {  	v8 =	vld [tilespmem:s1+$0xB160]  }
0x126: {  	[tilespmem:s1+$0x3100] =	vst.add.f32.msk $0xffff, v3  }
0x127: {  	[tilespmem:s1+$0x3110] =	vst.add.f32.msk $0xffff, v4  }
.Ltmp6:
0x128: {  	[tilespmem:s1+$0x3120] =	vst.add.f32.msk $0xffff, v5;
	(pc) =	sbr.rel @p0 .LBB2_14-.Ltmp6, $4  }
0x129: {  	[tilespmem:s1+$0x3130] =	vst.add.f32.msk $0xffff, v6  }
0x12a: {  	[tilespmem:s1+$0x3140] =	vst.add.f32.msk $0xffff, v2  }
0x12b: {  	[tilespmem:s1+$0x3150] =	vst.add.f32.msk $0xffff, v7  }
0x12c: {  	[tilespmem:s1+$0x3160] =	vst.add.f32.msk $0xffff, v8;
	s1 =	sshra.s32 s2, $0x2;
	s2 =	sadd.s32 $0x800, s2  }
0x12d: {  	v2 =	vld [tilespmem:s1+$0xB170]  }
0x12e: {  	v3 =	vld [tilespmem:s1+$0xB100]  }
0x12f: {  	v4 =	vld [tilespmem:s1+$0xB110]  }
0x130: {  	v5 =	vld [tilespmem:s1+$0xB120]  }
0x131: {  	v6 =	vld [tilespmem:s1+$0xB130]  }
0x132: {  	v7 =	vld [tilespmem:s1+$0xB150]  }
0x133: {  	v8 =	vld [tilespmem:s1+$0xB160]  }
0x134: {  	[tilespmem:s1+$0x3170] =	vst.add.f32.msk $0xffff, v2  }
0x135: {  	v2 =	vld [tilespmem:s1+$0xB140]  }
0x136: {  	[tilespmem:s1+$0x3100] =	vst.add.f32.msk $0xffff, v3  }
0x137: {  	[tilespmem:s1+$0x3110] =	vst.add.f32.msk $0xffff, v4  }
0x138: {  	[tilespmem:s1+$0x3120] =	vst.add.f32.msk $0xffff, v5  }
0x139: {  	[tilespmem:s1+$0x3130] =	vst.add.f32.msk $0xffff, v6  }
0x13a: {  	[tilespmem:s1+$0x3150] =	vst.add.f32.msk $0xffff, v7  }
0x13b: {  	[tilespmem:s1+$0x3160] =	vst.add.f32.msk $0xffff, v8  }
0x13c: {  	s2 =	simm.s32 $0x800;
	[tilespmem:s1+$0x3140] =	vst.add.f32.msk $0xffff, v2;
	s1 =	simm.s32 $0x0  }
.LBB2_16:
0x13d: {  	p0 =	sne.s32 s2, $0x7800;
	v2 =	vld [tilespmem:s1+$0xB1F0]  }
0x13e: {  	v3 =	vld [tilespmem:s1+$0xB180]  }
0x13f: {  	v4 =	vld [tilespmem:s1+$0xB190]  }
0x140: {  	v5 =	vld [tilespmem:s1+$0xB1A0]  }
0x141: {  	v6 =	vld [tilespmem:s1+$0xB1B0]  }
0x142: {  	[tilespmem:s1+$0x31F0] =	vst.add.f32.msk $0xffff, v2  }
0x143: {  	v2 =	vld [tilespmem:s1+$0xB1C0]  }
0x144: {  	v7 =	vld [tilespmem:s1+$0xB1D0]  }
0x145: {  	v8 =	vld [tilespmem:s1+$0xB1E0]  }
0x146: {  	[tilespmem:s1+$0x3180] =	vst.add.f32.msk $0xffff, v3  }
0x147: {  	[tilespmem:s1+$0x3190] =	vst.add.f32.msk $0xffff, v4  }
.Ltmp7:
0x148: {  	[tilespmem:s1+$0x31A0] =	vst.add.f32.msk $0xffff, v5;
	(pc) =	sbr.rel @p0 .LBB2_16-.Ltmp7, $4  }
0x149: {  	[tilespmem:s1+$0x31B0] =	vst.add.f32.msk $0xffff, v6  }
0x14a: {  	[tilespmem:s1+$0x31C0] =	vst.add.f32.msk $0xffff, v2  }
0x14b: {  	[tilespmem:s1+$0x31D0] =	vst.add.f32.msk $0xffff, v7  }
0x14c: {  	[tilespmem:s1+$0x31E0] =	vst.add.f32.msk $0xffff, v8;
	s1 =	sshra.s32 s2, $0x2;
	s2 =	sadd.s32 $0x800, s2  }
0x14d: {  	v2 =	vld [tilespmem:s1+$0xB1F0]  }
0x14e: {  	v3 =	vld [tilespmem:s1+$0xB180]  }
0x14f: {  	v4 =	vld [tilespmem:s1+$0xB190]  }
0x150: {  	v5 =	vld [tilespmem:s1+$0xB1A0]  }
0x151: {  	v6 =	vld [tilespmem:s1+$0xB1B0]  }
0x152: {  	v7 =	vld [tilespmem:s1+$0xB1D0]  }
0x153: {  	v8 =	vld [tilespmem:s1+$0xB1E0]  }
0x154: {  	[tilespmem:s1+$0x31F0] =	vst.add.f32.msk $0xffff, v2  }
0x155: {  	v2 =	vld [tilespmem:s1+$0xB1C0]  }
0x156: {  	[tilespmem:s1+$0x3180] =	vst.add.f32.msk $0xffff, v3  }
0x157: {  	[tilespmem:s1+$0x3190] =	vst.add.f32.msk $0xffff, v4  }
0x158: {  	[tilespmem:s1+$0x31A0] =	vst.add.f32.msk $0xffff, v5  }
0x159: {  	[tilespmem:s1+$0x31B0] =	vst.add.f32.msk $0xffff, v6  }
0x15a: {  	[tilespmem:s1+$0x31D0] =	vst.add.f32.msk $0xffff, v7  }
0x15b: {  	[tilespmem:s1+$0x31E0] =	vst.add.f32.msk $0xffff, v8  }
0x15c: {  	s18 =	rddreg [dreg:$0x9];
	[tilespmem:s1+$0x31C0] =	vst.add.f32.msk $0xffff, v2  }
0x15d: {  	[hbm4b:s18+s29] =	stream.strided.scatter [tilespmem:s14], [sflag:$0xA], $0x2000, s30, s29, $0x38;
	[tilespmem:$0x11000] =	vst v63  }
0x15e: {  	v2 =	vld.msk [tilespmem:$0x180], $0xf;
	_ =	sdelay $0x4  }
0x15f: {  	v3 =	vshll.u32 v2, $0x4  }
0x160: {  	v2 =	vand.u32 $0x7, v2;
	v3 =	vand.u32 $0xFFFFFF80, v3  }
0x161: {  	v2 =	vor.u32 v2, v3  }
0x162: {  	v2 =	vperm.xlane v2, v0;
	_ =	sdelay $0x1  }
0x163: {  	v2 =	vadd.s32 v1, v2;
	_ =	sdelay $0x3  }
0x164: {  	s2 =	simm.s32 $0x0;
	s19 =	simm.s32 $0xF000  }
0x165: {  	[tilespmem:s19], [sflag:$0x8] =	stream.indirect_vreg.gather [hbm4b:s3+s2], $0x80, v2, vm0, $0xb8;
	[tilespmem:$0x11000] =	vst v63  }
0x166: {  	s11 =	simm.s32 $0xF800  }
0x167: {  	[tilespmem:s11], [sflag:$0x8] =	stream.indirect_vreg.gather [hbm4b:s8+s2], $0x80, v2, vm0, $0xb8;
	[tilespmem:$0x11000] =	vst v63  }
0x168: {  	s17 =	simm.s32 $0x10000  }
0x169: {  	[tilespmem:s17], [sflag:$0x8] =	stream.indirect_vreg.gather [hbm4b:s9+s2], $0x80, v2, vm0, $0xb8;
	[tilespmem:$0x11000] =	vst v63  }
0x16a: {  	s18 =	simm.s32 $0x10800  }
0x16b: {  	[tilespmem:s18], [sflag:$0x8] =	stream.indirect_vreg.gather [hbm4b:s10+s2], $0x80, v2, vm0, $0xb8;
	[tilespmem:$0x11000] =	vst v63  }
0x16c: {  	s19 =	rddreg [dreg:$0xa]  }
0x16d: {  	[tilespmem:s6], [sflag:$0x4] =	stream.strided.gather [hbm4b:s19+s29], $0x2000, s30, s29, $0x38;
	[tilespmem:$0x11000] =	vst v63  }
.LBB2_18:
0x16e: {  	_ =	swait.ge [sflag:s12], $0x2000  }
0x16f: {  	[sflag:s12] =	ssyncset.done $0x0  }
0x170: {  	[sflag:s12] =	ssyncadd.s32 $0xFFFFE000  }
0x171: {  	_ =	swait.ge [sflag:s20], $0x2000  }
0x172: {  	[sflag:s20] =	ssyncset.done $0x0  }
0x173: {  	s1 =	simm.s32 $0x0;
	s17 =	simm.s32 $0x800;
	[sflag:s20] =	ssyncadd.s32 $0xFFFFE000  }
.LBB2_19:
0x174: {  	p0 =	sne.s32 s17, $0x7800;
	v2 =	vld [tilespmem:s1+$0xD070]  }
0x175: {  	v3 =	vld [tilespmem:s1+$0xD000]  }
0x176: {  	v4 =	vld [tilespmem:s1+$0xD010]  }
0x177: {  	v5 =	vld [tilespmem:s1+$0xD020]  }
0x178: {  	v6 =	vld [tilespmem:s1+$0xD030]  }
0x179: {  	[tilespmem:s1+$0x5070] =	vst.add.f32.msk $0xffff, v2  }
0x17a: {  	v2 =	vld [tilespmem:s1+$0xD040]  }
0x17b: {  	v7 =	vld [tilespmem:s1+$0xD050]  }
0x17c: {  	v8 =	vld [tilespmem:s1+$0xD060]  }
0x17d: {  	[tilespmem:s1+$0x5000] =	vst.add.f32.msk $0xffff, v3  }
0x17e: {  	[tilespmem:s1+$0x5010] =	vst.add.f32.msk $0xffff, v4  }
.Ltmp8:
0x17f: {  	[tilespmem:s1+$0x5020] =	vst.add.f32.msk $0xffff, v5;
	(pc) =	sbr.rel @p0 .LBB2_19-.Ltmp8, $4  }
0x180: {  	[tilespmem:s1+$0x5030] =	vst.add.f32.msk $0xffff, v6  }
0x181: {  	[tilespmem:s1+$0x5040] =	vst.add.f32.msk $0xffff, v2  }
0x182: {  	[tilespmem:s1+$0x5050] =	vst.add.f32.msk $0xffff, v7  }
0x183: {  	[tilespmem:s1+$0x5060] =	vst.add.f32.msk $0xffff, v8;
	s1 =	sshra.s32 s17, $0x2;
	s17 =	sadd.s32 $0x800, s17  }
0x184: {  	v2 =	vld [tilespmem:s1+$0xD070]  }
0x185: {  	v3 =	vld [tilespmem:s1+$0xD000]  }
0x186: {  	v4 =	vld [tilespmem:s1+$0xD010]  }
0x187: {  	v5 =	vld [tilespmem:s1+$0xD020]  }
0x188: {  	v6 =	vld [tilespmem:s1+$0xD030]  }
0x189: {  	v7 =	vld [tilespmem:s1+$0xD050]  }
0x18a: {  	v8 =	vld [tilespmem:s1+$0xD060]  }
0x18b: {  	[tilespmem:s1+$0x5070] =	vst.add.f32.msk $0xffff, v2  }
0x18c: {  	v2 =	vld [tilespmem:s1+$0xD040]  }
0x18d: {  	[tilespmem:s1+$0x5000] =	vst.add.f32.msk $0xffff, v3  }
0x18e: {  	[tilespmem:s1+$0x5010] =	vst.add.f32.msk $0xffff, v4  }
0x18f: {  	[tilespmem:s1+$0x5020] =	vst.add.f32.msk $0xffff, v5  }
0x190: {  	[tilespmem:s1+$0x5030] =	vst.add.f32.msk $0xffff, v6  }
0x191: {  	[tilespmem:s1+$0x5050] =	vst.add.f32.msk $0xffff, v7  }
0x192: {  	[tilespmem:s1+$0x5060] =	vst.add.f32.msk $0xffff, v8  }
0x193: {  	s17 =	simm.s32 $0x800;
	[tilespmem:s1+$0x5040] =	vst.add.f32.msk $0xffff, v2;
	s1 =	simm.s32 $0x0  }
.LBB2_21:
0x194: {  	p0 =	sne.s32 s17, $0x7800;
	v2 =	vld [tilespmem:s1+$0xD0F0]  }
0x195: {  	v3 =	vld [tilespmem:s1+$0xD080]  }
0x196: {  	v4 =	vld [tilespmem:s1+$0xD090]  }
0x197: {  	v5 =	vld [tilespmem:s1+$0xD0A0]  }
0x198: {  	v6 =	vld [tilespmem:s1+$0xD0B0]  }
0x199: {  	[tilespmem:s1+$0x50F0] =	vst.add.f32.msk $0xffff, v2  }
0x19a: {  	v2 =	vld [tilespmem:s1+$0xD0C0]  }
0x19b: {  	v7 =	vld [tilespmem:s1+$0xD0D0]  }
0x19c: {  	v8 =	vld [tilespmem:s1+$0xD0E0]  }
0x19d: {  	[tilespmem:s1+$0x5080] =	vst.add.f32.msk $0xffff, v3  }
0x19e: {  	[tilespmem:s1+$0x5090] =	vst.add.f32.msk $0xffff, v4  }
.Ltmp9:
0x19f: {  	[tilespmem:s1+$0x50A0] =	vst.add.f32.msk $0xffff, v5;
	(pc) =	sbr.rel @p0 .LBB2_21-.Ltmp9, $4  }
0x1a0: {  	[tilespmem:s1+$0x50B0] =	vst.add.f32.msk $0xffff, v6  }
0x1a1: {  	[tilespmem:s1+$0x50C0] =	vst.add.f32.msk $0xffff, v2  }
0x1a2: {  	[tilespmem:s1+$0x50D0] =	vst.add.f32.msk $0xffff, v7  }
0x1a3: {  	[tilespmem:s1+$0x50E0] =	vst.add.f32.msk $0xffff, v8;
	s1 =	sshra.s32 s17, $0x2;
	s17 =	sadd.s32 $0x800, s17  }
0x1a4: {  	v2 =	vld [tilespmem:s1+$0xD0F0]  }
0x1a5: {  	v3 =	vld [tilespmem:s1+$0xD080]  }
0x1a6: {  	v4 =	vld [tilespmem:s1+$0xD090]  }
0x1a7: {  	v5 =	vld [tilespmem:s1+$0xD0A0]  }
0x1a8: {  	v6 =	vld [tilespmem:s1+$0xD0B0]  }
0x1a9: {  	v7 =	vld [tilespmem:s1+$0xD0D0]  }
0x1aa: {  	v8 =	vld [tilespmem:s1+$0xD0E0]  }
0x1ab: {  	[tilespmem:s1+$0x50F0] =	vst.add.f32.msk $0xffff, v2  }
0x1ac: {  	v2 =	vld [tilespmem:s1+$0xD0C0]  }
0x1ad: {  	[tilespmem:s1+$0x5080] =	vst.add.f32.msk $0xffff, v3  }
0x1ae: {  	[tilespmem:s1+$0x5090] =	vst.add.f32.msk $0xffff, v4  }
0x1af: {  	[tilespmem:s1+$0x50A0] =	vst.add.f32.msk $0xffff, v5  }
0x1b0: {  	[tilespmem:s1+$0x50B0] =	vst.add.f32.msk $0xffff, v6  }
0x1b1: {  	[tilespmem:s1+$0x50D0] =	vst.add.f32.msk $0xffff, v7  }
0x1b2: {  	[tilespmem:s1+$0x50E0] =	vst.add.f32.msk $0xffff, v8  }
0x1b3: {  	s11 =	simm.s32 $0x800;
	[tilespmem:s1+$0x50C0] =	vst.add.f32.msk $0xffff, v2;
	s1 =	simm.s32 $0x0  }
.LBB2_23:
0x1b4: {  	p0 =	sne.s32 s11, $0x7800;
	v2 =	vld [tilespmem:s1+$0xD170]  }
0x1b5: {  	v3 =	vld [tilespmem:s1+$0xD100]  }
0x1b6: {  	v4 =	vld [tilespmem:s1+$0xD110]  }
0x1b7: {  	v5 =	vld [tilespmem:s1+$0xD120]  }
0x1b8: {  	v6 =	vld [tilespmem:s1+$0xD130]  }
0x1b9: {  	[tilespmem:s1+$0x5170] =	vst.add.f32.msk $0xffff, v2  }
0x1ba: {  	v2 =	vld [tilespmem:s1+$0xD140]  }
0x1bb: {  	v7 =	vld [tilespmem:s1+$0xD150]  }
0x1bc: {  	v8 =	vld [tilespmem:s1+$0xD160]  }
0x1bd: {  	[tilespmem:s1+$0x5100] =	vst.add.f32.msk $0xffff, v3  }
0x1be: {  	[tilespmem:s1+$0x5110] =	vst.add.f32.msk $0xffff, v4  }
.Ltmp10:
0x1bf: {  	[tilespmem:s1+$0x5120] =	vst.add.f32.msk $0xffff, v5;
	(pc) =	sbr.rel @p0 .LBB2_23-.Ltmp10, $4  }
0x1c0: {  	[tilespmem:s1+$0x5130] =	vst.add.f32.msk $0xffff, v6  }
0x1c1: {  	[tilespmem:s1+$0x5140] =	vst.add.f32.msk $0xffff, v2  }
0x1c2: {  	[tilespmem:s1+$0x5150] =	vst.add.f32.msk $0xffff, v7  }
0x1c3: {  	[tilespmem:s1+$0x5160] =	vst.add.f32.msk $0xffff, v8;
	s1 =	sshra.s32 s11, $0x2;
	s11 =	sadd.s32 $0x800, s11  }
0x1c4: {  	v2 =	vld [tilespmem:s1+$0xD170]  }
0x1c5: {  	v3 =	vld [tilespmem:s1+$0xD100]  }
0x1c6: {  	v4 =	vld [tilespmem:s1+$0xD110]  }
0x1c7: {  	v5 =	vld [tilespmem:s1+$0xD120]  }
0x1c8: {  	v6 =	vld [tilespmem:s1+$0xD130]  }
0x1c9: {  	v7 =	vld [tilespmem:s1+$0xD150]  }
0x1ca: {  	v8 =	vld [tilespmem:s1+$0xD160]  }
0x1cb: {  	[tilespmem:s1+$0x5170] =	vst.add.f32.msk $0xffff, v2  }
0x1cc: {  	v2 =	vld [tilespmem:s1+$0xD140]  }
0x1cd: {  	[tilespmem:s1+$0x5100] =	vst.add.f32.msk $0xffff, v3  }
0x1ce: {  	[tilespmem:s1+$0x5110] =	vst.add.f32.msk $0xffff, v4  }
0x1cf: {  	[tilespmem:s1+$0x5120] =	vst.add.f32.msk $0xffff, v5  }
0x1d0: {  	[tilespmem:s1+$0x5130] =	vst.add.f32.msk $0xffff, v6  }
0x1d1: {  	[tilespmem:s1+$0x5150] =	vst.add.f32.msk $0xffff, v7  }
0x1d2: {  	[tilespmem:s1+$0x5160] =	vst.add.f32.msk $0xffff, v8  }
0x1d3: {  	s17 =	simm.s32 $0x800;
	[tilespmem:s1+$0x5140] =	vst.add.f32.msk $0xffff, v2;
	s1 =	simm.s32 $0x0  }
.LBB2_25:
0x1d4: {  	p0 =	sne.s32 s17, $0x7800;
	v2 =	vld [tilespmem:s1+$0xD1F0]  }
0x1d5: {  	v3 =	vld [tilespmem:s1+$0xD180]  }
0x1d6: {  	v4 =	vld [tilespmem:s1+$0xD190]  }
0x1d7: {  	v5 =	vld [tilespmem:s1+$0xD1A0]  }
0x1d8: {  	v6 =	vld [tilespmem:s1+$0xD1B0]  }
0x1d9: {  	[tilespmem:s1+$0x51F0] =	vst.add.f32.msk $0xffff, v2  }
0x1da: {  	v2 =	vld [tilespmem:s1+$0xD1C0]  }
0x1db: {  	v7 =	vld [tilespmem:s1+$0xD1D0]  }
0x1dc: {  	v8 =	vld [tilespmem:s1+$0xD1E0]  }
0x1dd: {  	[tilespmem:s1+$0x5180] =	vst.add.f32.msk $0xffff, v3  }
0x1de: {  	[tilespmem:s1+$0x5190] =	vst.add.f32.msk $0xffff, v4  }
.Ltmp11:
0x1df: {  	[tilespmem:s1+$0x51A0] =	vst.add.f32.msk $0xffff, v5;
	(pc) =	sbr.rel @p0 .LBB2_25-.Ltmp11, $4  }
0x1e0: {  	[tilespmem:s1+$0x51B0] =	vst.add.f32.msk $0xffff, v6  }
0x1e1: {  	[tilespmem:s1+$0x51C0] =	vst.add.f32.msk $0xffff, v2  }
0x1e2: {  	[tilespmem:s1+$0x51D0] =	vst.add.f32.msk $0xffff, v7  }
0x1e3: {  	[tilespmem:s1+$0x51E0] =	vst.add.f32.msk $0xffff, v8;
	s1 =	sshra.s32 s17, $0x2;
	s17 =	sadd.s32 $0x800, s17  }
0x1e4: {  	v2 =	vld [tilespmem:s1+$0xD1F0]  }
0x1e5: {  	v3 =	vld [tilespmem:s1+$0xD180]  }
0x1e6: {  	v4 =	vld [tilespmem:s1+$0xD190]  }
0x1e7: {  	v5 =	vld [tilespmem:s1+$0xD1A0]  }
0x1e8: {  	v6 =	vld [tilespmem:s1+$0xD1B0]  }
0x1e9: {  	v7 =	vld [tilespmem:s1+$0xD1D0]  }
0x1ea: {  	v8 =	vld [tilespmem:s1+$0xD1E0]  }
0x1eb: {  	[tilespmem:s1+$0x51F0] =	vst.add.f32.msk $0xffff, v2  }
0x1ec: {  	v2 =	vld [tilespmem:s1+$0xD1C0]  }
0x1ed: {  	[tilespmem:s1+$0x5180] =	vst.add.f32.msk $0xffff, v3  }
0x1ee: {  	[tilespmem:s1+$0x5190] =	vst.add.f32.msk $0xffff, v4  }
0x1ef: {  	[tilespmem:s1+$0x51A0] =	vst.add.f32.msk $0xffff, v5  }
0x1f0: {  	[tilespmem:s1+$0x51B0] =	vst.add.f32.msk $0xffff, v6  }
0x1f1: {  	s11 =	sshll.u32 s2, $0xC;
	s17 =	rddreg [dreg:$0xb];
	[tilespmem:s1+$0x51D0] =	vst.add.f32.msk $0xffff, v7  }
0x1f2: {  	s18 =	sadd.s32 s17, s11;
	[tilespmem:s1+$0x51E0] =	vst.add.f32.msk $0xffff, v8  }
0x1f3: {  	s11 =	sadd.s32 s4, s18;
	[tilespmem:s1+$0x51C0] =	vst.add.f32.msk $0xffff, v2;
	s1 =	sshll.u32 s2, $0x2  }
0x1f4: {  	[hbm4b:s11+s29] =	stream.strided.scatter [tilespmem:s23], [sflag:$0xB], $0x2000, s30, s29, $0x38;
	[tilespmem:$0x11000] =	vst v63  }
0x1f5: {  	s11 =	sadd.s32 $0x4, s1;
	_ =	swait.ge [sflag:s21], $0x2000  }
0x1f6: {  	s19 =	sshll.u32 s11, $0x7;
	[sflag:s21] =	ssyncset.done $0x0  }
0x1f7: {  	s17 =	sand.u32 $0x3FFFFE00, s19;
	[sflag:s21] =	ssyncadd.s32 $0xFFFFE000  }
0x1f8: {  	v2 =	vld.msk [tilespmem:s17+$0x0], $0xf;
	_ =	sdelay $0x4  }
0x1f9: {  	v3 =	vshll.u32 v2, $0x4  }
0x1fa: {  	v2 =	vand.u32 $0x7, v2;
	v3 =	vand.u32 $0xFFFFFF80, v3  }
0x1fb: {  	v2 =	vor.u32 v2, v3  }
0x1fc: {  	v2 =	vperm.xlane v2, v0;
	_ =	sdelay $0x1  }
0x1fd: {  	v2 =	vadd.s32 v1, v2;
	_ =	sdelay $0x3  }
0x1fe: {  	s19 =	simm.s32 $0x9000;
	s17 =	simm.s32 $0x0  }
0x1ff: {  	[tilespmem:s19], [sflag:$0x5] =	stream.indirect_vreg.gather [hbm4b:s3+s17], $0x80, v2, vm0, $0xb8;
	[tilespmem:$0x11000] =	vst v63  }
0x200: {  	s19 =	simm.s32 $0x9800  }
0x201: {  	[tilespmem:s19], [sflag:$0x5] =	stream.indirect_vreg.gather [hbm4b:s8+s17], $0x80, v2, vm0, $0xb8;
	[tilespmem:$0x11000] =	vst v63  }
0x202: {  	s19 =	simm.s32 $0xA000  }
0x203: {  	[tilespmem:s19], [sflag:$0x5] =	stream.indirect_vreg.gather [hbm4b:s9+s17], $0x80, v2, vm0, $0xb8;
	[tilespmem:$0x11000] =	vst v63  }
0x204: {  	s11 =	sshll.u32 s11, $0xA;
	s19 =	simm.s32 $0xA800  }
0x205: {  	[tilespmem:s19], [sflag:$0x5] =	stream.indirect_vreg.gather [hbm4b:s10+s17], $0x80, v2, vm0, $0xb8;
	[tilespmem:$0x11000] =	vst v63  }
0x206: {  	s17 =	sadd.s32 s7, s11;
	s19 =	rddreg [dreg:$0x0]  }
0x207: {  	s11 =	sadd.s32 s19, s17;
	s19 =	simm.s32 $0x1000  }
0x208: {  	[tilespmem:s19], [sflag:$0x1] =	stream.strided.gather [hbm4b:s11+s29], $0x2000, s30, s29, $0x38;
	[tilespmem:$0x11000] =	vst v63  }
0x209: {  	_ =	swait.ge [sflag:s22], $0x2000  }
0x20a: {  	[sflag:s22] =	ssyncset.done $0x0  }
0x20b: {  	[sflag:s22] =	ssyncadd.s32 $0xFFFFE000  }
0x20c: {  	_ =	swait.ge [sflag:s13], $0x2000  }
0x20d: {  	[sflag:s13] =	ssyncset.done $0x0  }
0x20e: {  	s19 =	simm.s32 $0x0;
	s11 =	simm.s32 $0x800;
	[sflag:s13] =	ssyncadd.s32 $0xFFFFE000  }
.LBB2_27:
0x20f: {  	p0 =	sne.s32 s11, $0x7800;
	v2 =	vld [tilespmem:s19+$0xF070]  }
0x210: {  	v3 =	vld [tilespmem:s19+$0xF000]  }
0x211: {  	v4 =	vld [tilespmem:s19+$0xF010]  }
0x212: {  	v5 =	vld [tilespmem:s19+$0xF020]  }
0x213: {  	v6 =	vld [tilespmem:s19+$0xF030]  }
0x214: {  	[tilespmem:s19+$0x7070] =	vst.add.f32.msk $0xffff, v2  }
0x215: {  	v2 =	vld [tilespmem:s19+$0xF040]  }
0x216: {  	v7 =	vld [tilespmem:s19+$0xF050]  }
0x217: {  	v8 =	vld [tilespmem:s19+$0xF060]  }
0x218: {  	[tilespmem:s19+$0x7000] =	vst.add.f32.msk $0xffff, v3  }
0x219: {  	[tilespmem:s19+$0x7010] =	vst.add.f32.msk $0xffff, v4  }
.Ltmp12:
0x21a: {  	[tilespmem:s19+$0x7020] =	vst.add.f32.msk $0xffff, v5;
	(pc) =	sbr.rel @p0 .LBB2_27-.Ltmp12, $4  }
0x21b: {  	[tilespmem:s19+$0x7030] =	vst.add.f32.msk $0xffff, v6  }
0x21c: {  	[tilespmem:s19+$0x7040] =	vst.add.f32.msk $0xffff, v2  }
0x21d: {  	[tilespmem:s19+$0x7050] =	vst.add.f32.msk $0xffff, v7  }
0x21e: {  	[tilespmem:s19+$0x7060] =	vst.add.f32.msk $0xffff, v8;
	s19 =	sshra.s32 s11, $0x2;
	s11 =	sadd.s32 $0x800, s11  }
0x21f: {  	v2 =	vld [tilespmem:s19+$0xF070]  }
0x220: {  	v3 =	vld [tilespmem:s19+$0xF000]  }
0x221: {  	v4 =	vld [tilespmem:s19+$0xF010]  }
0x222: {  	v5 =	vld [tilespmem:s19+$0xF020]  }
0x223: {  	v6 =	vld [tilespmem:s19+$0xF030]  }
0x224: {  	v7 =	vld [tilespmem:s19+$0xF050]  }
0x225: {  	v8 =	vld [tilespmem:s19+$0xF060]  }
0x226: {  	[tilespmem:s19+$0x7070] =	vst.add.f32.msk $0xffff, v2  }
0x227: {  	v2 =	vld [tilespmem:s19+$0xF040]  }
0x228: {  	[tilespmem:s19+$0x7000] =	vst.add.f32.msk $0xffff, v3  }
0x229: {  	[tilespmem:s19+$0x7010] =	vst.add.f32.msk $0xffff, v4  }
0x22a: {  	[tilespmem:s19+$0x7020] =	vst.add.f32.msk $0xffff, v5  }
0x22b: {  	[tilespmem:s19+$0x7030] =	vst.add.f32.msk $0xffff, v6  }
0x22c: {  	[tilespmem:s19+$0x7050] =	vst.add.f32.msk $0xffff, v7  }
0x22d: {  	[tilespmem:s19+$0x7060] =	vst.add.f32.msk $0xffff, v8  }
0x22e: {  	s11 =	simm.s32 $0x800;
	[tilespmem:s19+$0x7040] =	vst.add.f32.msk $0xffff, v2;
	s19 =	simm.s32 $0x0  }
.LBB2_29:
0x22f: {  	p0 =	sne.s32 s11, $0x7800;
	v2 =	vld [tilespmem:s19+$0xF0F0]  }
0x230: {  	v3 =	vld [tilespmem:s19+$0xF080]  }
0x231: {  	v4 =	vld [tilespmem:s19+$0xF090]  }
0x232: {  	v5 =	vld [tilespmem:s19+$0xF0A0]  }
0x233: {  	v6 =	vld [tilespmem:s19+$0xF0B0]  }
0x234: {  	[tilespmem:s19+$0x70F0] =	vst.add.f32.msk $0xffff, v2  }
0x235: {  	v2 =	vld [tilespmem:s19+$0xF0C0]  }
0x236: {  	v7 =	vld [tilespmem:s19+$0xF0D0]  }
0x237: {  	v8 =	vld [tilespmem:s19+$0xF0E0]  }
0x238: {  	[tilespmem:s19+$0x7080] =	vst.add.f32.msk $0xffff, v3  }
0x239: {  	[tilespmem:s19+$0x7090] =	vst.add.f32.msk $0xffff, v4  }
.Ltmp13:
0x23a: {  	[tilespmem:s19+$0x70A0] =	vst.add.f32.msk $0xffff, v5;
	(pc) =	sbr.rel @p0 .LBB2_29-.Ltmp13, $4  }
0x23b: {  	[tilespmem:s19+$0x70B0] =	vst.add.f32.msk $0xffff, v6  }
0x23c: {  	[tilespmem:s19+$0x70C0] =	vst.add.f32.msk $0xffff, v2  }
0x23d: {  	[tilespmem:s19+$0x70D0] =	vst.add.f32.msk $0xffff, v7  }
0x23e: {  	[tilespmem:s19+$0x70E0] =	vst.add.f32.msk $0xffff, v8;
	s19 =	sshra.s32 s11, $0x2;
	s11 =	sadd.s32 $0x800, s11  }
0x23f: {  	v2 =	vld [tilespmem:s19+$0xF0F0]  }
0x240: {  	v3 =	vld [tilespmem:s19+$0xF080]  }
0x241: {  	v4 =	vld [tilespmem:s19+$0xF090]  }
0x242: {  	v5 =	vld [tilespmem:s19+$0xF0A0]  }
0x243: {  	v6 =	vld [tilespmem:s19+$0xF0B0]  }
0x244: {  	v7 =	vld [tilespmem:s19+$0xF0D0]  }
0x245: {  	v8 =	vld [tilespmem:s19+$0xF0E0]  }
0x246: {  	[tilespmem:s19+$0x70F0] =	vst.add.f32.msk $0xffff, v2  }
0x247: {  	v2 =	vld [tilespmem:s19+$0xF0C0]  }
0x248: {  	[tilespmem:s19+$0x7080] =	vst.add.f32.msk $0xffff, v3  }
0x249: {  	[tilespmem:s19+$0x7090] =	vst.add.f32.msk $0xffff, v4  }
0x24a: {  	[tilespmem:s19+$0x70A0] =	vst.add.f32.msk $0xffff, v5  }
0x24b: {  	[tilespmem:s19+$0x70B0] =	vst.add.f32.msk $0xffff, v6  }
0x24c: {  	[tilespmem:s19+$0x70D0] =	vst.add.f32.msk $0xffff, v7  }
0x24d: {  	[tilespmem:s19+$0x70E0] =	vst.add.f32.msk $0xffff, v8  }
0x24e: {  	s11 =	simm.s32 $0x800;
	[tilespmem:s19+$0x70C0] =	vst.add.f32.msk $0xffff, v2;
	s19 =	simm.s32 $0x0  }
.LBB2_31:
0x24f: {  	p0 =	sne.s32 s11, $0x7800;
	v2 =	vld [tilespmem:s19+$0xF170]  }
0x250: {  	v3 =	vld [tilespmem:s19+$0xF100]  }
0x251: {  	v4 =	vld [tilespmem:s19+$0xF110]  }
0x252: {  	v5 =	vld [tilespmem:s19+$0xF120]  }
0x253: {  	v6 =	vld [tilespmem:s19+$0xF130]  }
0x254: {  	[tilespmem:s19+$0x7170] =	vst.add.f32.msk $0xffff, v2  }
0x255: {  	v2 =	vld [tilespmem:s19+$0xF140]  }
0x256: {  	v7 =	vld [tilespmem:s19+$0xF150]  }
0x257: {  	v8 =	vld [tilespmem:s19+$0xF160]  }
0x258: {  	[tilespmem:s19+$0x7100] =	vst.add.f32.msk $0xffff, v3  }
0x259: {  	[tilespmem:s19+$0x7110] =	vst.add.f32.msk $0xffff, v4  }
.Ltmp14:
0x25a: {  	[tilespmem:s19+$0x7120] =	vst.add.f32.msk $0xffff, v5;
	(pc) =	sbr.rel @p0 .LBB2_31-.Ltmp14, $4  }
0x25b: {  	[tilespmem:s19+$0x7130] =	vst.add.f32.msk $0xffff, v6  }
0x25c: {  	[tilespmem:s19+$0x7140] =	vst.add.f32.msk $0xffff, v2  }
0x25d: {  	[tilespmem:s19+$0x7150] =	vst.add.f32.msk $0xffff, v7  }
0x25e: {  	[tilespmem:s19+$0x7160] =	vst.add.f32.msk $0xffff, v8;
	s19 =	sshra.s32 s11, $0x2;
	s11 =	sadd.s32 $0x800, s11  }
0x25f: {  	v2 =	vld [tilespmem:s19+$0xF170]  }
0x260: {  	v3 =	vld [tilespmem:s19+$0xF100]  }
0x261: {  	v4 =	vld [tilespmem:s19+$0xF110]  }
0x262: {  	v5 =	vld [tilespmem:s19+$0xF120]  }
0x263: {  	v6 =	vld [tilespmem:s19+$0xF130]  }
0x264: {  	v7 =	vld [tilespmem:s19+$0xF150]  }
0x265: {  	v8 =	vld [tilespmem:s19+$0xF160]  }
0x266: {  	[tilespmem:s19+$0x7170] =	vst.add.f32.msk $0xffff, v2  }
0x267: {  	v2 =	vld [tilespmem:s19+$0xF140]  }
0x268: {  	[tilespmem:s19+$0x7100] =	vst.add.f32.msk $0xffff, v3  }
0x269: {  	[tilespmem:s19+$0x7110] =	vst.add.f32.msk $0xffff, v4  }
0x26a: {  	[tilespmem:s19+$0x7120] =	vst.add.f32.msk $0xffff, v5  }
0x26b: {  	[tilespmem:s19+$0x7130] =	vst.add.f32.msk $0xffff, v6  }
0x26c: {  	[tilespmem:s19+$0x7150] =	vst.add.f32.msk $0xffff, v7  }
0x26d: {  	[tilespmem:s19+$0x7160] =	vst.add.f32.msk $0xffff, v8  }
0x26e: {  	s11 =	simm.s32 $0x800;
	[tilespmem:s19+$0x7140] =	vst.add.f32.msk $0xffff, v2;
	s19 =	simm.s32 $0x0  }
.LBB2_33:
0x26f: {  	p0 =	sne.s32 s11, $0x7800;
	v2 =	vld [tilespmem:s19+$0xF1F0]  }
0x270: {  	v3 =	vld [tilespmem:s19+$0xF180]  }
0x271: {  	v4 =	vld [tilespmem:s19+$0xF190]  }
0x272: {  	v5 =	vld [tilespmem:s19+$0xF1A0]  }
0x273: {  	v6 =	vld [tilespmem:s19+$0xF1B0]  }
0x274: {  	[tilespmem:s19+$0x71F0] =	vst.add.f32.msk $0xffff, v2  }
0x275: {  	v2 =	vld [tilespmem:s19+$0xF1C0]  }
0x276: {  	v7 =	vld [tilespmem:s19+$0xF1D0]  }
0x277: {  	v8 =	vld [tilespmem:s19+$0xF1E0]  }
0x278: {  	[tilespmem:s19+$0x7180] =	vst.add.f32.msk $0xffff, v3  }
0x279: {  	[tilespmem:s19+$0x7190] =	vst.add.f32.msk $0xffff, v4  }
.Ltmp15:
0x27a: {  	[tilespmem:s19+$0x71A0] =	vst.add.f32.msk $0xffff, v5;
	(pc) =	sbr.rel @p0 .LBB2_33-.Ltmp15, $4  }
0x27b: {  	[tilespmem:s19+$0x71B0] =	vst.add.f32.msk $0xffff, v6  }
0x27c: {  	[tilespmem:s19+$0x71C0] =	vst.add.f32.msk $0xffff, v2  }
0x27d: {  	[tilespmem:s19+$0x71D0] =	vst.add.f32.msk $0xffff, v7  }
0x27e: {  	[tilespmem:s19+$0x71E0] =	vst.add.f32.msk $0xffff, v8;
	s19 =	sshra.s32 s11, $0x2;
	s11 =	sadd.s32 $0x800, s11  }
0x27f: {  	v2 =	vld [tilespmem:s19+$0xF1F0]  }
0x280: {  	v3 =	vld [tilespmem:s19+$0xF180]  }
0x281: {  	v4 =	vld [tilespmem:s19+$0xF190]  }
0x282: {  	v5 =	vld [tilespmem:s19+$0xF1A0]  }
0x283: {  	v6 =	vld [tilespmem:s19+$0xF1B0]  }
0x284: {  	v7 =	vld [tilespmem:s19+$0xF1D0]  }
0x285: {  	v8 =	vld [tilespmem:s19+$0xF1E0]  }
0x286: {  	[tilespmem:s19+$0x71F0] =	vst.add.f32.msk $0xffff, v2  }
0x287: {  	v2 =	vld [tilespmem:s19+$0xF1C0]  }
0x288: {  	[tilespmem:s19+$0x7180] =	vst.add.f32.msk $0xffff, v3  }
0x289: {  	[tilespmem:s19+$0x7190] =	vst.add.f32.msk $0xffff, v4  }
0x28a: {  	[tilespmem:s19+$0x71A0] =	vst.add.f32.msk $0xffff, v5  }
0x28b: {  	[tilespmem:s19+$0x71B0] =	vst.add.f32.msk $0xffff, v6  }
0x28c: {  	[tilespmem:s19+$0x71D0] =	vst.add.f32.msk $0xffff, v7  }
0x28d: {  	s11 =	rddreg [dreg:$0xc];
	[tilespmem:s19+$0x71E0] =	vst.add.f32.msk $0xffff, v8  }
0x28e: {  	s11 =	sadd.s32 s18, s11;
	[tilespmem:s19+$0x71C0] =	vst.add.f32.msk $0xffff, v2  }
0x28f: {  	[hbm4b:s11+s29] =	stream.strided.scatter [tilespmem:s6], [sflag:$0xC], $0x2000, s30, s29, $0x38;
	[tilespmem:$0x11000] =	vst v63  }
0x290: {  	s11 =	sadd.s32 $0x5, s1;
	_ =	swait.ge [sflag:s26], $0x2000  }
0x291: {  	s19 =	sshll.u32 s11, $0x7;
	[sflag:s26] =	ssyncset.done $0x0  }
0x292: {  	s18 =	sand.u32 $0x3FFFFF80, s19;
	[sflag:s26] =	ssyncadd.s32 $0xFFFFE000  }
0x293: {  	v2 =	vld.msk [tilespmem:s18+$0x0], $0xf;
	_ =	sdelay $0x4  }
0x294: {  	v3 =	vshll.u32 v2, $0x4  }
0x295: {  	v2 =	vand.u32 $0x7, v2;
	v3 =	vand.u32 $0xFFFFFF80, v3  }
0x296: {  	v2 =	vor.u32 v2, v3  }
0x297: {  	v2 =	vperm.xlane v2, v0;
	_ =	sdelay $0x1  }
0x298: {  	v2 =	vadd.s32 v1, v2;
	_ =	sdelay $0x3  }
0x299: {  	s19 =	simm.s32 $0xB000;
	s18 =	simm.s32 $0x0  }
0x29a: {  	[tilespmem:s19], [sflag:$0x6] =	stream.indirect_vreg.gather [hbm4b:s3+s18], $0x80, v2, vm0, $0xb8;
	[tilespmem:$0x11000] =	vst v63  }
0x29b: {  	s11 =	sshll.u32 s11, $0xA;
	s19 =	simm.s32 $0xB800  }
0x29c: {  	[tilespmem:s19], [sflag:$0x6] =	stream.indirect_vreg.gather [hbm4b:s8+s18], $0x80, v2, vm0, $0xb8;
	[tilespmem:$0x11000] =	vst v63  }
0x29d: {  	s11 =	sadd.s32 s7, s11;
	s19 =	simm.s32 $0xC000  }
0x29e: {  	[tilespmem:s19], [sflag:$0x6] =	stream.indirect_vreg.gather [hbm4b:s9+s18], $0x80, v2, vm0, $0xb8;
	[tilespmem:$0x11000] =	vst v63  }
0x29f: {  	s11 =	sand.u32 $0x1FF000, s11;
	s19 =	simm.s32 $0xC800  }
0x2a0: {  	[tilespmem:s19], [sflag:$0x6] =	stream.indirect_vreg.gather [hbm4b:s10+s18], $0x80, v2, vm0, $0xb8;
	[tilespmem:$0x11000] =	vst v63  }
0x2a1: {  	s18 =	sor.u32 $0x40, s11;
	s19 =	rddreg [dreg:$0x0]  }
0x2a2: {  	s11 =	sadd.s32 s19, s18  }
0x2a3: {  	[tilespmem:s14], [sflag:$0x2] =	stream.strided.gather [hbm4b:s11+s29], $0x2000, s30, s29, $0x38;
	[tilespmem:$0x11000] =	vst v63  }
0x2a4: {  	_ =	swait.ge [sflag:s15], $0x2000  }
0x2a5: {  	[sflag:s15] =	ssyncset.done $0x0  }
0x2a6: {  	[sflag:s15] =	ssyncadd.s32 $0xFFFFE000  }
0x2a7: {  	_ =	swait.ge [sflag:s16], $0x2000  }
0x2a8: {  	[sflag:s16] =	ssyncset.done $0x0  }
0x2a9: {  	s19 =	simm.s32 $0x0;
	s11 =	simm.s32 $0x800;
	[sflag:s16] =	ssyncadd.s32 $0xFFFFE000  }
.LBB2_35:
0x2aa: {  	p0 =	sne.s32 s11, $0x7800;
	v2 =	vld [tilespmem:s19+$0x9070]  }
0x2ab: {  	v3 =	vld [tilespmem:s19+$0x9000]  }
0x2ac: {  	v4 =	vld [tilespmem:s19+$0x9010]  }
0x2ad: {  	v5 =	vld [tilespmem:s19+$0x9020]  }
0x2ae: {  	v6 =	vld [tilespmem:s19+$0x9030]  }
0x2af: {  	[tilespmem:s19+$0x1070] =	vst.add.f32.msk $0xffff, v2  }
0x2b0: {  	v2 =	vld [tilespmem:s19+$0x9040]  }
0x2b1: {  	v7 =	vld [tilespmem:s19+$0x9050]  }
0x2b2: {  	v8 =	vld [tilespmem:s19+$0x9060]  }
0x2b3: {  	[tilespmem:s19+$0x1000] =	vst.add.f32.msk $0xffff, v3  }
0x2b4: {  	[tilespmem:s19+$0x1010] =	vst.add.f32.msk $0xffff, v4  }
.Ltmp16:
0x2b5: {  	[tilespmem:s19+$0x1020] =	vst.add.f32.msk $0xffff, v5;
	(pc) =	sbr.rel @p0 .LBB2_35-.Ltmp16, $4  }
0x2b6: {  	[tilespmem:s19+$0x1030] =	vst.add.f32.msk $0xffff, v6  }
0x2b7: {  	[tilespmem:s19+$0x1040] =	vst.add.f32.msk $0xffff, v2  }
0x2b8: {  	[tilespmem:s19+$0x1050] =	vst.add.f32.msk $0xffff, v7  }
0x2b9: {  	[tilespmem:s19+$0x1060] =	vst.add.f32.msk $0xffff, v8;
	s19 =	sshra.s32 s11, $0x2;
	s11 =	sadd.s32 $0x800, s11  }
0x2ba: {  	v2 =	vld [tilespmem:s19+$0x9070]  }
0x2bb: {  	v3 =	vld [tilespmem:s19+$0x9000]  }
0x2bc: {  	v4 =	vld [tilespmem:s19+$0x9010]  }
0x2bd: {  	v5 =	vld [tilespmem:s19+$0x9020]  }
0x2be: {  	v6 =	vld [tilespmem:s19+$0x9030]  }
0x2bf: {  	v7 =	vld [tilespmem:s19+$0x9050]  }
0x2c0: {  	v8 =	vld [tilespmem:s19+$0x9060]  }
0x2c1: {  	[tilespmem:s19+$0x1070] =	vst.add.f32.msk $0xffff, v2  }
0x2c2: {  	v2 =	vld [tilespmem:s19+$0x9040]  }
0x2c3: {  	[tilespmem:s19+$0x1000] =	vst.add.f32.msk $0xffff, v3  }
0x2c4: {  	[tilespmem:s19+$0x1010] =	vst.add.f32.msk $0xffff, v4  }
0x2c5: {  	[tilespmem:s19+$0x1020] =	vst.add.f32.msk $0xffff, v5  }
0x2c6: {  	[tilespmem:s19+$0x1030] =	vst.add.f32.msk $0xffff, v6  }
0x2c7: {  	[tilespmem:s19+$0x1050] =	vst.add.f32.msk $0xffff, v7  }
0x2c8: {  	[tilespmem:s19+$0x1060] =	vst.add.f32.msk $0xffff, v8  }
0x2c9: {  	s11 =	simm.s32 $0x800;
	[tilespmem:s19+$0x1040] =	vst.add.f32.msk $0xffff, v2;
	s19 =	simm.s32 $0x0  }
.LBB2_37:
0x2ca: {  	p0 =	sne.s32 s11, $0x7800;
	v2 =	vld [tilespmem:s19+$0x90F0]  }
0x2cb: {  	v3 =	vld [tilespmem:s19+$0x9080]  }
0x2cc: {  	v4 =	vld [tilespmem:s19+$0x9090]  }
0x2cd: {  	v5 =	vld [tilespmem:s19+$0x90A0]  }
0x2ce: {  	v6 =	vld [tilespmem:s19+$0x90B0]  }
0x2cf: {  	[tilespmem:s19+$0x10F0] =	vst.add.f32.msk $0xffff, v2  }
0x2d0: {  	v2 =	vld [tilespmem:s19+$0x90C0]  }
0x2d1: {  	v7 =	vld [tilespmem:s19+$0x90D0]  }
0x2d2: {  	v8 =	vld [tilespmem:s19+$0x90E0]  }
0x2d3: {  	[tilespmem:s19+$0x1080] =	vst.add.f32.msk $0xffff, v3  }
0x2d4: {  	[tilespmem:s19+$0x1090] =	vst.add.f32.msk $0xffff, v4  }
.Ltmp17:
0x2d5: {  	[tilespmem:s19+$0x10A0] =	vst.add.f32.msk $0xffff, v5;
	(pc) =	sbr.rel @p0 .LBB2_37-.Ltmp17, $4  }
0x2d6: {  	[tilespmem:s19+$0x10B0] =	vst.add.f32.msk $0xffff, v6  }
0x2d7: {  	[tilespmem:s19+$0x10C0] =	vst.add.f32.msk $0xffff, v2  }
0x2d8: {  	[tilespmem:s19+$0x10D0] =	vst.add.f32.msk $0xffff, v7  }
0x2d9: {  	[tilespmem:s19+$0x10E0] =	vst.add.f32.msk $0xffff, v8;
	s19 =	sshra.s32 s11, $0x2;
	s11 =	sadd.s32 $0x800, s11  }
0x2da: {  	v2 =	vld [tilespmem:s19+$0x90F0]  }
0x2db: {  	v3 =	vld [tilespmem:s19+$0x9080]  }
0x2dc: {  	v4 =	vld [tilespmem:s19+$0x9090]  }
0x2dd: {  	v5 =	vld [tilespmem:s19+$0x90A0]  }
0x2de: {  	v6 =	vld [tilespmem:s19+$0x90B0]  }
0x2df: {  	v7 =	vld [tilespmem:s19+$0x90D0]  }
0x2e0: {  	v8 =	vld [tilespmem:s19+$0x90E0]  }
0x2e1: {  	[tilespmem:s19+$0x10F0] =	vst.add.f32.msk $0xffff, v2  }
0x2e2: {  	v2 =	vld [tilespmem:s19+$0x90C0]  }
0x2e3: {  	[tilespmem:s19+$0x1080] =	vst.add.f32.msk $0xffff, v3  }
0x2e4: {  	[tilespmem:s19+$0x1090] =	vst.add.f32.msk $0xffff, v4  }
0x2e5: {  	[tilespmem:s19+$0x10A0] =	vst.add.f32.msk $0xffff, v5  }
0x2e6: {  	[tilespmem:s19+$0x10B0] =	vst.add.f32.msk $0xffff, v6  }
0x2e7: {  	[tilespmem:s19+$0x10D0] =	vst.add.f32.msk $0xffff, v7  }
0x2e8: {  	[tilespmem:s19+$0x10E0] =	vst.add.f32.msk $0xffff, v8  }
0x2e9: {  	s11 =	simm.s32 $0x800;
	[tilespmem:s19+$0x10C0] =	vst.add.f32.msk $0xffff, v2;
	s19 =	simm.s32 $0x0  }
.LBB2_39:
0x2ea: {  	p0 =	sne.s32 s11, $0x7800;
	v2 =	vld [tilespmem:s19+$0x9170]  }
0x2eb: {  	v3 =	vld [tilespmem:s19+$0x9100]  }
0x2ec: {  	v4 =	vld [tilespmem:s19+$0x9110]  }
0x2ed: {  	v5 =	vld [tilespmem:s19+$0x9120]  }
0x2ee: {  	v6 =	vld [tilespmem:s19+$0x9130]  }
0x2ef: {  	[tilespmem:s19+$0x1170] =	vst.add.f32.msk $0xffff, v2  }
0x2f0: {  	v2 =	vld [tilespmem:s19+$0x9140]  }
0x2f1: {  	v7 =	vld [tilespmem:s19+$0x9150]  }
0x2f2: {  	v8 =	vld [tilespmem:s19+$0x9160]  }
0x2f3: {  	[tilespmem:s19+$0x1100] =	vst.add.f32.msk $0xffff, v3  }
0x2f4: {  	[tilespmem:s19+$0x1110] =	vst.add.f32.msk $0xffff, v4  }
.Ltmp18:
0x2f5: {  	[tilespmem:s19+$0x1120] =	vst.add.f32.msk $0xffff, v5;
	(pc) =	sbr.rel @p0 .LBB2_39-.Ltmp18, $4  }
0x2f6: {  	[tilespmem:s19+$0x1130] =	vst.add.f32.msk $0xffff, v6  }
0x2f7: {  	[tilespmem:s19+$0x1140] =	vst.add.f32.msk $0xffff, v2  }
0x2f8: {  	[tilespmem:s19+$0x1150] =	vst.add.f32.msk $0xffff, v7  }
0x2f9: {  	[tilespmem:s19+$0x1160] =	vst.add.f32.msk $0xffff, v8;
	s19 =	sshra.s32 s11, $0x2;
	s11 =	sadd.s32 $0x800, s11  }
0x2fa: {  	v2 =	vld [tilespmem:s19+$0x9170]  }
0x2fb: {  	v3 =	vld [tilespmem:s19+$0x9100]  }
0x2fc: {  	v4 =	vld [tilespmem:s19+$0x9110]  }
0x2fd: {  	v5 =	vld [tilespmem:s19+$0x9120]  }
0x2fe: {  	v6 =	vld [tilespmem:s19+$0x9130]  }
0x2ff: {  	v7 =	vld [tilespmem:s19+$0x9150]  }
0x300: {  	v8 =	vld [tilespmem:s19+$0x9160]  }
0x301: {  	[tilespmem:s19+$0x1170] =	vst.add.f32.msk $0xffff, v2  }
0x302: {  	v2 =	vld [tilespmem:s19+$0x9140]  }
0x303: {  	[tilespmem:s19+$0x1100] =	vst.add.f32.msk $0xffff, v3  }
0x304: {  	[tilespmem:s19+$0x1110] =	vst.add.f32.msk $0xffff, v4  }
0x305: {  	[tilespmem:s19+$0x1120] =	vst.add.f32.msk $0xffff, v5  }
0x306: {  	[tilespmem:s19+$0x1130] =	vst.add.f32.msk $0xffff, v6  }
0x307: {  	[tilespmem:s19+$0x1150] =	vst.add.f32.msk $0xffff, v7  }
0x308: {  	[tilespmem:s19+$0x1160] =	vst.add.f32.msk $0xffff, v8  }
0x309: {  	s11 =	simm.s32 $0x800;
	[tilespmem:s19+$0x1140] =	vst.add.f32.msk $0xffff, v2;
	s19 =	simm.s32 $0x0  }
.LBB2_41:
0x30a: {  	p0 =	sne.s32 s11, $0x7800;
	v2 =	vld [tilespmem:s19+$0x91F0]  }
0x30b: {  	v3 =	vld [tilespmem:s19+$0x9180]  }
0x30c: {  	v4 =	vld [tilespmem:s19+$0x9190]  }
0x30d: {  	v5 =	vld [tilespmem:s19+$0x91A0]  }
0x30e: {  	v6 =	vld [tilespmem:s19+$0x91B0]  }
0x30f: {  	[tilespmem:s19+$0x11F0] =	vst.add.f32.msk $0xffff, v2  }
0x310: {  	v2 =	vld [tilespmem:s19+$0x91C0]  }
0x311: {  	v7 =	vld [tilespmem:s19+$0x91D0]  }
0x312: {  	v8 =	vld [tilespmem:s19+$0x91E0]  }
0x313: {  	[tilespmem:s19+$0x1180] =	vst.add.f32.msk $0xffff, v3  }
0x314: {  	[tilespmem:s19+$0x1190] =	vst.add.f32.msk $0xffff, v4  }
.Ltmp19:
0x315: {  	[tilespmem:s19+$0x11A0] =	vst.add.f32.msk $0xffff, v5;
	(pc) =	sbr.rel @p0 .LBB2_41-.Ltmp19, $4  }
0x316: {  	[tilespmem:s19+$0x11B0] =	vst.add.f32.msk $0xffff, v6  }
0x317: {  	[tilespmem:s19+$0x11C0] =	vst.add.f32.msk $0xffff, v2  }
0x318: {  	[tilespmem:s19+$0x11D0] =	vst.add.f32.msk $0xffff, v7  }
0x319: {  	[tilespmem:s19+$0x11E0] =	vst.add.f32.msk $0xffff, v8;
	s19 =	sshra.s32 s11, $0x2;
	s11 =	sadd.s32 $0x800, s11  }
0x31a: {  	v2 =	vld [tilespmem:s19+$0x91F0]  }
0x31b: {  	v3 =	vld [tilespmem:s19+$0x9180]  }
0x31c: {  	v4 =	vld [tilespmem:s19+$0x9190]  }
0x31d: {  	v5 =	vld [tilespmem:s19+$0x91A0]  }
0x31e: {  	v6 =	vld [tilespmem:s19+$0x91B0]  }
0x31f: {  	v7 =	vld [tilespmem:s19+$0x91D0]  }
0x320: {  	v8 =	vld [tilespmem:s19+$0x91E0]  }
0x321: {  	[tilespmem:s19+$0x11F0] =	vst.add.f32.msk $0xffff, v2  }
0x322: {  	v2 =	vld [tilespmem:s19+$0x91C0]  }
0x323: {  	[tilespmem:s19+$0x1180] =	vst.add.f32.msk $0xffff, v3  }
0x324: {  	[tilespmem:s19+$0x1190] =	vst.add.f32.msk $0xffff, v4  }
0x325: {  	[tilespmem:s19+$0x11A0] =	vst.add.f32.msk $0xffff, v5  }
0x326: {  	[tilespmem:s19+$0x11B0] =	vst.add.f32.msk $0xffff, v6  }
0x327: {  	[tilespmem:s19+$0x11D0] =	vst.add.f32.msk $0xffff, v7  }
0x328: {  	[tilespmem:s19+$0x11E0] =	vst.add.f32.msk $0xffff, v8  }
0x329: {  	s11 =	sadd.s32 s4, s17;
	[tilespmem:s19+$0x11C0] =	vst.add.f32.msk $0xffff, v2;
	s19 =	simm.s32 $0x1000  }
0x32a: {  	[hbm4b:s11+s29] =	stream.strided.scatter [tilespmem:s19], [sflag:$0x9], $0x2000, s30, s29, $0x38;
	[tilespmem:$0x11000] =	vst v63  }
0x32b: {  	s11 =	sadd.s32 $0x6, s1;
	_ =	swait.ge [sflag:s28], $0x2000  }
0x32c: {  	s19 =	sshll.u32 s11, $0x7;
	[sflag:s28] =	ssyncset.done $0x0  }
0x32d: {  	s17 =	sand.u32 $0x3FFFFF80, s19;
	[sflag:s28] =	ssyncadd.s32 $0xFFFFE000  }
0x32e: {  	v2 =	vld.msk [tilespmem:s17+$0x0], $0xf;
	_ =	sdelay $0x4  }
0x32f: {  	v3 =	vshll.u32 v2, $0x4  }
0x330: {  	v2 =	vand.u32 $0x7, v2;
	v3 =	vand.u32 $0xFFFFFF80, v3  }
0x331: {  	v2 =	vor.u32 v2, v3  }
0x332: {  	v2 =	vperm.xlane v2, v0;
	_ =	sdelay $0x1  }
0x333: {  	v2 =	vadd.s32 v1, v2;
	_ =	sdelay $0x3  }
0x334: {  	s19 =	simm.s32 $0xD000;
	s17 =	simm.s32 $0x0  }
0x335: {  	[tilespmem:s19], [sflag:$0x7] =	stream.indirect_vreg.gather [hbm4b:s3+s17], $0x80, v2, vm0, $0xb8;
	[tilespmem:$0x11000] =	vst v63  }
0x336: {  	s19 =	simm.s32 $0xD800  }
0x337: {  	[tilespmem:s19], [sflag:$0x7] =	stream.indirect_vreg.gather [hbm4b:s8+s17], $0x80, v2, vm0, $0xb8;
	[tilespmem:$0x11000] =	vst v63  }
0x338: {  	s19 =	simm.s32 $0xE000  }
0x339: {  	[tilespmem:s19], [sflag:$0x7] =	stream.indirect_vreg.gather [hbm4b:s9+s17], $0x80, v2, vm0, $0xb8;
	[tilespmem:$0x11000] =	vst v63  }
0x33a: {  	s11 =	sshll.u32 s11, $0xA;
	s19 =	simm.s32 $0xE800  }
0x33b: {  	[tilespmem:s19], [sflag:$0x7] =	stream.indirect_vreg.gather [hbm4b:s10+s17], $0x80, v2, vm0, $0xb8;
	[tilespmem:$0x11000] =	vst v63  }
0x33c: {  	s11 =	sadd.s32 s11, s31  }
0x33d: {  	[tilespmem:s23], [sflag:$0x3] =	stream.strided.gather [hbm4b:s11+s29], $0x2000, s30, s29, $0x38;
	[tilespmem:$0x11000] =	vst v63  }
0x33e: {  	_ =	swait.ge [sflag:s24], $0x2000  }
0x33f: {  	[sflag:s24] =	ssyncset.done $0x0  }
0x340: {  	[sflag:s24] =	ssyncadd.s32 $0xFFFFE000  }
0x341: {  	_ =	swait.ge [sflag:s25], $0x2000  }
0x342: {  	[sflag:s25] =	ssyncset.done $0x0  }
0x343: {  	s17 =	simm.s32 $0x0;
	s11 =	simm.s32 $0x800;
	[sflag:s25] =	ssyncadd.s32 $0xFFFFE000  }
.LBB2_43:
0x344: {  	p0 =	sne.s32 s11, $0x7800;
	v2 =	vld [tilespmem:s17+$0xB070]  }
0x345: {  	v3 =	vld [tilespmem:s17+$0xB000]  }
0x346: {  	v4 =	vld [tilespmem:s17+$0xB010]  }
0x347: {  	v5 =	vld [tilespmem:s17+$0xB020]  }
0x348: {  	v6 =	vld [tilespmem:s17+$0xB030]  }
0x349: {  	[tilespmem:s17+$0x3070] =	vst.add.f32.msk $0xffff, v2  }
0x34a: {  	v2 =	vld [tilespmem:s17+$0xB040]  }
0x34b: {  	v7 =	vld [tilespmem:s17+$0xB050]  }
0x34c: {  	v8 =	vld [tilespmem:s17+$0xB060]  }
0x34d: {  	[tilespmem:s17+$0x3000] =	vst.add.f32.msk $0xffff, v3  }
0x34e: {  	[tilespmem:s17+$0x3010] =	vst.add.f32.msk $0xffff, v4  }
.Ltmp20:
0x34f: {  	[tilespmem:s17+$0x3020] =	vst.add.f32.msk $0xffff, v5;
	(pc) =	sbr.rel @p0 .LBB2_43-.Ltmp20, $4  }
0x350: {  	[tilespmem:s17+$0x3030] =	vst.add.f32.msk $0xffff, v6  }
0x351: {  	[tilespmem:s17+$0x3040] =	vst.add.f32.msk $0xffff, v2  }
0x352: {  	[tilespmem:s17+$0x3050] =	vst.add.f32.msk $0xffff, v7  }
0x353: {  	[tilespmem:s17+$0x3060] =	vst.add.f32.msk $0xffff, v8;
	s17 =	sshra.s32 s11, $0x2;
	s11 =	sadd.s32 $0x800, s11  }
0x354: {  	v2 =	vld [tilespmem:s17+$0xB070]  }
0x355: {  	v3 =	vld [tilespmem:s17+$0xB000]  }
0x356: {  	v4 =	vld [tilespmem:s17+$0xB010]  }
0x357: {  	v5 =	vld [tilespmem:s17+$0xB020]  }
0x358: {  	v6 =	vld [tilespmem:s17+$0xB030]  }
0x359: {  	v7 =	vld [tilespmem:s17+$0xB050]  }
0x35a: {  	v8 =	vld [tilespmem:s17+$0xB060]  }
0x35b: {  	[tilespmem:s17+$0x3070] =	vst.add.f32.msk $0xffff, v2  }
0x35c: {  	v2 =	vld [tilespmem:s17+$0xB040]  }
0x35d: {  	[tilespmem:s17+$0x3000] =	vst.add.f32.msk $0xffff, v3  }
0x35e: {  	[tilespmem:s17+$0x3010] =	vst.add.f32.msk $0xffff, v4  }
0x35f: {  	[tilespmem:s17+$0x3020] =	vst.add.f32.msk $0xffff, v5  }
0x360: {  	[tilespmem:s17+$0x3030] =	vst.add.f32.msk $0xffff, v6  }
0x361: {  	[tilespmem:s17+$0x3050] =	vst.add.f32.msk $0xffff, v7  }
0x362: {  	[tilespmem:s17+$0x3060] =	vst.add.f32.msk $0xffff, v8  }
0x363: {  	s11 =	simm.s32 $0x800;
	[tilespmem:s17+$0x3040] =	vst.add.f32.msk $0xffff, v2;
	s17 =	simm.s32 $0x0  }
.LBB2_45:
0x364: {  	p0 =	sne.s32 s11, $0x7800;
	v2 =	vld [tilespmem:s17+$0xB0F0]  }
0x365: {  	v3 =	vld [tilespmem:s17+$0xB080]  }
0x366: {  	v4 =	vld [tilespmem:s17+$0xB090]  }
0x367: {  	v5 =	vld [tilespmem:s17+$0xB0A0]  }
0x368: {  	v6 =	vld [tilespmem:s17+$0xB0B0]  }
0x369: {  	[tilespmem:s17+$0x30F0] =	vst.add.f32.msk $0xffff, v2  }
0x36a: {  	v2 =	vld [tilespmem:s17+$0xB0C0]  }
0x36b: {  	v7 =	vld [tilespmem:s17+$0xB0D0]  }
0x36c: {  	v8 =	vld [tilespmem:s17+$0xB0E0]  }
0x36d: {  	[tilespmem:s17+$0x3080] =	vst.add.f32.msk $0xffff, v3  }
0x36e: {  	[tilespmem:s17+$0x3090] =	vst.add.f32.msk $0xffff, v4  }
.Ltmp21:
0x36f: {  	[tilespmem:s17+$0x30A0] =	vst.add.f32.msk $0xffff, v5;
	(pc) =	sbr.rel @p0 .LBB2_45-.Ltmp21, $4  }
0x370: {  	[tilespmem:s17+$0x30B0] =	vst.add.f32.msk $0xffff, v6  }
0x371: {  	[tilespmem:s17+$0x30C0] =	vst.add.f32.msk $0xffff, v2  }
0x372: {  	[tilespmem:s17+$0x30D0] =	vst.add.f32.msk $0xffff, v7  }
0x373: {  	[tilespmem:s17+$0x30E0] =	vst.add.f32.msk $0xffff, v8;
	s17 =	sshra.s32 s11, $0x2;
	s11 =	sadd.s32 $0x800, s11  }
0x374: {  	v2 =	vld [tilespmem:s17+$0xB0F0]  }
0x375: {  	v3 =	vld [tilespmem:s17+$0xB080]  }
0x376: {  	v4 =	vld [tilespmem:s17+$0xB090]  }
0x377: {  	v5 =	vld [tilespmem:s17+$0xB0A0]  }
0x378: {  	v6 =	vld [tilespmem:s17+$0xB0B0]  }
0x379: {  	v7 =	vld [tilespmem:s17+$0xB0D0]  }
0x37a: {  	v8 =	vld [tilespmem:s17+$0xB0E0]  }
0x37b: {  	[tilespmem:s17+$0x30F0] =	vst.add.f32.msk $0xffff, v2  }
0x37c: {  	v2 =	vld [tilespmem:s17+$0xB0C0]  }
0x37d: {  	[tilespmem:s17+$0x3080] =	vst.add.f32.msk $0xffff, v3  }
0x37e: {  	[tilespmem:s17+$0x3090] =	vst.add.f32.msk $0xffff, v4  }
0x37f: {  	[tilespmem:s17+$0x30A0] =	vst.add.f32.msk $0xffff, v5  }
0x380: {  	[tilespmem:s17+$0x30B0] =	vst.add.f32.msk $0xffff, v6  }
0x381: {  	[tilespmem:s17+$0x30D0] =	vst.add.f32.msk $0xffff, v7  }
0x382: {  	[tilespmem:s17+$0x30E0] =	vst.add.f32.msk $0xffff, v8  }
0x383: {  	s11 =	simm.s32 $0x800;
	[tilespmem:s17+$0x30C0] =	vst.add.f32.msk $0xffff, v2;
	s17 =	simm.s32 $0x0  }
.LBB2_47:
0x384: {  	p0 =	sne.s32 s11, $0x7800;
	v2 =	vld [tilespmem:s17+$0xB170]  }
0x385: {  	v3 =	vld [tilespmem:s17+$0xB100]  }
0x386: {  	v4 =	vld [tilespmem:s17+$0xB110]  }
0x387: {  	v5 =	vld [tilespmem:s17+$0xB120]  }
0x388: {  	v6 =	vld [tilespmem:s17+$0xB130]  }
0x389: {  	[tilespmem:s17+$0x3170] =	vst.add.f32.msk $0xffff, v2  }
0x38a: {  	v2 =	vld [tilespmem:s17+$0xB140]  }
0x38b: {  	v7 =	vld [tilespmem:s17+$0xB150]  }
0x38c: {  	v8 =	vld [tilespmem:s17+$0xB160]  }
0x38d: {  	[tilespmem:s17+$0x3100] =	vst.add.f32.msk $0xffff, v3  }
0x38e: {  	[tilespmem:s17+$0x3110] =	vst.add.f32.msk $0xffff, v4  }
.Ltmp22:
0x38f: {  	[tilespmem:s17+$0x3120] =	vst.add.f32.msk $0xffff, v5;
	(pc) =	sbr.rel @p0 .LBB2_47-.Ltmp22, $4  }
0x390: {  	[tilespmem:s17+$0x3130] =	vst.add.f32.msk $0xffff, v6  }
0x391: {  	[tilespmem:s17+$0x3140] =	vst.add.f32.msk $0xffff, v2  }
0x392: {  	[tilespmem:s17+$0x3150] =	vst.add.f32.msk $0xffff, v7  }
0x393: {  	[tilespmem:s17+$0x3160] =	vst.add.f32.msk $0xffff, v8;
	s17 =	sshra.s32 s11, $0x2;
	s11 =	sadd.s32 $0x800, s11  }
0x394: {  	v2 =	vld [tilespmem:s17+$0xB170]  }
0x395: {  	v3 =	vld [tilespmem:s17+$0xB100]  }
0x396: {  	v4 =	vld [tilespmem:s17+$0xB110]  }
0x397: {  	v5 =	vld [tilespmem:s17+$0xB120]  }
0x398: {  	v6 =	vld [tilespmem:s17+$0xB130]  }
0x399: {  	v7 =	vld [tilespmem:s17+$0xB150]  }
0x39a: {  	v8 =	vld [tilespmem:s17+$0xB160]  }
0x39b: {  	[tilespmem:s17+$0x3170] =	vst.add.f32.msk $0xffff, v2  }
0x39c: {  	v2 =	vld [tilespmem:s17+$0xB140]  }
0x39d: {  	[tilespmem:s17+$0x3100] =	vst.add.f32.msk $0xffff, v3  }
0x39e: {  	[tilespmem:s17+$0x3110] =	vst.add.f32.msk $0xffff, v4  }
0x39f: {  	[tilespmem:s17+$0x3120] =	vst.add.f32.msk $0xffff, v5  }
0x3a0: {  	[tilespmem:s17+$0x3130] =	vst.add.f32.msk $0xffff, v6  }
0x3a1: {  	[tilespmem:s17+$0x3150] =	vst.add.f32.msk $0xffff, v7  }
0x3a2: {  	[tilespmem:s17+$0x3160] =	vst.add.f32.msk $0xffff, v8  }
0x3a3: {  	s11 =	simm.s32 $0x800;
	[tilespmem:s17+$0x3140] =	vst.add.f32.msk $0xffff, v2;
	s17 =	simm.s32 $0x0  }
.LBB2_49:
0x3a4: {  	p0 =	sne.s32 s11, $0x7800;
	v2 =	vld [tilespmem:s17+$0xB1F0]  }
0x3a5: {  	v3 =	vld [tilespmem:s17+$0xB180]  }
0x3a6: {  	v4 =	vld [tilespmem:s17+$0xB190]  }
0x3a7: {  	v5 =	vld [tilespmem:s17+$0xB1A0]  }
0x3a8: {  	v6 =	vld [tilespmem:s17+$0xB1B0]  }
0x3a9: {  	[tilespmem:s17+$0x31F0] =	vst.add.f32.msk $0xffff, v2  }
0x3aa: {  	v2 =	vld [tilespmem:s17+$0xB1C0]  }
0x3ab: {  	v7 =	vld [tilespmem:s17+$0xB1D0]  }
0x3ac: {  	v8 =	vld [tilespmem:s17+$0xB1E0]  }
0x3ad: {  	[tilespmem:s17+$0x3180] =	vst.add.f32.msk $0xffff, v3  }
0x3ae: {  	[tilespmem:s17+$0x3190] =	vst.add.f32.msk $0xffff, v4  }
.Ltmp23:
0x3af: {  	[tilespmem:s17+$0x31A0] =	vst.add.f32.msk $0xffff, v5;
	(pc) =	sbr.rel @p0 .LBB2_49-.Ltmp23, $4  }
0x3b0: {  	[tilespmem:s17+$0x31B0] =	vst.add.f32.msk $0xffff, v6  }
0x3b1: {  	[tilespmem:s17+$0x31C0] =	vst.add.f32.msk $0xffff, v2  }
0x3b2: {  	[tilespmem:s17+$0x31D0] =	vst.add.f32.msk $0xffff, v7  }
0x3b3: {  	[tilespmem:s17+$0x31E0] =	vst.add.f32.msk $0xffff, v8;
	s17 =	sshra.s32 s11, $0x2;
	s11 =	sadd.s32 $0x800, s11  }
0x3b4: {  	v2 =	vld [tilespmem:s17+$0xB1F0]  }
0x3b5: {  	v3 =	vld [tilespmem:s17+$0xB180]  }
0x3b6: {  	v4 =	vld [tilespmem:s17+$0xB190]  }
0x3b7: {  	v5 =	vld [tilespmem:s17+$0xB1A0]  }
0x3b8: {  	v6 =	vld [tilespmem:s17+$0xB1B0]  }
0x3b9: {  	v7 =	vld [tilespmem:s17+$0xB1D0]  }
0x3ba: {  	v8 =	vld [tilespmem:s17+$0xB1E0]  }
0x3bb: {  	[tilespmem:s17+$0x31F0] =	vst.add.f32.msk $0xffff, v2  }
0x3bc: {  	v2 =	vld [tilespmem:s17+$0xB1C0]  }
0x3bd: {  	[tilespmem:s17+$0x3180] =	vst.add.f32.msk $0xffff, v3  }
0x3be: {  	[tilespmem:s17+$0x3190] =	vst.add.f32.msk $0xffff, v4  }
0x3bf: {  	[tilespmem:s17+$0x31A0] =	vst.add.f32.msk $0xffff, v5  }
0x3c0: {  	[tilespmem:s17+$0x31B0] =	vst.add.f32.msk $0xffff, v6  }
0x3c1: {  	[tilespmem:s17+$0x31D0] =	vst.add.f32.msk $0xffff, v7  }
0x3c2: {  	[tilespmem:s17+$0x31E0] =	vst.add.f32.msk $0xffff, v8  }
0x3c3: {  	s11 =	sadd.s32 s4, s18;
	[tilespmem:s17+$0x31C0] =	vst.add.f32.msk $0xffff, v2  }
0x3c4: {  	[hbm4b:s11+s29] =	stream.strided.scatter [tilespmem:s14], [sflag:$0xA], $0x2000, s30, s29, $0x38;
	[tilespmem:$0x11000] =	vst v63  }
0x3c5: {  	s1 =	sadd.s32 $0x7, s1;
	_ =	swait.ge [sflag:s0], $0x2000  }
0x3c6: {  	s17 =	sshll.u32 s1, $0x7;
	[sflag:s0] =	ssyncset.done $0x0  }
0x3c7: {  	s11 =	sand.u32 $0x3FFFFF80, s17;
	[sflag:s0] =	ssyncadd.s32 $0xFFFFE000  }
0x3c8: {  	v2 =	vld.msk [tilespmem:s11+$0x0], $0xf;
	_ =	sdelay $0x4  }
0x3c9: {  	v3 =	vshll.u32 v2, $0x4  }
0x3ca: {  	v2 =	vand.u32 $0x7, v2;
	v3 =	vand.u32 $0xFFFFFF80, v3  }
0x3cb: {  	v2 =	vor.u32 v2, v3  }
0x3cc: {  	v2 =	vperm.xlane v2, v0;
	_ =	sdelay $0x1  }
0x3cd: {  	v2 =	vadd.s32 v1, v2;
	_ =	sdelay $0x3  }
0x3ce: {  	s18 =	simm.s32 $0xF000  }
0x3cf: {  	[tilespmem:s18], [sflag:$0x8] =	stream.indirect_vreg.gather [hbm4b:s3+s5], $0x80, v2, vm0, $0xb8;
	[tilespmem:$0x11000] =	vst v63  }
0x3d0: {  	s19 =	simm.s32 $0xF800;
	s2 =	sadd.s32 $0x1, s2  }
0x3d1: {  	[tilespmem:s19], [sflag:$0x8] =	stream.indirect_vreg.gather [hbm4b:s8+s5], $0x80, v2, vm0, $0xb8;
	[tilespmem:$0x11000] =	vst v63  }
0x3d2: {  	p0 =	sne.s32 s2, $0x7;
	s1 =	sshll.u32 s1, $0xA;
	s17 =	simm.s32 $0x10000  }
0x3d3: {  	[tilespmem:s17], [sflag:$0x8] =	stream.indirect_vreg.gather [hbm4b:s9+s5], $0x80, v2, vm0, $0xb8;
	[tilespmem:$0x11000] =	vst v63  }
.Ltmp24:
0x3d4: {  	s1 =	sadd.s32 s7, s1;
	(pc) =	sbr.rel @p0 .LBB2_18-.Ltmp24, $4  }
0x3d5: {  	s1 =	sand.u32 $0x1FF800, s1;
	s18 =	simm.s32 $0x10800;
	s19 =	rddreg [dreg:$0xd]  }
0x3d6: {  	[tilespmem:s18], [sflag:$0x8] =	stream.indirect_vreg.gather [hbm4b:s10+s5], $0x80, v2, vm0, $0xb8;
	[tilespmem:$0x11000] =	vst v63  }
0x3d7: {  	s1 =	sadd.s32 s1, s19  }
0x3d8: {  	[tilespmem:s6], [sflag:$0x4] =	stream.strided.gather [hbm4b:s1+s29], $0x2000, s30, s29, $0x38;
	[tilespmem:$0x11000] =	vst v63  }
0x3d9: {  	_ =	swait.ge [sflag:s12], $0x2000  }
0x3da: {  	[sflag:s12] =	ssyncset.done $0x0  }
0x3db: {  	[sflag:s12] =	ssyncadd.s32 $0xFFFFE000  }
0x3dc: {  	_ =	swait.ge [sflag:s20], $0x2000  }
0x3dd: {  	[sflag:s20] =	ssyncset.done $0x0  }
0x3de: {  	s1 =	simm.s32 $0x0;
	s2 =	simm.s32 $0x800;
	[sflag:s20] =	ssyncadd.s32 $0xFFFFE000  }
.LBB2_52:
0x3df: {  	p0 =	sne.s32 s2, $0x7800;
	v2 =	vld [tilespmem:s1+$0xD070]  }
0x3e0: {  	v3 =	vld [tilespmem:s1+$0xD000]  }
0x3e1: {  	v4 =	vld [tilespmem:s1+$0xD010]  }
0x3e2: {  	v5 =	vld [tilespmem:s1+$0xD020]  }
0x3e3: {  	v6 =	vld [tilespmem:s1+$0xD030]  }
0x3e4: {  	[tilespmem:s1+$0x5070] =	vst.add.f32.msk $0xffff, v2  }
0x3e5: {  	v2 =	vld [tilespmem:s1+$0xD040]  }
0x3e6: {  	v7 =	vld [tilespmem:s1+$0xD050]  }
0x3e7: {  	v8 =	vld [tilespmem:s1+$0xD060]  }
0x3e8: {  	[tilespmem:s1+$0x5000] =	vst.add.f32.msk $0xffff, v3  }
0x3e9: {  	[tilespmem:s1+$0x5010] =	vst.add.f32.msk $0xffff, v4  }
.Ltmp25:
0x3ea: {  	[tilespmem:s1+$0x5020] =	vst.add.f32.msk $0xffff, v5;
	(pc) =	sbr.rel @p0 .LBB2_52-.Ltmp25, $4  }
0x3eb: {  	[tilespmem:s1+$0x5030] =	vst.add.f32.msk $0xffff, v6  }
0x3ec: {  	[tilespmem:s1+$0x5040] =	vst.add.f32.msk $0xffff, v2  }
0x3ed: {  	[tilespmem:s1+$0x5050] =	vst.add.f32.msk $0xffff, v7  }
0x3ee: {  	[tilespmem:s1+$0x5060] =	vst.add.f32.msk $0xffff, v8;
	s1 =	sshra.s32 s2, $0x2;
	s2 =	sadd.s32 $0x800, s2  }
0x3ef: {  	v2 =	vld [tilespmem:s1+$0xD070]  }
0x3f0: {  	v3 =	vld [tilespmem:s1+$0xD000]  }
0x3f1: {  	v4 =	vld [tilespmem:s1+$0xD010]  }
0x3f2: {  	v5 =	vld [tilespmem:s1+$0xD020]  }
0x3f3: {  	v6 =	vld [tilespmem:s1+$0xD030]  }
0x3f4: {  	v7 =	vld [tilespmem:s1+$0xD050]  }
0x3f5: {  	v8 =	vld [tilespmem:s1+$0xD060]  }
0x3f6: {  	[tilespmem:s1+$0x5070] =	vst.add.f32.msk $0xffff, v2  }
0x3f7: {  	v2 =	vld [tilespmem:s1+$0xD040]  }
0x3f8: {  	[tilespmem:s1+$0x5000] =	vst.add.f32.msk $0xffff, v3  }
0x3f9: {  	[tilespmem:s1+$0x5010] =	vst.add.f32.msk $0xffff, v4  }
0x3fa: {  	[tilespmem:s1+$0x5020] =	vst.add.f32.msk $0xffff, v5  }
0x3fb: {  	[tilespmem:s1+$0x5030] =	vst.add.f32.msk $0xffff, v6  }
0x3fc: {  	[tilespmem:s1+$0x5050] =	vst.add.f32.msk $0xffff, v7  }
0x3fd: {  	[tilespmem:s1+$0x5060] =	vst.add.f32.msk $0xffff, v8  }
0x3fe: {  	s2 =	simm.s32 $0x800;
	[tilespmem:s1+$0x5040] =	vst.add.f32.msk $0xffff, v2;
	s1 =	simm.s32 $0x0  }
.LBB2_54:
0x3ff: {  	p0 =	sne.s32 s2, $0x7800;
	v2 =	vld [tilespmem:s1+$0xD0F0]  }
0x400: {  	v3 =	vld [tilespmem:s1+$0xD080]  }
0x401: {  	v4 =	vld [tilespmem:s1+$0xD090]  }
0x402: {  	v5 =	vld [tilespmem:s1+$0xD0A0]  }
0x403: {  	v6 =	vld [tilespmem:s1+$0xD0B0]  }
0x404: {  	[tilespmem:s1+$0x50F0] =	vst.add.f32.msk $0xffff, v2  }
0x405: {  	v2 =	vld [tilespmem:s1+$0xD0C0]  }
0x406: {  	v7 =	vld [tilespmem:s1+$0xD0D0]  }
0x407: {  	v8 =	vld [tilespmem:s1+$0xD0E0]  }
0x408: {  	[tilespmem:s1+$0x5080] =	vst.add.f32.msk $0xffff, v3  }
0x409: {  	[tilespmem:s1+$0x5090] =	vst.add.f32.msk $0xffff, v4  }
.Ltmp26:
0x40a: {  	[tilespmem:s1+$0x50A0] =	vst.add.f32.msk $0xffff, v5;
	(pc) =	sbr.rel @p0 .LBB2_54-.Ltmp26, $4  }
0x40b: {  	[tilespmem:s1+$0x50B0] =	vst.add.f32.msk $0xffff, v6  }
0x40c: {  	[tilespmem:s1+$0x50C0] =	vst.add.f32.msk $0xffff, v2  }
0x40d: {  	[tilespmem:s1+$0x50D0] =	vst.add.f32.msk $0xffff, v7  }
0x40e: {  	[tilespmem:s1+$0x50E0] =	vst.add.f32.msk $0xffff, v8;
	s1 =	sshra.s32 s2, $0x2;
	s2 =	sadd.s32 $0x800, s2  }
0x40f: {  	v2 =	vld [tilespmem:s1+$0xD0F0]  }
0x410: {  	v3 =	vld [tilespmem:s1+$0xD080]  }
0x411: {  	v4 =	vld [tilespmem:s1+$0xD090]  }
0x412: {  	v5 =	vld [tilespmem:s1+$0xD0A0]  }
0x413: {  	v6 =	vld [tilespmem:s1+$0xD0B0]  }
0x414: {  	v7 =	vld [tilespmem:s1+$0xD0D0]  }
0x415: {  	v8 =	vld [tilespmem:s1+$0xD0E0]  }
0x416: {  	[tilespmem:s1+$0x50F0] =	vst.add.f32.msk $0xffff, v2  }
0x417: {  	v2 =	vld [tilespmem:s1+$0xD0C0]  }
0x418: {  	[tilespmem:s1+$0x5080] =	vst.add.f32.msk $0xffff, v3  }
0x419: {  	[tilespmem:s1+$0x5090] =	vst.add.f32.msk $0xffff, v4  }
0x41a: {  	[tilespmem:s1+$0x50A0] =	vst.add.f32.msk $0xffff, v5  }
0x41b: {  	[tilespmem:s1+$0x50B0] =	vst.add.f32.msk $0xffff, v6  }
0x41c: {  	[tilespmem:s1+$0x50D0] =	vst.add.f32.msk $0xffff, v7  }
0x41d: {  	[tilespmem:s1+$0x50E0] =	vst.add.f32.msk $0xffff, v8  }
0x41e: {  	s2 =	simm.s32 $0x800;
	[tilespmem:s1+$0x50C0] =	vst.add.f32.msk $0xffff, v2;
	s1 =	simm.s32 $0x0  }
.LBB2_56:
0x41f: {  	p0 =	sne.s32 s2, $0x7800;
	v2 =	vld [tilespmem:s1+$0xD170]  }
0x420: {  	v3 =	vld [tilespmem:s1+$0xD100]  }
0x421: {  	v4 =	vld [tilespmem:s1+$0xD110]  }
0x422: {  	v5 =	vld [tilespmem:s1+$0xD120]  }
0x423: {  	v6 =	vld [tilespmem:s1+$0xD130]  }
0x424: {  	[tilespmem:s1+$0x5170] =	vst.add.f32.msk $0xffff, v2  }
0x425: {  	v2 =	vld [tilespmem:s1+$0xD140]  }
0x426: {  	v7 =	vld [tilespmem:s1+$0xD150]  }
0x427: {  	v8 =	vld [tilespmem:s1+$0xD160]  }
0x428: {  	[tilespmem:s1+$0x5100] =	vst.add.f32.msk $0xffff, v3  }
0x429: {  	[tilespmem:s1+$0x5110] =	vst.add.f32.msk $0xffff, v4  }
.Ltmp27:
0x42a: {  	[tilespmem:s1+$0x5120] =	vst.add.f32.msk $0xffff, v5;
	(pc) =	sbr.rel @p0 .LBB2_56-.Ltmp27, $4  }
0x42b: {  	[tilespmem:s1+$0x5130] =	vst.add.f32.msk $0xffff, v6  }
0x42c: {  	[tilespmem:s1+$0x5140] =	vst.add.f32.msk $0xffff, v2  }
0x42d: {  	[tilespmem:s1+$0x5150] =	vst.add.f32.msk $0xffff, v7  }
0x42e: {  	[tilespmem:s1+$0x5160] =	vst.add.f32.msk $0xffff, v8;
	s1 =	sshra.s32 s2, $0x2;
	s2 =	sadd.s32 $0x800, s2  }
0x42f: {  	v2 =	vld [tilespmem:s1+$0xD170]  }
0x430: {  	v3 =	vld [tilespmem:s1+$0xD100]  }
0x431: {  	v4 =	vld [tilespmem:s1+$0xD110]  }
0x432: {  	v5 =	vld [tilespmem:s1+$0xD120]  }
0x433: {  	v6 =	vld [tilespmem:s1+$0xD130]  }
0x434: {  	v7 =	vld [tilespmem:s1+$0xD150]  }
0x435: {  	v8 =	vld [tilespmem:s1+$0xD160]  }
0x436: {  	[tilespmem:s1+$0x5170] =	vst.add.f32.msk $0xffff, v2  }
0x437: {  	v2 =	vld [tilespmem:s1+$0xD140]  }
0x438: {  	[tilespmem:s1+$0x5100] =	vst.add.f32.msk $0xffff, v3  }
0x439: {  	[tilespmem:s1+$0x5110] =	vst.add.f32.msk $0xffff, v4  }
0x43a: {  	[tilespmem:s1+$0x5120] =	vst.add.f32.msk $0xffff, v5  }
0x43b: {  	[tilespmem:s1+$0x5130] =	vst.add.f32.msk $0xffff, v6  }
0x43c: {  	[tilespmem:s1+$0x5150] =	vst.add.f32.msk $0xffff, v7  }
0x43d: {  	[tilespmem:s1+$0x5160] =	vst.add.f32.msk $0xffff, v8  }
0x43e: {  	s2 =	simm.s32 $0x800;
	[tilespmem:s1+$0x5140] =	vst.add.f32.msk $0xffff, v2;
	s1 =	simm.s32 $0x0  }
.LBB2_58:
0x43f: {  	p0 =	sne.s32 s2, $0x7800;
	v2 =	vld [tilespmem:s1+$0xD1F0]  }
0x440: {  	v3 =	vld [tilespmem:s1+$0xD180]  }
0x441: {  	v4 =	vld [tilespmem:s1+$0xD190]  }
0x442: {  	v5 =	vld [tilespmem:s1+$0xD1A0]  }
0x443: {  	v6 =	vld [tilespmem:s1+$0xD1B0]  }
0x444: {  	[tilespmem:s1+$0x51F0] =	vst.add.f32.msk $0xffff, v2  }
0x445: {  	v2 =	vld [tilespmem:s1+$0xD1C0]  }
0x446: {  	v7 =	vld [tilespmem:s1+$0xD1D0]  }
0x447: {  	v8 =	vld [tilespmem:s1+$0xD1E0]  }
0x448: {  	[tilespmem:s1+$0x5180] =	vst.add.f32.msk $0xffff, v3  }
0x449: {  	[tilespmem:s1+$0x5190] =	vst.add.f32.msk $0xffff, v4  }
.Ltmp28:
0x44a: {  	[tilespmem:s1+$0x51A0] =	vst.add.f32.msk $0xffff, v5;
	(pc) =	sbr.rel @p0 .LBB2_58-.Ltmp28, $4  }
0x44b: {  	[tilespmem:s1+$0x51B0] =	vst.add.f32.msk $0xffff, v6  }
0x44c: {  	[tilespmem:s1+$0x51C0] =	vst.add.f32.msk $0xffff, v2  }
0x44d: {  	[tilespmem:s1+$0x51D0] =	vst.add.f32.msk $0xffff, v7  }
0x44e: {  	[tilespmem:s1+$0x51E0] =	vst.add.f32.msk $0xffff, v8;
	s1 =	sshra.s32 s2, $0x2;
	s2 =	sadd.s32 $0x800, s2  }
0x44f: {  	v2 =	vld [tilespmem:s1+$0xD1F0]  }
0x450: {  	v3 =	vld [tilespmem:s1+$0xD180]  }
0x451: {  	v4 =	vld [tilespmem:s1+$0xD190]  }
0x452: {  	v5 =	vld [tilespmem:s1+$0xD1A0]  }
0x453: {  	v6 =	vld [tilespmem:s1+$0xD1B0]  }
0x454: {  	v7 =	vld [tilespmem:s1+$0xD1D0]  }
0x455: {  	v8 =	vld [tilespmem:s1+$0xD1E0]  }
0x456: {  	[tilespmem:s1+$0x51F0] =	vst.add.f32.msk $0xffff, v2  }
0x457: {  	v2 =	vld [tilespmem:s1+$0xD1C0]  }
0x458: {  	[tilespmem:s1+$0x5180] =	vst.add.f32.msk $0xffff, v3  }
0x459: {  	[tilespmem:s1+$0x5190] =	vst.add.f32.msk $0xffff, v4  }
0x45a: {  	[tilespmem:s1+$0x51A0] =	vst.add.f32.msk $0xffff, v5  }
0x45b: {  	[tilespmem:s1+$0x51B0] =	vst.add.f32.msk $0xffff, v6  }
0x45c: {  	[tilespmem:s1+$0x51D0] =	vst.add.f32.msk $0xffff, v7  }
0x45d: {  	[tilespmem:s1+$0x51E0] =	vst.add.f32.msk $0xffff, v8  }
0x45e: {  	s19 =	rddreg [dreg:$0xe];
	[tilespmem:s1+$0x51C0] =	vst.add.f32.msk $0xffff, v2  }
0x45f: {  	[hbm4b:s19+s29] =	stream.strided.scatter [tilespmem:s23], [sflag:$0xB], $0x2000, s30, s29, $0x38;
	[tilespmem:$0x11000] =	vst v63  }
0x460: {  	_ =	swait.ge [sflag:s21], $0x2000  }
0x461: {  	[sflag:s21] =	ssyncset.done $0x0  }
0x462: {  	[sflag:s21] =	ssyncadd.s32 $0xFFFFE000  }
0x463: {  	_ =	swait.ge [sflag:s22], $0x2000  }
0x464: {  	[sflag:s22] =	ssyncset.done $0x0  }
0x465: {  	[sflag:s22] =	ssyncadd.s32 $0xFFFFE000  }
0x466: {  	_ =	swait.ge [sflag:s13], $0x2000  }
0x467: {  	[sflag:s13] =	ssyncset.done $0x0  }
0x468: {  	s2 =	simm.s32 $0x800;
	s1 =	simm.s32 $0x0;
	[sflag:s13] =	ssyncadd.s32 $0xFFFFE000  }
.LBB2_60:
0x469: {  	p0 =	sne.s32 s2, $0x7800;
	v2 =	vld [tilespmem:s1+$0xF070]  }
0x46a: {  	v3 =	vld [tilespmem:s1+$0xF000]  }
0x46b: {  	v4 =	vld [tilespmem:s1+$0xF010]  }
0x46c: {  	v5 =	vld [tilespmem:s1+$0xF020]  }
0x46d: {  	v6 =	vld [tilespmem:s1+$0xF030]  }
0x46e: {  	[tilespmem:s1+$0x7070] =	vst.add.f32.msk $0xffff, v2  }
0x46f: {  	v2 =	vld [tilespmem:s1+$0xF040]  }
0x470: {  	v7 =	vld [tilespmem:s1+$0xF050]  }
0x471: {  	v8 =	vld [tilespmem:s1+$0xF060]  }
0x472: {  	[tilespmem:s1+$0x7000] =	vst.add.f32.msk $0xffff, v3  }
0x473: {  	[tilespmem:s1+$0x7010] =	vst.add.f32.msk $0xffff, v4  }
.Ltmp29:
0x474: {  	[tilespmem:s1+$0x7020] =	vst.add.f32.msk $0xffff, v5;
	(pc) =	sbr.rel @p0 .LBB2_60-.Ltmp29, $4  }
0x475: {  	[tilespmem:s1+$0x7030] =	vst.add.f32.msk $0xffff, v6  }
0x476: {  	[tilespmem:s1+$0x7040] =	vst.add.f32.msk $0xffff, v2  }
0x477: {  	[tilespmem:s1+$0x7050] =	vst.add.f32.msk $0xffff, v7  }
0x478: {  	[tilespmem:s1+$0x7060] =	vst.add.f32.msk $0xffff, v8;
	s1 =	sshra.s32 s2, $0x2;
	s2 =	sadd.s32 $0x800, s2  }
0x479: {  	v2 =	vld [tilespmem:s1+$0xF070]  }
0x47a: {  	v3 =	vld [tilespmem:s1+$0xF000]  }
0x47b: {  	v4 =	vld [tilespmem:s1+$0xF010]  }
0x47c: {  	v5 =	vld [tilespmem:s1+$0xF020]  }
0x47d: {  	v6 =	vld [tilespmem:s1+$0xF030]  }
0x47e: {  	v7 =	vld [tilespmem:s1+$0xF050]  }
0x47f: {  	v8 =	vld [tilespmem:s1+$0xF060]  }
0x480: {  	[tilespmem:s1+$0x7070] =	vst.add.f32.msk $0xffff, v2  }
0x481: {  	v2 =	vld [tilespmem:s1+$0xF040]  }
0x482: {  	[tilespmem:s1+$0x7000] =	vst.add.f32.msk $0xffff, v3  }
0x483: {  	[tilespmem:s1+$0x7010] =	vst.add.f32.msk $0xffff, v4  }
0x484: {  	[tilespmem:s1+$0x7020] =	vst.add.f32.msk $0xffff, v5  }
0x485: {  	[tilespmem:s1+$0x7030] =	vst.add.f32.msk $0xffff, v6  }
0x486: {  	[tilespmem:s1+$0x7050] =	vst.add.f32.msk $0xffff, v7  }
0x487: {  	[tilespmem:s1+$0x7060] =	vst.add.f32.msk $0xffff, v8  }
0x488: {  	s2 =	simm.s32 $0x800;
	[tilespmem:s1+$0x7040] =	vst.add.f32.msk $0xffff, v2;
	s1 =	simm.s32 $0x0  }
.LBB2_62:
0x489: {  	p0 =	sne.s32 s2, $0x7800;
	v2 =	vld [tilespmem:s1+$0xF0F0]  }
0x48a: {  	v3 =	vld [tilespmem:s1+$0xF080]  }
0x48b: {  	v4 =	vld [tilespmem:s1+$0xF090]  }
0x48c: {  	v5 =	vld [tilespmem:s1+$0xF0A0]  }
0x48d: {  	v6 =	vld [tilespmem:s1+$0xF0B0]  }
0x48e: {  	[tilespmem:s1+$0x70F0] =	vst.add.f32.msk $0xffff, v2  }
0x48f: {  	v2 =	vld [tilespmem:s1+$0xF0C0]  }
0x490: {  	v7 =	vld [tilespmem:s1+$0xF0D0]  }
0x491: {  	v8 =	vld [tilespmem:s1+$0xF0E0]  }
0x492: {  	[tilespmem:s1+$0x7080] =	vst.add.f32.msk $0xffff, v3  }
0x493: {  	[tilespmem:s1+$0x7090] =	vst.add.f32.msk $0xffff, v4  }
.Ltmp30:
0x494: {  	[tilespmem:s1+$0x70A0] =	vst.add.f32.msk $0xffff, v5;
	(pc) =	sbr.rel @p0 .LBB2_62-.Ltmp30, $4  }
0x495: {  	[tilespmem:s1+$0x70B0] =	vst.add.f32.msk $0xffff, v6  }
0x496: {  	[tilespmem:s1+$0x70C0] =	vst.add.f32.msk $0xffff, v2  }
0x497: {  	[tilespmem:s1+$0x70D0] =	vst.add.f32.msk $0xffff, v7  }
0x498: {  	[tilespmem:s1+$0x70E0] =	vst.add.f32.msk $0xffff, v8;
	s1 =	sshra.s32 s2, $0x2;
	s2 =	sadd.s32 $0x800, s2  }
0x499: {  	v2 =	vld [tilespmem:s1+$0xF0F0]  }
0x49a: {  	v3 =	vld [tilespmem:s1+$0xF080]  }
0x49b: {  	v4 =	vld [tilespmem:s1+$0xF090]  }
0x49c: {  	v5 =	vld [tilespmem:s1+$0xF0A0]  }
0x49d: {  	v6 =	vld [tilespmem:s1+$0xF0B0]  }
0x49e: {  	v7 =	vld [tilespmem:s1+$0xF0D0]  }
0x49f: {  	v8 =	vld [tilespmem:s1+$0xF0E0]  }
0x4a0: {  	[tilespmem:s1+$0x70F0] =	vst.add.f32.msk $0xffff, v2  }
0x4a1: {  	v2 =	vld [tilespmem:s1+$0xF0C0]  }
0x4a2: {  	[tilespmem:s1+$0x7080] =	vst.add.f32.msk $0xffff, v3  }
0x4a3: {  	[tilespmem:s1+$0x7090] =	vst.add.f32.msk $0xffff, v4  }
0x4a4: {  	[tilespmem:s1+$0x70A0] =	vst.add.f32.msk $0xffff, v5  }
0x4a5: {  	[tilespmem:s1+$0x70B0] =	vst.add.f32.msk $0xffff, v6  }
0x4a6: {  	[tilespmem:s1+$0x70D0] =	vst.add.f32.msk $0xffff, v7  }
0x4a7: {  	[tilespmem:s1+$0x70E0] =	vst.add.f32.msk $0xffff, v8  }
0x4a8: {  	s2 =	simm.s32 $0x800;
	[tilespmem:s1+$0x70C0] =	vst.add.f32.msk $0xffff, v2;
	s1 =	simm.s32 $0x0  }
.LBB2_64:
0x4a9: {  	p0 =	sne.s32 s2, $0x7800;
	v2 =	vld [tilespmem:s1+$0xF170]  }
0x4aa: {  	v3 =	vld [tilespmem:s1+$0xF100]  }
0x4ab: {  	v4 =	vld [tilespmem:s1+$0xF110]  }
0x4ac: {  	v5 =	vld [tilespmem:s1+$0xF120]  }
0x4ad: {  	v6 =	vld [tilespmem:s1+$0xF130]  }
0x4ae: {  	[tilespmem:s1+$0x7170] =	vst.add.f32.msk $0xffff, v2  }
0x4af: {  	v2 =	vld [tilespmem:s1+$0xF140]  }
0x4b0: {  	v7 =	vld [tilespmem:s1+$0xF150]  }
0x4b1: {  	v8 =	vld [tilespmem:s1+$0xF160]  }
0x4b2: {  	[tilespmem:s1+$0x7100] =	vst.add.f32.msk $0xffff, v3  }
0x4b3: {  	[tilespmem:s1+$0x7110] =	vst.add.f32.msk $0xffff, v4  }
.Ltmp31:
0x4b4: {  	[tilespmem:s1+$0x7120] =	vst.add.f32.msk $0xffff, v5;
	(pc) =	sbr.rel @p0 .LBB2_64-.Ltmp31, $4  }
0x4b5: {  	[tilespmem:s1+$0x7130] =	vst.add.f32.msk $0xffff, v6  }
0x4b6: {  	[tilespmem:s1+$0x7140] =	vst.add.f32.msk $0xffff, v2  }
0x4b7: {  	[tilespmem:s1+$0x7150] =	vst.add.f32.msk $0xffff, v7  }
0x4b8: {  	[tilespmem:s1+$0x7160] =	vst.add.f32.msk $0xffff, v8;
	s1 =	sshra.s32 s2, $0x2;
	s2 =	sadd.s32 $0x800, s2  }
0x4b9: {  	v2 =	vld [tilespmem:s1+$0xF170]  }
0x4ba: {  	v3 =	vld [tilespmem:s1+$0xF100]  }
0x4bb: {  	v4 =	vld [tilespmem:s1+$0xF110]  }
0x4bc: {  	v5 =	vld [tilespmem:s1+$0xF120]  }
0x4bd: {  	v6 =	vld [tilespmem:s1+$0xF130]  }
0x4be: {  	v7 =	vld [tilespmem:s1+$0xF150]  }
0x4bf: {  	v8 =	vld [tilespmem:s1+$0xF160]  }
0x4c0: {  	[tilespmem:s1+$0x7170] =	vst.add.f32.msk $0xffff, v2  }
0x4c1: {  	v2 =	vld [tilespmem:s1+$0xF140]  }
0x4c2: {  	[tilespmem:s1+$0x7100] =	vst.add.f32.msk $0xffff, v3  }
0x4c3: {  	[tilespmem:s1+$0x7110] =	vst.add.f32.msk $0xffff, v4  }
0x4c4: {  	[tilespmem:s1+$0x7120] =	vst.add.f32.msk $0xffff, v5  }
0x4c5: {  	[tilespmem:s1+$0x7130] =	vst.add.f32.msk $0xffff, v6  }
0x4c6: {  	[tilespmem:s1+$0x7150] =	vst.add.f32.msk $0xffff, v7  }
0x4c7: {  	[tilespmem:s1+$0x7160] =	vst.add.f32.msk $0xffff, v8  }
0x4c8: {  	s2 =	simm.s32 $0x800;
	[tilespmem:s1+$0x7140] =	vst.add.f32.msk $0xffff, v2;
	s1 =	simm.s32 $0x0  }
.LBB2_66:
0x4c9: {  	p0 =	sne.s32 s2, $0x7800;
	v2 =	vld [tilespmem:s1+$0xF1F0]  }
0x4ca: {  	v3 =	vld [tilespmem:s1+$0xF180]  }
0x4cb: {  	v4 =	vld [tilespmem:s1+$0xF190]  }
0x4cc: {  	v5 =	vld [tilespmem:s1+$0xF1A0]  }
0x4cd: {  	v6 =	vld [tilespmem:s1+$0xF1B0]  }
0x4ce: {  	[tilespmem:s1+$0x71F0] =	vst.add.f32.msk $0xffff, v2  }
0x4cf: {  	v2 =	vld [tilespmem:s1+$0xF1C0]  }
0x4d0: {  	v7 =	vld [tilespmem:s1+$0xF1D0]  }
0x4d1: {  	v8 =	vld [tilespmem:s1+$0xF1E0]  }
0x4d2: {  	[tilespmem:s1+$0x7180] =	vst.add.f32.msk $0xffff, v3  }
0x4d3: {  	[tilespmem:s1+$0x7190] =	vst.add.f32.msk $0xffff, v4  }
.Ltmp32:
0x4d4: {  	[tilespmem:s1+$0x71A0] =	vst.add.f32.msk $0xffff, v5;
	(pc) =	sbr.rel @p0 .LBB2_66-.Ltmp32, $4  }
0x4d5: {  	[tilespmem:s1+$0x71B0] =	vst.add.f32.msk $0xffff, v6  }
0x4d6: {  	[tilespmem:s1+$0x71C0] =	vst.add.f32.msk $0xffff, v2  }
0x4d7: {  	[tilespmem:s1+$0x71D0] =	vst.add.f32.msk $0xffff, v7  }
0x4d8: {  	[tilespmem:s1+$0x71E0] =	vst.add.f32.msk $0xffff, v8;
	s1 =	sshra.s32 s2, $0x2;
	s2 =	sadd.s32 $0x800, s2  }
0x4d9: {  	v2 =	vld [tilespmem:s1+$0xF1F0]  }
0x4da: {  	v3 =	vld [tilespmem:s1+$0xF180]  }
0x4db: {  	v4 =	vld [tilespmem:s1+$0xF190]  }
0x4dc: {  	v5 =	vld [tilespmem:s1+$0xF1A0]  }
0x4dd: {  	v6 =	vld [tilespmem:s1+$0xF1B0]  }
0x4de: {  	v7 =	vld [tilespmem:s1+$0xF1D0]  }
0x4df: {  	v8 =	vld [tilespmem:s1+$0xF1E0]  }
0x4e0: {  	[tilespmem:s1+$0x71F0] =	vst.add.f32.msk $0xffff, v2  }
0x4e1: {  	v2 =	vld [tilespmem:s1+$0xF1C0]  }
0x4e2: {  	[tilespmem:s1+$0x7180] =	vst.add.f32.msk $0xffff, v3  }
0x4e3: {  	[tilespmem:s1+$0x7190] =	vst.add.f32.msk $0xffff, v4  }
0x4e4: {  	[tilespmem:s1+$0x71A0] =	vst.add.f32.msk $0xffff, v5  }
0x4e5: {  	[tilespmem:s1+$0x71B0] =	vst.add.f32.msk $0xffff, v6  }
0x4e6: {  	[tilespmem:s1+$0x71D0] =	vst.add.f32.msk $0xffff, v7  }
0x4e7: {  	[tilespmem:s1+$0x71E0] =	vst.add.f32.msk $0xffff, v8  }
0x4e8: {  	s18 =	rddreg [dreg:$0xf];
	[tilespmem:s1+$0x71C0] =	vst.add.f32.msk $0xffff, v2  }
0x4e9: {  	[hbm4b:s18+s29] =	stream.strided.scatter [tilespmem:s6], [sflag:$0xC], $0x2000, s30, s29, $0x38;
	[tilespmem:$0x11000] =	vst v63  }
0x4ea: {  	_ =	swait.ge [sflag:s26], $0x2000  }
0x4eb: {  	[sflag:s26] =	ssyncset.done $0x0  }
0x4ec: {  	[sflag:s26] =	ssyncadd.s32 $0xFFFFE000  }
0x4ed: {  	_ =	swait.ge [sflag:s28], $0x2000  }
0x4ee: {  	[sflag:s28] =	ssyncset.done $0x0  }
0x4ef: {  	[sflag:s28] =	ssyncadd.s32 $0xFFFFE000  }
0x4f0: {  	_ =	swait.ge [sflag:s0], $0x2000  }
0x4f1: {  	s2 =	rddreg [dreg:$0x11]  }
0x4f2: {  	s19 =	rddreg [dreg:$0x10];
	s2 =	sadd.s32 $0x1, s2  }
0x4f3: {  	p0 =	sne.s32 s2, s19  }
.Ltmp33:
0x4f4: {  	_ = 	snop;
	(pc) =	sbr.rel @p0 .LBB2_1-.Ltmp33, $3  }
0x4f5: {  	_ =	sdelay $0x1  }
0x4f6: {  	[sflag:s0] =	ssyncset.done $0x0  }
0x4f7: {  	[sflag:s0] =	ssyncadd.s32 $0xFFFFE000  }
0x4f8: {  	_ =	sfence.sel $0x180000  }
0x4f9: {  	[bflag:$0x0] =	sbarrier.arrive $0xFFFF  }
0x4fa: {  	_ =	strace $0x90000047  }
0x4fb: {  	s0 =	stileid.u32;
	[bflag:$0x2] =	sbarrier.arrive $0xFFFF  }
0x4fc: {  	p0 =	sne.s32 s0, $0x0;
	s0 =	rddreg [dreg:$0x4]  }
0x4fd: {  	s0 =	sadd.s32 @!p0 $0x100000, s0  }
0x4fe: {  	[sflag:s0] =	ssyncadd.tile.s32 @!p0 $0x1;
	_ =	shalt  }
.Lfunc_end2:
_tile_overlayer_lowered:
.L_overlay_start_2:
0x4ff: {  	(tag) =	ssettag $0x2  }
0x500: {  	s0 =	rddreg [dreg:$0x0];
	s2 =	stileid.u32  }
0x501: {  	s1 =	rddreg [dreg:$0x1];
	p0 =	sne.s32 s2, $0x0  }
0x502: {  	s3 =	rddreg [dreg:$0x2];
	[bflag:$0x3] =	sbarrier.arrive $0xFFFF;
	s2 =	simm.s32 @!p0 $0x1C0D  }
0x503: {  	[timem:s3], [sflag:s2] =	dma.local @!p0 [hbm:s0], s1  }
0x504: {  	s0 =	simm.s32 @!p0 $0xD  }
0x505: {  	_ =	swait.ge @!p0 [sflag:s0], s1  }
0x506: {  	s1 =	ssub.s32 @!p0 $0x0, s1;
	[sflag:s0] =	ssyncset.done @!p0 $0x0  }
0x507: {  	[sflag:s0] =	ssyncadd.s32 @!p0 s1  }
0x508: {  	[bflag:$0x3] =	sbarrier.arrive $0xFFFF  }
0x509: {  	_ =	shalt  }

</sc_bundles>
